<compile_context>
chip_gen: v7x
topology: tpu7x:2x2x1
jax: 0.10.2.dev20260603
libtpu: 0.0.44.dev20260713+nightly
codegen_flags: <defaults>
</compile_context>

<pallas_src>
import functools

import jax
import jax.numpy as jnp
from jax import lax
from jax.experimental import pallas as pl
from jax.experimental.pallas import tpu as pltpu
from jax.experimental.pallas import tpu_sc as plsc

N = 10000
D = 128
E = 320000
NPAD = 10240
NC = 2
NS = 16
NW = NC * NS
EPW = E // NW
CHK = 80
NCH = EPW // CHK
RPT = NPAD // NS

_MESH = dict(core_axis_name="c", subcore_axis_name="s", num_cores=NC,
             num_subcores=NS)



def _hist_body(r_tt, c_tt, r_dt, c_dt, zeros1, hist, acc, idx_v, ones_v, sem):
    cid = lax.axis_index("c")
    sid = lax.axis_index("s")
    wid = cid * NS + sid
    r0 = sid * RPT
    for i in range(CHK // 16):
        ones_v[pl.ds(i * 16, 16)] = jnp.full((16,), 1.0, jnp.float32)
    for j, idx_hbm in enumerate((r_tt, c_tt, r_dt, c_dt)):
        pltpu.sync_copy(zeros1.at[pl.ds(r0, RPT)], acc.at[pl.ds(r0, RPT)])
        pltpu.sync_copy(idx_hbm.at[wid], idx_v)
        plsc.subcore_barrier()

        def fire(k, _):
            pltpu.async_copy(ones_v, acc.at[idx_v.at[k]], sem, add=True)
            return _

        def drain(k, _):
            pltpu.make_async_copy(ones_v, acc.at[idx_v.at[0]], sem).wait()
            return _

        lax.fori_loop(0, NCH, fire, None)
        lax.fori_loop(0, NCH, drain, None)
        plsc.subcore_barrier()
        pltpu.sync_copy(acc.at[pl.ds(r0, RPT)],
                        hist.at[j, cid, pl.ds(r0, RPT)])
        plsc.subcore_barrier()


def _sc_hist(row_tt, col_tt, row_dt, col_dt, zeros1):
    return pl.kernel(
        _hist_body,
        out_type=jax.ShapeDtypeStruct((4, NC, NPAD), jnp.float32),
        mesh=plsc.VectorSubcoreMesh(**_MESH),
        scratch_types=[
            pltpu.VMEM_SHARED((NPAD,), jnp.float32),
            pltpu.VMEM((NCH, CHK), jnp.int32),
            pltpu.VMEM((CHK,), jnp.float32),
            pltpu.SemaphoreType.DMA,
        ],
    )(row_tt, col_tt, row_dt, col_dt, zeros1)


def _prop_body(nprop, *refs):
    srcs = refs[:nprop]
    rt2, ct2, rd2, cd2 = refs[nprop:nprop + 4]
    rt3, ct3, rd3, cd3 = refs[nprop + 4:nprop + 8]
    zeros2 = refs[nprop + 8]
    outs = refs[nprop + 9:2 * nprop + 9]
    acc, gidx_v, sidx_v, rows0, rows1, gsem0, gsem1 = refs[2 * nprop + 9:]
    gs = ((ct2, rt3), (rt2, ct3), (cd2, rd3), (rd2, cd3))[:nprop]
    cid = lax.axis_index("c")
    sid = lax.axis_index("s")
    wid = cid * NS + sid
    r0 = sid * RPT
    for src, (g_hbm, s_hbm), out in zip(srcs, gs, outs):
        for z in range(4):
            zr = r0 + z * (RPT // 4)
            pltpu.sync_copy(zeros2.at[pl.ds(zr, RPT // 4)],
                            acc.at[pl.ds(zr, RPT // 4)])
        pltpu.sync_copy(g_hbm.at[wid], gidx_v)
        pltpu.sync_copy(s_hbm.at[wid], sidx_v)
        plsc.subcore_barrier()

        def gslice(k):
            return gidx_v.at[pl.ds(k * CHK, CHK)]

        pltpu.async_copy(src.at[gslice(0)], rows0, gsem0)

        def group(g, _):
            k1 = 2 * g + 1
            k2 = 2 * g + 2
            pltpu.make_async_copy(src.at[gslice(0)], rows0, gsem0).wait()
            pltpu.async_copy(src.at[gslice(k1)], rows1, gsem1)
            pltpu.sync_copy(rows0, acc.at[sidx_v.at[2 * g]], add=True)
            pltpu.make_async_copy(src.at[gslice(0)], rows1, gsem1).wait()
            pltpu.async_copy(src.at[gslice(k2)], rows0, gsem0)
            pltpu.sync_copy(rows1, acc.at[sidx_v.at[k1]], add=True)
            return _

        lax.fori_loop(0, (NCH - 1) // 2, group, None)
        pltpu.make_async_copy(src.at[gslice(0)], rows0, gsem0).wait()
        pltpu.sync_copy(rows0, acc.at[sidx_v.at[NCH - 1]], add=True)
        plsc.subcore_barrier()
        for z in range(4):
            zr = r0 + z * (RPT // 4)
            pltpu.sync_copy(acc.at[pl.ds(zr, RPT // 4)],
                            out.at[cid, pl.ds(zr, RPT // 4)])
        plsc.subcore_barrier()


def _sc_prop(nprop, srcs, idxs_flat, idxs, zeros2):
    out_t = tuple(jax.ShapeDtypeStruct((NC, NPAD, D), jnp.float32)
                  for _ in range(nprop))
    return pl.kernel(
        functools.partial(_prop_body, nprop),
        out_type=out_t,
        mesh=plsc.VectorSubcoreMesh(**_MESH),
        scratch_types=[
            pltpu.VMEM_SHARED((NPAD, D), jnp.float32),
            pltpu.VMEM((EPW,), jnp.int32),
            pltpu.VMEM((NCH, CHK), jnp.int32),
            pltpu.VMEM((CHK, D), jnp.float32),
            pltpu.VMEM((CHK, D), jnp.float32),
            pltpu.SemaphoreType.DMA,
            pltpu.SemaphoreType.DMA,
        ],
    )(*srcs, *idxs_flat, *idxs, zeros2)



RB = 1000


def _prep_body(histT, xt, xd, s_out, xs0, xs1, xs2, xs3):
    h = histT[...]
    m = (lax.broadcasted_iota(jnp.int32, (8, 4), 0) // 2
         == lax.broadcasted_iota(jnp.int32, (8, 4), 1)).astype(jnp.float32)
    deg = jnp.dot(h, m, preferred_element_type=jnp.float32)
    s = lax.rsqrt(jnp.maximum(deg, 1.0))
    s_out[...] = s
    xtb = xt[...]
    xdb = xd[...]
    xs0[...] = s[:, 1:2] * xtb
    xs1[...] = s[:, 0:1] * xtb
    xs2[...] = s[:, 3:4] * xdb
    xs3[...] = s[:, 2:3] * xdb


def _tc_prep(histT, x_task, x_dep):
    xs_sds = jax.ShapeDtypeStruct((N, D), jnp.float32)
    return pl.pallas_call(
        _prep_body,
        grid=(N // RB,),
        in_specs=[
            pl.BlockSpec((RB, 8), lambda i: (i, 0)),
            pl.BlockSpec((RB, D), lambda i: (i, 0)),
            pl.BlockSpec((RB, D), lambda i: (i, 0)),
        ],
        out_specs=[
            pl.BlockSpec((RB, 4), lambda i: (i, 0)),
            pl.BlockSpec((RB, D), lambda i: (i, 0)),
            pl.BlockSpec((RB, D), lambda i: (i, 0)),
            pl.BlockSpec((RB, D), lambda i: (i, 0)),
            pl.BlockSpec((RB, D), lambda i: (i, 0)),
        ],
        out_shape=[jax.ShapeDtypeStruct((N, 4), jnp.float32),
                   xs_sds, xs_sds, xs_sds, xs_sds],
    )(histT, x_task, x_dep)


def _combine1_body(p0, p1, p2, p3, s_ref, w_ref, xs4, xs5):
    s = s_ref[...]
    h = jnp.zeros((RB, D), jnp.float32)
    for j, p in enumerate((p0, p1, p2, p3)):
        pj = (p[0] + p[1]) * s[:, j:j + 1]
        h += jnp.dot(pj, w_ref[0, j // 2, j % 2],
                     preferred_element_type=jnp.float32)
    h *= 0.5
    xs4[...] = s[:, 1:2] * h
    xs5[...] = s[:, 0:1] * h


def _p_spec():
    return pl.BlockSpec((NC, RB, D), lambda i: (0, i, 0))


def _w_spec():
    return pl.BlockSpec((2, 2, 2, D, D), lambda i: (0, 0, 0, 0, 0))


def _tc_combine1(p0, p1, p2, p3, s, w):
    xs_sds = jax.ShapeDtypeStruct((N, D), jnp.float32)
    return pl.pallas_call(
        _combine1_body,
        grid=(N // RB,),
        in_specs=[_p_spec(), _p_spec(), _p_spec(), _p_spec(),
                  pl.BlockSpec((RB, 4), lambda i: (i, 0)), _w_spec()],
        out_specs=[pl.BlockSpec((RB, D), lambda i: (i, 0)),
                   pl.BlockSpec((RB, D), lambda i: (i, 0))],
        out_shape=[xs_sds, xs_sds],
    )(p0, p1, p2, p3, s, w)


def _combine2_body(p4, p5, p2, p3, s_ref, w_ref, out):
    s = s_ref[...]
    acc = jnp.zeros((RB, D), jnp.float32)
    for (p, sj, wa, wb) in ((p4, 0, 0, 0), (p5, 1, 0, 1),
                            (p2, 2, 1, 0), (p3, 3, 1, 1)):
        pj = (p[0] + p[1]) * s[:, sj:sj + 1]
        acc += jnp.dot(pj, w_ref[1, wa, wb],
                       preferred_element_type=jnp.float32)
    out[...] = 0.5 * acc


def _tc_combine2(p4, p5, p2, p3, s, w):
    return pl.pallas_call(
        _combine2_body,
        grid=(N // RB,),
        in_specs=[_p_spec(), _p_spec(), _p_spec(), _p_spec(),
                  pl.BlockSpec((RB, 4), lambda i: (i, 0)), _w_spec()],
        out_specs=pl.BlockSpec((RB, D), lambda i: (i, 0)),
        out_shape=jax.ShapeDtypeStruct((N, D), jnp.float32),
    )(p4, p5, p2, p3, s, w)



def kernel(x_task, x_dep, edge_index_tt, edge_index_dt, W):
    tt = edge_index_tt.astype(jnp.int32)
    dt = edge_index_dt.astype(jnp.int32)
    row_tt, col_tt = tt[0], tt[1]
    row_dt, col_dt = dt[0], dt[1]
    idxs_flat = tuple(a.reshape(NW, EPW)
                      for a in (row_tt, col_tt, row_dt, col_dt))
    idxs = tuple(a.reshape(NW, NCH, CHK)
                 for a in (row_tt, col_tt, row_dt, col_dt))
    zeros1 = jnp.zeros((NPAD,), jnp.float32)
    zeros2 = jnp.zeros((NPAD, D), jnp.float32)

    hist = _sc_hist(*idxs, zeros1)
    histT = jnp.transpose(hist.reshape(8, NPAD))
    s, xs0, xs1, xs2, xs3 = _tc_prep(histT, x_task, x_dep)
    p0, p1, p2, p3 = _sc_prop(4, (xs0, xs1, xs2, xs3), idxs_flat, idxs,
                              zeros2)
    xs4, xs5 = _tc_combine1(p0, p1, p2, p3, s, W)
    p4, p5 = _sc_prop(2, (xs4, xs5), idxs_flat, idxs, zeros2)
    return _tc_combine2(p4, p5, p2, p3, s, W)

# --- scband reference (transcript-rebuilt; emitter-appended) ---
"""Pipeline reference for scband-gnnhetero-83382495084845 (READ-ONLY COPY).

The authoritative reference and input builder live on the scoring server;
editing this copy changes nothing except your own understanding.
"""

import jax, jax.numpy as jnp
import numpy as np

N_TASK = 10000
N_DEP = 10000
E = 320000
D = 128
NUM_LAYERS = 2
ALPHA = 0.5


def setup_inputs(seed: int = 0) -> dict:
    key = jax.random.key(seed)
    k1, k2, k3, k4, k5 = jax.random.split(key, 5)
    x_task = jax.random.normal(k1, (N_TASK, D), dtype=jnp.float32)
    x_dep = jax.random.normal(k2, (N_DEP, D), dtype=jnp.float32)
    edge_index_tt = jax.random.randint(k3, (2, E), 0, N_TASK, dtype=jnp.int64)
    edge_index_dt = jax.random.randint(k4, (2, E), 0, N_DEP, dtype=jnp.int64)
    # W[layer, edge_type, direction, D, D]: per-layer, per-edge-type lin_src_to_dst and lin_dst_to_src
    W = jax.random.normal(k5, (NUM_LAYERS, 2, 2, D, D), dtype=jnp.float32) * (1.0 / np.sqrt(D))
    return {"x_task": x_task, "x_dep": x_dep, "edge_index_tt": edge_index_tt, "edge_index_dt": edge_index_dt, "W": W}


def _dir_norm_propagate(x, row, col, num_nodes):
    # SparseTensor(row=row, col=col) with 'dir' norm: D_row^{-1/2} A D_col^{-1/2}
    ones = jnp.ones(row.shape[0], dtype=x.dtype)
    deg_row = jnp.zeros((num_nodes,), dtype=x.dtype).at[row].add(ones)
    deg_col = jnp.zeros((num_nodes,), dtype=x.dtype).at[col].add(ones)
    dr = deg_row[row]
    dc = deg_col[col]
    val = jnp.where(dr > 0, 1.0 / jnp.sqrt(jnp.maximum(dr, 1.0)), 0.0) * \
          jnp.where(dc > 0, 1.0 / jnp.sqrt(jnp.maximum(dc, 1.0)), 0.0)
    msgs = val[:, None] * x[col]
    return jnp.zeros((num_nodes, x.shape[1]), dtype=x.dtype).at[row].add(msgs)


def _dir_gcn(x, edge_index, W_s2d, W_d2s):
    row = edge_index[0]
    col = edge_index[1]
    n = x.shape[0]
    adj_norm_x = _dir_norm_propagate(x, row, col, n)
    adj_t_norm_x = _dir_norm_propagate(x, col, row, n)
    return ALPHA * (adj_norm_x @ W_s2d) + (1.0 - ALPHA) * (adj_t_norm_x @ W_d2s)


def reference(x_task, x_dep, edge_index_tt, edge_index_dt, W):
    h_task = x_task
    h_dep = x_dep
    for l in range(NUM_LAYERS):
        # HeteroConv with aggr='sum' over two edge types targeting 'task'
        out_tt = _dir_gcn(h_task, edge_index_tt, W[l, 0, 0], W[l, 0, 1])
        out_dt = _dir_gcn(h_dep, edge_index_dt, W[l, 1, 0], W[l, 1, 1])
        h_task = out_tt + out_dt
        # 'dependency' nodes receive no messages; features unchanged
    return h_task

if __name__ == "__main__":
    import jax
    _d = setup_inputs()
    print(jax.jit(kernel)(*tuple(_d.values())))

</pallas_src>

<mosaic_0001>
#map = affine_map<(d0, d1) -> (0, 0)>
#map1 = affine_map<(d0, d1) -> (0, 0, 0)>
module attributes {stable_mosaic.version = 14 : i64} {
  func.func @_prop_body(%arg0: i32, %arg1: i32, %arg2: memref<10000x128xf32, #tpu.memory_space<hbm>>, %arg3: memref<10000x128xf32, #tpu.memory_space<hbm>>, %arg4: memref<10000x128xf32, #tpu.memory_space<hbm>>, %arg5: memref<10000x128xf32, #tpu.memory_space<hbm>>, %arg6: memref<32x10000xi32, #tpu.memory_space<hbm>>, %arg7: memref<32x10000xi32, #tpu.memory_space<hbm>>, %arg8: memref<32x10000xi32, #tpu.memory_space<hbm>>, %arg9: memref<32x10000xi32, #tpu.memory_space<hbm>>, %arg10: memref<32x125x80xi32, #tpu.memory_space<hbm>>, %arg11: memref<32x125x80xi32, #tpu.memory_space<hbm>>, %arg12: memref<32x125x80xi32, #tpu.memory_space<hbm>>, %arg13: memref<32x125x80xi32, #tpu.memory_space<hbm>>, %arg14: memref<10240x128xf32, #tpu.memory_space<hbm>>, %arg15: memref<2x10240x128xf32, #tpu.memory_space<hbm>>, %arg16: memref<2x10240x128xf32, #tpu.memory_space<hbm>>, %arg17: memref<2x10240x128xf32, #tpu.memory_space<hbm>>, %arg18: memref<2x10240x128xf32, #tpu.memory_space<hbm>>, %arg19: memref<10240x128xf32, #tpu.memory_space<vmem_shared>>, %arg20: memref<10000xi32, #tpu.memory_space<vmem>>, %arg21: memref<125x80xi32, #tpu.memory_space<vmem>>, %arg22: memref<80x128xf32, #tpu.memory_space<vmem>>, %arg23: memref<80x128xf32, #tpu.memory_space<vmem>>, %arg24: memref<!tpu.dma_semaphore, #tpu.memory_space<semaphore_mem>>, %arg25: memref<!tpu.dma_semaphore, #tpu.memory_space<semaphore_mem>>) attributes {dimension_semantics = [#tpu.dimension_semantics<core_parallel>, #tpu.dimension_semantics<subcore_parallel>], iteration_bounds = array<i64: 2, 16>, scalar_prefetch = 0 : i64, scratch_operands = 7 : i64, tpu.core_type = #tpu.core_type<sc_vector_subcore>, window_params = [{transform_indices = #map}, {transform_indices = #map}, {transform_indices = #map}, {transform_indices = #map}, {transform_indices = #map}, {transform_indices = #map}, {transform_indices = #map}, {transform_indices = #map}, {transform_indices = #map1}, {transform_indices = #map1}, {transform_indices = #map1}, {transform_indices = #map1}, {transform_indices = #map}, {transform_indices = #map1}, {transform_indices = #map1}, {transform_indices = #map1}, {transform_indices = #map1}]} {
    %mul3A = arith.constant 16 : i32
    %mul3A_0 = arith.muli %arg0, %mul3A : i32
    %add3A = arith.addi %mul3A_0, %arg1 : i32
    %mul3A_1 = arith.constant 640 : i32
    %mul3A_2 = arith.muli %arg1, %mul3A_1 : i32
    %add3A_3 = arith.constant 0 : i32
    %add3A_4 = arith.addi %mul3A_2, %add3A_3 : i32
    "tpu.region"() ({
      %run_scoped3A_138 = tpu.sem_alloc : memref<!tpu.dma_semaphore, #tpu.memory_space<semaphore_mem>>
      %dma_start3A_139 = arith.constant 0 : i32
      %dma_start3A_140 = tpu.memref_slice %arg19[%add3A_4, %dma_start3A_139] : memref<10240x128xf32, #tpu.memory_space<vmem_shared>> -> memref<160x128xf32, #tpu.memory_space<vmem_shared>>
      %dma_start3A_141 = arith.constant 0 : i32
      %dma_start3A_142 = tpu.memref_slice %arg14[%add3A_4, %dma_start3A_141] : memref<10240x128xf32, #tpu.memory_space<hbm>> -> memref<160x128xf32, #tpu.memory_space<hbm>>
      tpu.enqueue_dma source(%dma_start3A_142 : memref<160x128xf32, #tpu.memory_space<hbm>>) target(%dma_start3A_140 : memref<160x128xf32, #tpu.memory_space<vmem_shared>>) target_semaphore(%run_scoped3A_138 : memref<!tpu.dma_semaphore, #tpu.memory_space<semaphore_mem>>)
      %dma_wait3A_143 = arith.constant 0 : i32
      %dma_wait3A_144 = tpu.memref_slice %arg19[%add3A_4, %dma_wait3A_143] : memref<10240x128xf32, #tpu.memory_space<vmem_shared>> -> memref<160x128xf32, #tpu.memory_space<vmem_shared>>
      %dma_wait3A_145 = arith.constant 0 : i32
      %dma_wait3A_146 = tpu.memref_slice %arg14[%add3A_4, %dma_wait3A_145] : memref<10240x128xf32, #tpu.memory_space<hbm>> -> memref<160x128xf32, #tpu.memory_space<hbm>>
      tpu.wait_dma2 semaphore(%run_scoped3A_138 : memref<!tpu.dma_semaphore, #tpu.memory_space<semaphore_mem>>) src(%dma_wait3A_146 : memref<160x128xf32, #tpu.memory_space<hbm>>) dst(%dma_wait3A_144 : memref<160x128xf32, #tpu.memory_space<vmem_shared>>)
      tpu.yield
    }) : () -> ()
    %add3A_5 = arith.constant 160 : i32
    %add3A_6 = arith.addi %mul3A_2, %add3A_5 : i32
    "tpu.region"() ({
      %run_scoped3A_138 = tpu.sem_alloc : memref<!tpu.dma_semaphore, #tpu.memory_space<semaphore_mem>>
      %dma_start3A_139 = arith.constant 0 : i32
      %dma_start3A_140 = tpu.memref_slice %arg19[%add3A_6, %dma_start3A_139] : memref<10240x128xf32, #tpu.memory_space<vmem_shared>> -> memref<160x128xf32, #tpu.memory_space<vmem_shared>>
      %dma_start3A_141 = arith.constant 0 : i32
      %dma_start3A_142 = tpu.memref_slice %arg14[%add3A_6, %dma_start3A_141] : memref<10240x128xf32, #tpu.memory_space<hbm>> -> memref<160x128xf32, #tpu.memory_space<hbm>>
      tpu.enqueue_dma source(%dma_start3A_142 : memref<160x128xf32, #tpu.memory_space<hbm>>) target(%dma_start3A_140 : memref<160x128xf32, #tpu.memory_space<vmem_shared>>) target_semaphore(%run_scoped3A_138 : memref<!tpu.dma_semaphore, #tpu.memory_space<semaphore_mem>>)
      %dma_wait3A_143 = arith.constant 0 : i32
      %dma_wait3A_144 = tpu.memref_slice %arg19[%add3A_6, %dma_wait3A_143] : memref<10240x128xf32, #tpu.memory_space<vmem_shared>> -> memref<160x128xf32, #tpu.memory_space<vmem_shared>>
      %dma_wait3A_145 = arith.constant 0 : i32
      %dma_wait3A_146 = tpu.memref_slice %arg14[%add3A_6, %dma_wait3A_145] : memref<10240x128xf32, #tpu.memory_space<hbm>> -> memref<160x128xf32, #tpu.memory_space<hbm>>
      tpu.wait_dma2 semaphore(%run_scoped3A_138 : memref<!tpu.dma_semaphore, #tpu.memory_space<semaphore_mem>>) src(%dma_wait3A_146 : memref<160x128xf32, #tpu.memory_space<hbm>>) dst(%dma_wait3A_144 : memref<160x128xf32, #tpu.memory_space<vmem_shared>>)
      tpu.yield
    }) : () -> ()
    %add3A_7 = arith.constant 320 : i32
    %add3A_8 = arith.addi %mul3A_2, %add3A_7 : i32
    "tpu.region"() ({
      %run_scoped3A_138 = tpu.sem_alloc : memref<!tpu.dma_semaphore, #tpu.memory_space<semaphore_mem>>
      %dma_start3A_139 = arith.constant 0 : i32
      %dma_start3A_140 = tpu.memref_slice %arg19[%add3A_8, %dma_start3A_139] : memref<10240x128xf32, #tpu.memory_space<vmem_shared>> -> memref<160x128xf32, #tpu.memory_space<vmem_shared>>
      %dma_start3A_141 = arith.constant 0 : i32
      %dma_start3A_142 = tpu.memref_slice %arg14[%add3A_8, %dma_start3A_141] : memref<10240x128xf32, #tpu.memory_space<hbm>> -> memref<160x128xf32, #tpu.memory_space<hbm>>
      tpu.enqueue_dma source(%dma_start3A_142 : memref<160x128xf32, #tpu.memory_space<hbm>>) target(%dma_start3A_140 : memref<160x128xf32, #tpu.memory_space<vmem_shared>>) target_semaphore(%run_scoped3A_138 : memref<!tpu.dma_semaphore, #tpu.memory_space<semaphore_mem>>)
      %dma_wait3A_143 = arith.constant 0 : i32
      %dma_wait3A_144 = tpu.memref_slice %arg19[%add3A_8, %dma_wait3A_143] : memref<10240x128xf32, #tpu.memory_space<vmem_shared>> -> memref<160x128xf32, #tpu.memory_space<vmem_shared>>
      %dma_wait3A_145 = arith.constant 0 : i32
      %dma_wait3A_146 = tpu.memref_slice %arg14[%add3A_8, %dma_wait3A_145] : memref<10240x128xf32, #tpu.memory_space<hbm>> -> memref<160x128xf32, #tpu.memory_space<hbm>>
      tpu.wait_dma2 semaphore(%run_scoped3A_138 : memref<!tpu.dma_semaphore, #tpu.memory_space<semaphore_mem>>) src(%dma_wait3A_146 : memref<160x128xf32, #tpu.memory_space<hbm>>) dst(%dma_wait3A_144 : memref<160x128xf32, #tpu.memory_space<vmem_shared>>)
      tpu.yield
    }) : () -> ()
    %add3A_9 = arith.constant 480 : i32
    %add3A_10 = arith.addi %mul3A_2, %add3A_9 : i32
    "tpu.region"() ({
      %run_scoped3A_138 = tpu.sem_alloc : memref<!tpu.dma_semaphore, #tpu.memory_space<semaphore_mem>>
      %dma_start3A_139 = arith.constant 0 : i32
      %dma_start3A_140 = tpu.memref_slice %arg19[%add3A_10, %dma_start3A_139] : memref<10240x128xf32, #tpu.memory_space<vmem_shared>> -> memref<160x128xf32, #tpu.memory_space<vmem_shared>>
      %dma_start3A_141 = arith.constant 0 : i32
      %dma_start3A_142 = tpu.memref_slice %arg14[%add3A_10, %dma_start3A_141] : memref<10240x128xf32, #tpu.memory_space<hbm>> -> memref<160x128xf32, #tpu.memory_space<hbm>>
      tpu.enqueue_dma source(%dma_start3A_142 : memref<160x128xf32, #tpu.memory_space<hbm>>) target(%dma_start3A_140 : memref<160x128xf32, #tpu.memory_space<vmem_shared>>) target_semaphore(%run_scoped3A_138 : memref<!tpu.dma_semaphore, #tpu.memory_space<semaphore_mem>>)
      %dma_wait3A_143 = arith.constant 0 : i32
      %dma_wait3A_144 = tpu.memref_slice %arg19[%add3A_10, %dma_wait3A_143] : memref<10240x128xf32, #tpu.memory_space<vmem_shared>> -> memref<160x128xf32, #tpu.memory_space<vmem_shared>>
      %dma_wait3A_145 = arith.constant 0 : i32
      %dma_wait3A_146 = tpu.memref_slice %arg14[%add3A_10, %dma_wait3A_145] : memref<10240x128xf32, #tpu.memory_space<hbm>> -> memref<160x128xf32, #tpu.memory_space<hbm>>
      tpu.wait_dma2 semaphore(%run_scoped3A_138 : memref<!tpu.dma_semaphore, #tpu.memory_space<semaphore_mem>>) src(%dma_wait3A_146 : memref<160x128xf32, #tpu.memory_space<hbm>>) dst(%dma_wait3A_144 : memref<160x128xf32, #tpu.memory_space<vmem_shared>>)
      tpu.yield
    }) : () -> ()
    "tpu.region"() ({
      %run_scoped3A_138 = tpu.sem_alloc : memref<!tpu.dma_semaphore, #tpu.memory_space<semaphore_mem>>
      %dma_start3A_139 = arith.constant 0 : i32
      %dma_start3A_140 = tpu.memref_slice %arg7[%add3A, %dma_start3A_139] : memref<32x10000xi32, #tpu.memory_space<hbm>> -> memref<1x10000xi32, #tpu.memory_space<hbm>>
      %dma_start3A_141 = tpu.memref_squeeze %dma_start3A_140 : memref<1x10000xi32, #tpu.memory_space<hbm>> -> memref<10000xi32, #tpu.memory_space<hbm>>
      %dma_start3A_142 = arith.constant 0 : i32
      %dma_start3A_143 = tpu.memref_slice %arg7[%add3A, %dma_start3A_142] : memref<32x10000xi32, #tpu.memory_space<hbm>> -> memref<1x10000xi32, #tpu.memory_space<hbm>>
      %dma_start3A_144 = tpu.memref_squeeze %dma_start3A_143 : memref<1x10000xi32, #tpu.memory_space<hbm>> -> memref<10000xi32, #tpu.memory_space<hbm>>
      tpu.enqueue_dma source(%dma_start3A_144 : memref<10000xi32, #tpu.memory_space<hbm>>) target(%arg20 : memref<10000xi32, #tpu.memory_space<vmem>>) target_semaphore(%run_scoped3A_138 : memref<!tpu.dma_semaphore, #tpu.memory_space<semaphore_mem>>)
      %dma_wait3A_145 = arith.constant 0 : i32
      %dma_wait3A_146 = tpu.memref_slice %arg7[%add3A, %dma_wait3A_145] : memref<32x10000xi32, #tpu.memory_space<hbm>> -> memref<1x10000xi32, #tpu.memory_space<hbm>>
      %dma_wait3A_147 = tpu.memref_squeeze %dma_wait3A_146 : memref<1x10000xi32, #tpu.memory_space<hbm>> -> memref<10000xi32, #tpu.memory_space<hbm>>
      %dma_wait3A_148 = arith.constant 0 : i32
      %dma_wait3A_149 = tpu.memref_slice %arg7[%add3A, %dma_wait3A_148] : memref<32x10000xi32, #tpu.memory_space<hbm>> -> memref<1x10000xi32, #tpu.memory_space<hbm>>
      %dma_wait3A_150 = tpu.memref_squeeze %dma_wait3A_149 : memref<1x10000xi32, #tpu.memory_space<hbm>> -> memref<10000xi32, #tpu.memory_space<hbm>>
      tpu.wait_dma2 semaphore(%run_scoped3A_138 : memref<!tpu.dma_semaphore, #tpu.memory_space<semaphore_mem>>) src(%dma_wait3A_150 : memref<10000xi32, #tpu.memory_space<hbm>>) dst(%arg20 : memref<10000xi32, #tpu.memory_space<vmem>>)
      tpu.yield
    }) : () -> ()
    "tpu.region"() ({
      %run_scoped3A_138 = tpu.sem_alloc : memref<!tpu.dma_semaphore, #tpu.memory_space<semaphore_mem>>
      %dma_start3A_139 = arith.constant 0 : i32
      %dma_start3A_140 = arith.constant 0 : i32
      %dma_start3A_141 = tpu.memref_slice %arg10[%add3A, %dma_start3A_139, %dma_start3A_140] : memref<32x125x80xi32, #tpu.memory_space<hbm>> -> memref<1x125x80xi32, #tpu.memory_space<hbm>>
      %dma_start3A_142 = tpu.memref_squeeze %dma_start3A_141 : memref<1x125x80xi32, #tpu.memory_space<hbm>> -> memref<125x80xi32, #tpu.memory_space<hbm>>
      %dma_start3A_143 = arith.constant 0 : i32
      %dma_start3A_144 = arith.constant 0 : i32
      %dma_start3A_145 = tpu.memref_slice %arg10[%add3A, %dma_start3A_143, %dma_start3A_144] : memref<32x125x80xi32, #tpu.memory_space<hbm>> -> memref<1x125x80xi32, #tpu.memory_space<hbm>>
      %dma_start3A_146 = tpu.memref_squeeze %dma_start3A_145 : memref<1x125x80xi32, #tpu.memory_space<hbm>> -> memref<125x80xi32, #tpu.memory_space<hbm>>
      tpu.enqueue_dma source(%dma_start3A_146 : memref<125x80xi32, #tpu.memory_space<hbm>>) target(%arg21 : memref<125x80xi32, #tpu.memory_space<vmem>>) target_semaphore(%run_scoped3A_138 : memref<!tpu.dma_semaphore, #tpu.memory_space<semaphore_mem>>)
      %dma_wait3A_147 = arith.constant 0 : i32
      %dma_wait3A_148 = arith.constant 0 : i32
      %dma_wait3A_149 = tpu.memref_slice %arg10[%add3A, %dma_wait3A_147, %dma_wait3A_148] : memref<32x125x80xi32, #tpu.memory_space<hbm>> -> memref<1x125x80xi32, #tpu.memory_space<hbm>>
      %dma_wait3A_150 = tpu.memref_squeeze %dma_wait3A_149 : memref<1x125x80xi32, #tpu.memory_space<hbm>> -> memref<125x80xi32, #tpu.memory_space<hbm>>
      %dma_wait3A_151 = arith.constant 0 : i32
      %dma_wait3A_152 = arith.constant 0 : i32
      %dma_wait3A_153 = tpu.memref_slice %arg10[%add3A, %dma_wait3A_151, %dma_wait3A_152] : memref<32x125x80xi32, #tpu.memory_space<hbm>> -> memref<1x125x80xi32, #tpu.memory_space<hbm>>
      %dma_wait3A_154 = tpu.memref_squeeze %dma_wait3A_153 : memref<1x125x80xi32, #tpu.memory_space<hbm>> -> memref<125x80xi32, #tpu.memory_space<hbm>>
      tpu.wait_dma2 semaphore(%run_scoped3A_138 : memref<!tpu.dma_semaphore, #tpu.memory_space<semaphore_mem>>) src(%dma_wait3A_154 : memref<125x80xi32, #tpu.memory_space<hbm>>) dst(%arg21 : memref<125x80xi32, #tpu.memory_space<vmem>>)
      tpu.yield
    }) : () -> ()
    %barrier3A = arith.constant 0 : index
    tpu.barrier barrier_id(%barrier3A)
    %dma_start3A = arith.constant 0 : i32
    %dma_start3A_11 = tpu.memref_slice %arg20[%dma_start3A] : memref<10000xi32, #tpu.memory_space<vmem>> -> memref<80xi32, #tpu.memory_space<vmem>>
    %dma_start3A_12 = arith.constant 0 : i32
    %dma_start3A_13 = arith.constant 0 : i32
    %dma_start3A_14 = tpu.memref_slice %arg2[%dma_start3A_12, %dma_start3A_13] : memref<10000x128xf32, #tpu.memory_space<hbm>> -> memref<10000x128xf32, #tpu.memory_space<hbm>>
    tpu.enqueue_indirect_dma source(%dma_start3A_14 : memref<10000x128xf32, #tpu.memory_space<hbm>>) target(%arg22 : memref<80x128xf32, #tpu.memory_space<vmem>>) offsets(%dma_start3A_11 : memref<80xi32, #tpu.memory_space<vmem>>) semaphore(%arg24 : memref<!tpu.dma_semaphore, #tpu.memory_space<semaphore_mem>>)
    %scan3A = arith.constant 0 : i32
    %scan3A_15 = arith.constant 62 : i32
    %scan3A_16 = arith.addi %scan3A, %scan3A_15 : i32
    %scan3A_17 = arith.constant 1 : i32
    scf.for %scan3A_138 = %scan3A to %scan3A_16 step %scan3A_17  : i32 {
      %mul3A_139 = arith.constant 2 : i32
      %mul3A_140 = arith.muli %mul3A_139, %scan3A_138 : i32
      %add3A_141 = arith.constant 1 : i32
      %add3A_142 = arith.addi %mul3A_140, %add3A_141 : i32
      %mul3A_143 = arith.constant 2 : i32
      %mul3A_144 = arith.muli %mul3A_143, %scan3A_138 : i32
      %add3A_145 = arith.constant 2 : i32
      %add3A_146 = arith.addi %mul3A_144, %add3A_145 : i32
      %dma_wait3A_147 = arith.constant 0 : i32
      %dma_wait3A_148 = tpu.memref_slice %arg20[%dma_wait3A_147] : memref<10000xi32, #tpu.memory_space<vmem>> -> memref<80xi32, #tpu.memory_space<vmem>>
      %dma_wait3A_149 = arith.constant 0 : i32
      %dma_wait3A_150 = arith.constant 0 : i32
      %dma_wait3A_151 = tpu.memref_slice %arg2[%dma_wait3A_149, %dma_wait3A_150] : memref<10000x128xf32, #tpu.memory_space<hbm>> -> memref<10000x128xf32, #tpu.memory_space<hbm>>
      tpu.wait_indirect_dma semaphore(%arg24 : memref<!tpu.dma_semaphore, #tpu.memory_space<semaphore_mem>>) src(%dma_wait3A_151 : memref<10000x128xf32, #tpu.memory_space<hbm>>) dst(%arg22 : memref<80x128xf32, #tpu.memory_space<vmem>>)
      %mul3A_152 = arith.constant 80 : i32
      %mul3A_153 = arith.muli %add3A_142, %mul3A_152 : i32
      %dma_start3A_154 = tpu.memref_slice %arg20[%mul3A_153] : memref<10000xi32, #tpu.memory_space<vmem>> -> memref<80xi32, #tpu.memory_space<vmem>>
      %dma_start3A_155 = arith.constant 0 : i32
      %dma_start3A_156 = arith.constant 0 : i32
      %dma_start3A_157 = tpu.memref_slice %arg2[%dma_start3A_155, %dma_start3A_156] : memref<10000x128xf32, #tpu.memory_space<hbm>> -> memref<10000x128xf32, #tpu.memory_space<hbm>>
      tpu.enqueue_indirect_dma source(%dma_start3A_157 : memref<10000x128xf32, #tpu.memory_space<hbm>>) target(%arg23 : memref<80x128xf32, #tpu.memory_space<vmem>>) offsets(%dma_start3A_154 : memref<80xi32, #tpu.memory_space<vmem>>) semaphore(%arg25 : memref<!tpu.dma_semaphore, #tpu.memory_space<semaphore_mem>>)
      %mul3A_158 = arith.constant 2 : i32
      %mul3A_159 = arith.muli %mul3A_158, %scan3A_138 : i32
      "tpu.region"() ({
        %run_scoped3A_171 = tpu.sem_alloc : memref<!tpu.dma_semaphore, #tpu.memory_space<semaphore_mem>>
        %dma_start3A_172 = arith.constant 0 : i32
        %dma_start3A_173 = tpu.memref_slice %arg21[%mul3A_159, %dma_start3A_172] : memref<125x80xi32, #tpu.memory_space<vmem>> -> memref<1x80xi32, #tpu.memory_space<vmem>>
        %dma_start3A_174 = tpu.memref_squeeze %dma_start3A_173 : memref<1x80xi32, #tpu.memory_space<vmem>> -> memref<80xi32, #tpu.memory_space<vmem>>
        %dma_start3A_175 = arith.constant 0 : i32
        %dma_start3A_176 = arith.constant 0 : i32
        %dma_start3A_177 = tpu.memref_slice %arg19[%dma_start3A_175, %dma_start3A_176] : memref<10240x128xf32, #tpu.memory_space<vmem_shared>> -> memref<10240x128xf32, #tpu.memory_space<vmem_shared>>
        tpu.enqueue_indirect_dma source(%arg22 : memref<80x128xf32, #tpu.memory_space<vmem>>) target(%dma_start3A_177 : memref<10240x128xf32, #tpu.memory_space<vmem_shared>>) offsets(%dma_start3A_174 : memref<80xi32, #tpu.memory_space<vmem>>) semaphore(%run_scoped3A_171 : memref<!tpu.dma_semaphore, #tpu.memory_space<semaphore_mem>>) {add = true}
        %dma_wait3A_178 = arith.constant 0 : i32
        %dma_wait3A_179 = tpu.memref_slice %arg21[%mul3A_159, %dma_wait3A_178] : memref<125x80xi32, #tpu.memory_space<vmem>> -> memref<1x80xi32, #tpu.memory_space<vmem>>
        %dma_wait3A_180 = tpu.memref_squeeze %dma_wait3A_179 : memref<1x80xi32, #tpu.memory_space<vmem>> -> memref<80xi32, #tpu.memory_space<vmem>>
        %dma_wait3A_181 = arith.constant 0 : i32
        %dma_wait3A_182 = arith.constant 0 : i32
        %dma_wait3A_183 = tpu.memref_slice %arg19[%dma_wait3A_181, %dma_wait3A_182] : memref<10240x128xf32, #tpu.memory_space<vmem_shared>> -> memref<10240x128xf32, #tpu.memory_space<vmem_shared>>
        tpu.wait_indirect_dma semaphore(%run_scoped3A_171 : memref<!tpu.dma_semaphore, #tpu.memory_space<semaphore_mem>>) src(%arg22 : memref<80x128xf32, #tpu.memory_space<vmem>>) dst(%dma_wait3A_183 : memref<10240x128xf32, #tpu.memory_space<vmem_shared>>)
        tpu.yield
      }) : () -> ()
      %dma_wait3A_160 = arith.constant 0 : i32
      %dma_wait3A_161 = tpu.memref_slice %arg20[%dma_wait3A_160] : memref<10000xi32, #tpu.memory_space<vmem>> -> memref<80xi32, #tpu.memory_space<vmem>>
      %dma_wait3A_162 = arith.constant 0 : i32
      %dma_wait3A_163 = arith.constant 0 : i32
      %dma_wait3A_164 = tpu.memref_slice %arg2[%dma_wait3A_162, %dma_wait3A_163] : memref<10000x128xf32, #tpu.memory_space<hbm>> -> memref<10000x128xf32, #tpu.memory_space<hbm>>
      tpu.wait_indirect_dma semaphore(%arg25 : memref<!tpu.dma_semaphore, #tpu.memory_space<semaphore_mem>>) src(%dma_wait3A_164 : memref<10000x128xf32, #tpu.memory_space<hbm>>) dst(%arg23 : memref<80x128xf32, #tpu.memory_space<vmem>>)
      %mul3A_165 = arith.constant 80 : i32
      %mul3A_166 = arith.muli %add3A_146, %mul3A_165 : i32
      %dma_start3A_167 = tpu.memref_slice %arg20[%mul3A_166] : memref<10000xi32, #tpu.memory_space<vmem>> -> memref<80xi32, #tpu.memory_space<vmem>>
      %dma_start3A_168 = arith.constant 0 : i32
      %dma_start3A_169 = arith.constant 0 : i32
      %dma_start3A_170 = tpu.memref_slice %arg2[%dma_start3A_168, %dma_start3A_169] : memref<10000x128xf32, #tpu.memory_space<hbm>> -> memref<10000x128xf32, #tpu.memory_space<hbm>>
      tpu.enqueue_indirect_dma source(%dma_start3A_170 : memref<10000x128xf32, #tpu.memory_space<hbm>>) target(%arg22 : memref<80x128xf32, #tpu.memory_space<vmem>>) offsets(%dma_start3A_167 : memref<80xi32, #tpu.memory_space<vmem>>) semaphore(%arg24 : memref<!tpu.dma_semaphore, #tpu.memory_space<semaphore_mem>>)
      "tpu.region"() ({
        %run_scoped3A_171 = tpu.sem_alloc : memref<!tpu.dma_semaphore, #tpu.memory_space<semaphore_mem>>
        %dma_start3A_172 = arith.constant 0 : i32
        %dma_start3A_173 = tpu.memref_slice %arg21[%add3A_142, %dma_start3A_172] : memref<125x80xi32, #tpu.memory_space<vmem>> -> memref<1x80xi32, #tpu.memory_space<vmem>>
        %dma_start3A_174 = tpu.memref_squeeze %dma_start3A_173 : memref<1x80xi32, #tpu.memory_space<vmem>> -> memref<80xi32, #tpu.memory_space<vmem>>
        %dma_start3A_175 = arith.constant 0 : i32
        %dma_start3A_176 = arith.constant 0 : i32
        %dma_start3A_177 = tpu.memref_slice %arg19[%dma_start3A_175, %dma_start3A_176] : memref<10240x128xf32, #tpu.memory_space<vmem_shared>> -> memref<10240x128xf32, #tpu.memory_space<vmem_shared>>
        tpu.enqueue_indirect_dma source(%arg23 : memref<80x128xf32, #tpu.memory_space<vmem>>) target(%dma_start3A_177 : memref<10240x128xf32, #tpu.memory_space<vmem_shared>>) offsets(%dma_start3A_174 : memref<80xi32, #tpu.memory_space<vmem>>) semaphore(%run_scoped3A_171 : memref<!tpu.dma_semaphore, #tpu.memory_space<semaphore_mem>>) {add = true}
        %dma_wait3A_178 = arith.constant 0 : i32
        %dma_wait3A_179 = tpu.memref_slice %arg21[%add3A_142, %dma_wait3A_178] : memref<125x80xi32, #tpu.memory_space<vmem>> -> memref<1x80xi32, #tpu.memory_space<vmem>>
        %dma_wait3A_180 = tpu.memref_squeeze %dma_wait3A_179 : memref<1x80xi32, #tpu.memory_space<vmem>> -> memref<80xi32, #tpu.memory_space<vmem>>
        %dma_wait3A_181 = arith.constant 0 : i32
        %dma_wait3A_182 = arith.constant 0 : i32
        %dma_wait3A_183 = tpu.memref_slice %arg19[%dma_wait3A_181, %dma_wait3A_182] : memref<10240x128xf32, #tpu.memory_space<vmem_shared>> -> memref<10240x128xf32, #tpu.memory_space<vmem_shared>>
        tpu.wait_indirect_dma semaphore(%run_scoped3A_171 : memref<!tpu.dma_semaphore, #tpu.memory_space<semaphore_mem>>) src(%arg23 : memref<80x128xf32, #tpu.memory_space<vmem>>) dst(%dma_wait3A_183 : memref<10240x128xf32, #tpu.memory_space<vmem_shared>>)
        tpu.yield
      }) : () -> ()
    }
    %scan3A_18 = arith.constant 62 : i32
    %dma_wait3A = arith.constant 0 : i32
    %dma_wait3A_19 = tpu.memref_slice %arg20[%dma_wait3A] : memref<10000xi32, #tpu.memory_space<vmem>> -> memref<80xi32, #tpu.memory_space<vmem>>
    %dma_wait3A_20 = arith.constant 0 : i32
    %dma_wait3A_21 = arith.constant 0 : i32
    %dma_wait3A_22 = tpu.memref_slice %arg2[%dma_wait3A_20, %dma_wait3A_21] : memref<10000x128xf32, #tpu.memory_space<hbm>> -> memref<10000x128xf32, #tpu.memory_space<hbm>>
    tpu.wait_indirect_dma semaphore(%arg24 : memref<!tpu.dma_semaphore, #tpu.memory_space<semaphore_mem>>) src(%dma_wait3A_22 : memref<10000x128xf32, #tpu.memory_space<hbm>>) dst(%arg22 : memref<80x128xf32, #tpu.memory_space<vmem>>)
    %run_scoped3A = arith.constant 124 : i32
    "tpu.region"() ({
      %run_scoped3A_138 = tpu.sem_alloc : memref<!tpu.dma_semaphore, #tpu.memory_space<semaphore_mem>>
      %dma_start3A_139 = arith.constant 0 : i32
      %dma_start3A_140 = tpu.memref_slice %arg21[%run_scoped3A, %dma_start3A_139] : memref<125x80xi32, #tpu.memory_space<vmem>> -> memref<1x80xi32, #tpu.memory_space<vmem>>
      %dma_start3A_141 = tpu.memref_squeeze %dma_start3A_140 : memref<1x80xi32, #tpu.memory_space<vmem>> -> memref<80xi32, #tpu.memory_space<vmem>>
      %dma_start3A_142 = arith.constant 0 : i32
      %dma_start3A_143 = arith.constant 0 : i32
      %dma_start3A_144 = tpu.memref_slice %arg19[%dma_start3A_142, %dma_start3A_143] : memref<10240x128xf32, #tpu.memory_space<vmem_shared>> -> memref<10240x128xf32, #tpu.memory_space<vmem_shared>>
      tpu.enqueue_indirect_dma source(%arg22 : memref<80x128xf32, #tpu.memory_space<vmem>>) target(%dma_start3A_144 : memref<10240x128xf32, #tpu.memory_space<vmem_shared>>) offsets(%dma_start3A_141 : memref<80xi32, #tpu.memory_space<vmem>>) semaphore(%run_scoped3A_138 : memref<!tpu.dma_semaphore, #tpu.memory_space<semaphore_mem>>) {add = true}
      %dma_wait3A_145 = arith.constant 0 : i32
      %dma_wait3A_146 = tpu.memref_slice %arg21[%run_scoped3A, %dma_wait3A_145] : memref<125x80xi32, #tpu.memory_space<vmem>> -> memref<1x80xi32, #tpu.memory_space<vmem>>
      %dma_wait3A_147 = tpu.memref_squeeze %dma_wait3A_146 : memref<1x80xi32, #tpu.memory_space<vmem>> -> memref<80xi32, #tpu.memory_space<vmem>>
      %dma_wait3A_148 = arith.constant 0 : i32
      %dma_wait3A_149 = arith.constant 0 : i32
      %dma_wait3A_150 = tpu.memref_slice %arg19[%dma_wait3A_148, %dma_wait3A_149] : memref<10240x128xf32, #tpu.memory_space<vmem_shared>> -> memref<10240x128xf32, #tpu.memory_space<vmem_shared>>
      tpu.wait_indirect_dma semaphore(%run_scoped3A_138 : memref<!tpu.dma_semaphore, #tpu.memory_space<semaphore_mem>>) src(%arg22 : memref<80x128xf32, #tpu.memory_space<vmem>>) dst(%dma_wait3A_150 : memref<10240x128xf32, #tpu.memory_space<vmem_shared>>)
      tpu.yield
    }) : () -> ()
    %barrier3A_23 = arith.constant 0 : index
    tpu.barrier barrier_id(%barrier3A_23)
    %add3A_24 = arith.constant 0 : i32
    %add3A_25 = arith.addi %mul3A_2, %add3A_24 : i32
    "tpu.region"() ({
      %run_scoped3A_138 = tpu.sem_alloc : memref<!tpu.dma_semaphore, #tpu.memory_space<semaphore_mem>>
      %dma_start3A_139 = arith.constant 0 : i32
      %dma_start3A_140 = tpu.memref_slice %arg15[%arg0, %add3A_25, %dma_start3A_139] : memref<2x10240x128xf32, #tpu.memory_space<hbm>> -> memref<1x160x128xf32, #tpu.memory_space<hbm>>
      %dma_start3A_141 = tpu.memref_squeeze %dma_start3A_140 : memref<1x160x128xf32, #tpu.memory_space<hbm>> -> memref<160x128xf32, #tpu.memory_space<hbm>>
      %dma_start3A_142 = arith.constant 0 : i32
      %dma_start3A_143 = tpu.memref_slice %arg19[%add3A_25, %dma_start3A_142] : memref<10240x128xf32, #tpu.memory_space<vmem_shared>> -> memref<160x128xf32, #tpu.memory_space<vmem_shared>>
      tpu.enqueue_dma source(%dma_start3A_143 : memref<160x128xf32, #tpu.memory_space<vmem_shared>>) target(%dma_start3A_141 : memref<160x128xf32, #tpu.memory_space<hbm>>) target_semaphore(%run_scoped3A_138 : memref<!tpu.dma_semaphore, #tpu.memory_space<semaphore_mem>>)
      %dma_wait3A_144 = arith.constant 0 : i32
      %dma_wait3A_145 = tpu.memref_slice %arg15[%arg0, %add3A_25, %dma_wait3A_144] : memref<2x10240x128xf32, #tpu.memory_space<hbm>> -> memref<1x160x128xf32, #tpu.memory_space<hbm>>
      %dma_wait3A_146 = tpu.memref_squeeze %dma_wait3A_145 : memref<1x160x128xf32, #tpu.memory_space<hbm>> -> memref<160x128xf32, #tpu.memory_space<hbm>>
      %dma_wait3A_147 = arith.constant 0 : i32
      %dma_wait3A_148 = tpu.memref_slice %arg19[%add3A_25, %dma_wait3A_147] : memref<10240x128xf32, #tpu.memory_space<vmem_shared>> -> memref<160x128xf32, #tpu.memory_space<vmem_shared>>
      tpu.wait_dma2 semaphore(%run_scoped3A_138 : memref<!tpu.dma_semaphore, #tpu.memory_space<semaphore_mem>>) src(%dma_wait3A_148 : memref<160x128xf32, #tpu.memory_space<vmem_shared>>) dst(%dma_wait3A_146 : memref<160x128xf32, #tpu.memory_space<hbm>>)
      tpu.yield
    }) : () -> ()
    %add3A_26 = arith.constant 160 : i32
    %add3A_27 = arith.addi %mul3A_2, %add3A_26 : i32
    "tpu.region"() ({
      %run_scoped3A_138 = tpu.sem_alloc : memref<!tpu.dma_semaphore, #tpu.memory_space<semaphore_mem>>
      %dma_start3A_139 = arith.constant 0 : i32
      %dma_start3A_140 = tpu.memref_slice %arg15[%arg0, %add3A_27, %dma_start3A_139] : memref<2x10240x128xf32, #tpu.memory_space<hbm>> -> memref<1x160x128xf32, #tpu.memory_space<hbm>>
      %dma_start3A_141 = tpu.memref_squeeze %dma_start3A_140 : memref<1x160x128xf32, #tpu.memory_space<hbm>> -> memref<160x128xf32, #tpu.memory_space<hbm>>
      %dma_start3A_142 = arith.constant 0 : i32
      %dma_start3A_143 = tpu.memref_slice %arg19[%add3A_27, %dma_start3A_142] : memref<10240x128xf32, #tpu.memory_space<vmem_shared>> -> memref<160x128xf32, #tpu.memory_space<vmem_shared>>
      tpu.enqueue_dma source(%dma_start3A_143 : memref<160x128xf32, #tpu.memory_space<vmem_shared>>) target(%dma_start3A_141 : memref<160x128xf32, #tpu.memory_space<hbm>>) target_semaphore(%run_scoped3A_138 : memref<!tpu.dma_semaphore, #tpu.memory_space<semaphore_mem>>)
      %dma_wait3A_144 = arith.constant 0 : i32
      %dma_wait3A_145 = tpu.memref_slice %arg15[%arg0, %add3A_27, %dma_wait3A_144] : memref<2x10240x128xf32, #tpu.memory_space<hbm>> -> memref<1x160x128xf32, #tpu.memory_space<hbm>>
      %dma_wait3A_146 = tpu.memref_squeeze %dma_wait3A_145 : memref<1x160x128xf32, #tpu.memory_space<hbm>> -> memref<160x128xf32, #tpu.memory_space<hbm>>
      %dma_wait3A_147 = arith.constant 0 : i32
      %dma_wait3A_148 = tpu.memref_slice %arg19[%add3A_27, %dma_wait3A_147] : memref<10240x128xf32, #tpu.memory_space<vmem_shared>> -> memref<160x128xf32, #tpu.memory_space<vmem_shared>>
      tpu.wait_dma2 semaphore(%run_scoped3A_138 : memref<!tpu.dma_semaphore, #tpu.memory_space<semaphore_mem>>) src(%dma_wait3A_148 : memref<160x128xf32, #tpu.memory_space<vmem_shared>>) dst(%dma_wait3A_146 : memref<160x128xf32, #tpu.memory_space<hbm>>)
      tpu.yield
    }) : () -> ()
    %add3A_28 = arith.constant 320 : i32
    %add3A_29 = arith.addi %mul3A_2, %add3A_28 : i32
    "tpu.region"() ({
      %run_scoped3A_138 = tpu.sem_alloc : memref<!tpu.dma_semaphore, #tpu.memory_space<semaphore_mem>>
      %dma_start3A_139 = arith.constant 0 : i32
      %dma_start3A_140 = tpu.memref_slice %arg15[%arg0, %add3A_29, %dma_start3A_139] : memref<2x10240x128xf32, #tpu.memory_space<hbm>> -> memref<1x160x128xf32, #tpu.memory_space<hbm>>
      %dma_start3A_141 = tpu.memref_squeeze %dma_start3A_140 : memref<1x160x128xf32, #tpu.memory_space<hbm>> -> memref<160x128xf32, #tpu.memory_space<hbm>>
      %dma_start3A_142 = arith.constant 0 : i32
      %dma_start3A_143 = tpu.memref_slice %arg19[%add3A_29, %dma_start3A_142] : memref<10240x128xf32, #tpu.memory_space<vmem_shared>> -> memref<160x128xf32, #tpu.memory_space<vmem_shared>>
      tpu.enqueue_dma source(%dma_start3A_143 : memref<160x128xf32, #tpu.memory_space<vmem_shared>>) target(%dma_start3A_141 : memref<160x128xf32, #tpu.memory_space<hbm>>) target_semaphore(%run_scoped3A_138 : memref<!tpu.dma_semaphore, #tpu.memory_space<semaphore_mem>>)
      %dma_wait3A_144 = arith.constant 0 : i32
      %dma_wait3A_145 = tpu.memref_slice %arg15[%arg0, %add3A_29, %dma_wait3A_144] : memref<2x10240x128xf32, #tpu.memory_space<hbm>> -> memref<1x160x128xf32, #tpu.memory_space<hbm>>
      %dma_wait3A_146 = tpu.memref_squeeze %dma_wait3A_145 : memref<1x160x128xf32, #tpu.memory_space<hbm>> -> memref<160x128xf32, #tpu.memory_space<hbm>>
      %dma_wait3A_147 = arith.constant 0 : i32
      %dma_wait3A_148 = tpu.memref_slice %arg19[%add3A_29, %dma_wait3A_147] : memref<10240x128xf32, #tpu.memory_space<vmem_shared>> -> memref<160x128xf32, #tpu.memory_space<vmem_shared>>
      tpu.wait_dma2 semaphore(%run_scoped3A_138 : memref<!tpu.dma_semaphore, #tpu.memory_space<semaphore_mem>>) src(%dma_wait3A_148 : memref<160x128xf32, #tpu.memory_space<vmem_shared>>) dst(%dma_wait3A_146 : memref<160x128xf32, #tpu.memory_space<hbm>>)
      tpu.yield
    }) : () -> ()
    %add3A_30 = arith.constant 480 : i32
    %add3A_31 = arith.addi %mul3A_2, %add3A_30 : i32
    "tpu.region"() ({
      %run_scoped3A_138 = tpu.sem_alloc : memref<!tpu.dma_semaphore, #tpu.memory_space<semaphore_mem>>
      %dma_start3A_139 = arith.constant 0 : i32
      %dma_start3A_140 = tpu.memref_slice %arg15[%arg0, %add3A_31, %dma_start3A_139] : memref<2x10240x128xf32, #tpu.memory_space<hbm>> -> memref<1x160x128xf32, #tpu.memory_space<hbm>>
      %dma_start3A_141 = tpu.memref_squeeze %dma_start3A_140 : memref<1x160x128xf32, #tpu.memory_space<hbm>> -> memref<160x128xf32, #tpu.memory_space<hbm>>
      %dma_start3A_142 = arith.constant 0 : i32
      %dma_start3A_143 = tpu.memref_slice %arg19[%add3A_31, %dma_start3A_142] : memref<10240x128xf32, #tpu.memory_space<vmem_shared>> -> memref<160x128xf32, #tpu.memory_space<vmem_shared>>
      tpu.enqueue_dma source(%dma_start3A_143 : memref<160x128xf32, #tpu.memory_space<vmem_shared>>) target(%dma_start3A_141 : memref<160x128xf32, #tpu.memory_space<hbm>>) target_semaphore(%run_scoped3A_138 : memref<!tpu.dma_semaphore, #tpu.memory_space<semaphore_mem>>)
      %dma_wait3A_144 = arith.constant 0 : i32
      %dma_wait3A_145 = tpu.memref_slice %arg15[%arg0, %add3A_31, %dma_wait3A_144] : memref<2x10240x128xf32, #tpu.memory_space<hbm>> -> memref<1x160x128xf32, #tpu.memory_space<hbm>>
      %dma_wait3A_146 = tpu.memref_squeeze %dma_wait3A_145 : memref<1x160x128xf32, #tpu.memory_space<hbm>> -> memref<160x128xf32, #tpu.memory_space<hbm>>
      %dma_wait3A_147 = arith.constant 0 : i32
      %dma_wait3A_148 = tpu.memref_slice %arg19[%add3A_31, %dma_wait3A_147] : memref<10240x128xf32, #tpu.memory_space<vmem_shared>> -> memref<160x128xf32, #tpu.memory_space<vmem_shared>>
      tpu.wait_dma2 semaphore(%run_scoped3A_138 : memref<!tpu.dma_semaphore, #tpu.memory_space<semaphore_mem>>) src(%dma_wait3A_148 : memref<160x128xf32, #tpu.memory_space<vmem_shared>>) dst(%dma_wait3A_146 : memref<160x128xf32, #tpu.memory_space<hbm>>)
      tpu.yield
    }) : () -> ()
    %barrier3A_32 = arith.constant 0 : index
    tpu.barrier barrier_id(%barrier3A_32)
    %add3A_33 = arith.constant 0 : i32
    %add3A_34 = arith.addi %mul3A_2, %add3A_33 : i32
    "tpu.region"() ({
      %run_scoped3A_138 = tpu.sem_alloc : memref<!tpu.dma_semaphore, #tpu.memory_space<semaphore_mem>>
      %dma_start3A_139 = arith.constant 0 : i32
      %dma_start3A_140 = tpu.memref_slice %arg19[%add3A_34, %dma_start3A_139] : memref<10240x128xf32, #tpu.memory_space<vmem_shared>> -> memref<160x128xf32, #tpu.memory_space<vmem_shared>>
      %dma_start3A_141 = arith.constant 0 : i32
      %dma_start3A_142 = tpu.memref_slice %arg14[%add3A_34, %dma_start3A_141] : memref<10240x128xf32, #tpu.memory_space<hbm>> -> memref<160x128xf32, #tpu.memory_space<hbm>>
      tpu.enqueue_dma source(%dma_start3A_142 : memref<160x128xf32, #tpu.memory_space<hbm>>) target(%dma_start3A_140 : memref<160x128xf32, #tpu.memory_space<vmem_shared>>) target_semaphore(%run_scoped3A_138 : memref<!tpu.dma_semaphore, #tpu.memory_space<semaphore_mem>>)
      %dma_wait3A_143 = arith.constant 0 : i32
      %dma_wait3A_144 = tpu.memref_slice %arg19[%add3A_34, %dma_wait3A_143] : memref<10240x128xf32, #tpu.memory_space<vmem_shared>> -> memref<160x128xf32, #tpu.memory_space<vmem_shared>>
      %dma_wait3A_145 = arith.constant 0 : i32
      %dma_wait3A_146 = tpu.memref_slice %arg14[%add3A_34, %dma_wait3A_145] : memref<10240x128xf32, #tpu.memory_space<hbm>> -> memref<160x128xf32, #tpu.memory_space<hbm>>
      tpu.wait_dma2 semaphore(%run_scoped3A_138 : memref<!tpu.dma_semaphore, #tpu.memory_space<semaphore_mem>>) src(%dma_wait3A_146 : memref<160x128xf32, #tpu.memory_space<hbm>>) dst(%dma_wait3A_144 : memref<160x128xf32, #tpu.memory_space<vmem_shared>>)
      tpu.yield
    }) : () -> ()
    %add3A_35 = arith.constant 160 : i32
    %add3A_36 = arith.addi %mul3A_2, %add3A_35 : i32
    "tpu.region"() ({
      %run_scoped3A_138 = tpu.sem_alloc : memref<!tpu.dma_semaphore, #tpu.memory_space<semaphore_mem>>
      %dma_start3A_139 = arith.constant 0 : i32
      %dma_start3A_140 = tpu.memref_slice %arg19[%add3A_36, %dma_start3A_139] : memref<10240x128xf32, #tpu.memory_space<vmem_shared>> -> memref<160x128xf32, #tpu.memory_space<vmem_shared>>
      %dma_start3A_141 = arith.constant 0 : i32
      %dma_start3A_142 = tpu.memref_slice %arg14[%add3A_36, %dma_start3A_141] : memref<10240x128xf32, #tpu.memory_space<hbm>> -> memref<160x128xf32, #tpu.memory_space<hbm>>
      tpu.enqueue_dma source(%dma_start3A_142 : memref<160x128xf32, #tpu.memory_space<hbm>>) target(%dma_start3A_140 : memref<160x128xf32, #tpu.memory_space<vmem_shared>>) target_semaphore(%run_scoped3A_138 : memref<!tpu.dma_semaphore, #tpu.memory_space<semaphore_mem>>)
      %dma_wait3A_143 = arith.constant 0 : i32
      %dma_wait3A_144 = tpu.memref_slice %arg19[%add3A_36, %dma_wait3A_143] : memref<10240x128xf32, #tpu.memory_space<vmem_shared>> -> memref<160x128xf32, #tpu.memory_space<vmem_shared>>
      %dma_wait3A_145 = arith.constant 0 : i32
      %dma_wait3A_146 = tpu.memref_slice %arg14[%add3A_36, %dma_wait3A_145] : memref<10240x128xf32, #tpu.memory_space<hbm>> -> memref<160x128xf32, #tpu.memory_space<hbm>>
      tpu.wait_dma2 semaphore(%run_scoped3A_138 : memref<!tpu.dma_semaphore, #tpu.memory_space<semaphore_mem>>) src(%dma_wait3A_146 : memref<160x128xf32, #tpu.memory_space<hbm>>) dst(%dma_wait3A_144 : memref<160x128xf32, #tpu.memory_space<vmem_shared>>)
      tpu.yield
    }) : () -> ()
    %add3A_37 = arith.constant 320 : i32
    %add3A_38 = arith.addi %mul3A_2, %add3A_37 : i32
    "tpu.region"() ({
      %run_scoped3A_138 = tpu.sem_alloc : memref<!tpu.dma_semaphore, #tpu.memory_space<semaphore_mem>>
      %dma_start3A_139 = arith.constant 0 : i32
      %dma_start3A_140 = tpu.memref_slice %arg19[%add3A_38, %dma_start3A_139] : memref<10240x128xf32, #tpu.memory_space<vmem_shared>> -> memref<160x128xf32, #tpu.memory_space<vmem_shared>>
      %dma_start3A_141 = arith.constant 0 : i32
      %dma_start3A_142 = tpu.memref_slice %arg14[%add3A_38, %dma_start3A_141] : memref<10240x128xf32, #tpu.memory_space<hbm>> -> memref<160x128xf32, #tpu.memory_space<hbm>>
      tpu.enqueue_dma source(%dma_start3A_142 : memref<160x128xf32, #tpu.memory_space<hbm>>) target(%dma_start3A_140 : memref<160x128xf32, #tpu.memory_space<vmem_shared>>) target_semaphore(%run_scoped3A_138 : memref<!tpu.dma_semaphore, #tpu.memory_space<semaphore_mem>>)
      %dma_wait3A_143 = arith.constant 0 : i32
      %dma_wait3A_144 = tpu.memref_slice %arg19[%add3A_38, %dma_wait3A_143] : memref<10240x128xf32, #tpu.memory_space<vmem_shared>> -> memref<160x128xf32, #tpu.memory_space<vmem_shared>>
      %dma_wait3A_145 = arith.constant 0 : i32
      %dma_wait3A_146 = tpu.memref_slice %arg14[%add3A_38, %dma_wait3A_145] : memref<10240x128xf32, #tpu.memory_space<hbm>> -> memref<160x128xf32, #tpu.memory_space<hbm>>
      tpu.wait_dma2 semaphore(%run_scoped3A_138 : memref<!tpu.dma_semaphore, #tpu.memory_space<semaphore_mem>>) src(%dma_wait3A_146 : memref<160x128xf32, #tpu.memory_space<hbm>>) dst(%dma_wait3A_144 : memref<160x128xf32, #tpu.memory_space<vmem_shared>>)
      tpu.yield
    }) : () -> ()
    %add3A_39 = arith.constant 480 : i32
    %add3A_40 = arith.addi %mul3A_2, %add3A_39 : i32
    "tpu.region"() ({
      %run_scoped3A_138 = tpu.sem_alloc : memref<!tpu.dma_semaphore, #tpu.memory_space<semaphore_mem>>
      %dma_start3A_139 = arith.constant 0 : i32
      %dma_start3A_140 = tpu.memref_slice %arg19[%add3A_40, %dma_start3A_139] : memref<10240x128xf32, #tpu.memory_space<vmem_shared>> -> memref<160x128xf32, #tpu.memory_space<vmem_shared>>
      %dma_start3A_141 = arith.constant 0 : i32
      %dma_start3A_142 = tpu.memref_slice %arg14[%add3A_40, %dma_start3A_141] : memref<10240x128xf32, #tpu.memory_space<hbm>> -> memref<160x128xf32, #tpu.memory_space<hbm>>
      tpu.enqueue_dma source(%dma_start3A_142 : memref<160x128xf32, #tpu.memory_space<hbm>>) target(%dma_start3A_140 : memref<160x128xf32, #tpu.memory_space<vmem_shared>>) target_semaphore(%run_scoped3A_138 : memref<!tpu.dma_semaphore, #tpu.memory_space<semaphore_mem>>)
      %dma_wait3A_143 = arith.constant 0 : i32
      %dma_wait3A_144 = tpu.memref_slice %arg19[%add3A_40, %dma_wait3A_143] : memref<10240x128xf32, #tpu.memory_space<vmem_shared>> -> memref<160x128xf32, #tpu.memory_space<vmem_shared>>
      %dma_wait3A_145 = arith.constant 0 : i32
      %dma_wait3A_146 = tpu.memref_slice %arg14[%add3A_40, %dma_wait3A_145] : memref<10240x128xf32, #tpu.memory_space<hbm>> -> memref<160x128xf32, #tpu.memory_space<hbm>>
      tpu.wait_dma2 semaphore(%run_scoped3A_138 : memref<!tpu.dma_semaphore, #tpu.memory_space<semaphore_mem>>) src(%dma_wait3A_146 : memref<160x128xf32, #tpu.memory_space<hbm>>) dst(%dma_wait3A_144 : memref<160x128xf32, #tpu.memory_space<vmem_shared>>)
      tpu.yield
    }) : () -> ()
    "tpu.region"() ({
      %run_scoped3A_138 = tpu.sem_alloc : memref<!tpu.dma_semaphore, #tpu.memory_space<semaphore_mem>>
      %dma_start3A_139 = arith.constant 0 : i32
      %dma_start3A_140 = tpu.memref_slice %arg6[%add3A, %dma_start3A_139] : memref<32x10000xi32, #tpu.memory_space<hbm>> -> memref<1x10000xi32, #tpu.memory_space<hbm>>
      %dma_start3A_141 = tpu.memref_squeeze %dma_start3A_140 : memref<1x10000xi32, #tpu.memory_space<hbm>> -> memref<10000xi32, #tpu.memory_space<hbm>>
      %dma_start3A_142 = arith.constant 0 : i32
      %dma_start3A_143 = tpu.memref_slice %arg6[%add3A, %dma_start3A_142] : memref<32x10000xi32, #tpu.memory_space<hbm>> -> memref<1x10000xi32, #tpu.memory_space<hbm>>
      %dma_start3A_144 = tpu.memref_squeeze %dma_start3A_143 : memref<1x10000xi32, #tpu.memory_space<hbm>> -> memref<10000xi32, #tpu.memory_space<hbm>>
      tpu.enqueue_dma source(%dma_start3A_144 : memref<10000xi32, #tpu.memory_space<hbm>>) target(%arg20 : memref<10000xi32, #tpu.memory_space<vmem>>) target_semaphore(%run_scoped3A_138 : memref<!tpu.dma_semaphore, #tpu.memory_space<semaphore_mem>>)
      %dma_wait3A_145 = arith.constant 0 : i32
      %dma_wait3A_146 = tpu.memref_slice %arg6[%add3A, %dma_wait3A_145] : memref<32x10000xi32, #tpu.memory_space<hbm>> -> memref<1x10000xi32, #tpu.memory_space<hbm>>
      %dma_wait3A_147 = tpu.memref_squeeze %dma_wait3A_146 : memref<1x10000xi32, #tpu.memory_space<hbm>> -> memref<10000xi32, #tpu.memory_space<hbm>>
      %dma_wait3A_148 = arith.constant 0 : i32
      %dma_wait3A_149 = tpu.memref_slice %arg6[%add3A, %dma_wait3A_148] : memref<32x10000xi32, #tpu.memory_space<hbm>> -> memref<1x10000xi32, #tpu.memory_space<hbm>>
      %dma_wait3A_150 = tpu.memref_squeeze %dma_wait3A_149 : memref<1x10000xi32, #tpu.memory_space<hbm>> -> memref<10000xi32, #tpu.memory_space<hbm>>
      tpu.wait_dma2 semaphore(%run_scoped3A_138 : memref<!tpu.dma_semaphore, #tpu.memory_space<semaphore_mem>>) src(%dma_wait3A_150 : memref<10000xi32, #tpu.memory_space<hbm>>) dst(%arg20 : memref<10000xi32, #tpu.memory_space<vmem>>)
      tpu.yield
    }) : () -> ()
    "tpu.region"() ({
      %run_scoped3A_138 = tpu.sem_alloc : memref<!tpu.dma_semaphore, #tpu.memory_space<semaphore_mem>>
      %dma_start3A_139 = arith.constant 0 : i32
      %dma_start3A_140 = arith.constant 0 : i32
      %dma_start3A_141 = tpu.memref_slice %arg11[%add3A, %dma_start3A_139, %dma_start3A_140] : memref<32x125x80xi32, #tpu.memory_space<hbm>> -> memref<1x125x80xi32, #tpu.memory_space<hbm>>
      %dma_start3A_142 = tpu.memref_squeeze %dma_start3A_141 : memref<1x125x80xi32, #tpu.memory_space<hbm>> -> memref<125x80xi32, #tpu.memory_space<hbm>>
      %dma_start3A_143 = arith.constant 0 : i32
      %dma_start3A_144 = arith.constant 0 : i32
      %dma_start3A_145 = tpu.memref_slice %arg11[%add3A, %dma_start3A_143, %dma_start3A_144] : memref<32x125x80xi32, #tpu.memory_space<hbm>> -> memref<1x125x80xi32, #tpu.memory_space<hbm>>
      %dma_start3A_146 = tpu.memref_squeeze %dma_start3A_145 : memref<1x125x80xi32, #tpu.memory_space<hbm>> -> memref<125x80xi32, #tpu.memory_space<hbm>>
      tpu.enqueue_dma source(%dma_start3A_146 : memref<125x80xi32, #tpu.memory_space<hbm>>) target(%arg21 : memref<125x80xi32, #tpu.memory_space<vmem>>) target_semaphore(%run_scoped3A_138 : memref<!tpu.dma_semaphore, #tpu.memory_space<semaphore_mem>>)
      %dma_wait3A_147 = arith.constant 0 : i32
      %dma_wait3A_148 = arith.constant 0 : i32
      %dma_wait3A_149 = tpu.memref_slice %arg11[%add3A, %dma_wait3A_147, %dma_wait3A_148] : memref<32x125x80xi32, #tpu.memory_space<hbm>> -> memref<1x125x80xi32, #tpu.memory_space<hbm>>
      %dma_wait3A_150 = tpu.memref_squeeze %dma_wait3A_149 : memref<1x125x80xi32, #tpu.memory_space<hbm>> -> memref<125x80xi32, #tpu.memory_space<hbm>>
      %dma_wait3A_151 = arith.constant 0 : i32
      %dma_wait3A_152 = arith.constant 0 : i32
      %dma_wait3A_153 = tpu.memref_slice %arg11[%add3A, %dma_wait3A_151, %dma_wait3A_152] : memref<32x125x80xi32, #tpu.memory_space<hbm>> -> memref<1x125x80xi32, #tpu.memory_space<hbm>>
      %dma_wait3A_154 = tpu.memref_squeeze %dma_wait3A_153 : memref<1x125x80xi32, #tpu.memory_space<hbm>> -> memref<125x80xi32, #tpu.memory_space<hbm>>
      tpu.wait_dma2 semaphore(%run_scoped3A_138 : memref<!tpu.dma_semaphore, #tpu.memory_space<semaphore_mem>>) src(%dma_wait3A_154 : memref<125x80xi32, #tpu.memory_space<hbm>>) dst(%arg21 : memref<125x80xi32, #tpu.memory_space<vmem>>)
      tpu.yield
    }) : () -> ()
    %barrier3A_41 = arith.constant 0 : index
    tpu.barrier barrier_id(%barrier3A_41)
    %dma_start3A_42 = arith.constant 0 : i32
    %dma_start3A_43 = tpu.memref_slice %arg20[%dma_start3A_42] : memref<10000xi32, #tpu.memory_space<vmem>> -> memref<80xi32, #tpu.memory_space<vmem>>
    %dma_start3A_44 = arith.constant 0 : i32
    %dma_start3A_45 = arith.constant 0 : i32
    %dma_start3A_46 = tpu.memref_slice %arg3[%dma_start3A_44, %dma_start3A_45] : memref<10000x128xf32, #tpu.memory_space<hbm>> -> memref<10000x128xf32, #tpu.memory_space<hbm>>
    tpu.enqueue_indirect_dma source(%dma_start3A_46 : memref<10000x128xf32, #tpu.memory_space<hbm>>) target(%arg22 : memref<80x128xf32, #tpu.memory_space<vmem>>) offsets(%dma_start3A_43 : memref<80xi32, #tpu.memory_space<vmem>>) semaphore(%arg24 : memref<!tpu.dma_semaphore, #tpu.memory_space<semaphore_mem>>)
    %scan3A_47 = arith.constant 0 : i32
    %scan3A_48 = arith.constant 62 : i32
    %scan3A_49 = arith.addi %scan3A_47, %scan3A_48 : i32
    %scan3A_50 = arith.constant 1 : i32
    scf.for %scan3A_138 = %scan3A_47 to %scan3A_49 step %scan3A_50  : i32 {
      %mul3A_139 = arith.constant 2 : i32
      %mul3A_140 = arith.muli %mul3A_139, %scan3A_138 : i32
      %add3A_141 = arith.constant 1 : i32
      %add3A_142 = arith.addi %mul3A_140, %add3A_141 : i32
      %mul3A_143 = arith.constant 2 : i32
      %mul3A_144 = arith.muli %mul3A_143, %scan3A_138 : i32
      %add3A_145 = arith.constant 2 : i32
      %add3A_146 = arith.addi %mul3A_144, %add3A_145 : i32
      %dma_wait3A_147 = arith.constant 0 : i32
      %dma_wait3A_148 = tpu.memref_slice %arg20[%dma_wait3A_147] : memref<10000xi32, #tpu.memory_space<vmem>> -> memref<80xi32, #tpu.memory_space<vmem>>
      %dma_wait3A_149 = arith.constant 0 : i32
      %dma_wait3A_150 = arith.constant 0 : i32
      %dma_wait3A_151 = tpu.memref_slice %arg3[%dma_wait3A_149, %dma_wait3A_150] : memref<10000x128xf32, #tpu.memory_space<hbm>> -> memref<10000x128xf32, #tpu.memory_space<hbm>>
      tpu.wait_indirect_dma semaphore(%arg24 : memref<!tpu.dma_semaphore, #tpu.memory_space<semaphore_mem>>) src(%dma_wait3A_151 : memref<10000x128xf32, #tpu.memory_space<hbm>>) dst(%arg22 : memref<80x128xf32, #tpu.memory_space<vmem>>)
      %mul3A_152 = arith.constant 80 : i32
      %mul3A_153 = arith.muli %add3A_142, %mul3A_152 : i32
      %dma_start3A_154 = tpu.memref_slice %arg20[%mul3A_153] : memref<10000xi32, #tpu.memory_space<vmem>> -> memref<80xi32, #tpu.memory_space<vmem>>
      %dma_start3A_155 = arith.constant 0 : i32
      %dma_start3A_156 = arith.constant 0 : i32
      %dma_start3A_157 = tpu.memref_slice %arg3[%dma_start3A_155, %dma_start3A_156] : memref<10000x128xf32, #tpu.memory_space<hbm>> -> memref<10000x128xf32, #tpu.memory_space<hbm>>
      tpu.enqueue_indirect_dma source(%dma_start3A_157 : memref<10000x128xf32, #tpu.memory_space<hbm>>) target(%arg23 : memref<80x128xf32, #tpu.memory_space<vmem>>) offsets(%dma_start3A_154 : memref<80xi32, #tpu.memory_space<vmem>>) semaphore(%arg25 : memref<!tpu.dma_semaphore, #tpu.memory_space<semaphore_mem>>)
      %mul3A_158 = arith.constant 2 : i32
      %mul3A_159 = arith.muli %mul3A_158, %scan3A_138 : i32
      "tpu.region"() ({
        %run_scoped3A_171 = tpu.sem_alloc : memref<!tpu.dma_semaphore, #tpu.memory_space<semaphore_mem>>
        %dma_start3A_172 = arith.constant 0 : i32
        %dma_start3A_173 = tpu.memref_slice %arg21[%mul3A_159, %dma_start3A_172] : memref<125x80xi32, #tpu.memory_space<vmem>> -> memref<1x80xi32, #tpu.memory_space<vmem>>
        %dma_start3A_174 = tpu.memref_squeeze %dma_start3A_173 : memref<1x80xi32, #tpu.memory_space<vmem>> -> memref<80xi32, #tpu.memory_space<vmem>>
        %dma_start3A_175 = arith.constant 0 : i32
        %dma_start3A_176 = arith.constant 0 : i32
        %dma_start3A_177 = tpu.memref_slice %arg19[%dma_start3A_175, %dma_start3A_176] : memref<10240x128xf32, #tpu.memory_space<vmem_shared>> -> memref<10240x128xf32, #tpu.memory_space<vmem_shared>>
        tpu.enqueue_indirect_dma source(%arg22 : memref<80x128xf32, #tpu.memory_space<vmem>>) target(%dma_start3A_177 : memref<10240x128xf32, #tpu.memory_space<vmem_shared>>) offsets(%dma_start3A_174 : memref<80xi32, #tpu.memory_space<vmem>>) semaphore(%run_scoped3A_171 : memref<!tpu.dma_semaphore, #tpu.memory_space<semaphore_mem>>) {add = true}
        %dma_wait3A_178 = arith.constant 0 : i32
        %dma_wait3A_179 = tpu.memref_slice %arg21[%mul3A_159, %dma_wait3A_178] : memref<125x80xi32, #tpu.memory_space<vmem>> -> memref<1x80xi32, #tpu.memory_space<vmem>>
        %dma_wait3A_180 = tpu.memref_squeeze %dma_wait3A_179 : memref<1x80xi32, #tpu.memory_space<vmem>> -> memref<80xi32, #tpu.memory_space<vmem>>
        %dma_wait3A_181 = arith.constant 0 : i32
        %dma_wait3A_182 = arith.constant 0 : i32
        %dma_wait3A_183 = tpu.memref_slice %arg19[%dma_wait3A_181, %dma_wait3A_182] : memref<10240x128xf32, #tpu.memory_space<vmem_shared>> -> memref<10240x128xf32, #tpu.memory_space<vmem_shared>>
        tpu.wait_indirect_dma semaphore(%run_scoped3A_171 : memref<!tpu.dma_semaphore, #tpu.memory_space<semaphore_mem>>) src(%arg22 : memref<80x128xf32, #tpu.memory_space<vmem>>) dst(%dma_wait3A_183 : memref<10240x128xf32, #tpu.memory_space<vmem_shared>>)
        tpu.yield
      }) : () -> ()
      %dma_wait3A_160 = arith.constant 0 : i32
      %dma_wait3A_161 = tpu.memref_slice %arg20[%dma_wait3A_160] : memref<10000xi32, #tpu.memory_space<vmem>> -> memref<80xi32, #tpu.memory_space<vmem>>
      %dma_wait3A_162 = arith.constant 0 : i32
      %dma_wait3A_163 = arith.constant 0 : i32
      %dma_wait3A_164 = tpu.memref_slice %arg3[%dma_wait3A_162, %dma_wait3A_163] : memref<10000x128xf32, #tpu.memory_space<hbm>> -> memref<10000x128xf32, #tpu.memory_space<hbm>>
      tpu.wait_indirect_dma semaphore(%arg25 : memref<!tpu.dma_semaphore, #tpu.memory_space<semaphore_mem>>) src(%dma_wait3A_164 : memref<10000x128xf32, #tpu.memory_space<hbm>>) dst(%arg23 : memref<80x128xf32, #tpu.memory_space<vmem>>)
      %mul3A_165 = arith.constant 80 : i32
      %mul3A_166 = arith.muli %add3A_146, %mul3A_165 : i32
      %dma_start3A_167 = tpu.memref_slice %arg20[%mul3A_166] : memref<10000xi32, #tpu.memory_space<vmem>> -> memref<80xi32, #tpu.memory_space<vmem>>
      %dma_start3A_168 = arith.constant 0 : i32
      %dma_start3A_169 = arith.constant 0 : i32
      %dma_start3A_170 = tpu.memref_slice %arg3[%dma_start3A_168, %dma_start3A_169] : memref<10000x128xf32, #tpu.memory_space<hbm>> -> memref<10000x128xf32, #tpu.memory_space<hbm>>
      tpu.enqueue_indirect_dma source(%dma_start3A_170 : memref<10000x128xf32, #tpu.memory_space<hbm>>) target(%arg22 : memref<80x128xf32, #tpu.memory_space<vmem>>) offsets(%dma_start3A_167 : memref<80xi32, #tpu.memory_space<vmem>>) semaphore(%arg24 : memref<!tpu.dma_semaphore, #tpu.memory_space<semaphore_mem>>)
      "tpu.region"() ({
        %run_scoped3A_171 = tpu.sem_alloc : memref<!tpu.dma_semaphore, #tpu.memory_space<semaphore_mem>>
        %dma_start3A_172 = arith.constant 0 : i32
        %dma_start3A_173 = tpu.memref_slice %arg21[%add3A_142, %dma_start3A_172] : memref<125x80xi32, #tpu.memory_space<vmem>> -> memref<1x80xi32, #tpu.memory_space<vmem>>
        %dma_start3A_174 = tpu.memref_squeeze %dma_start3A_173 : memref<1x80xi32, #tpu.memory_space<vmem>> -> memref<80xi32, #tpu.memory_space<vmem>>
        %dma_start3A_175 = arith.constant 0 : i32
        %dma_start3A_176 = arith.constant 0 : i32
        %dma_start3A_177 = tpu.memref_slice %arg19[%dma_start3A_175, %dma_start3A_176] : memref<10240x128xf32, #tpu.memory_space<vmem_shared>> -> memref<10240x128xf32, #tpu.memory_space<vmem_shared>>
        tpu.enqueue_indirect_dma source(%arg23 : memref<80x128xf32, #tpu.memory_space<vmem>>) target(%dma_start3A_177 : memref<10240x128xf32, #tpu.memory_space<vmem_shared>>) offsets(%dma_start3A_174 : memref<80xi32, #tpu.memory_space<vmem>>) semaphore(%run_scoped3A_171 : memref<!tpu.dma_semaphore, #tpu.memory_space<semaphore_mem>>) {add = true}
        %dma_wait3A_178 = arith.constant 0 : i32
        %dma_wait3A_179 = tpu.memref_slice %arg21[%add3A_142, %dma_wait3A_178] : memref<125x80xi32, #tpu.memory_space<vmem>> -> memref<1x80xi32, #tpu.memory_space<vmem>>
        %dma_wait3A_180 = tpu.memref_squeeze %dma_wait3A_179 : memref<1x80xi32, #tpu.memory_space<vmem>> -> memref<80xi32, #tpu.memory_space<vmem>>
        %dma_wait3A_181 = arith.constant 0 : i32
        %dma_wait3A_182 = arith.constant 0 : i32
        %dma_wait3A_183 = tpu.memref_slice %arg19[%dma_wait3A_181, %dma_wait3A_182] : memref<10240x128xf32, #tpu.memory_space<vmem_shared>> -> memref<10240x128xf32, #tpu.memory_space<vmem_shared>>
        tpu.wait_indirect_dma semaphore(%run_scoped3A_171 : memref<!tpu.dma_semaphore, #tpu.memory_space<semaphore_mem>>) src(%arg23 : memref<80x128xf32, #tpu.memory_space<vmem>>) dst(%dma_wait3A_183 : memref<10240x128xf32, #tpu.memory_space<vmem_shared>>)
        tpu.yield
      }) : () -> ()
    }
    %scan3A_51 = arith.constant 62 : i32
    %dma_wait3A_52 = arith.constant 0 : i32
    %dma_wait3A_53 = tpu.memref_slice %arg20[%dma_wait3A_52] : memref<10000xi32, #tpu.memory_space<vmem>> -> memref<80xi32, #tpu.memory_space<vmem>>
    %dma_wait3A_54 = arith.constant 0 : i32
    %dma_wait3A_55 = arith.constant 0 : i32
    %dma_wait3A_56 = tpu.memref_slice %arg3[%dma_wait3A_54, %dma_wait3A_55] : memref<10000x128xf32, #tpu.memory_space<hbm>> -> memref<10000x128xf32, #tpu.memory_space<hbm>>
    tpu.wait_indirect_dma semaphore(%arg24 : memref<!tpu.dma_semaphore, #tpu.memory_space<semaphore_mem>>) src(%dma_wait3A_56 : memref<10000x128xf32, #tpu.memory_space<hbm>>) dst(%arg22 : memref<80x128xf32, #tpu.memory_space<vmem>>)
    %run_scoped3A_57 = arith.constant 124 : i32
    "tpu.region"() ({
      %run_scoped3A_138 = tpu.sem_alloc : memref<!tpu.dma_semaphore, #tpu.memory_space<semaphore_mem>>
      %dma_start3A_139 = arith.constant 0 : i32
      %dma_start3A_140 = tpu.memref_slice %arg21[%run_scoped3A_57, %dma_start3A_139] : memref<125x80xi32, #tpu.memory_space<vmem>> -> memref<1x80xi32, #tpu.memory_space<vmem>>
      %dma_start3A_141 = tpu.memref_squeeze %dma_start3A_140 : memref<1x80xi32, #tpu.memory_space<vmem>> -> memref<80xi32, #tpu.memory_space<vmem>>
      %dma_start3A_142 = arith.constant 0 : i32
      %dma_start3A_143 = arith.constant 0 : i32
      %dma_start3A_144 = tpu.memref_slice %arg19[%dma_start3A_142, %dma_start3A_143] : memref<10240x128xf32, #tpu.memory_space<vmem_shared>> -> memref<10240x128xf32, #tpu.memory_space<vmem_shared>>
      tpu.enqueue_indirect_dma source(%arg22 : memref<80x128xf32, #tpu.memory_space<vmem>>) target(%dma_start3A_144 : memref<10240x128xf32, #tpu.memory_space<vmem_shared>>) offsets(%dma_start3A_141 : memref<80xi32, #tpu.memory_space<vmem>>) semaphore(%run_scoped3A_138 : memref<!tpu.dma_semaphore, #tpu.memory_space<semaphore_mem>>) {add = true}
      %dma_wait3A_145 = arith.constant 0 : i32
      %dma_wait3A_146 = tpu.memref_slice %arg21[%run_scoped3A_57, %dma_wait3A_145] : memref<125x80xi32, #tpu.memory_space<vmem>> -> memref<1x80xi32, #tpu.memory_space<vmem>>
      %dma_wait3A_147 = tpu.memref_squeeze %dma_wait3A_146 : memref<1x80xi32, #tpu.memory_space<vmem>> -> memref<80xi32, #tpu.memory_space<vmem>>
      %dma_wait3A_148 = arith.constant 0 : i32
      %dma_wait3A_149 = arith.constant 0 : i32
      %dma_wait3A_150 = tpu.memref_slice %arg19[%dma_wait3A_148, %dma_wait3A_149] : memref<10240x128xf32, #tpu.memory_space<vmem_shared>> -> memref<10240x128xf32, #tpu.memory_space<vmem_shared>>
      tpu.wait_indirect_dma semaphore(%run_scoped3A_138 : memref<!tpu.dma_semaphore, #tpu.memory_space<semaphore_mem>>) src(%arg22 : memref<80x128xf32, #tpu.memory_space<vmem>>) dst(%dma_wait3A_150 : memref<10240x128xf32, #tpu.memory_space<vmem_shared>>)
      tpu.yield
    }) : () -> ()
    %barrier3A_58 = arith.constant 0 : index
    tpu.barrier barrier_id(%barrier3A_58)
    %add3A_59 = arith.constant 0 : i32
    %add3A_60 = arith.addi %mul3A_2, %add3A_59 : i32
    "tpu.region"() ({
      %run_scoped3A_138 = tpu.sem_alloc : memref<!tpu.dma_semaphore, #tpu.memory_space<semaphore_mem>>
      %dma_start3A_139 = arith.constant 0 : i32
      %dma_start3A_140 = tpu.memref_slice %arg16[%arg0, %add3A_60, %dma_start3A_139] : memref<2x10240x128xf32, #tpu.memory_space<hbm>> -> memref<1x160x128xf32, #tpu.memory_space<hbm>>
      %dma_start3A_141 = tpu.memref_squeeze %dma_start3A_140 : memref<1x160x128xf32, #tpu.memory_space<hbm>> -> memref<160x128xf32, #tpu.memory_space<hbm>>
      %dma_start3A_142 = arith.constant 0 : i32
      %dma_start3A_143 = tpu.memref_slice %arg19[%add3A_60, %dma_start3A_142] : memref<10240x128xf32, #tpu.memory_space<vmem_shared>> -> memref<160x128xf32, #tpu.memory_space<vmem_shared>>
      tpu.enqueue_dma source(%dma_start3A_143 : memref<160x128xf32, #tpu.memory_space<vmem_shared>>) target(%dma_start3A_141 : memref<160x128xf32, #tpu.memory_space<hbm>>) target_semaphore(%run_scoped3A_138 : memref<!tpu.dma_semaphore, #tpu.memory_space<semaphore_mem>>)
      %dma_wait3A_144 = arith.constant 0 : i32
      %dma_wait3A_145 = tpu.memref_slice %arg16[%arg0, %add3A_60, %dma_wait3A_144] : memref<2x10240x128xf32, #tpu.memory_space<hbm>> -> memref<1x160x128xf32, #tpu.memory_space<hbm>>
      %dma_wait3A_146 = tpu.memref_squeeze %dma_wait3A_145 : memref<1x160x128xf32, #tpu.memory_space<hbm>> -> memref<160x128xf32, #tpu.memory_space<hbm>>
      %dma_wait3A_147 = arith.constant 0 : i32
      %dma_wait3A_148 = tpu.memref_slice %arg19[%add3A_60, %dma_wait3A_147] : memref<10240x128xf32, #tpu.memory_space<vmem_shared>> -> memref<160x128xf32, #tpu.memory_space<vmem_shared>>
      tpu.wait_dma2 semaphore(%run_scoped3A_138 : memref<!tpu.dma_semaphore, #tpu.memory_space<semaphore_mem>>) src(%dma_wait3A_148 : memref<160x128xf32, #tpu.memory_space<vmem_shared>>) dst(%dma_wait3A_146 : memref<160x128xf32, #tpu.memory_space<hbm>>)
      tpu.yield
    }) : () -> ()
    %add3A_61 = arith.constant 160 : i32
    %add3A_62 = arith.addi %mul3A_2, %add3A_61 : i32
    "tpu.region"() ({
      %run_scoped3A_138 = tpu.sem_alloc : memref<!tpu.dma_semaphore, #tpu.memory_space<semaphore_mem>>
      %dma_start3A_139 = arith.constant 0 : i32
      %dma_start3A_140 = tpu.memref_slice %arg16[%arg0, %add3A_62, %dma_start3A_139] : memref<2x10240x128xf32, #tpu.memory_space<hbm>> -> memref<1x160x128xf32, #tpu.memory_space<hbm>>
      %dma_start3A_141 = tpu.memref_squeeze %dma_start3A_140 : memref<1x160x128xf32, #tpu.memory_space<hbm>> -> memref<160x128xf32, #tpu.memory_space<hbm>>
      %dma_start3A_142 = arith.constant 0 : i32
      %dma_start3A_143 = tpu.memref_slice %arg19[%add3A_62, %dma_start3A_142] : memref<10240x128xf32, #tpu.memory_space<vmem_shared>> -> memref<160x128xf32, #tpu.memory_space<vmem_shared>>
      tpu.enqueue_dma source(%dma_start3A_143 : memref<160x128xf32, #tpu.memory_space<vmem_shared>>) target(%dma_start3A_141 : memref<160x128xf32, #tpu.memory_space<hbm>>) target_semaphore(%run_scoped3A_138 : memref<!tpu.dma_semaphore, #tpu.memory_space<semaphore_mem>>)
      %dma_wait3A_144 = arith.constant 0 : i32
      %dma_wait3A_145 = tpu.memref_slice %arg16[%arg0, %add3A_62, %dma_wait3A_144] : memref<2x10240x128xf32, #tpu.memory_space<hbm>> -> memref<1x160x128xf32, #tpu.memory_space<hbm>>
      %dma_wait3A_146 = tpu.memref_squeeze %dma_wait3A_145 : memref<1x160x128xf32, #tpu.memory_space<hbm>> -> memref<160x128xf32, #tpu.memory_space<hbm>>
      %dma_wait3A_147 = arith.constant 0 : i32
      %dma_wait3A_148 = tpu.memref_slice %arg19[%add3A_62, %dma_wait3A_147] : memref<10240x128xf32, #tpu.memory_space<vmem_shared>> -> memref<160x128xf32, #tpu.memory_space<vmem_shared>>
      tpu.wait_dma2 semaphore(%run_scoped3A_138 : memref<!tpu.dma_semaphore, #tpu.memory_space<semaphore_mem>>) src(%dma_wait3A_148 : memref<160x128xf32, #tpu.memory_space<vmem_shared>>) dst(%dma_wait3A_146 : memref<160x128xf32, #tpu.memory_space<hbm>>)
      tpu.yield
    }) : () -> ()
    %add3A_63 = arith.constant 320 : i32
    %add3A_64 = arith.addi %mul3A_2, %add3A_63 : i32
    "tpu.region"() ({
      %run_scoped3A_138 = tpu.sem_alloc : memref<!tpu.dma_semaphore, #tpu.memory_space<semaphore_mem>>
      %dma_start3A_139 = arith.constant 0 : i32
      %dma_start3A_140 = tpu.memref_slice %arg16[%arg0, %add3A_64, %dma_start3A_139] : memref<2x10240x128xf32, #tpu.memory_space<hbm>> -> memref<1x160x128xf32, #tpu.memory_space<hbm>>
      %dma_start3A_141 = tpu.memref_squeeze %dma_start3A_140 : memref<1x160x128xf32, #tpu.memory_space<hbm>> -> memref<160x128xf32, #tpu.memory_space<hbm>>
      %dma_start3A_142 = arith.constant 0 : i32
      %dma_start3A_143 = tpu.memref_slice %arg19[%add3A_64, %dma_start3A_142] : memref<10240x128xf32, #tpu.memory_space<vmem_shared>> -> memref<160x128xf32, #tpu.memory_space<vmem_shared>>
      tpu.enqueue_dma source(%dma_start3A_143 : memref<160x128xf32, #tpu.memory_space<vmem_shared>>) target(%dma_start3A_141 : memref<160x128xf32, #tpu.memory_space<hbm>>) target_semaphore(%run_scoped3A_138 : memref<!tpu.dma_semaphore, #tpu.memory_space<semaphore_mem>>)
      %dma_wait3A_144 = arith.constant 0 : i32
      %dma_wait3A_145 = tpu.memref_slice %arg16[%arg0, %add3A_64, %dma_wait3A_144] : memref<2x10240x128xf32, #tpu.memory_space<hbm>> -> memref<1x160x128xf32, #tpu.memory_space<hbm>>
      %dma_wait3A_146 = tpu.memref_squeeze %dma_wait3A_145 : memref<1x160x128xf32, #tpu.memory_space<hbm>> -> memref<160x128xf32, #tpu.memory_space<hbm>>
      %dma_wait3A_147 = arith.constant 0 : i32
      %dma_wait3A_148 = tpu.memref_slice %arg19[%add3A_64, %dma_wait3A_147] : memref<10240x128xf32, #tpu.memory_space<vmem_shared>> -> memref<160x128xf32, #tpu.memory_space<vmem_shared>>
      tpu.wait_dma2 semaphore(%run_scoped3A_138 : memref<!tpu.dma_semaphore, #tpu.memory_space<semaphore_mem>>) src(%dma_wait3A_148 : memref<160x128xf32, #tpu.memory_space<vmem_shared>>) dst(%dma_wait3A_146 : memref<160x128xf32, #tpu.memory_space<hbm>>)
      tpu.yield
    }) : () -> ()
    %add3A_65 = arith.constant 480 : i32
    %add3A_66 = arith.addi %mul3A_2, %add3A_65 : i32
    "tpu.region"() ({
      %run_scoped3A_138 = tpu.sem_alloc : memref<!tpu.dma_semaphore, #tpu.memory_space<semaphore_mem>>
      %dma_start3A_139 = arith.constant 0 : i32
      %dma_start3A_140 = tpu.memref_slice %arg16[%arg0, %add3A_66, %dma_start3A_139] : memref<2x10240x128xf32, #tpu.memory_space<hbm>> -> memref<1x160x128xf32, #tpu.memory_space<hbm>>
      %dma_start3A_141 = tpu.memref_squeeze %dma_start3A_140 : memref<1x160x128xf32, #tpu.memory_space<hbm>> -> memref<160x128xf32, #tpu.memory_space<hbm>>
      %dma_start3A_142 = arith.constant 0 : i32
      %dma_start3A_143 = tpu.memref_slice %arg19[%add3A_66, %dma_start3A_142] : memref<10240x128xf32, #tpu.memory_space<vmem_shared>> -> memref<160x128xf32, #tpu.memory_space<vmem_shared>>
      tpu.enqueue_dma source(%dma_start3A_143 : memref<160x128xf32, #tpu.memory_space<vmem_shared>>) target(%dma_start3A_141 : memref<160x128xf32, #tpu.memory_space<hbm>>) target_semaphore(%run_scoped3A_138 : memref<!tpu.dma_semaphore, #tpu.memory_space<semaphore_mem>>)
      %dma_wait3A_144 = arith.constant 0 : i32
      %dma_wait3A_145 = tpu.memref_slice %arg16[%arg0, %add3A_66, %dma_wait3A_144] : memref<2x10240x128xf32, #tpu.memory_space<hbm>> -> memref<1x160x128xf32, #tpu.memory_space<hbm>>
      %dma_wait3A_146 = tpu.memref_squeeze %dma_wait3A_145 : memref<1x160x128xf32, #tpu.memory_space<hbm>> -> memref<160x128xf32, #tpu.memory_space<hbm>>
      %dma_wait3A_147 = arith.constant 0 : i32
      %dma_wait3A_148 = tpu.memref_slice %arg19[%add3A_66, %dma_wait3A_147] : memref<10240x128xf32, #tpu.memory_space<vmem_shared>> -> memref<160x128xf32, #tpu.memory_space<vmem_shared>>
      tpu.wait_dma2 semaphore(%run_scoped3A_138 : memref<!tpu.dma_semaphore, #tpu.memory_space<semaphore_mem>>) src(%dma_wait3A_148 : memref<160x128xf32, #tpu.memory_space<vmem_shared>>) dst(%dma_wait3A_146 : memref<160x128xf32, #tpu.memory_space<hbm>>)
      tpu.yield
    }) : () -> ()
    %barrier3A_67 = arith.constant 0 : index
    tpu.barrier barrier_id(%barrier3A_67)
    %add3A_68 = arith.constant 0 : i32
    %add3A_69 = arith.addi %mul3A_2, %add3A_68 : i32
    "tpu.region"() ({
      %run_scoped3A_138 = tpu.sem_alloc : memref<!tpu.dma_semaphore, #tpu.memory_space<semaphore_mem>>
      %dma_start3A_139 = arith.constant 0 : i32
      %dma_start3A_140 = tpu.memref_slice %arg19[%add3A_69, %dma_start3A_139] : memref<10240x128xf32, #tpu.memory_space<vmem_shared>> -> memref<160x128xf32, #tpu.memory_space<vmem_shared>>
      %dma_start3A_141 = arith.constant 0 : i32
      %dma_start3A_142 = tpu.memref_slice %arg14[%add3A_69, %dma_start3A_141] : memref<10240x128xf32, #tpu.memory_space<hbm>> -> memref<160x128xf32, #tpu.memory_space<hbm>>
      tpu.enqueue_dma source(%dma_start3A_142 : memref<160x128xf32, #tpu.memory_space<hbm>>) target(%dma_start3A_140 : memref<160x128xf32, #tpu.memory_space<vmem_shared>>) target_semaphore(%run_scoped3A_138 : memref<!tpu.dma_semaphore, #tpu.memory_space<semaphore_mem>>)
      %dma_wait3A_143 = arith.constant 0 : i32
      %dma_wait3A_144 = tpu.memref_slice %arg19[%add3A_69, %dma_wait3A_143] : memref<10240x128xf32, #tpu.memory_space<vmem_shared>> -> memref<160x128xf32, #tpu.memory_space<vmem_shared>>
      %dma_wait3A_145 = arith.constant 0 : i32
      %dma_wait3A_146 = tpu.memref_slice %arg14[%add3A_69, %dma_wait3A_145] : memref<10240x128xf32, #tpu.memory_space<hbm>> -> memref<160x128xf32, #tpu.memory_space<hbm>>
      tpu.wait_dma2 semaphore(%run_scoped3A_138 : memref<!tpu.dma_semaphore, #tpu.memory_space<semaphore_mem>>) src(%dma_wait3A_146 : memref<160x128xf32, #tpu.memory_space<hbm>>) dst(%dma_wait3A_144 : memref<160x128xf32, #tpu.memory_space<vmem_shared>>)
      tpu.yield
    }) : () -> ()
    %add3A_70 = arith.constant 160 : i32
    %add3A_71 = arith.addi %mul3A_2, %add3A_70 : i32
    "tpu.region"() ({
      %run_scoped3A_138 = tpu.sem_alloc : memref<!tpu.dma_semaphore, #tpu.memory_space<semaphore_mem>>
      %dma_start3A_139 = arith.constant 0 : i32
      %dma_start3A_140 = tpu.memref_slice %arg19[%add3A_71, %dma_start3A_139] : memref<10240x128xf32, #tpu.memory_space<vmem_shared>> -> memref<160x128xf32, #tpu.memory_space<vmem_shared>>
      %dma_start3A_141 = arith.constant 0 : i32
      %dma_start3A_142 = tpu.memref_slice %arg14[%add3A_71, %dma_start3A_141] : memref<10240x128xf32, #tpu.memory_space<hbm>> -> memref<160x128xf32, #tpu.memory_space<hbm>>
      tpu.enqueue_dma source(%dma_start3A_142 : memref<160x128xf32, #tpu.memory_space<hbm>>) target(%dma_start3A_140 : memref<160x128xf32, #tpu.memory_space<vmem_shared>>) target_semaphore(%run_scoped3A_138 : memref<!tpu.dma_semaphore, #tpu.memory_space<semaphore_mem>>)
      %dma_wait3A_143 = arith.constant 0 : i32
      %dma_wait3A_144 = tpu.memref_slice %arg19[%add3A_71, %dma_wait3A_143] : memref<10240x128xf32, #tpu.memory_space<vmem_shared>> -> memref<160x128xf32, #tpu.memory_space<vmem_shared>>
      %dma_wait3A_145 = arith.constant 0 : i32
      %dma_wait3A_146 = tpu.memref_slice %arg14[%add3A_71, %dma_wait3A_145] : memref<10240x128xf32, #tpu.memory_space<hbm>> -> memref<160x128xf32, #tpu.memory_space<hbm>>
      tpu.wait_dma2 semaphore(%run_scoped3A_138 : memref<!tpu.dma_semaphore, #tpu.memory_space<semaphore_mem>>) src(%dma_wait3A_146 : memref<160x128xf32, #tpu.memory_space<hbm>>) dst(%dma_wait3A_144 : memref<160x128xf32, #tpu.memory_space<vmem_shared>>)
      tpu.yield
    }) : () -> ()
    %add3A_72 = arith.constant 320 : i32
    %add3A_73 = arith.addi %mul3A_2, %add3A_72 : i32
    "tpu.region"() ({
      %run_scoped3A_138 = tpu.sem_alloc : memref<!tpu.dma_semaphore, #tpu.memory_space<semaphore_mem>>
      %dma_start3A_139 = arith.constant 0 : i32
      %dma_start3A_140 = tpu.memref_slice %arg19[%add3A_73, %dma_start3A_139] : memref<10240x128xf32, #tpu.memory_space<vmem_shared>> -> memref<160x128xf32, #tpu.memory_space<vmem_shared>>
      %dma_start3A_141 = arith.constant 0 : i32
      %dma_start3A_142 = tpu.memref_slice %arg14[%add3A_73, %dma_start3A_141] : memref<10240x128xf32, #tpu.memory_space<hbm>> -> memref<160x128xf32, #tpu.memory_space<hbm>>
      tpu.enqueue_dma source(%dma_start3A_142 : memref<160x128xf32, #tpu.memory_space<hbm>>) target(%dma_start3A_140 : memref<160x128xf32, #tpu.memory_space<vmem_shared>>) target_semaphore(%run_scoped3A_138 : memref<!tpu.dma_semaphore, #tpu.memory_space<semaphore_mem>>)
      %dma_wait3A_143 = arith.constant 0 : i32
      %dma_wait3A_144 = tpu.memref_slice %arg19[%add3A_73, %dma_wait3A_143] : memref<10240x128xf32, #tpu.memory_space<vmem_shared>> -> memref<160x128xf32, #tpu.memory_space<vmem_shared>>
      %dma_wait3A_145 = arith.constant 0 : i32
      %dma_wait3A_146 = tpu.memref_slice %arg14[%add3A_73, %dma_wait3A_145] : memref<10240x128xf32, #tpu.memory_space<hbm>> -> memref<160x128xf32, #tpu.memory_space<hbm>>
      tpu.wait_dma2 semaphore(%run_scoped3A_138 : memref<!tpu.dma_semaphore, #tpu.memory_space<semaphore_mem>>) src(%dma_wait3A_146 : memref<160x128xf32, #tpu.memory_space<hbm>>) dst(%dma_wait3A_144 : memref<160x128xf32, #tpu.memory_space<vmem_shared>>)
      tpu.yield
    }) : () -> ()
    %add3A_74 = arith.constant 480 : i32
    %add3A_75 = arith.addi %mul3A_2, %add3A_74 : i32
    "tpu.region"() ({
      %run_scoped3A_138 = tpu.sem_alloc : memref<!tpu.dma_semaphore, #tpu.memory_space<semaphore_mem>>
      %dma_start3A_139 = arith.constant 0 : i32
      %dma_start3A_140 = tpu.memref_slice %arg19[%add3A_75, %dma_start3A_139] : memref<10240x128xf32, #tpu.memory_space<vmem_shared>> -> memref<160x128xf32, #tpu.memory_space<vmem_shared>>
      %dma_start3A_141 = arith.constant 0 : i32
      %dma_start3A_142 = tpu.memref_slice %arg14[%add3A_75, %dma_start3A_141] : memref<10240x128xf32, #tpu.memory_space<hbm>> -> memref<160x128xf32, #tpu.memory_space<hbm>>
      tpu.enqueue_dma source(%dma_start3A_142 : memref<160x128xf32, #tpu.memory_space<hbm>>) target(%dma_start3A_140 : memref<160x128xf32, #tpu.memory_space<vmem_shared>>) target_semaphore(%run_scoped3A_138 : memref<!tpu.dma_semaphore, #tpu.memory_space<semaphore_mem>>)
      %dma_wait3A_143 = arith.constant 0 : i32
      %dma_wait3A_144 = tpu.memref_slice %arg19[%add3A_75, %dma_wait3A_143] : memref<10240x128xf32, #tpu.memory_space<vmem_shared>> -> memref<160x128xf32, #tpu.memory_space<vmem_shared>>
      %dma_wait3A_145 = arith.constant 0 : i32
      %dma_wait3A_146 = tpu.memref_slice %arg14[%add3A_75, %dma_wait3A_145] : memref<10240x128xf32, #tpu.memory_space<hbm>> -> memref<160x128xf32, #tpu.memory_space<hbm>>
      tpu.wait_dma2 semaphore(%run_scoped3A_138 : memref<!tpu.dma_semaphore, #tpu.memory_space<semaphore_mem>>) src(%dma_wait3A_146 : memref<160x128xf32, #tpu.memory_space<hbm>>) dst(%dma_wait3A_144 : memref<160x128xf32, #tpu.memory_space<vmem_shared>>)
      tpu.yield
    }) : () -> ()
    "tpu.region"() ({
      %run_scoped3A_138 = tpu.sem_alloc : memref<!tpu.dma_semaphore, #tpu.memory_space<semaphore_mem>>
      %dma_start3A_139 = arith.constant 0 : i32
      %dma_start3A_140 = tpu.memref_slice %arg9[%add3A, %dma_start3A_139] : memref<32x10000xi32, #tpu.memory_space<hbm>> -> memref<1x10000xi32, #tpu.memory_space<hbm>>
      %dma_start3A_141 = tpu.memref_squeeze %dma_start3A_140 : memref<1x10000xi32, #tpu.memory_space<hbm>> -> memref<10000xi32, #tpu.memory_space<hbm>>
      %dma_start3A_142 = arith.constant 0 : i32
      %dma_start3A_143 = tpu.memref_slice %arg9[%add3A, %dma_start3A_142] : memref<32x10000xi32, #tpu.memory_space<hbm>> -> memref<1x10000xi32, #tpu.memory_space<hbm>>
      %dma_start3A_144 = tpu.memref_squeeze %dma_start3A_143 : memref<1x10000xi32, #tpu.memory_space<hbm>> -> memref<10000xi32, #tpu.memory_space<hbm>>
      tpu.enqueue_dma source(%dma_start3A_144 : memref<10000xi32, #tpu.memory_space<hbm>>) target(%arg20 : memref<10000xi32, #tpu.memory_space<vmem>>) target_semaphore(%run_scoped3A_138 : memref<!tpu.dma_semaphore, #tpu.memory_space<semaphore_mem>>)
      %dma_wait3A_145 = arith.constant 0 : i32
      %dma_wait3A_146 = tpu.memref_slice %arg9[%add3A, %dma_wait3A_145] : memref<32x10000xi32, #tpu.memory_space<hbm>> -> memref<1x10000xi32, #tpu.memory_space<hbm>>
      %dma_wait3A_147 = tpu.memref_squeeze %dma_wait3A_146 : memref<1x10000xi32, #tpu.memory_space<hbm>> -> memref<10000xi32, #tpu.memory_space<hbm>>
      %dma_wait3A_148 = arith.constant 0 : i32
      %dma_wait3A_149 = tpu.memref_slice %arg9[%add3A, %dma_wait3A_148] : memref<32x10000xi32, #tpu.memory_space<hbm>> -> memref<1x10000xi32, #tpu.memory_space<hbm>>
      %dma_wait3A_150 = tpu.memref_squeeze %dma_wait3A_149 : memref<1x10000xi32, #tpu.memory_space<hbm>> -> memref<10000xi32, #tpu.memory_space<hbm>>
      tpu.wait_dma2 semaphore(%run_scoped3A_138 : memref<!tpu.dma_semaphore, #tpu.memory_space<semaphore_mem>>) src(%dma_wait3A_150 : memref<10000xi32, #tpu.memory_space<hbm>>) dst(%arg20 : memref<10000xi32, #tpu.memory_space<vmem>>)
      tpu.yield
    }) : () -> ()
    "tpu.region"() ({
      %run_scoped3A_138 = tpu.sem_alloc : memref<!tpu.dma_semaphore, #tpu.memory_space<semaphore_mem>>
      %dma_start3A_139 = arith.constant 0 : i32
      %dma_start3A_140 = arith.constant 0 : i32
      %dma_start3A_141 = tpu.memref_slice %arg12[%add3A, %dma_start3A_139, %dma_start3A_140] : memref<32x125x80xi32, #tpu.memory_space<hbm>> -> memref<1x125x80xi32, #tpu.memory_space<hbm>>
      %dma_start3A_142 = tpu.memref_squeeze %dma_start3A_141 : memref<1x125x80xi32, #tpu.memory_space<hbm>> -> memref<125x80xi32, #tpu.memory_space<hbm>>
      %dma_start3A_143 = arith.constant 0 : i32
      %dma_start3A_144 = arith.constant 0 : i32
      %dma_start3A_145 = tpu.memref_slice %arg12[%add3A, %dma_start3A_143, %dma_start3A_144] : memref<32x125x80xi32, #tpu.memory_space<hbm>> -> memref<1x125x80xi32, #tpu.memory_space<hbm>>
      %dma_start3A_146 = tpu.memref_squeeze %dma_start3A_145 : memref<1x125x80xi32, #tpu.memory_space<hbm>> -> memref<125x80xi32, #tpu.memory_space<hbm>>
      tpu.enqueue_dma source(%dma_start3A_146 : memref<125x80xi32, #tpu.memory_space<hbm>>) target(%arg21 : memref<125x80xi32, #tpu.memory_space<vmem>>) target_semaphore(%run_scoped3A_138 : memref<!tpu.dma_semaphore, #tpu.memory_space<semaphore_mem>>)
      %dma_wait3A_147 = arith.constant 0 : i32
      %dma_wait3A_148 = arith.constant 0 : i32
      %dma_wait3A_149 = tpu.memref_slice %arg12[%add3A, %dma_wait3A_147, %dma_wait3A_148] : memref<32x125x80xi32, #tpu.memory_space<hbm>> -> memref<1x125x80xi32, #tpu.memory_space<hbm>>
      %dma_wait3A_150 = tpu.memref_squeeze %dma_wait3A_149 : memref<1x125x80xi32, #tpu.memory_space<hbm>> -> memref<125x80xi32, #tpu.memory_space<hbm>>
      %dma_wait3A_151 = arith.constant 0 : i32
      %dma_wait3A_152 = arith.constant 0 : i32
      %dma_wait3A_153 = tpu.memref_slice %arg12[%add3A, %dma_wait3A_151, %dma_wait3A_152] : memref<32x125x80xi32, #tpu.memory_space<hbm>> -> memref<1x125x80xi32, #tpu.memory_space<hbm>>
      %dma_wait3A_154 = tpu.memref_squeeze %dma_wait3A_153 : memref<1x125x80xi32, #tpu.memory_space<hbm>> -> memref<125x80xi32, #tpu.memory_space<hbm>>
      tpu.wait_dma2 semaphore(%run_scoped3A_138 : memref<!tpu.dma_semaphore, #tpu.memory_space<semaphore_mem>>) src(%dma_wait3A_154 : memref<125x80xi32, #tpu.memory_space<hbm>>) dst(%arg21 : memref<125x80xi32, #tpu.memory_space<vmem>>)
      tpu.yield
    }) : () -> ()
    %barrier3A_76 = arith.constant 0 : index
    tpu.barrier barrier_id(%barrier3A_76)
    %dma_start3A_77 = arith.constant 0 : i32
    %dma_start3A_78 = tpu.memref_slice %arg20[%dma_start3A_77] : memref<10000xi32, #tpu.memory_space<vmem>> -> memref<80xi32, #tpu.memory_space<vmem>>
    %dma_start3A_79 = arith.constant 0 : i32
    %dma_start3A_80 = arith.constant 0 : i32
    %dma_start3A_81 = tpu.memref_slice %arg4[%dma_start3A_79, %dma_start3A_80] : memref<10000x128xf32, #tpu.memory_space<hbm>> -> memref<10000x128xf32, #tpu.memory_space<hbm>>
    tpu.enqueue_indirect_dma source(%dma_start3A_81 : memref<10000x128xf32, #tpu.memory_space<hbm>>) target(%arg22 : memref<80x128xf32, #tpu.memory_space<vmem>>) offsets(%dma_start3A_78 : memref<80xi32, #tpu.memory_space<vmem>>) semaphore(%arg24 : memref<!tpu.dma_semaphore, #tpu.memory_space<semaphore_mem>>)
    %scan3A_82 = arith.constant 0 : i32
    %scan3A_83 = arith.constant 62 : i32
    %scan3A_84 = arith.addi %scan3A_82, %scan3A_83 : i32
    %scan3A_85 = arith.constant 1 : i32
    scf.for %scan3A_138 = %scan3A_82 to %scan3A_84 step %scan3A_85  : i32 {
      %mul3A_139 = arith.constant 2 : i32
      %mul3A_140 = arith.muli %mul3A_139, %scan3A_138 : i32
      %add3A_141 = arith.constant 1 : i32
      %add3A_142 = arith.addi %mul3A_140, %add3A_141 : i32
      %mul3A_143 = arith.constant 2 : i32
      %mul3A_144 = arith.muli %mul3A_143, %scan3A_138 : i32
      %add3A_145 = arith.constant 2 : i32
      %add3A_146 = arith.addi %mul3A_144, %add3A_145 : i32
      %dma_wait3A_147 = arith.constant 0 : i32
      %dma_wait3A_148 = tpu.memref_slice %arg20[%dma_wait3A_147] : memref<10000xi32, #tpu.memory_space<vmem>> -> memref<80xi32, #tpu.memory_space<vmem>>
      %dma_wait3A_149 = arith.constant 0 : i32
      %dma_wait3A_150 = arith.constant 0 : i32
      %dma_wait3A_151 = tpu.memref_slice %arg4[%dma_wait3A_149, %dma_wait3A_150] : memref<10000x128xf32, #tpu.memory_space<hbm>> -> memref<10000x128xf32, #tpu.memory_space<hbm>>
      tpu.wait_indirect_dma semaphore(%arg24 : memref<!tpu.dma_semaphore, #tpu.memory_space<semaphore_mem>>) src(%dma_wait3A_151 : memref<10000x128xf32, #tpu.memory_space<hbm>>) dst(%arg22 : memref<80x128xf32, #tpu.memory_space<vmem>>)
      %mul3A_152 = arith.constant 80 : i32
      %mul3A_153 = arith.muli %add3A_142, %mul3A_152 : i32
      %dma_start3A_154 = tpu.memref_slice %arg20[%mul3A_153] : memref<10000xi32, #tpu.memory_space<vmem>> -> memref<80xi32, #tpu.memory_space<vmem>>
      %dma_start3A_155 = arith.constant 0 : i32
      %dma_start3A_156 = arith.constant 0 : i32
      %dma_start3A_157 = tpu.memref_slice %arg4[%dma_start3A_155, %dma_start3A_156] : memref<10000x128xf32, #tpu.memory_space<hbm>> -> memref<10000x128xf32, #tpu.memory_space<hbm>>
      tpu.enqueue_indirect_dma source(%dma_start3A_157 : memref<10000x128xf32, #tpu.memory_space<hbm>>) target(%arg23 : memref<80x128xf32, #tpu.memory_space<vmem>>) offsets(%dma_start3A_154 : memref<80xi32, #tpu.memory_space<vmem>>) semaphore(%arg25 : memref<!tpu.dma_semaphore, #tpu.memory_space<semaphore_mem>>)
      %mul3A_158 = arith.constant 2 : i32
      %mul3A_159 = arith.muli %mul3A_158, %scan3A_138 : i32
      "tpu.region"() ({
        %run_scoped3A_171 = tpu.sem_alloc : memref<!tpu.dma_semaphore, #tpu.memory_space<semaphore_mem>>
        %dma_start3A_172 = arith.constant 0 : i32
        %dma_start3A_173 = tpu.memref_slice %arg21[%mul3A_159, %dma_start3A_172] : memref<125x80xi32, #tpu.memory_space<vmem>> -> memref<1x80xi32, #tpu.memory_space<vmem>>
        %dma_start3A_174 = tpu.memref_squeeze %dma_start3A_173 : memref<1x80xi32, #tpu.memory_space<vmem>> -> memref<80xi32, #tpu.memory_space<vmem>>
        %dma_start3A_175 = arith.constant 0 : i32
        %dma_start3A_176 = arith.constant 0 : i32
        %dma_start3A_177 = tpu.memref_slice %arg19[%dma_start3A_175, %dma_start3A_176] : memref<10240x128xf32, #tpu.memory_space<vmem_shared>> -> memref<10240x128xf32, #tpu.memory_space<vmem_shared>>
        tpu.enqueue_indirect_dma source(%arg22 : memref<80x128xf32, #tpu.memory_space<vmem>>) target(%dma_start3A_177 : memref<10240x128xf32, #tpu.memory_space<vmem_shared>>) offsets(%dma_start3A_174 : memref<80xi32, #tpu.memory_space<vmem>>) semaphore(%run_scoped3A_171 : memref<!tpu.dma_semaphore, #tpu.memory_space<semaphore_mem>>) {add = true}
        %dma_wait3A_178 = arith.constant 0 : i32
        %dma_wait3A_179 = tpu.memref_slice %arg21[%mul3A_159, %dma_wait3A_178] : memref<125x80xi32, #tpu.memory_space<vmem>> -> memref<1x80xi32, #tpu.memory_space<vmem>>
        %dma_wait3A_180 = tpu.memref_squeeze %dma_wait3A_179 : memref<1x80xi32, #tpu.memory_space<vmem>> -> memref<80xi32, #tpu.memory_space<vmem>>
        %dma_wait3A_181 = arith.constant 0 : i32
        %dma_wait3A_182 = arith.constant 0 : i32
        %dma_wait3A_183 = tpu.memref_slice %arg19[%dma_wait3A_181, %dma_wait3A_182] : memref<10240x128xf32, #tpu.memory_space<vmem_shared>> -> memref<10240x128xf32, #tpu.memory_space<vmem_shared>>
        tpu.wait_indirect_dma semaphore(%run_scoped3A_171 : memref<!tpu.dma_semaphore, #tpu.memory_space<semaphore_mem>>) src(%arg22 : memref<80x128xf32, #tpu.memory_space<vmem>>) dst(%dma_wait3A_183 : memref<10240x128xf32, #tpu.memory_space<vmem_shared>>)
        tpu.yield
      }) : () -> ()
      %dma_wait3A_160 = arith.constant 0 : i32
      %dma_wait3A_161 = tpu.memref_slice %arg20[%dma_wait3A_160] : memref<10000xi32, #tpu.memory_space<vmem>> -> memref<80xi32, #tpu.memory_space<vmem>>
      %dma_wait3A_162 = arith.constant 0 : i32
      %dma_wait3A_163 = arith.constant 0 : i32
      %dma_wait3A_164 = tpu.memref_slice %arg4[%dma_wait3A_162, %dma_wait3A_163] : memref<10000x128xf32, #tpu.memory_space<hbm>> -> memref<10000x128xf32, #tpu.memory_space<hbm>>
      tpu.wait_indirect_dma semaphore(%arg25 : memref<!tpu.dma_semaphore, #tpu.memory_space<semaphore_mem>>) src(%dma_wait3A_164 : memref<10000x128xf32, #tpu.memory_space<hbm>>) dst(%arg23 : memref<80x128xf32, #tpu.memory_space<vmem>>)
      %mul3A_165 = arith.constant 80 : i32
      %mul3A_166 = arith.muli %add3A_146, %mul3A_165 : i32
      %dma_start3A_167 = tpu.memref_slice %arg20[%mul3A_166] : memref<10000xi32, #tpu.memory_space<vmem>> -> memref<80xi32, #tpu.memory_space<vmem>>
      %dma_start3A_168 = arith.constant 0 : i32
      %dma_start3A_169 = arith.constant 0 : i32
      %dma_start3A_170 = tpu.memref_slice %arg4[%dma_start3A_168, %dma_start3A_169] : memref<10000x128xf32, #tpu.memory_space<hbm>> -> memref<10000x128xf32, #tpu.memory_space<hbm>>
      tpu.enqueue_indirect_dma source(%dma_start3A_170 : memref<10000x128xf32, #tpu.memory_space<hbm>>) target(%arg22 : memref<80x128xf32, #tpu.memory_space<vmem>>) offsets(%dma_start3A_167 : memref<80xi32, #tpu.memory_space<vmem>>) semaphore(%arg24 : memref<!tpu.dma_semaphore, #tpu.memory_space<semaphore_mem>>)
      "tpu.region"() ({
        %run_scoped3A_171 = tpu.sem_alloc : memref<!tpu.dma_semaphore, #tpu.memory_space<semaphore_mem>>
        %dma_start3A_172 = arith.constant 0 : i32
        %dma_start3A_173 = tpu.memref_slice %arg21[%add3A_142, %dma_start3A_172] : memref<125x80xi32, #tpu.memory_space<vmem>> -> memref<1x80xi32, #tpu.memory_space<vmem>>
        %dma_start3A_174 = tpu.memref_squeeze %dma_start3A_173 : memref<1x80xi32, #tpu.memory_space<vmem>> -> memref<80xi32, #tpu.memory_space<vmem>>
        %dma_start3A_175 = arith.constant 0 : i32
        %dma_start3A_176 = arith.constant 0 : i32
        %dma_start3A_177 = tpu.memref_slice %arg19[%dma_start3A_175, %dma_start3A_176] : memref<10240x128xf32, #tpu.memory_space<vmem_shared>> -> memref<10240x128xf32, #tpu.memory_space<vmem_shared>>
        tpu.enqueue_indirect_dma source(%arg23 : memref<80x128xf32, #tpu.memory_space<vmem>>) target(%dma_start3A_177 : memref<10240x128xf32, #tpu.memory_space<vmem_shared>>) offsets(%dma_start3A_174 : memref<80xi32, #tpu.memory_space<vmem>>) semaphore(%run_scoped3A_171 : memref<!tpu.dma_semaphore, #tpu.memory_space<semaphore_mem>>) {add = true}
        %dma_wait3A_178 = arith.constant 0 : i32
        %dma_wait3A_179 = tpu.memref_slice %arg21[%add3A_142, %dma_wait3A_178] : memref<125x80xi32, #tpu.memory_space<vmem>> -> memref<1x80xi32, #tpu.memory_space<vmem>>
        %dma_wait3A_180 = tpu.memref_squeeze %dma_wait3A_179 : memref<1x80xi32, #tpu.memory_space<vmem>> -> memref<80xi32, #tpu.memory_space<vmem>>
        %dma_wait3A_181 = arith.constant 0 : i32
        %dma_wait3A_182 = arith.constant 0 : i32
        %dma_wait3A_183 = tpu.memref_slice %arg19[%dma_wait3A_181, %dma_wait3A_182] : memref<10240x128xf32, #tpu.memory_space<vmem_shared>> -> memref<10240x128xf32, #tpu.memory_space<vmem_shared>>
        tpu.wait_indirect_dma semaphore(%run_scoped3A_171 : memref<!tpu.dma_semaphore, #tpu.memory_space<semaphore_mem>>) src(%arg23 : memref<80x128xf32, #tpu.memory_space<vmem>>) dst(%dma_wait3A_183 : memref<10240x128xf32, #tpu.memory_space<vmem_shared>>)
        tpu.yield
      }) : () -> ()
    }
    %scan3A_86 = arith.constant 62 : i32
    %dma_wait3A_87 = arith.constant 0 : i32
    %dma_wait3A_88 = tpu.memref_slice %arg20[%dma_wait3A_87] : memref<10000xi32, #tpu.memory_space<vmem>> -> memref<80xi32, #tpu.memory_space<vmem>>
    %dma_wait3A_89 = arith.constant 0 : i32
    %dma_wait3A_90 = arith.constant 0 : i32
    %dma_wait3A_91 = tpu.memref_slice %arg4[%dma_wait3A_89, %dma_wait3A_90] : memref<10000x128xf32, #tpu.memory_space<hbm>> -> memref<10000x128xf32, #tpu.memory_space<hbm>>
    tpu.wait_indirect_dma semaphore(%arg24 : memref<!tpu.dma_semaphore, #tpu.memory_space<semaphore_mem>>) src(%dma_wait3A_91 : memref<10000x128xf32, #tpu.memory_space<hbm>>) dst(%arg22 : memref<80x128xf32, #tpu.memory_space<vmem>>)
    %run_scoped3A_92 = arith.constant 124 : i32
    "tpu.region"() ({
      %run_scoped3A_138 = tpu.sem_alloc : memref<!tpu.dma_semaphore, #tpu.memory_space<semaphore_mem>>
      %dma_start3A_139 = arith.constant 0 : i32
      %dma_start3A_140 = tpu.memref_slice %arg21[%run_scoped3A_92, %dma_start3A_139] : memref<125x80xi32, #tpu.memory_space<vmem>> -> memref<1x80xi32, #tpu.memory_space<vmem>>
      %dma_start3A_141 = tpu.memref_squeeze %dma_start3A_140 : memref<1x80xi32, #tpu.memory_space<vmem>> -> memref<80xi32, #tpu.memory_space<vmem>>
      %dma_start3A_142 = arith.constant 0 : i32
      %dma_start3A_143 = arith.constant 0 : i32
      %dma_start3A_144 = tpu.memref_slice %arg19[%dma_start3A_142, %dma_start3A_143] : memref<10240x128xf32, #tpu.memory_space<vmem_shared>> -> memref<10240x128xf32, #tpu.memory_space<vmem_shared>>
      tpu.enqueue_indirect_dma source(%arg22 : memref<80x128xf32, #tpu.memory_space<vmem>>) target(%dma_start3A_144 : memref<10240x128xf32, #tpu.memory_space<vmem_shared>>) offsets(%dma_start3A_141 : memref<80xi32, #tpu.memory_space<vmem>>) semaphore(%run_scoped3A_138 : memref<!tpu.dma_semaphore, #tpu.memory_space<semaphore_mem>>) {add = true}
      %dma_wait3A_145 = arith.constant 0 : i32
      %dma_wait3A_146 = tpu.memref_slice %arg21[%run_scoped3A_92, %dma_wait3A_145] : memref<125x80xi32, #tpu.memory_space<vmem>> -> memref<1x80xi32, #tpu.memory_space<vmem>>
      %dma_wait3A_147 = tpu.memref_squeeze %dma_wait3A_146 : memref<1x80xi32, #tpu.memory_space<vmem>> -> memref<80xi32, #tpu.memory_space<vmem>>
      %dma_wait3A_148 = arith.constant 0 : i32
      %dma_wait3A_149 = arith.constant 0 : i32
      %dma_wait3A_150 = tpu.memref_slice %arg19[%dma_wait3A_148, %dma_wait3A_149] : memref<10240x128xf32, #tpu.memory_space<vmem_shared>> -> memref<10240x128xf32, #tpu.memory_space<vmem_shared>>
      tpu.wait_indirect_dma semaphore(%run_scoped3A_138 : memref<!tpu.dma_semaphore, #tpu.memory_space<semaphore_mem>>) src(%arg22 : memref<80x128xf32, #tpu.memory_space<vmem>>) dst(%dma_wait3A_150 : memref<10240x128xf32, #tpu.memory_space<vmem_shared>>)
      tpu.yield
    }) : () -> ()
    %barrier3A_93 = arith.constant 0 : index
    tpu.barrier barrier_id(%barrier3A_93)
    %add3A_94 = arith.constant 0 : i32
    %add3A_95 = arith.addi %mul3A_2, %add3A_94 : i32
    "tpu.region"() ({
      %run_scoped3A_138 = tpu.sem_alloc : memref<!tpu.dma_semaphore, #tpu.memory_space<semaphore_mem>>
      %dma_start3A_139 = arith.constant 0 : i32
      %dma_start3A_140 = tpu.memref_slice %arg17[%arg0, %add3A_95, %dma_start3A_139] : memref<2x10240x128xf32, #tpu.memory_space<hbm>> -> memref<1x160x128xf32, #tpu.memory_space<hbm>>
      %dma_start3A_141 = tpu.memref_squeeze %dma_start3A_140 : memref<1x160x128xf32, #tpu.memory_space<hbm>> -> memref<160x128xf32, #tpu.memory_space<hbm>>
      %dma_start3A_142 = arith.constant 0 : i32
      %dma_start3A_143 = tpu.memref_slice %arg19[%add3A_95, %dma_start3A_142] : memref<10240x128xf32, #tpu.memory_space<vmem_shared>> -> memref<160x128xf32, #tpu.memory_space<vmem_shared>>
      tpu.enqueue_dma source(%dma_start3A_143 : memref<160x128xf32, #tpu.memory_space<vmem_shared>>) target(%dma_start3A_141 : memref<160x128xf32, #tpu.memory_space<hbm>>) target_semaphore(%run_scoped3A_138 : memref<!tpu.dma_semaphore, #tpu.memory_space<semaphore_mem>>)
      %dma_wait3A_144 = arith.constant 0 : i32
      %dma_wait3A_145 = tpu.memref_slice %arg17[%arg0, %add3A_95, %dma_wait3A_144] : memref<2x10240x128xf32, #tpu.memory_space<hbm>> -> memref<1x160x128xf32, #tpu.memory_space<hbm>>
      %dma_wait3A_146 = tpu.memref_squeeze %dma_wait3A_145 : memref<1x160x128xf32, #tpu.memory_space<hbm>> -> memref<160x128xf32, #tpu.memory_space<hbm>>
      %dma_wait3A_147 = arith.constant 0 : i32
      %dma_wait3A_148 = tpu.memref_slice %arg19[%add3A_95, %dma_wait3A_147] : memref<10240x128xf32, #tpu.memory_space<vmem_shared>> -> memref<160x128xf32, #tpu.memory_space<vmem_shared>>
      tpu.wait_dma2 semaphore(%run_scoped3A_138 : memref<!tpu.dma_semaphore, #tpu.memory_space<semaphore_mem>>) src(%dma_wait3A_148 : memref<160x128xf32, #tpu.memory_space<vmem_shared>>) dst(%dma_wait3A_146 : memref<160x128xf32, #tpu.memory_space<hbm>>)
      tpu.yield
    }) : () -> ()
    %add3A_96 = arith.constant 160 : i32
    %add3A_97 = arith.addi %mul3A_2, %add3A_96 : i32
    "tpu.region"() ({
      %run_scoped3A_138 = tpu.sem_alloc : memref<!tpu.dma_semaphore, #tpu.memory_space<semaphore_mem>>
      %dma_start3A_139 = arith.constant 0 : i32
      %dma_start3A_140 = tpu.memref_slice %arg17[%arg0, %add3A_97, %dma_start3A_139] : memref<2x10240x128xf32, #tpu.memory_space<hbm>> -> memref<1x160x128xf32, #tpu.memory_space<hbm>>
      %dma_start3A_141 = tpu.memref_squeeze %dma_start3A_140 : memref<1x160x128xf32, #tpu.memory_space<hbm>> -> memref<160x128xf32, #tpu.memory_space<hbm>>
      %dma_start3A_142 = arith.constant 0 : i32
      %dma_start3A_143 = tpu.memref_slice %arg19[%add3A_97, %dma_start3A_142] : memref<10240x128xf32, #tpu.memory_space<vmem_shared>> -> memref<160x128xf32, #tpu.memory_space<vmem_shared>>
      tpu.enqueue_dma source(%dma_start3A_143 : memref<160x128xf32, #tpu.memory_space<vmem_shared>>) target(%dma_start3A_141 : memref<160x128xf32, #tpu.memory_space<hbm>>) target_semaphore(%run_scoped3A_138 : memref<!tpu.dma_semaphore, #tpu.memory_space<semaphore_mem>>)
      %dma_wait3A_144 = arith.constant 0 : i32
      %dma_wait3A_145 = tpu.memref_slice %arg17[%arg0, %add3A_97, %dma_wait3A_144] : memref<2x10240x128xf32, #tpu.memory_space<hbm>> -> memref<1x160x128xf32, #tpu.memory_space<hbm>>
      %dma_wait3A_146 = tpu.memref_squeeze %dma_wait3A_145 : memref<1x160x128xf32, #tpu.memory_space<hbm>> -> memref<160x128xf32, #tpu.memory_space<hbm>>
      %dma_wait3A_147 = arith.constant 0 : i32
      %dma_wait3A_148 = tpu.memref_slice %arg19[%add3A_97, %dma_wait3A_147] : memref<10240x128xf32, #tpu.memory_space<vmem_shared>> -> memref<160x128xf32, #tpu.memory_space<vmem_shared>>
      tpu.wait_dma2 semaphore(%run_scoped3A_138 : memref<!tpu.dma_semaphore, #tpu.memory_space<semaphore_mem>>) src(%dma_wait3A_148 : memref<160x128xf32, #tpu.memory_space<vmem_shared>>) dst(%dma_wait3A_146 : memref<160x128xf32, #tpu.memory_space<hbm>>)
      tpu.yield
    }) : () -> ()
    %add3A_98 = arith.constant 320 : i32
    %add3A_99 = arith.addi %mul3A_2, %add3A_98 : i32
    "tpu.region"() ({
      %run_scoped3A_138 = tpu.sem_alloc : memref<!tpu.dma_semaphore, #tpu.memory_space<semaphore_mem>>
      %dma_start3A_139 = arith.constant 0 : i32
      %dma_start3A_140 = tpu.memref_slice %arg17[%arg0, %add3A_99, %dma_start3A_139] : memref<2x10240x128xf32, #tpu.memory_space<hbm>> -> memref<1x160x128xf32, #tpu.memory_space<hbm>>
      %dma_start3A_141 = tpu.memref_squeeze %dma_start3A_140 : memref<1x160x128xf32, #tpu.memory_space<hbm>> -> memref<160x128xf32, #tpu.memory_space<hbm>>
      %dma_start3A_142 = arith.constant 0 : i32
      %dma_start3A_143 = tpu.memref_slice %arg19[%add3A_99, %dma_start3A_142] : memref<10240x128xf32, #tpu.memory_space<vmem_shared>> -> memref<160x128xf32, #tpu.memory_space<vmem_shared>>
      tpu.enqueue_dma source(%dma_start3A_143 : memref<160x128xf32, #tpu.memory_space<vmem_shared>>) target(%dma_start3A_141 : memref<160x128xf32, #tpu.memory_space<hbm>>) target_semaphore(%run_scoped3A_138 : memref<!tpu.dma_semaphore, #tpu.memory_space<semaphore_mem>>)
      %dma_wait3A_144 = arith.constant 0 : i32
      %dma_wait3A_145 = tpu.memref_slice %arg17[%arg0, %add3A_99, %dma_wait3A_144] : memref<2x10240x128xf32, #tpu.memory_space<hbm>> -> memref<1x160x128xf32, #tpu.memory_space<hbm>>
      %dma_wait3A_146 = tpu.memref_squeeze %dma_wait3A_145 : memref<1x160x128xf32, #tpu.memory_space<hbm>> -> memref<160x128xf32, #tpu.memory_space<hbm>>
      %dma_wait3A_147 = arith.constant 0 : i32
      %dma_wait3A_148 = tpu.memref_slice %arg19[%add3A_99, %dma_wait3A_147] : memref<10240x128xf32, #tpu.memory_space<vmem_shared>> -> memref<160x128xf32, #tpu.memory_space<vmem_shared>>
      tpu.wait_dma2 semaphore(%run_scoped3A_138 : memref<!tpu.dma_semaphore, #tpu.memory_space<semaphore_mem>>) src(%dma_wait3A_148 : memref<160x128xf32, #tpu.memory_space<vmem_shared>>) dst(%dma_wait3A_146 : memref<160x128xf32, #tpu.memory_space<hbm>>)
      tpu.yield
    }) : () -> ()
    %add3A_100 = arith.constant 480 : i32
    %add3A_101 = arith.addi %mul3A_2, %add3A_100 : i32
    "tpu.region"() ({
      %run_scoped3A_138 = tpu.sem_alloc : memref<!tpu.dma_semaphore, #tpu.memory_space<semaphore_mem>>
      %dma_start3A_139 = arith.constant 0 : i32
      %dma_start3A_140 = tpu.memref_slice %arg17[%arg0, %add3A_101, %dma_start3A_139] : memref<2x10240x128xf32, #tpu.memory_space<hbm>> -> memref<1x160x128xf32, #tpu.memory_space<hbm>>
      %dma_start3A_141 = tpu.memref_squeeze %dma_start3A_140 : memref<1x160x128xf32, #tpu.memory_space<hbm>> -> memref<160x128xf32, #tpu.memory_space<hbm>>
      %dma_start3A_142 = arith.constant 0 : i32
      %dma_start3A_143 = tpu.memref_slice %arg19[%add3A_101, %dma_start3A_142] : memref<10240x128xf32, #tpu.memory_space<vmem_shared>> -> memref<160x128xf32, #tpu.memory_space<vmem_shared>>
      tpu.enqueue_dma source(%dma_start3A_143 : memref<160x128xf32, #tpu.memory_space<vmem_shared>>) target(%dma_start3A_141 : memref<160x128xf32, #tpu.memory_space<hbm>>) target_semaphore(%run_scoped3A_138 : memref<!tpu.dma_semaphore, #tpu.memory_space<semaphore_mem>>)
      %dma_wait3A_144 = arith.constant 0 : i32
      %dma_wait3A_145 = tpu.memref_slice %arg17[%arg0, %add3A_101, %dma_wait3A_144] : memref<2x10240x128xf32, #tpu.memory_space<hbm>> -> memref<1x160x128xf32, #tpu.memory_space<hbm>>
      %dma_wait3A_146 = tpu.memref_squeeze %dma_wait3A_145 : memref<1x160x128xf32, #tpu.memory_space<hbm>> -> memref<160x128xf32, #tpu.memory_space<hbm>>
      %dma_wait3A_147 = arith.constant 0 : i32
      %dma_wait3A_148 = tpu.memref_slice %arg19[%add3A_101, %dma_wait3A_147] : memref<10240x128xf32, #tpu.memory_space<vmem_shared>> -> memref<160x128xf32, #tpu.memory_space<vmem_shared>>
      tpu.wait_dma2 semaphore(%run_scoped3A_138 : memref<!tpu.dma_semaphore, #tpu.memory_space<semaphore_mem>>) src(%dma_wait3A_148 : memref<160x128xf32, #tpu.memory_space<vmem_shared>>) dst(%dma_wait3A_146 : memref<160x128xf32, #tpu.memory_space<hbm>>)
      tpu.yield
    }) : () -> ()
    %barrier3A_102 = arith.constant 0 : index
    tpu.barrier barrier_id(%barrier3A_102)
    %add3A_103 = arith.constant 0 : i32
    %add3A_104 = arith.addi %mul3A_2, %add3A_103 : i32
    "tpu.region"() ({
      %run_scoped3A_138 = tpu.sem_alloc : memref<!tpu.dma_semaphore, #tpu.memory_space<semaphore_mem>>
      %dma_start3A_139 = arith.constant 0 : i32
      %dma_start3A_140 = tpu.memref_slice %arg19[%add3A_104, %dma_start3A_139] : memref<10240x128xf32, #tpu.memory_space<vmem_shared>> -> memref<160x128xf32, #tpu.memory_space<vmem_shared>>
      %dma_start3A_141 = arith.constant 0 : i32
      %dma_start3A_142 = tpu.memref_slice %arg14[%add3A_104, %dma_start3A_141] : memref<10240x128xf32, #tpu.memory_space<hbm>> -> memref<160x128xf32, #tpu.memory_space<hbm>>
      tpu.enqueue_dma source(%dma_start3A_142 : memref<160x128xf32, #tpu.memory_space<hbm>>) target(%dma_start3A_140 : memref<160x128xf32, #tpu.memory_space<vmem_shared>>) target_semaphore(%run_scoped3A_138 : memref<!tpu.dma_semaphore, #tpu.memory_space<semaphore_mem>>)
      %dma_wait3A_143 = arith.constant 0 : i32
      %dma_wait3A_144 = tpu.memref_slice %arg19[%add3A_104, %dma_wait3A_143] : memref<10240x128xf32, #tpu.memory_space<vmem_shared>> -> memref<160x128xf32, #tpu.memory_space<vmem_shared>>
      %dma_wait3A_145 = arith.constant 0 : i32
      %dma_wait3A_146 = tpu.memref_slice %arg14[%add3A_104, %dma_wait3A_145] : memref<10240x128xf32, #tpu.memory_space<hbm>> -> memref<160x128xf32, #tpu.memory_space<hbm>>
      tpu.wait_dma2 semaphore(%run_scoped3A_138 : memref<!tpu.dma_semaphore, #tpu.memory_space<semaphore_mem>>) src(%dma_wait3A_146 : memref<160x128xf32, #tpu.memory_space<hbm>>) dst(%dma_wait3A_144 : memref<160x128xf32, #tpu.memory_space<vmem_shared>>)
      tpu.yield
    }) : () -> ()
    %add3A_105 = arith.constant 160 : i32
    %add3A_106 = arith.addi %mul3A_2, %add3A_105 : i32
    "tpu.region"() ({
      %run_scoped3A_138 = tpu.sem_alloc : memref<!tpu.dma_semaphore, #tpu.memory_space<semaphore_mem>>
      %dma_start3A_139 = arith.constant 0 : i32
      %dma_start3A_140 = tpu.memref_slice %arg19[%add3A_106, %dma_start3A_139] : memref<10240x128xf32, #tpu.memory_space<vmem_shared>> -> memref<160x128xf32, #tpu.memory_space<vmem_shared>>
      %dma_start3A_141 = arith.constant 0 : i32
      %dma_start3A_142 = tpu.memref_slice %arg14[%add3A_106, %dma_start3A_141] : memref<10240x128xf32, #tpu.memory_space<hbm>> -> memref<160x128xf32, #tpu.memory_space<hbm>>
      tpu.enqueue_dma source(%dma_start3A_142 : memref<160x128xf32, #tpu.memory_space<hbm>>) target(%dma_start3A_140 : memref<160x128xf32, #tpu.memory_space<vmem_shared>>) target_semaphore(%run_scoped3A_138 : memref<!tpu.dma_semaphore, #tpu.memory_space<semaphore_mem>>)
      %dma_wait3A_143 = arith.constant 0 : i32
      %dma_wait3A_144 = tpu.memref_slice %arg19[%add3A_106, %dma_wait3A_143] : memref<10240x128xf32, #tpu.memory_space<vmem_shared>> -> memref<160x128xf32, #tpu.memory_space<vmem_shared>>
      %dma_wait3A_145 = arith.constant 0 : i32
      %dma_wait3A_146 = tpu.memref_slice %arg14[%add3A_106, %dma_wait3A_145] : memref<10240x128xf32, #tpu.memory_space<hbm>> -> memref<160x128xf32, #tpu.memory_space<hbm>>
      tpu.wait_dma2 semaphore(%run_scoped3A_138 : memref<!tpu.dma_semaphore, #tpu.memory_space<semaphore_mem>>) src(%dma_wait3A_146 : memref<160x128xf32, #tpu.memory_space<hbm>>) dst(%dma_wait3A_144 : memref<160x128xf32, #tpu.memory_space<vmem_shared>>)
      tpu.yield
    }) : () -> ()
    %add3A_107 = arith.constant 320 : i32
    %add3A_108 = arith.addi %mul3A_2, %add3A_107 : i32
    "tpu.region"() ({
      %run_scoped3A_138 = tpu.sem_alloc : memref<!tpu.dma_semaphore, #tpu.memory_space<semaphore_mem>>
      %dma_start3A_139 = arith.constant 0 : i32
      %dma_start3A_140 = tpu.memref_slice %arg19[%add3A_108, %dma_start3A_139] : memref<10240x128xf32, #tpu.memory_space<vmem_shared>> -> memref<160x128xf32, #tpu.memory_space<vmem_shared>>
      %dma_start3A_141 = arith.constant 0 : i32
      %dma_start3A_142 = tpu.memref_slice %arg14[%add3A_108, %dma_start3A_141] : memref<10240x128xf32, #tpu.memory_space<hbm>> -> memref<160x128xf32, #tpu.memory_space<hbm>>
      tpu.enqueue_dma source(%dma_start3A_142 : memref<160x128xf32, #tpu.memory_space<hbm>>) target(%dma_start3A_140 : memref<160x128xf32, #tpu.memory_space<vmem_shared>>) target_semaphore(%run_scoped3A_138 : memref<!tpu.dma_semaphore, #tpu.memory_space<semaphore_mem>>)
      %dma_wait3A_143 = arith.constant 0 : i32
      %dma_wait3A_144 = tpu.memref_slice %arg19[%add3A_108, %dma_wait3A_143] : memref<10240x128xf32, #tpu.memory_space<vmem_shared>> -> memref<160x128xf32, #tpu.memory_space<vmem_shared>>
      %dma_wait3A_145 = arith.constant 0 : i32
      %dma_wait3A_146 = tpu.memref_slice %arg14[%add3A_108, %dma_wait3A_145] : memref<10240x128xf32, #tpu.memory_space<hbm>> -> memref<160x128xf32, #tpu.memory_space<hbm>>
      tpu.wait_dma2 semaphore(%run_scoped3A_138 : memref<!tpu.dma_semaphore, #tpu.memory_space<semaphore_mem>>) src(%dma_wait3A_146 : memref<160x128xf32, #tpu.memory_space<hbm>>) dst(%dma_wait3A_144 : memref<160x128xf32, #tpu.memory_space<vmem_shared>>)
      tpu.yield
    }) : () -> ()
    %add3A_109 = arith.constant 480 : i32
    %add3A_110 = arith.addi %mul3A_2, %add3A_109 : i32
    "tpu.region"() ({
      %run_scoped3A_138 = tpu.sem_alloc : memref<!tpu.dma_semaphore, #tpu.memory_space<semaphore_mem>>
      %dma_start3A_139 = arith.constant 0 : i32
      %dma_start3A_140 = tpu.memref_slice %arg19[%add3A_110, %dma_start3A_139] : memref<10240x128xf32, #tpu.memory_space<vmem_shared>> -> memref<160x128xf32, #tpu.memory_space<vmem_shared>>
      %dma_start3A_141 = arith.constant 0 : i32
      %dma_start3A_142 = tpu.memref_slice %arg14[%add3A_110, %dma_start3A_141] : memref<10240x128xf32, #tpu.memory_space<hbm>> -> memref<160x128xf32, #tpu.memory_space<hbm>>
      tpu.enqueue_dma source(%dma_start3A_142 : memref<160x128xf32, #tpu.memory_space<hbm>>) target(%dma_start3A_140 : memref<160x128xf32, #tpu.memory_space<vmem_shared>>) target_semaphore(%run_scoped3A_138 : memref<!tpu.dma_semaphore, #tpu.memory_space<semaphore_mem>>)
      %dma_wait3A_143 = arith.constant 0 : i32
      %dma_wait3A_144 = tpu.memref_slice %arg19[%add3A_110, %dma_wait3A_143] : memref<10240x128xf32, #tpu.memory_space<vmem_shared>> -> memref<160x128xf32, #tpu.memory_space<vmem_shared>>
      %dma_wait3A_145 = arith.constant 0 : i32
      %dma_wait3A_146 = tpu.memref_slice %arg14[%add3A_110, %dma_wait3A_145] : memref<10240x128xf32, #tpu.memory_space<hbm>> -> memref<160x128xf32, #tpu.memory_space<hbm>>
      tpu.wait_dma2 semaphore(%run_scoped3A_138 : memref<!tpu.dma_semaphore, #tpu.memory_space<semaphore_mem>>) src(%dma_wait3A_146 : memref<160x128xf32, #tpu.memory_space<hbm>>) dst(%dma_wait3A_144 : memref<160x128xf32, #tpu.memory_space<vmem_shared>>)
      tpu.yield
    }) : () -> ()
    "tpu.region"() ({
      %run_scoped3A_138 = tpu.sem_alloc : memref<!tpu.dma_semaphore, #tpu.memory_space<semaphore_mem>>
      %dma_start3A_139 = arith.constant 0 : i32
      %dma_start3A_140 = tpu.memref_slice %arg8[%add3A, %dma_start3A_139] : memref<32x10000xi32, #tpu.memory_space<hbm>> -> memref<1x10000xi32, #tpu.memory_space<hbm>>
      %dma_start3A_141 = tpu.memref_squeeze %dma_start3A_140 : memref<1x10000xi32, #tpu.memory_space<hbm>> -> memref<10000xi32, #tpu.memory_space<hbm>>
      %dma_start3A_142 = arith.constant 0 : i32
      %dma_start3A_143 = tpu.memref_slice %arg8[%add3A, %dma_start3A_142] : memref<32x10000xi32, #tpu.memory_space<hbm>> -> memref<1x10000xi32, #tpu.memory_space<hbm>>
      %dma_start3A_144 = tpu.memref_squeeze %dma_start3A_143 : memref<1x10000xi32, #tpu.memory_space<hbm>> -> memref<10000xi32, #tpu.memory_space<hbm>>
      tpu.enqueue_dma source(%dma_start3A_144 : memref<10000xi32, #tpu.memory_space<hbm>>) target(%arg20 : memref<10000xi32, #tpu.memory_space<vmem>>) target_semaphore(%run_scoped3A_138 : memref<!tpu.dma_semaphore, #tpu.memory_space<semaphore_mem>>)
      %dma_wait3A_145 = arith.constant 0 : i32
      %dma_wait3A_146 = tpu.memref_slice %arg8[%add3A, %dma_wait3A_145] : memref<32x10000xi32, #tpu.memory_space<hbm>> -> memref<1x10000xi32, #tpu.memory_space<hbm>>
      %dma_wait3A_147 = tpu.memref_squeeze %dma_wait3A_146 : memref<1x10000xi32, #tpu.memory_space<hbm>> -> memref<10000xi32, #tpu.memory_space<hbm>>
      %dma_wait3A_148 = arith.constant 0 : i32
      %dma_wait3A_149 = tpu.memref_slice %arg8[%add3A, %dma_wait3A_148] : memref<32x10000xi32, #tpu.memory_space<hbm>> -> memref<1x10000xi32, #tpu.memory_space<hbm>>
      %dma_wait3A_150 = tpu.memref_squeeze %dma_wait3A_149 : memref<1x10000xi32, #tpu.memory_space<hbm>> -> memref<10000xi32, #tpu.memory_space<hbm>>
      tpu.wait_dma2 semaphore(%run_scoped3A_138 : memref<!tpu.dma_semaphore, #tpu.memory_space<semaphore_mem>>) src(%dma_wait3A_150 : memref<10000xi32, #tpu.memory_space<hbm>>) dst(%arg20 : memref<10000xi32, #tpu.memory_space<vmem>>)
      tpu.yield
    }) : () -> ()
    "tpu.region"() ({
      %run_scoped3A_138 = tpu.sem_alloc : memref<!tpu.dma_semaphore, #tpu.memory_space<semaphore_mem>>
      %dma_start3A_139 = arith.constant 0 : i32
      %dma_start3A_140 = arith.constant 0 : i32
      %dma_start3A_141 = tpu.memref_slice %arg13[%add3A, %dma_start3A_139, %dma_start3A_140] : memref<32x125x80xi32, #tpu.memory_space<hbm>> -> memref<1x125x80xi32, #tpu.memory_space<hbm>>
      %dma_start3A_142 = tpu.memref_squeeze %dma_start3A_141 : memref<1x125x80xi32, #tpu.memory_space<hbm>> -> memref<125x80xi32, #tpu.memory_space<hbm>>
      %dma_start3A_143 = arith.constant 0 : i32
      %dma_start3A_144 = arith.constant 0 : i32
      %dma_start3A_145 = tpu.memref_slice %arg13[%add3A, %dma_start3A_143, %dma_start3A_144] : memref<32x125x80xi32, #tpu.memory_space<hbm>> -> memref<1x125x80xi32, #tpu.memory_space<hbm>>
      %dma_start3A_146 = tpu.memref_squeeze %dma_start3A_145 : memref<1x125x80xi32, #tpu.memory_space<hbm>> -> memref<125x80xi32, #tpu.memory_space<hbm>>
      tpu.enqueue_dma source(%dma_start3A_146 : memref<125x80xi32, #tpu.memory_space<hbm>>) target(%arg21 : memref<125x80xi32, #tpu.memory_space<vmem>>) target_semaphore(%run_scoped3A_138 : memref<!tpu.dma_semaphore, #tpu.memory_space<semaphore_mem>>)
      %dma_wait3A_147 = arith.constant 0 : i32
      %dma_wait3A_148 = arith.constant 0 : i32
      %dma_wait3A_149 = tpu.memref_slice %arg13[%add3A, %dma_wait3A_147, %dma_wait3A_148] : memref<32x125x80xi32, #tpu.memory_space<hbm>> -> memref<1x125x80xi32, #tpu.memory_space<hbm>>
      %dma_wait3A_150 = tpu.memref_squeeze %dma_wait3A_149 : memref<1x125x80xi32, #tpu.memory_space<hbm>> -> memref<125x80xi32, #tpu.memory_space<hbm>>
      %dma_wait3A_151 = arith.constant 0 : i32
      %dma_wait3A_152 = arith.constant 0 : i32
      %dma_wait3A_153 = tpu.memref_slice %arg13[%add3A, %dma_wait3A_151, %dma_wait3A_152] : memref<32x125x80xi32, #tpu.memory_space<hbm>> -> memref<1x125x80xi32, #tpu.memory_space<hbm>>
      %dma_wait3A_154 = tpu.memref_squeeze %dma_wait3A_153 : memref<1x125x80xi32, #tpu.memory_space<hbm>> -> memref<125x80xi32, #tpu.memory_space<hbm>>
      tpu.wait_dma2 semaphore(%run_scoped3A_138 : memref<!tpu.dma_semaphore, #tpu.memory_space<semaphore_mem>>) src(%dma_wait3A_154 : memref<125x80xi32, #tpu.memory_space<hbm>>) dst(%arg21 : memref<125x80xi32, #tpu.memory_space<vmem>>)
      tpu.yield
    }) : () -> ()
    %barrier3A_111 = arith.constant 0 : index
    tpu.barrier barrier_id(%barrier3A_111)
    %dma_start3A_112 = arith.constant 0 : i32
    %dma_start3A_113 = tpu.memref_slice %arg20[%dma_start3A_112] : memref<10000xi32, #tpu.memory_space<vmem>> -> memref<80xi32, #tpu.memory_space<vmem>>
    %dma_start3A_114 = arith.constant 0 : i32
    %dma_start3A_115 = arith.constant 0 : i32
    %dma_start3A_116 = tpu.memref_slice %arg5[%dma_start3A_114, %dma_start3A_115] : memref<10000x128xf32, #tpu.memory_space<hbm>> -> memref<10000x128xf32, #tpu.memory_space<hbm>>
    tpu.enqueue_indirect_dma source(%dma_start3A_116 : memref<10000x128xf32, #tpu.memory_space<hbm>>) target(%arg22 : memref<80x128xf32, #tpu.memory_space<vmem>>) offsets(%dma_start3A_113 : memref<80xi32, #tpu.memory_space<vmem>>) semaphore(%arg24 : memref<!tpu.dma_semaphore, #tpu.memory_space<semaphore_mem>>)
    %scan3A_117 = arith.constant 0 : i32
    %scan3A_118 = arith.constant 62 : i32
    %scan3A_119 = arith.addi %scan3A_117, %scan3A_118 : i32
    %scan3A_120 = arith.constant 1 : i32
    scf.for %scan3A_138 = %scan3A_117 to %scan3A_119 step %scan3A_120  : i32 {
      %mul3A_139 = arith.constant 2 : i32
      %mul3A_140 = arith.muli %mul3A_139, %scan3A_138 : i32
      %add3A_141 = arith.constant 1 : i32
      %add3A_142 = arith.addi %mul3A_140, %add3A_141 : i32
      %mul3A_143 = arith.constant 2 : i32
      %mul3A_144 = arith.muli %mul3A_143, %scan3A_138 : i32
      %add3A_145 = arith.constant 2 : i32
      %add3A_146 = arith.addi %mul3A_144, %add3A_145 : i32
      %dma_wait3A_147 = arith.constant 0 : i32
      %dma_wait3A_148 = tpu.memref_slice %arg20[%dma_wait3A_147] : memref<10000xi32, #tpu.memory_space<vmem>> -> memref<80xi32, #tpu.memory_space<vmem>>
      %dma_wait3A_149 = arith.constant 0 : i32
      %dma_wait3A_150 = arith.constant 0 : i32
      %dma_wait3A_151 = tpu.memref_slice %arg5[%dma_wait3A_149, %dma_wait3A_150] : memref<10000x128xf32, #tpu.memory_space<hbm>> -> memref<10000x128xf32, #tpu.memory_space<hbm>>
      tpu.wait_indirect_dma semaphore(%arg24 : memref<!tpu.dma_semaphore, #tpu.memory_space<semaphore_mem>>) src(%dma_wait3A_151 : memref<10000x128xf32, #tpu.memory_space<hbm>>) dst(%arg22 : memref<80x128xf32, #tpu.memory_space<vmem>>)
      %mul3A_152 = arith.constant 80 : i32
      %mul3A_153 = arith.muli %add3A_142, %mul3A_152 : i32
      %dma_start3A_154 = tpu.memref_slice %arg20[%mul3A_153] : memref<10000xi32, #tpu.memory_space<vmem>> -> memref<80xi32, #tpu.memory_space<vmem>>
      %dma_start3A_155 = arith.constant 0 : i32
      %dma_start3A_156 = arith.constant 0 : i32
      %dma_start3A_157 = tpu.memref_slice %arg5[%dma_start3A_155, %dma_start3A_156] : memref<10000x128xf32, #tpu.memory_space<hbm>> -> memref<10000x128xf32, #tpu.memory_space<hbm>>
      tpu.enqueue_indirect_dma source(%dma_start3A_157 : memref<10000x128xf32, #tpu.memory_space<hbm>>) target(%arg23 : memref<80x128xf32, #tpu.memory_space<vmem>>) offsets(%dma_start3A_154 : memref<80xi32, #tpu.memory_space<vmem>>) semaphore(%arg25 : memref<!tpu.dma_semaphore, #tpu.memory_space<semaphore_mem>>)
      %mul3A_158 = arith.constant 2 : i32
      %mul3A_159 = arith.muli %mul3A_158, %scan3A_138 : i32
      "tpu.region"() ({
        %run_scoped3A_171 = tpu.sem_alloc : memref<!tpu.dma_semaphore, #tpu.memory_space<semaphore_mem>>
        %dma_start3A_172 = arith.constant 0 : i32
        %dma_start3A_173 = tpu.memref_slice %arg21[%mul3A_159, %dma_start3A_172] : memref<125x80xi32, #tpu.memory_space<vmem>> -> memref<1x80xi32, #tpu.memory_space<vmem>>
        %dma_start3A_174 = tpu.memref_squeeze %dma_start3A_173 : memref<1x80xi32, #tpu.memory_space<vmem>> -> memref<80xi32, #tpu.memory_space<vmem>>
        %dma_start3A_175 = arith.constant 0 : i32
        %dma_start3A_176 = arith.constant 0 : i32
        %dma_start3A_177 = tpu.memref_slice %arg19[%dma_start3A_175, %dma_start3A_176] : memref<10240x128xf32, #tpu.memory_space<vmem_shared>> -> memref<10240x128xf32, #tpu.memory_space<vmem_shared>>
        tpu.enqueue_indirect_dma source(%arg22 : memref<80x128xf32, #tpu.memory_space<vmem>>) target(%dma_start3A_177 : memref<10240x128xf32, #tpu.memory_space<vmem_shared>>) offsets(%dma_start3A_174 : memref<80xi32, #tpu.memory_space<vmem>>) semaphore(%run_scoped3A_171 : memref<!tpu.dma_semaphore, #tpu.memory_space<semaphore_mem>>) {add = true}
        %dma_wait3A_178 = arith.constant 0 : i32
        %dma_wait3A_179 = tpu.memref_slice %arg21[%mul3A_159, %dma_wait3A_178] : memref<125x80xi32, #tpu.memory_space<vmem>> -> memref<1x80xi32, #tpu.memory_space<vmem>>
        %dma_wait3A_180 = tpu.memref_squeeze %dma_wait3A_179 : memref<1x80xi32, #tpu.memory_space<vmem>> -> memref<80xi32, #tpu.memory_space<vmem>>
        %dma_wait3A_181 = arith.constant 0 : i32
        %dma_wait3A_182 = arith.constant 0 : i32
        %dma_wait3A_183 = tpu.memref_slice %arg19[%dma_wait3A_181, %dma_wait3A_182] : memref<10240x128xf32, #tpu.memory_space<vmem_shared>> -> memref<10240x128xf32, #tpu.memory_space<vmem_shared>>
        tpu.wait_indirect_dma semaphore(%run_scoped3A_171 : memref<!tpu.dma_semaphore, #tpu.memory_space<semaphore_mem>>) src(%arg22 : memref<80x128xf32, #tpu.memory_space<vmem>>) dst(%dma_wait3A_183 : memref<10240x128xf32, #tpu.memory_space<vmem_shared>>)
        tpu.yield
      }) : () -> ()
      %dma_wait3A_160 = arith.constant 0 : i32
      %dma_wait3A_161 = tpu.memref_slice %arg20[%dma_wait3A_160] : memref<10000xi32, #tpu.memory_space<vmem>> -> memref<80xi32, #tpu.memory_space<vmem>>
      %dma_wait3A_162 = arith.constant 0 : i32
      %dma_wait3A_163 = arith.constant 0 : i32
      %dma_wait3A_164 = tpu.memref_slice %arg5[%dma_wait3A_162, %dma_wait3A_163] : memref<10000x128xf32, #tpu.memory_space<hbm>> -> memref<10000x128xf32, #tpu.memory_space<hbm>>
      tpu.wait_indirect_dma semaphore(%arg25 : memref<!tpu.dma_semaphore, #tpu.memory_space<semaphore_mem>>) src(%dma_wait3A_164 : memref<10000x128xf32, #tpu.memory_space<hbm>>) dst(%arg23 : memref<80x128xf32, #tpu.memory_space<vmem>>)
      %mul3A_165 = arith.constant 80 : i32
      %mul3A_166 = arith.muli %add3A_146, %mul3A_165 : i32
      %dma_start3A_167 = tpu.memref_slice %arg20[%mul3A_166] : memref<10000xi32, #tpu.memory_space<vmem>> -> memref<80xi32, #tpu.memory_space<vmem>>
      %dma_start3A_168 = arith.constant 0 : i32
      %dma_start3A_169 = arith.constant 0 : i32
      %dma_start3A_170 = tpu.memref_slice %arg5[%dma_start3A_168, %dma_start3A_169] : memref<10000x128xf32, #tpu.memory_space<hbm>> -> memref<10000x128xf32, #tpu.memory_space<hbm>>
      tpu.enqueue_indirect_dma source(%dma_start3A_170 : memref<10000x128xf32, #tpu.memory_space<hbm>>) target(%arg22 : memref<80x128xf32, #tpu.memory_space<vmem>>) offsets(%dma_start3A_167 : memref<80xi32, #tpu.memory_space<vmem>>) semaphore(%arg24 : memref<!tpu.dma_semaphore, #tpu.memory_space<semaphore_mem>>)
      "tpu.region"() ({
        %run_scoped3A_171 = tpu.sem_alloc : memref<!tpu.dma_semaphore, #tpu.memory_space<semaphore_mem>>
        %dma_start3A_172 = arith.constant 0 : i32
        %dma_start3A_173 = tpu.memref_slice %arg21[%add3A_142, %dma_start3A_172] : memref<125x80xi32, #tpu.memory_space<vmem>> -> memref<1x80xi32, #tpu.memory_space<vmem>>
        %dma_start3A_174 = tpu.memref_squeeze %dma_start3A_173 : memref<1x80xi32, #tpu.memory_space<vmem>> -> memref<80xi32, #tpu.memory_space<vmem>>
        %dma_start3A_175 = arith.constant 0 : i32
        %dma_start3A_176 = arith.constant 0 : i32
        %dma_start3A_177 = tpu.memref_slice %arg19[%dma_start3A_175, %dma_start3A_176] : memref<10240x128xf32, #tpu.memory_space<vmem_shared>> -> memref<10240x128xf32, #tpu.memory_space<vmem_shared>>
        tpu.enqueue_indirect_dma source(%arg23 : memref<80x128xf32, #tpu.memory_space<vmem>>) target(%dma_start3A_177 : memref<10240x128xf32, #tpu.memory_space<vmem_shared>>) offsets(%dma_start3A_174 : memref<80xi32, #tpu.memory_space<vmem>>) semaphore(%run_scoped3A_171 : memref<!tpu.dma_semaphore, #tpu.memory_space<semaphore_mem>>) {add = true}
        %dma_wait3A_178 = arith.constant 0 : i32
        %dma_wait3A_179 = tpu.memref_slice %arg21[%add3A_142, %dma_wait3A_178] : memref<125x80xi32, #tpu.memory_space<vmem>> -> memref<1x80xi32, #tpu.memory_space<vmem>>
        %dma_wait3A_180 = tpu.memref_squeeze %dma_wait3A_179 : memref<1x80xi32, #tpu.memory_space<vmem>> -> memref<80xi32, #tpu.memory_space<vmem>>
        %dma_wait3A_181 = arith.constant 0 : i32
        %dma_wait3A_182 = arith.constant 0 : i32
        %dma_wait3A_183 = tpu.memref_slice %arg19[%dma_wait3A_181, %dma_wait3A_182] : memref<10240x128xf32, #tpu.memory_space<vmem_shared>> -> memref<10240x128xf32, #tpu.memory_space<vmem_shared>>
        tpu.wait_indirect_dma semaphore(%run_scoped3A_171 : memref<!tpu.dma_semaphore, #tpu.memory_space<semaphore_mem>>) src(%arg23 : memref<80x128xf32, #tpu.memory_space<vmem>>) dst(%dma_wait3A_183 : memref<10240x128xf32, #tpu.memory_space<vmem_shared>>)
        tpu.yield
      }) : () -> ()
    }
    %scan3A_121 = arith.constant 62 : i32
    %dma_wait3A_122 = arith.constant 0 : i32
    %dma_wait3A_123 = tpu.memref_slice %arg20[%dma_wait3A_122] : memref<10000xi32, #tpu.memory_space<vmem>> -> memref<80xi32, #tpu.memory_space<vmem>>
    %dma_wait3A_124 = arith.constant 0 : i32
    %dma_wait3A_125 = arith.constant 0 : i32
    %dma_wait3A_126 = tpu.memref_slice %arg5[%dma_wait3A_124, %dma_wait3A_125] : memref<10000x128xf32, #tpu.memory_space<hbm>> -> memref<10000x128xf32, #tpu.memory_space<hbm>>
    tpu.wait_indirect_dma semaphore(%arg24 : memref<!tpu.dma_semaphore, #tpu.memory_space<semaphore_mem>>) src(%dma_wait3A_126 : memref<10000x128xf32, #tpu.memory_space<hbm>>) dst(%arg22 : memref<80x128xf32, #tpu.memory_space<vmem>>)
    %run_scoped3A_127 = arith.constant 124 : i32
    "tpu.region"() ({
      %run_scoped3A_138 = tpu.sem_alloc : memref<!tpu.dma_semaphore, #tpu.memory_space<semaphore_mem>>
      %dma_start3A_139 = arith.constant 0 : i32
      %dma_start3A_140 = tpu.memref_slice %arg21[%run_scoped3A_127, %dma_start3A_139] : memref<125x80xi32, #tpu.memory_space<vmem>> -> memref<1x80xi32, #tpu.memory_space<vmem>>
      %dma_start3A_141 = tpu.memref_squeeze %dma_start3A_140 : memref<1x80xi32, #tpu.memory_space<vmem>> -> memref<80xi32, #tpu.memory_space<vmem>>
      %dma_start3A_142 = arith.constant 0 : i32
      %dma_start3A_143 = arith.constant 0 : i32
      %dma_start3A_144 = tpu.memref_slice %arg19[%dma_start3A_142, %dma_start3A_143] : memref<10240x128xf32, #tpu.memory_space<vmem_shared>> -> memref<10240x128xf32, #tpu.memory_space<vmem_shared>>
      tpu.enqueue_indirect_dma source(%arg22 : memref<80x128xf32, #tpu.memory_space<vmem>>) target(%dma_start3A_144 : memref<10240x128xf32, #tpu.memory_space<vmem_shared>>) offsets(%dma_start3A_141 : memref<80xi32, #tpu.memory_space<vmem>>) semaphore(%run_scoped3A_138 : memref<!tpu.dma_semaphore, #tpu.memory_space<semaphore_mem>>) {add = true}
      %dma_wait3A_145 = arith.constant 0 : i32
      %dma_wait3A_146 = tpu.memref_slice %arg21[%run_scoped3A_127, %dma_wait3A_145] : memref<125x80xi32, #tpu.memory_space<vmem>> -> memref<1x80xi32, #tpu.memory_space<vmem>>
      %dma_wait3A_147 = tpu.memref_squeeze %dma_wait3A_146 : memref<1x80xi32, #tpu.memory_space<vmem>> -> memref<80xi32, #tpu.memory_space<vmem>>
      %dma_wait3A_148 = arith.constant 0 : i32
      %dma_wait3A_149 = arith.constant 0 : i32
      %dma_wait3A_150 = tpu.memref_slice %arg19[%dma_wait3A_148, %dma_wait3A_149] : memref<10240x128xf32, #tpu.memory_space<vmem_shared>> -> memref<10240x128xf32, #tpu.memory_space<vmem_shared>>
      tpu.wait_indirect_dma semaphore(%run_scoped3A_138 : memref<!tpu.dma_semaphore, #tpu.memory_space<semaphore_mem>>) src(%arg22 : memref<80x128xf32, #tpu.memory_space<vmem>>) dst(%dma_wait3A_150 : memref<10240x128xf32, #tpu.memory_space<vmem_shared>>)
      tpu.yield
    }) : () -> ()
    %barrier3A_128 = arith.constant 0 : index
    tpu.barrier barrier_id(%barrier3A_128)
    %add3A_129 = arith.constant 0 : i32
    %add3A_130 = arith.addi %mul3A_2, %add3A_129 : i32
    "tpu.region"() ({
      %run_scoped3A_138 = tpu.sem_alloc : memref<!tpu.dma_semaphore, #tpu.memory_space<semaphore_mem>>
      %dma_start3A_139 = arith.constant 0 : i32
      %dma_start3A_140 = tpu.memref_slice %arg18[%arg0, %add3A_130, %dma_start3A_139] : memref<2x10240x128xf32, #tpu.memory_space<hbm>> -> memref<1x160x128xf32, #tpu.memory_space<hbm>>
      %dma_start3A_141 = tpu.memref_squeeze %dma_start3A_140 : memref<1x160x128xf32, #tpu.memory_space<hbm>> -> memref<160x128xf32, #tpu.memory_space<hbm>>
      %dma_start3A_142 = arith.constant 0 : i32
      %dma_start3A_143 = tpu.memref_slice %arg19[%add3A_130, %dma_start3A_142] : memref<10240x128xf32, #tpu.memory_space<vmem_shared>> -> memref<160x128xf32, #tpu.memory_space<vmem_shared>>
      tpu.enqueue_dma source(%dma_start3A_143 : memref<160x128xf32, #tpu.memory_space<vmem_shared>>) target(%dma_start3A_141 : memref<160x128xf32, #tpu.memory_space<hbm>>) target_semaphore(%run_scoped3A_138 : memref<!tpu.dma_semaphore, #tpu.memory_space<semaphore_mem>>)
      %dma_wait3A_144 = arith.constant 0 : i32
      %dma_wait3A_145 = tpu.memref_slice %arg18[%arg0, %add3A_130, %dma_wait3A_144] : memref<2x10240x128xf32, #tpu.memory_space<hbm>> -> memref<1x160x128xf32, #tpu.memory_space<hbm>>
      %dma_wait3A_146 = tpu.memref_squeeze %dma_wait3A_145 : memref<1x160x128xf32, #tpu.memory_space<hbm>> -> memref<160x128xf32, #tpu.memory_space<hbm>>
      %dma_wait3A_147 = arith.constant 0 : i32
      %dma_wait3A_148 = tpu.memref_slice %arg19[%add3A_130, %dma_wait3A_147] : memref<10240x128xf32, #tpu.memory_space<vmem_shared>> -> memref<160x128xf32, #tpu.memory_space<vmem_shared>>
      tpu.wait_dma2 semaphore(%run_scoped3A_138 : memref<!tpu.dma_semaphore, #tpu.memory_space<semaphore_mem>>) src(%dma_wait3A_148 : memref<160x128xf32, #tpu.memory_space<vmem_shared>>) dst(%dma_wait3A_146 : memref<160x128xf32, #tpu.memory_space<hbm>>)
      tpu.yield
    }) : () -> ()
    %add3A_131 = arith.constant 160 : i32
    %add3A_132 = arith.addi %mul3A_2, %add3A_131 : i32
    "tpu.region"() ({
      %run_scoped3A_138 = tpu.sem_alloc : memref<!tpu.dma_semaphore, #tpu.memory_space<semaphore_mem>>
      %dma_start3A_139 = arith.constant 0 : i32
      %dma_start3A_140 = tpu.memref_slice %arg18[%arg0, %add3A_132, %dma_start3A_139] : memref<2x10240x128xf32, #tpu.memory_space<hbm>> -> memref<1x160x128xf32, #tpu.memory_space<hbm>>
      %dma_start3A_141 = tpu.memref_squeeze %dma_start3A_140 : memref<1x160x128xf32, #tpu.memory_space<hbm>> -> memref<160x128xf32, #tpu.memory_space<hbm>>
      %dma_start3A_142 = arith.constant 0 : i32
      %dma_start3A_143 = tpu.memref_slice %arg19[%add3A_132, %dma_start3A_142] : memref<10240x128xf32, #tpu.memory_space<vmem_shared>> -> memref<160x128xf32, #tpu.memory_space<vmem_shared>>
      tpu.enqueue_dma source(%dma_start3A_143 : memref<160x128xf32, #tpu.memory_space<vmem_shared>>) target(%dma_start3A_141 : memref<160x128xf32, #tpu.memory_space<hbm>>) target_semaphore(%run_scoped3A_138 : memref<!tpu.dma_semaphore, #tpu.memory_space<semaphore_mem>>)
      %dma_wait3A_144 = arith.constant 0 : i32
      %dma_wait3A_145 = tpu.memref_slice %arg18[%arg0, %add3A_132, %dma_wait3A_144] : memref<2x10240x128xf32, #tpu.memory_space<hbm>> -> memref<1x160x128xf32, #tpu.memory_space<hbm>>
      %dma_wait3A_146 = tpu.memref_squeeze %dma_wait3A_145 : memref<1x160x128xf32, #tpu.memory_space<hbm>> -> memref<160x128xf32, #tpu.memory_space<hbm>>
      %dma_wait3A_147 = arith.constant 0 : i32
      %dma_wait3A_148 = tpu.memref_slice %arg19[%add3A_132, %dma_wait3A_147] : memref<10240x128xf32, #tpu.memory_space<vmem_shared>> -> memref<160x128xf32, #tpu.memory_space<vmem_shared>>
      tpu.wait_dma2 semaphore(%run_scoped3A_138 : memref<!tpu.dma_semaphore, #tpu.memory_space<semaphore_mem>>) src(%dma_wait3A_148 : memref<160x128xf32, #tpu.memory_space<vmem_shared>>) dst(%dma_wait3A_146 : memref<160x128xf32, #tpu.memory_space<hbm>>)
      tpu.yield
    }) : () -> ()
    %add3A_133 = arith.constant 320 : i32
    %add3A_134 = arith.addi %mul3A_2, %add3A_133 : i32
    "tpu.region"() ({
      %run_scoped3A_138 = tpu.sem_alloc : memref<!tpu.dma_semaphore, #tpu.memory_space<semaphore_mem>>
      %dma_start3A_139 = arith.constant 0 : i32
      %dma_start3A_140 = tpu.memref_slice %arg18[%arg0, %add3A_134, %dma_start3A_139] : memref<2x10240x128xf32, #tpu.memory_space<hbm>> -> memref<1x160x128xf32, #tpu.memory_space<hbm>>
      %dma_start3A_141 = tpu.memref_squeeze %dma_start3A_140 : memref<1x160x128xf32, #tpu.memory_space<hbm>> -> memref<160x128xf32, #tpu.memory_space<hbm>>
      %dma_start3A_142 = arith.constant 0 : i32
      %dma_start3A_143 = tpu.memref_slice %arg19[%add3A_134, %dma_start3A_142] : memref<10240x128xf32, #tpu.memory_space<vmem_shared>> -> memref<160x128xf32, #tpu.memory_space<vmem_shared>>
      tpu.enqueue_dma source(%dma_start3A_143 : memref<160x128xf32, #tpu.memory_space<vmem_shared>>) target(%dma_start3A_141 : memref<160x128xf32, #tpu.memory_space<hbm>>) target_semaphore(%run_scoped3A_138 : memref<!tpu.dma_semaphore, #tpu.memory_space<semaphore_mem>>)
      %dma_wait3A_144 = arith.constant 0 : i32
      %dma_wait3A_145 = tpu.memref_slice %arg18[%arg0, %add3A_134, %dma_wait3A_144] : memref<2x10240x128xf32, #tpu.memory_space<hbm>> -> memref<1x160x128xf32, #tpu.memory_space<hbm>>
      %dma_wait3A_146 = tpu.memref_squeeze %dma_wait3A_145 : memref<1x160x128xf32, #tpu.memory_space<hbm>> -> memref<160x128xf32, #tpu.memory_space<hbm>>
      %dma_wait3A_147 = arith.constant 0 : i32
      %dma_wait3A_148 = tpu.memref_slice %arg19[%add3A_134, %dma_wait3A_147] : memref<10240x128xf32, #tpu.memory_space<vmem_shared>> -> memref<160x128xf32, #tpu.memory_space<vmem_shared>>
      tpu.wait_dma2 semaphore(%run_scoped3A_138 : memref<!tpu.dma_semaphore, #tpu.memory_space<semaphore_mem>>) src(%dma_wait3A_148 : memref<160x128xf32, #tpu.memory_space<vmem_shared>>) dst(%dma_wait3A_146 : memref<160x128xf32, #tpu.memory_space<hbm>>)
      tpu.yield
    }) : () -> ()
    %add3A_135 = arith.constant 480 : i32
    %add3A_136 = arith.addi %mul3A_2, %add3A_135 : i32
    "tpu.region"() ({
      %run_scoped3A_138 = tpu.sem_alloc : memref<!tpu.dma_semaphore, #tpu.memory_space<semaphore_mem>>
      %dma_start3A_139 = arith.constant 0 : i32
      %dma_start3A_140 = tpu.memref_slice %arg18[%arg0, %add3A_136, %dma_start3A_139] : memref<2x10240x128xf32, #tpu.memory_space<hbm>> -> memref<1x160x128xf32, #tpu.memory_space<hbm>>
      %dma_start3A_141 = tpu.memref_squeeze %dma_start3A_140 : memref<1x160x128xf32, #tpu.memory_space<hbm>> -> memref<160x128xf32, #tpu.memory_space<hbm>>
      %dma_start3A_142 = arith.constant 0 : i32
      %dma_start3A_143 = tpu.memref_slice %arg19[%add3A_136, %dma_start3A_142] : memref<10240x128xf32, #tpu.memory_space<vmem_shared>> -> memref<160x128xf32, #tpu.memory_space<vmem_shared>>
      tpu.enqueue_dma source(%dma_start3A_143 : memref<160x128xf32, #tpu.memory_space<vmem_shared>>) target(%dma_start3A_141 : memref<160x128xf32, #tpu.memory_space<hbm>>) target_semaphore(%run_scoped3A_138 : memref<!tpu.dma_semaphore, #tpu.memory_space<semaphore_mem>>)
      %dma_wait3A_144 = arith.constant 0 : i32
      %dma_wait3A_145 = tpu.memref_slice %arg18[%arg0, %add3A_136, %dma_wait3A_144] : memref<2x10240x128xf32, #tpu.memory_space<hbm>> -> memref<1x160x128xf32, #tpu.memory_space<hbm>>
      %dma_wait3A_146 = tpu.memref_squeeze %dma_wait3A_145 : memref<1x160x128xf32, #tpu.memory_space<hbm>> -> memref<160x128xf32, #tpu.memory_space<hbm>>
      %dma_wait3A_147 = arith.constant 0 : i32
      %dma_wait3A_148 = tpu.memref_slice %arg19[%add3A_136, %dma_wait3A_147] : memref<10240x128xf32, #tpu.memory_space<vmem_shared>> -> memref<160x128xf32, #tpu.memory_space<vmem_shared>>
      tpu.wait_dma2 semaphore(%run_scoped3A_138 : memref<!tpu.dma_semaphore, #tpu.memory_space<semaphore_mem>>) src(%dma_wait3A_148 : memref<160x128xf32, #tpu.memory_space<vmem_shared>>) dst(%dma_wait3A_146 : memref<160x128xf32, #tpu.memory_space<hbm>>)
      tpu.yield
    }) : () -> ()
    %barrier3A_137 = arith.constant 0 : index
    tpu.barrier barrier_id(%barrier3A_137)
    return
  }
}

#map = affine_map<(d0, d1) -> (0, 0, 0)>
#map1 = affine_map<(d0, d1) -> (0)>
module attributes {stable_mosaic.version = 14 : i64} {
  func.func @_hist_body(%arg0: i32, %arg1: i32, %arg2: memref<32x125x80xi32, #tpu.memory_space<hbm>>, %arg3: memref<32x125x80xi32, #tpu.memory_space<hbm>>, %arg4: memref<32x125x80xi32, #tpu.memory_space<hbm>>, %arg5: memref<32x125x80xi32, #tpu.memory_space<hbm>>, %arg6: memref<10240xf32, #tpu.memory_space<hbm>>, %arg7: memref<4x2x10240xf32, #tpu.memory_space<hbm>>, %arg8: memref<10240xf32, #tpu.memory_space<vmem_shared>>, %arg9: memref<125x80xi32, #tpu.memory_space<vmem>>, %arg10: memref<80xf32, #tpu.memory_space<vmem>>, %arg11: memref<!tpu.dma_semaphore, #tpu.memory_space<semaphore_mem>>) attributes {dimension_semantics = [#tpu.dimension_semantics<core_parallel>, #tpu.dimension_semantics<subcore_parallel>], iteration_bounds = array<i64: 2, 16>, scalar_prefetch = 0 : i64, scratch_operands = 4 : i64, tpu.core_type = #tpu.core_type<sc_vector_subcore>, window_params = [{transform_indices = #map}, {transform_indices = #map}, {transform_indices = #map}, {transform_indices = #map}, {transform_indices = #map1}, {transform_indices = #map}]} {
    %mul3A = arith.constant 16 : i32
    %mul3A_0 = arith.muli %arg0, %mul3A : i32
    %add3A = arith.addi %mul3A_0, %arg1 : i32
    %mul3A_1 = arith.constant 640 : i32
    %mul3A_2 = arith.muli %arg1, %mul3A_1 : i32
    %broadcast_in_dim3A = arith.constant 1.000000e+00 : f32
    %broadcast_in_dim3A_3 = vector.broadcast %broadcast_in_dim3A : f32 to vector<16xf32>
    %swap3A = arith.constant 0 : index
    %swap3A_4 = tpu.vector_load %arg10[%swap3A] {strides = array<i32>} : memref<80xf32, #tpu.memory_space<vmem>>, vector<16xf32>,
    %swap3A_5 = vector.shape_cast %swap3A_4 : vector<16xf32> to vector<16xf32>
    %swap3A_6 = vector.shape_cast %broadcast_in_dim3A_3 : vector<16xf32> to vector<16xf32>
    tpu.vector_store %arg10[%swap3A], %swap3A_6 {strides = array<i32>} : memref<80xf32, #tpu.memory_space<vmem>>, vector<16xf32>,
    %broadcast_in_dim3A_7 = arith.constant 1.000000e+00 : f32
    %broadcast_in_dim3A_8 = vector.broadcast %broadcast_in_dim3A_7 : f32 to vector<16xf32>
    %swap3A_9 = arith.constant 16 : index
    %swap3A_10 = tpu.vector_load %arg10[%swap3A_9] {strides = array<i32>} : memref<80xf32, #tpu.memory_space<vmem>>, vector<16xf32>,
    %swap3A_11 = vector.shape_cast %swap3A_10 : vector<16xf32> to vector<16xf32>
    %swap3A_12 = vector.shape_cast %broadcast_in_dim3A_8 : vector<16xf32> to vector<16xf32>
    tpu.vector_store %arg10[%swap3A_9], %swap3A_12 {strides = array<i32>} : memref<80xf32, #tpu.memory_space<vmem>>, vector<16xf32>,
    %broadcast_in_dim3A_13 = arith.constant 1.000000e+00 : f32
    %broadcast_in_dim3A_14 = vector.broadcast %broadcast_in_dim3A_13 : f32 to vector<16xf32>
    %swap3A_15 = arith.constant 32 : index
    %swap3A_16 = tpu.vector_load %arg10[%swap3A_15] {strides = array<i32>} : memref<80xf32, #tpu.memory_space<vmem>>, vector<16xf32>,
    %swap3A_17 = vector.shape_cast %swap3A_16 : vector<16xf32> to vector<16xf32>
    %swap3A_18 = vector.shape_cast %broadcast_in_dim3A_14 : vector<16xf32> to vector<16xf32>
    tpu.vector_store %arg10[%swap3A_15], %swap3A_18 {strides = array<i32>} : memref<80xf32, #tpu.memory_space<vmem>>, vector<16xf32>,
    %broadcast_in_dim3A_19 = arith.constant 1.000000e+00 : f32
    %broadcast_in_dim3A_20 = vector.broadcast %broadcast_in_dim3A_19 : f32 to vector<16xf32>
    %swap3A_21 = arith.constant 48 : index
    %swap3A_22 = tpu.vector_load %arg10[%swap3A_21] {strides = array<i32>} : memref<80xf32, #tpu.memory_space<vmem>>, vector<16xf32>,
    %swap3A_23 = vector.shape_cast %swap3A_22 : vector<16xf32> to vector<16xf32>
    %swap3A_24 = vector.shape_cast %broadcast_in_dim3A_20 : vector<16xf32> to vector<16xf32>
    tpu.vector_store %arg10[%swap3A_21], %swap3A_24 {strides = array<i32>} : memref<80xf32, #tpu.memory_space<vmem>>, vector<16xf32>,
    %broadcast_in_dim3A_25 = arith.constant 1.000000e+00 : f32
    %broadcast_in_dim3A_26 = vector.broadcast %broadcast_in_dim3A_25 : f32 to vector<16xf32>
    %swap3A_27 = arith.constant 64 : index
    %swap3A_28 = tpu.vector_load %arg10[%swap3A_27] {strides = array<i32>} : memref<80xf32, #tpu.memory_space<vmem>>, vector<16xf32>,
    %swap3A_29 = vector.shape_cast %swap3A_28 : vector<16xf32> to vector<16xf32>
    %swap3A_30 = vector.shape_cast %broadcast_in_dim3A_26 : vector<16xf32> to vector<16xf32>
    tpu.vector_store %arg10[%swap3A_27], %swap3A_30 {strides = array<i32>} : memref<80xf32, #tpu.memory_space<vmem>>, vector<16xf32>,
    "tpu.region"() ({
      %run_scoped3A_84 = tpu.sem_alloc : memref<!tpu.dma_semaphore, #tpu.memory_space<semaphore_mem>>
      %dma_start3A = tpu.memref_slice %arg8[%mul3A_2] : memref<10240xf32, #tpu.memory_space<vmem_shared>> -> memref<640xf32, #tpu.memory_space<vmem_shared>>
      %dma_start3A_85 = tpu.memref_slice %arg6[%mul3A_2] : memref<10240xf32, #tpu.memory_space<hbm>> -> memref<640xf32, #tpu.memory_space<hbm>>
      tpu.enqueue_dma source(%dma_start3A_85 : memref<640xf32, #tpu.memory_space<hbm>>) target(%dma_start3A : memref<640xf32, #tpu.memory_space<vmem_shared>>) target_semaphore(%run_scoped3A_84 : memref<!tpu.dma_semaphore, #tpu.memory_space<semaphore_mem>>)
      %dma_wait3A = tpu.memref_slice %arg8[%mul3A_2] : memref<10240xf32, #tpu.memory_space<vmem_shared>> -> memref<640xf32, #tpu.memory_space<vmem_shared>>
      %dma_wait3A_86 = tpu.memref_slice %arg6[%mul3A_2] : memref<10240xf32, #tpu.memory_space<hbm>> -> memref<640xf32, #tpu.memory_space<hbm>>
      tpu.wait_dma2 semaphore(%run_scoped3A_84 : memref<!tpu.dma_semaphore, #tpu.memory_space<semaphore_mem>>) src(%dma_wait3A_86 : memref<640xf32, #tpu.memory_space<hbm>>) dst(%dma_wait3A : memref<640xf32, #tpu.memory_space<vmem_shared>>)
      tpu.yield
    }) : () -> ()
    "tpu.region"() ({
      %run_scoped3A_84 = tpu.sem_alloc : memref<!tpu.dma_semaphore, #tpu.memory_space<semaphore_mem>>
      %dma_start3A = arith.constant 0 : i32
      %dma_start3A_85 = arith.constant 0 : i32
      %dma_start3A_86 = tpu.memref_slice %arg2[%add3A, %dma_start3A, %dma_start3A_85] : memref<32x125x80xi32, #tpu.memory_space<hbm>> -> memref<1x125x80xi32, #tpu.memory_space<hbm>>
      %dma_start3A_87 = tpu.memref_squeeze %dma_start3A_86 : memref<1x125x80xi32, #tpu.memory_space<hbm>> -> memref<125x80xi32, #tpu.memory_space<hbm>>
      %dma_start3A_88 = arith.constant 0 : i32
      %dma_start3A_89 = arith.constant 0 : i32
      %dma_start3A_90 = tpu.memref_slice %arg2[%add3A, %dma_start3A_88, %dma_start3A_89] : memref<32x125x80xi32, #tpu.memory_space<hbm>> -> memref<1x125x80xi32, #tpu.memory_space<hbm>>
      %dma_start3A_91 = tpu.memref_squeeze %dma_start3A_90 : memref<1x125x80xi32, #tpu.memory_space<hbm>> -> memref<125x80xi32, #tpu.memory_space<hbm>>
      tpu.enqueue_dma source(%dma_start3A_91 : memref<125x80xi32, #tpu.memory_space<hbm>>) target(%arg9 : memref<125x80xi32, #tpu.memory_space<vmem>>) target_semaphore(%run_scoped3A_84 : memref<!tpu.dma_semaphore, #tpu.memory_space<semaphore_mem>>)
      %dma_wait3A = arith.constant 0 : i32
      %dma_wait3A_92 = arith.constant 0 : i32
      %dma_wait3A_93 = tpu.memref_slice %arg2[%add3A, %dma_wait3A, %dma_wait3A_92] : memref<32x125x80xi32, #tpu.memory_space<hbm>> -> memref<1x125x80xi32, #tpu.memory_space<hbm>>
      %dma_wait3A_94 = tpu.memref_squeeze %dma_wait3A_93 : memref<1x125x80xi32, #tpu.memory_space<hbm>> -> memref<125x80xi32, #tpu.memory_space<hbm>>
      %dma_wait3A_95 = arith.constant 0 : i32
      %dma_wait3A_96 = arith.constant 0 : i32
      %dma_wait3A_97 = tpu.memref_slice %arg2[%add3A, %dma_wait3A_95, %dma_wait3A_96] : memref<32x125x80xi32, #tpu.memory_space<hbm>> -> memref<1x125x80xi32, #tpu.memory_space<hbm>>
      %dma_wait3A_98 = tpu.memref_squeeze %dma_wait3A_97 : memref<1x125x80xi32, #tpu.memory_space<hbm>> -> memref<125x80xi32, #tpu.memory_space<hbm>>
      tpu.wait_dma2 semaphore(%run_scoped3A_84 : memref<!tpu.dma_semaphore, #tpu.memory_space<semaphore_mem>>) src(%dma_wait3A_98 : memref<125x80xi32, #tpu.memory_space<hbm>>) dst(%arg9 : memref<125x80xi32, #tpu.memory_space<vmem>>)
      tpu.yield
    }) : () -> ()
    %barrier3A = arith.constant 0 : index
    tpu.barrier barrier_id(%barrier3A)
    %scan3A = arith.constant 0 : i32
    %scan3A_31 = arith.constant 125 : i32
    %scan3A_32 = arith.addi %scan3A, %scan3A_31 : i32
    %scan3A_33 = arith.constant 1 : i32
    scf.for %scan3A_84 = %scan3A to %scan3A_32 step %scan3A_33  : i32 {
      %dma_start3A = arith.constant 0 : i32
      %dma_start3A_85 = tpu.memref_slice %arg9[%scan3A_84, %dma_start3A] : memref<125x80xi32, #tpu.memory_space<vmem>> -> memref<1x80xi32, #tpu.memory_space<vmem>>
      %dma_start3A_86 = tpu.memref_squeeze %dma_start3A_85 : memref<1x80xi32, #tpu.memory_space<vmem>> -> memref<80xi32, #tpu.memory_space<vmem>>
      %dma_start3A_87 = arith.constant 0 : i32
      %dma_start3A_88 = tpu.memref_slice %arg8[%dma_start3A_87] : memref<10240xf32, #tpu.memory_space<vmem_shared>> -> memref<10240xf32, #tpu.memory_space<vmem_shared>>
      tpu.enqueue_indirect_dma source(%arg10 : memref<80xf32, #tpu.memory_space<vmem>>) target(%dma_start3A_88 : memref<10240xf32, #tpu.memory_space<vmem_shared>>) offsets(%dma_start3A_86 : memref<80xi32, #tpu.memory_space<vmem>>) semaphore(%arg11 : memref<!tpu.dma_semaphore, #tpu.memory_space<semaphore_mem>>) {add = true}
    }
    %scan3A_34 = arith.constant 125 : i32
    %scan3A_35 = arith.constant 0 : i32
    %scan3A_36 = arith.constant 125 : i32
    %scan3A_37 = arith.addi %scan3A_35, %scan3A_36 : i32
    %scan3A_38 = arith.constant 1 : i32
    scf.for %scan3A_84 = %scan3A_35 to %scan3A_37 step %scan3A_38  : i32 {
      %dma_wait3A = arith.constant 0 : i32
      %dma_wait3A_85 = arith.constant 0 : i32
      %dma_wait3A_86 = tpu.memref_slice %arg9[%dma_wait3A, %dma_wait3A_85] : memref<125x80xi32, #tpu.memory_space<vmem>> -> memref<1x80xi32, #tpu.memory_space<vmem>>
      %dma_wait3A_87 = tpu.memref_squeeze %dma_wait3A_86 : memref<1x80xi32, #tpu.memory_space<vmem>> -> memref<80xi32, #tpu.memory_space<vmem>>
      %dma_wait3A_88 = arith.constant 0 : i32
      %dma_wait3A_89 = tpu.memref_slice %arg8[%dma_wait3A_88] : memref<10240xf32, #tpu.memory_space<vmem_shared>> -> memref<10240xf32, #tpu.memory_space<vmem_shared>>
      tpu.wait_indirect_dma semaphore(%arg11 : memref<!tpu.dma_semaphore, #tpu.memory_space<semaphore_mem>>) src(%arg10 : memref<80xf32, #tpu.memory_space<vmem>>) dst(%dma_wait3A_89 : memref<10240xf32, #tpu.memory_space<vmem_shared>>)
    }
    %scan3A_39 = arith.constant 125 : i32
    %barrier3A_40 = arith.constant 0 : index
    tpu.barrier barrier_id(%barrier3A_40)
    %run_scoped3A = arith.constant 0 : i32
    "tpu.region"() ({
      %run_scoped3A_84 = tpu.sem_alloc : memref<!tpu.dma_semaphore, #tpu.memory_space<semaphore_mem>>
      %dma_start3A = tpu.memref_slice %arg7[%run_scoped3A, %arg0, %mul3A_2] : memref<4x2x10240xf32, #tpu.memory_space<hbm>> -> memref<1x1x640xf32, #tpu.memory_space<hbm>>
      %dma_start3A_85 = tpu.memref_squeeze %dma_start3A : memref<1x1x640xf32, #tpu.memory_space<hbm>> -> memref<640xf32, #tpu.memory_space<hbm>>
      %dma_start3A_86 = tpu.memref_slice %arg8[%mul3A_2] : memref<10240xf32, #tpu.memory_space<vmem_shared>> -> memref<640xf32, #tpu.memory_space<vmem_shared>>
      tpu.enqueue_dma source(%dma_start3A_86 : memref<640xf32, #tpu.memory_space<vmem_shared>>) target(%dma_start3A_85 : memref<640xf32, #tpu.memory_space<hbm>>) target_semaphore(%run_scoped3A_84 : memref<!tpu.dma_semaphore, #tpu.memory_space<semaphore_mem>>)
      %dma_wait3A = tpu.memref_slice %arg7[%run_scoped3A, %arg0, %mul3A_2] : memref<4x2x10240xf32, #tpu.memory_space<hbm>> -> memref<1x1x640xf32, #tpu.memory_space<hbm>>
      %dma_wait3A_87 = tpu.memref_squeeze %dma_wait3A : memref<1x1x640xf32, #tpu.memory_space<hbm>> -> memref<640xf32, #tpu.memory_space<hbm>>
      %dma_wait3A_88 = tpu.memref_slice %arg8[%mul3A_2] : memref<10240xf32, #tpu.memory_space<vmem_shared>> -> memref<640xf32, #tpu.memory_space<vmem_shared>>
      tpu.wait_dma2 semaphore(%run_scoped3A_84 : memref<!tpu.dma_semaphore, #tpu.memory_space<semaphore_mem>>) src(%dma_wait3A_88 : memref<640xf32, #tpu.memory_space<vmem_shared>>) dst(%dma_wait3A_87 : memref<640xf32, #tpu.memory_space<hbm>>)
      tpu.yield
    }) : () -> ()
    %barrier3A_41 = arith.constant 0 : index
    tpu.barrier barrier_id(%barrier3A_41)
    "tpu.region"() ({
      %run_scoped3A_84 = tpu.sem_alloc : memref<!tpu.dma_semaphore, #tpu.memory_space<semaphore_mem>>
      %dma_start3A = tpu.memref_slice %arg8[%mul3A_2] : memref<10240xf32, #tpu.memory_space<vmem_shared>> -> memref<640xf32, #tpu.memory_space<vmem_shared>>
      %dma_start3A_85 = tpu.memref_slice %arg6[%mul3A_2] : memref<10240xf32, #tpu.memory_space<hbm>> -> memref<640xf32, #tpu.memory_space<hbm>>
      tpu.enqueue_dma source(%dma_start3A_85 : memref<640xf32, #tpu.memory_space<hbm>>) target(%dma_start3A : memref<640xf32, #tpu.memory_space<vmem_shared>>) target_semaphore(%run_scoped3A_84 : memref<!tpu.dma_semaphore, #tpu.memory_space<semaphore_mem>>)
      %dma_wait3A = tpu.memref_slice %arg8[%mul3A_2] : memref<10240xf32, #tpu.memory_space<vmem_shared>> -> memref<640xf32, #tpu.memory_space<vmem_shared>>
      %dma_wait3A_86 = tpu.memref_slice %arg6[%mul3A_2] : memref<10240xf32, #tpu.memory_space<hbm>> -> memref<640xf32, #tpu.memory_space<hbm>>
      tpu.wait_dma2 semaphore(%run_scoped3A_84 : memref<!tpu.dma_semaphore, #tpu.memory_space<semaphore_mem>>) src(%dma_wait3A_86 : memref<640xf32, #tpu.memory_space<hbm>>) dst(%dma_wait3A : memref<640xf32, #tpu.memory_space<vmem_shared>>)
      tpu.yield
    }) : () -> ()
    "tpu.region"() ({
      %run_scoped3A_84 = tpu.sem_alloc : memref<!tpu.dma_semaphore, #tpu.memory_space<semaphore_mem>>
      %dma_start3A = arith.constant 0 : i32
      %dma_start3A_85 = arith.constant 0 : i32
      %dma_start3A_86 = tpu.memref_slice %arg3[%add3A, %dma_start3A, %dma_start3A_85] : memref<32x125x80xi32, #tpu.memory_space<hbm>> -> memref<1x125x80xi32, #tpu.memory_space<hbm>>
      %dma_start3A_87 = tpu.memref_squeeze %dma_start3A_86 : memref<1x125x80xi32, #tpu.memory_space<hbm>> -> memref<125x80xi32, #tpu.memory_space<hbm>>
      %dma_start3A_88 = arith.constant 0 : i32
      %dma_start3A_89 = arith.constant 0 : i32
      %dma_start3A_90 = tpu.memref_slice %arg3[%add3A, %dma_start3A_88, %dma_start3A_89] : memref<32x125x80xi32, #tpu.memory_space<hbm>> -> memref<1x125x80xi32, #tpu.memory_space<hbm>>
      %dma_start3A_91 = tpu.memref_squeeze %dma_start3A_90 : memref<1x125x80xi32, #tpu.memory_space<hbm>> -> memref<125x80xi32, #tpu.memory_space<hbm>>
      tpu.enqueue_dma source(%dma_start3A_91 : memref<125x80xi32, #tpu.memory_space<hbm>>) target(%arg9 : memref<125x80xi32, #tpu.memory_space<vmem>>) target_semaphore(%run_scoped3A_84 : memref<!tpu.dma_semaphore, #tpu.memory_space<semaphore_mem>>)
      %dma_wait3A = arith.constant 0 : i32
      %dma_wait3A_92 = arith.constant 0 : i32
      %dma_wait3A_93 = tpu.memref_slice %arg3[%add3A, %dma_wait3A, %dma_wait3A_92] : memref<32x125x80xi32, #tpu.memory_space<hbm>> -> memref<1x125x80xi32, #tpu.memory_space<hbm>>
      %dma_wait3A_94 = tpu.memref_squeeze %dma_wait3A_93 : memref<1x125x80xi32, #tpu.memory_space<hbm>> -> memref<125x80xi32, #tpu.memory_space<hbm>>
      %dma_wait3A_95 = arith.constant 0 : i32
      %dma_wait3A_96 = arith.constant 0 : i32
      %dma_wait3A_97 = tpu.memref_slice %arg3[%add3A, %dma_wait3A_95, %dma_wait3A_96] : memref<32x125x80xi32, #tpu.memory_space<hbm>> -> memref<1x125x80xi32, #tpu.memory_space<hbm>>
      %dma_wait3A_98 = tpu.memref_squeeze %dma_wait3A_97 : memref<1x125x80xi32, #tpu.memory_space<hbm>> -> memref<125x80xi32, #tpu.memory_space<hbm>>
      tpu.wait_dma2 semaphore(%run_scoped3A_84 : memref<!tpu.dma_semaphore, #tpu.memory_space<semaphore_mem>>) src(%dma_wait3A_98 : memref<125x80xi32, #tpu.memory_space<hbm>>) dst(%arg9 : memref<125x80xi32, #tpu.memory_space<vmem>>)
      tpu.yield
    }) : () -> ()
    %barrier3A_42 = arith.constant 0 : index
    tpu.barrier barrier_id(%barrier3A_42)
    %scan3A_43 = arith.constant 0 : i32
    %scan3A_44 = arith.constant 125 : i32
    %scan3A_45 = arith.addi %scan3A_43, %scan3A_44 : i32
    %scan3A_46 = arith.constant 1 : i32
    scf.for %scan3A_84 = %scan3A_43 to %scan3A_45 step %scan3A_46  : i32 {
      %dma_start3A = arith.constant 0 : i32
      %dma_start3A_85 = tpu.memref_slice %arg9[%scan3A_84, %dma_start3A] : memref<125x80xi32, #tpu.memory_space<vmem>> -> memref<1x80xi32, #tpu.memory_space<vmem>>
      %dma_start3A_86 = tpu.memref_squeeze %dma_start3A_85 : memref<1x80xi32, #tpu.memory_space<vmem>> -> memref<80xi32, #tpu.memory_space<vmem>>
      %dma_start3A_87 = arith.constant 0 : i32
      %dma_start3A_88 = tpu.memref_slice %arg8[%dma_start3A_87] : memref<10240xf32, #tpu.memory_space<vmem_shared>> -> memref<10240xf32, #tpu.memory_space<vmem_shared>>
      tpu.enqueue_indirect_dma source(%arg10 : memref<80xf32, #tpu.memory_space<vmem>>) target(%dma_start3A_88 : memref<10240xf32, #tpu.memory_space<vmem_shared>>) offsets(%dma_start3A_86 : memref<80xi32, #tpu.memory_space<vmem>>) semaphore(%arg11 : memref<!tpu.dma_semaphore, #tpu.memory_space<semaphore_mem>>) {add = true}
    }
    %scan3A_47 = arith.constant 125 : i32
    %scan3A_48 = arith.constant 0 : i32
    %scan3A_49 = arith.constant 125 : i32
    %scan3A_50 = arith.addi %scan3A_48, %scan3A_49 : i32
    %scan3A_51 = arith.constant 1 : i32
    scf.for %scan3A_84 = %scan3A_48 to %scan3A_50 step %scan3A_51  : i32 {
      %dma_wait3A = arith.constant 0 : i32
      %dma_wait3A_85 = arith.constant 0 : i32
      %dma_wait3A_86 = tpu.memref_slice %arg9[%dma_wait3A, %dma_wait3A_85] : memref<125x80xi32, #tpu.memory_space<vmem>> -> memref<1x80xi32, #tpu.memory_space<vmem>>
      %dma_wait3A_87 = tpu.memref_squeeze %dma_wait3A_86 : memref<1x80xi32, #tpu.memory_space<vmem>> -> memref<80xi32, #tpu.memory_space<vmem>>
      %dma_wait3A_88 = arith.constant 0 : i32
      %dma_wait3A_89 = tpu.memref_slice %arg8[%dma_wait3A_88] : memref<10240xf32, #tpu.memory_space<vmem_shared>> -> memref<10240xf32, #tpu.memory_space<vmem_shared>>
      tpu.wait_indirect_dma semaphore(%arg11 : memref<!tpu.dma_semaphore, #tpu.memory_space<semaphore_mem>>) src(%arg10 : memref<80xf32, #tpu.memory_space<vmem>>) dst(%dma_wait3A_89 : memref<10240xf32, #tpu.memory_space<vmem_shared>>)
    }
    %scan3A_52 = arith.constant 125 : i32
    %barrier3A_53 = arith.constant 0 : index
    tpu.barrier barrier_id(%barrier3A_53)
    %run_scoped3A_54 = arith.constant 1 : i32
    "tpu.region"() ({
      %run_scoped3A_84 = tpu.sem_alloc : memref<!tpu.dma_semaphore, #tpu.memory_space<semaphore_mem>>
      %dma_start3A = tpu.memref_slice %arg7[%run_scoped3A_54, %arg0, %mul3A_2] : memref<4x2x10240xf32, #tpu.memory_space<hbm>> -> memref<1x1x640xf32, #tpu.memory_space<hbm>>
      %dma_start3A_85 = tpu.memref_squeeze %dma_start3A : memref<1x1x640xf32, #tpu.memory_space<hbm>> -> memref<640xf32, #tpu.memory_space<hbm>>
      %dma_start3A_86 = tpu.memref_slice %arg8[%mul3A_2] : memref<10240xf32, #tpu.memory_space<vmem_shared>> -> memref<640xf32, #tpu.memory_space<vmem_shared>>
      tpu.enqueue_dma source(%dma_start3A_86 : memref<640xf32, #tpu.memory_space<vmem_shared>>) target(%dma_start3A_85 : memref<640xf32, #tpu.memory_space<hbm>>) target_semaphore(%run_scoped3A_84 : memref<!tpu.dma_semaphore, #tpu.memory_space<semaphore_mem>>)
      %dma_wait3A = tpu.memref_slice %arg7[%run_scoped3A_54, %arg0, %mul3A_2] : memref<4x2x10240xf32, #tpu.memory_space<hbm>> -> memref<1x1x640xf32, #tpu.memory_space<hbm>>
      %dma_wait3A_87 = tpu.memref_squeeze %dma_wait3A : memref<1x1x640xf32, #tpu.memory_space<hbm>> -> memref<640xf32, #tpu.memory_space<hbm>>
      %dma_wait3A_88 = tpu.memref_slice %arg8[%mul3A_2] : memref<10240xf32, #tpu.memory_space<vmem_shared>> -> memref<640xf32, #tpu.memory_space<vmem_shared>>
      tpu.wait_dma2 semaphore(%run_scoped3A_84 : memref<!tpu.dma_semaphore, #tpu.memory_space<semaphore_mem>>) src(%dma_wait3A_88 : memref<640xf32, #tpu.memory_space<vmem_shared>>) dst(%dma_wait3A_87 : memref<640xf32, #tpu.memory_space<hbm>>)
      tpu.yield
    }) : () -> ()
    %barrier3A_55 = arith.constant 0 : index
    tpu.barrier barrier_id(%barrier3A_55)
    "tpu.region"() ({
      %run_scoped3A_84 = tpu.sem_alloc : memref<!tpu.dma_semaphore, #tpu.memory_space<semaphore_mem>>
      %dma_start3A = tpu.memref_slice %arg8[%mul3A_2] : memref<10240xf32, #tpu.memory_space<vmem_shared>> -> memref<640xf32, #tpu.memory_space<vmem_shared>>
      %dma_start3A_85 = tpu.memref_slice %arg6[%mul3A_2] : memref<10240xf32, #tpu.memory_space<hbm>> -> memref<640xf32, #tpu.memory_space<hbm>>
      tpu.enqueue_dma source(%dma_start3A_85 : memref<640xf32, #tpu.memory_space<hbm>>) target(%dma_start3A : memref<640xf32, #tpu.memory_space<vmem_shared>>) target_semaphore(%run_scoped3A_84 : memref<!tpu.dma_semaphore, #tpu.memory_space<semaphore_mem>>)
      %dma_wait3A = tpu.memref_slice %arg8[%mul3A_2] : memref<10240xf32, #tpu.memory_space<vmem_shared>> -> memref<640xf32, #tpu.memory_space<vmem_shared>>
      %dma_wait3A_86 = tpu.memref_slice %arg6[%mul3A_2] : memref<10240xf32, #tpu.memory_space<hbm>> -> memref<640xf32, #tpu.memory_space<hbm>>
      tpu.wait_dma2 semaphore(%run_scoped3A_84 : memref<!tpu.dma_semaphore, #tpu.memory_space<semaphore_mem>>) src(%dma_wait3A_86 : memref<640xf32, #tpu.memory_space<hbm>>) dst(%dma_wait3A : memref<640xf32, #tpu.memory_space<vmem_shared>>)
      tpu.yield
    }) : () -> ()
    "tpu.region"() ({
      %run_scoped3A_84 = tpu.sem_alloc : memref<!tpu.dma_semaphore, #tpu.memory_space<semaphore_mem>>
      %dma_start3A = arith.constant 0 : i32
      %dma_start3A_85 = arith.constant 0 : i32
      %dma_start3A_86 = tpu.memref_slice %arg4[%add3A, %dma_start3A, %dma_start3A_85] : memref<32x125x80xi32, #tpu.memory_space<hbm>> -> memref<1x125x80xi32, #tpu.memory_space<hbm>>
      %dma_start3A_87 = tpu.memref_squeeze %dma_start3A_86 : memref<1x125x80xi32, #tpu.memory_space<hbm>> -> memref<125x80xi32, #tpu.memory_space<hbm>>
      %dma_start3A_88 = arith.constant 0 : i32
      %dma_start3A_89 = arith.constant 0 : i32
      %dma_start3A_90 = tpu.memref_slice %arg4[%add3A, %dma_start3A_88, %dma_start3A_89] : memref<32x125x80xi32, #tpu.memory_space<hbm>> -> memref<1x125x80xi32, #tpu.memory_space<hbm>>
      %dma_start3A_91 = tpu.memref_squeeze %dma_start3A_90 : memref<1x125x80xi32, #tpu.memory_space<hbm>> -> memref<125x80xi32, #tpu.memory_space<hbm>>
      tpu.enqueue_dma source(%dma_start3A_91 : memref<125x80xi32, #tpu.memory_space<hbm>>) target(%arg9 : memref<125x80xi32, #tpu.memory_space<vmem>>) target_semaphore(%run_scoped3A_84 : memref<!tpu.dma_semaphore, #tpu.memory_space<semaphore_mem>>)
      %dma_wait3A = arith.constant 0 : i32
      %dma_wait3A_92 = arith.constant 0 : i32
      %dma_wait3A_93 = tpu.memref_slice %arg4[%add3A, %dma_wait3A, %dma_wait3A_92] : memref<32x125x80xi32, #tpu.memory_space<hbm>> -> memref<1x125x80xi32, #tpu.memory_space<hbm>>
      %dma_wait3A_94 = tpu.memref_squeeze %dma_wait3A_93 : memref<1x125x80xi32, #tpu.memory_space<hbm>> -> memref<125x80xi32, #tpu.memory_space<hbm>>
      %dma_wait3A_95 = arith.constant 0 : i32
      %dma_wait3A_96 = arith.constant 0 : i32
      %dma_wait3A_97 = tpu.memref_slice %arg4[%add3A, %dma_wait3A_95, %dma_wait3A_96] : memref<32x125x80xi32, #tpu.memory_space<hbm>> -> memref<1x125x80xi32, #tpu.memory_space<hbm>>
      %dma_wait3A_98 = tpu.memref_squeeze %dma_wait3A_97 : memref<1x125x80xi32, #tpu.memory_space<hbm>> -> memref<125x80xi32, #tpu.memory_space<hbm>>
      tpu.wait_dma2 semaphore(%run_scoped3A_84 : memref<!tpu.dma_semaphore, #tpu.memory_space<semaphore_mem>>) src(%dma_wait3A_98 : memref<125x80xi32, #tpu.memory_space<hbm>>) dst(%arg9 : memref<125x80xi32, #tpu.memory_space<vmem>>)
      tpu.yield
    }) : () -> ()
    %barrier3A_56 = arith.constant 0 : index
    tpu.barrier barrier_id(%barrier3A_56)
    %scan3A_57 = arith.constant 0 : i32
    %scan3A_58 = arith.constant 125 : i32
    %scan3A_59 = arith.addi %scan3A_57, %scan3A_58 : i32
    %scan3A_60 = arith.constant 1 : i32
    scf.for %scan3A_84 = %scan3A_57 to %scan3A_59 step %scan3A_60  : i32 {
      %dma_start3A = arith.constant 0 : i32
      %dma_start3A_85 = tpu.memref_slice %arg9[%scan3A_84, %dma_start3A] : memref<125x80xi32, #tpu.memory_space<vmem>> -> memref<1x80xi32, #tpu.memory_space<vmem>>
      %dma_start3A_86 = tpu.memref_squeeze %dma_start3A_85 : memref<1x80xi32, #tpu.memory_space<vmem>> -> memref<80xi32, #tpu.memory_space<vmem>>
      %dma_start3A_87 = arith.constant 0 : i32
      %dma_start3A_88 = tpu.memref_slice %arg8[%dma_start3A_87] : memref<10240xf32, #tpu.memory_space<vmem_shared>> -> memref<10240xf32, #tpu.memory_space<vmem_shared>>
      tpu.enqueue_indirect_dma source(%arg10 : memref<80xf32, #tpu.memory_space<vmem>>) target(%dma_start3A_88 : memref<10240xf32, #tpu.memory_space<vmem_shared>>) offsets(%dma_start3A_86 : memref<80xi32, #tpu.memory_space<vmem>>) semaphore(%arg11 : memref<!tpu.dma_semaphore, #tpu.memory_space<semaphore_mem>>) {add = true}
    }
    %scan3A_61 = arith.constant 125 : i32
    %scan3A_62 = arith.constant 0 : i32
    %scan3A_63 = arith.constant 125 : i32
    %scan3A_64 = arith.addi %scan3A_62, %scan3A_63 : i32
    %scan3A_65 = arith.constant 1 : i32
    scf.for %scan3A_84 = %scan3A_62 to %scan3A_64 step %scan3A_65  : i32 {
      %dma_wait3A = arith.constant 0 : i32
      %dma_wait3A_85 = arith.constant 0 : i32
      %dma_wait3A_86 = tpu.memref_slice %arg9[%dma_wait3A, %dma_wait3A_85] : memref<125x80xi32, #tpu.memory_space<vmem>> -> memref<1x80xi32, #tpu.memory_space<vmem>>
      %dma_wait3A_87 = tpu.memref_squeeze %dma_wait3A_86 : memref<1x80xi32, #tpu.memory_space<vmem>> -> memref<80xi32, #tpu.memory_space<vmem>>
      %dma_wait3A_88 = arith.constant 0 : i32
      %dma_wait3A_89 = tpu.memref_slice %arg8[%dma_wait3A_88] : memref<10240xf32, #tpu.memory_space<vmem_shared>> -> memref<10240xf32, #tpu.memory_space<vmem_shared>>
      tpu.wait_indirect_dma semaphore(%arg11 : memref<!tpu.dma_semaphore, #tpu.memory_space<semaphore_mem>>) src(%arg10 : memref<80xf32, #tpu.memory_space<vmem>>) dst(%dma_wait3A_89 : memref<10240xf32, #tpu.memory_space<vmem_shared>>)
    }
    %scan3A_66 = arith.constant 125 : i32
    %barrier3A_67 = arith.constant 0 : index
    tpu.barrier barrier_id(%barrier3A_67)
    %run_scoped3A_68 = arith.constant 2 : i32
    "tpu.region"() ({
      %run_scoped3A_84 = tpu.sem_alloc : memref<!tpu.dma_semaphore, #tpu.memory_space<semaphore_mem>>
      %dma_start3A = tpu.memref_slice %arg7[%run_scoped3A_68, %arg0, %mul3A_2] : memref<4x2x10240xf32, #tpu.memory_space<hbm>> -> memref<1x1x640xf32, #tpu.memory_space<hbm>>
      %dma_start3A_85 = tpu.memref_squeeze %dma_start3A : memref<1x1x640xf32, #tpu.memory_space<hbm>> -> memref<640xf32, #tpu.memory_space<hbm>>
      %dma_start3A_86 = tpu.memref_slice %arg8[%mul3A_2] : memref<10240xf32, #tpu.memory_space<vmem_shared>> -> memref<640xf32, #tpu.memory_space<vmem_shared>>
      tpu.enqueue_dma source(%dma_start3A_86 : memref<640xf32, #tpu.memory_space<vmem_shared>>) target(%dma_start3A_85 : memref<640xf32, #tpu.memory_space<hbm>>) target_semaphore(%run_scoped3A_84 : memref<!tpu.dma_semaphore, #tpu.memory_space<semaphore_mem>>)
      %dma_wait3A = tpu.memref_slice %arg7[%run_scoped3A_68, %arg0, %mul3A_2] : memref<4x2x10240xf32, #tpu.memory_space<hbm>> -> memref<1x1x640xf32, #tpu.memory_space<hbm>>
      %dma_wait3A_87 = tpu.memref_squeeze %dma_wait3A : memref<1x1x640xf32, #tpu.memory_space<hbm>> -> memref<640xf32, #tpu.memory_space<hbm>>
      %dma_wait3A_88 = tpu.memref_slice %arg8[%mul3A_2] : memref<10240xf32, #tpu.memory_space<vmem_shared>> -> memref<640xf32, #tpu.memory_space<vmem_shared>>
      tpu.wait_dma2 semaphore(%run_scoped3A_84 : memref<!tpu.dma_semaphore, #tpu.memory_space<semaphore_mem>>) src(%dma_wait3A_88 : memref<640xf32, #tpu.memory_space<vmem_shared>>) dst(%dma_wait3A_87 : memref<640xf32, #tpu.memory_space<hbm>>)
      tpu.yield
    }) : () -> ()
    %barrier3A_69 = arith.constant 0 : index
    tpu.barrier barrier_id(%barrier3A_69)
    "tpu.region"() ({
      %run_scoped3A_84 = tpu.sem_alloc : memref<!tpu.dma_semaphore, #tpu.memory_space<semaphore_mem>>
      %dma_start3A = tpu.memref_slice %arg8[%mul3A_2] : memref<10240xf32, #tpu.memory_space<vmem_shared>> -> memref<640xf32, #tpu.memory_space<vmem_shared>>
      %dma_start3A_85 = tpu.memref_slice %arg6[%mul3A_2] : memref<10240xf32, #tpu.memory_space<hbm>> -> memref<640xf32, #tpu.memory_space<hbm>>
      tpu.enqueue_dma source(%dma_start3A_85 : memref<640xf32, #tpu.memory_space<hbm>>) target(%dma_start3A : memref<640xf32, #tpu.memory_space<vmem_shared>>) target_semaphore(%run_scoped3A_84 : memref<!tpu.dma_semaphore, #tpu.memory_space<semaphore_mem>>)
      %dma_wait3A = tpu.memref_slice %arg8[%mul3A_2] : memref<10240xf32, #tpu.memory_space<vmem_shared>> -> memref<640xf32, #tpu.memory_space<vmem_shared>>
      %dma_wait3A_86 = tpu.memref_slice %arg6[%mul3A_2] : memref<10240xf32, #tpu.memory_space<hbm>> -> memref<640xf32, #tpu.memory_space<hbm>>
      tpu.wait_dma2 semaphore(%run_scoped3A_84 : memref<!tpu.dma_semaphore, #tpu.memory_space<semaphore_mem>>) src(%dma_wait3A_86 : memref<640xf32, #tpu.memory_space<hbm>>) dst(%dma_wait3A : memref<640xf32, #tpu.memory_space<vmem_shared>>)
      tpu.yield
    }) : () -> ()
    "tpu.region"() ({
      %run_scoped3A_84 = tpu.sem_alloc : memref<!tpu.dma_semaphore, #tpu.memory_space<semaphore_mem>>
      %dma_start3A = arith.constant 0 : i32
      %dma_start3A_85 = arith.constant 0 : i32
      %dma_start3A_86 = tpu.memref_slice %arg5[%add3A, %dma_start3A, %dma_start3A_85] : memref<32x125x80xi32, #tpu.memory_space<hbm>> -> memref<1x125x80xi32, #tpu.memory_space<hbm>>
      %dma_start3A_87 = tpu.memref_squeeze %dma_start3A_86 : memref<1x125x80xi32, #tpu.memory_space<hbm>> -> memref<125x80xi32, #tpu.memory_space<hbm>>
      %dma_start3A_88 = arith.constant 0 : i32
      %dma_start3A_89 = arith.constant 0 : i32
      %dma_start3A_90 = tpu.memref_slice %arg5[%add3A, %dma_start3A_88, %dma_start3A_89] : memref<32x125x80xi32, #tpu.memory_space<hbm>> -> memref<1x125x80xi32, #tpu.memory_space<hbm>>
      %dma_start3A_91 = tpu.memref_squeeze %dma_start3A_90 : memref<1x125x80xi32, #tpu.memory_space<hbm>> -> memref<125x80xi32, #tpu.memory_space<hbm>>
      tpu.enqueue_dma source(%dma_start3A_91 : memref<125x80xi32, #tpu.memory_space<hbm>>) target(%arg9 : memref<125x80xi32, #tpu.memory_space<vmem>>) target_semaphore(%run_scoped3A_84 : memref<!tpu.dma_semaphore, #tpu.memory_space<semaphore_mem>>)
      %dma_wait3A = arith.constant 0 : i32
      %dma_wait3A_92 = arith.constant 0 : i32
      %dma_wait3A_93 = tpu.memref_slice %arg5[%add3A, %dma_wait3A, %dma_wait3A_92] : memref<32x125x80xi32, #tpu.memory_space<hbm>> -> memref<1x125x80xi32, #tpu.memory_space<hbm>>
      %dma_wait3A_94 = tpu.memref_squeeze %dma_wait3A_93 : memref<1x125x80xi32, #tpu.memory_space<hbm>> -> memref<125x80xi32, #tpu.memory_space<hbm>>
      %dma_wait3A_95 = arith.constant 0 : i32
      %dma_wait3A_96 = arith.constant 0 : i32
      %dma_wait3A_97 = tpu.memref_slice %arg5[%add3A, %dma_wait3A_95, %dma_wait3A_96] : memref<32x125x80xi32, #tpu.memory_space<hbm>> -> memref<1x125x80xi32, #tpu.memory_space<hbm>>
      %dma_wait3A_98 = tpu.memref_squeeze %dma_wait3A_97 : memref<1x125x80xi32, #tpu.memory_space<hbm>> -> memref<125x80xi32, #tpu.memory_space<hbm>>
      tpu.wait_dma2 semaphore(%run_scoped3A_84 : memref<!tpu.dma_semaphore, #tpu.memory_space<semaphore_mem>>) src(%dma_wait3A_98 : memref<125x80xi32, #tpu.memory_space<hbm>>) dst(%arg9 : memref<125x80xi32, #tpu.memory_space<vmem>>)
      tpu.yield
    }) : () -> ()
    %barrier3A_70 = arith.constant 0 : index
    tpu.barrier barrier_id(%barrier3A_70)
    %scan3A_71 = arith.constant 0 : i32
    %scan3A_72 = arith.constant 125 : i32
    %scan3A_73 = arith.addi %scan3A_71, %scan3A_72 : i32
    %scan3A_74 = arith.constant 1 : i32
    scf.for %scan3A_84 = %scan3A_71 to %scan3A_73 step %scan3A_74  : i32 {
      %dma_start3A = arith.constant 0 : i32
      %dma_start3A_85 = tpu.memref_slice %arg9[%scan3A_84, %dma_start3A] : memref<125x80xi32, #tpu.memory_space<vmem>> -> memref<1x80xi32, #tpu.memory_space<vmem>>
      %dma_start3A_86 = tpu.memref_squeeze %dma_start3A_85 : memref<1x80xi32, #tpu.memory_space<vmem>> -> memref<80xi32, #tpu.memory_space<vmem>>
      %dma_start3A_87 = arith.constant 0 : i32
      %dma_start3A_88 = tpu.memref_slice %arg8[%dma_start3A_87] : memref<10240xf32, #tpu.memory_space<vmem_shared>> -> memref<10240xf32, #tpu.memory_space<vmem_shared>>
      tpu.enqueue_indirect_dma source(%arg10 : memref<80xf32, #tpu.memory_space<vmem>>) target(%dma_start3A_88 : memref<10240xf32, #tpu.memory_space<vmem_shared>>) offsets(%dma_start3A_86 : memref<80xi32, #tpu.memory_space<vmem>>) semaphore(%arg11 : memref<!tpu.dma_semaphore, #tpu.memory_space<semaphore_mem>>) {add = true}
    }
    %scan3A_75 = arith.constant 125 : i32
    %scan3A_76 = arith.constant 0 : i32
    %scan3A_77 = arith.constant 125 : i32
    %scan3A_78 = arith.addi %scan3A_76, %scan3A_77 : i32
    %scan3A_79 = arith.constant 1 : i32
    scf.for %scan3A_84 = %scan3A_76 to %scan3A_78 step %scan3A_79  : i32 {
      %dma_wait3A = arith.constant 0 : i32
      %dma_wait3A_85 = arith.constant 0 : i32
      %dma_wait3A_86 = tpu.memref_slice %arg9[%dma_wait3A, %dma_wait3A_85] : memref<125x80xi32, #tpu.memory_space<vmem>> -> memref<1x80xi32, #tpu.memory_space<vmem>>
      %dma_wait3A_87 = tpu.memref_squeeze %dma_wait3A_86 : memref<1x80xi32, #tpu.memory_space<vmem>> -> memref<80xi32, #tpu.memory_space<vmem>>
      %dma_wait3A_88 = arith.constant 0 : i32
      %dma_wait3A_89 = tpu.memref_slice %arg8[%dma_wait3A_88] : memref<10240xf32, #tpu.memory_space<vmem_shared>> -> memref<10240xf32, #tpu.memory_space<vmem_shared>>
      tpu.wait_indirect_dma semaphore(%arg11 : memref<!tpu.dma_semaphore, #tpu.memory_space<semaphore_mem>>) src(%arg10 : memref<80xf32, #tpu.memory_space<vmem>>) dst(%dma_wait3A_89 : memref<10240xf32, #tpu.memory_space<vmem_shared>>)
    }
    %scan3A_80 = arith.constant 125 : i32
    %barrier3A_81 = arith.constant 0 : index
    tpu.barrier barrier_id(%barrier3A_81)
    %run_scoped3A_82 = arith.constant 3 : i32
    "tpu.region"() ({
      %run_scoped3A_84 = tpu.sem_alloc : memref<!tpu.dma_semaphore, #tpu.memory_space<semaphore_mem>>
      %dma_start3A = tpu.memref_slice %arg7[%run_scoped3A_82, %arg0, %mul3A_2] : memref<4x2x10240xf32, #tpu.memory_space<hbm>> -> memref<1x1x640xf32, #tpu.memory_space<hbm>>
      %dma_start3A_85 = tpu.memref_squeeze %dma_start3A : memref<1x1x640xf32, #tpu.memory_space<hbm>> -> memref<640xf32, #tpu.memory_space<hbm>>
      %dma_start3A_86 = tpu.memref_slice %arg8[%mul3A_2] : memref<10240xf32, #tpu.memory_space<vmem_shared>> -> memref<640xf32, #tpu.memory_space<vmem_shared>>
      tpu.enqueue_dma source(%dma_start3A_86 : memref<640xf32, #tpu.memory_space<vmem_shared>>) target(%dma_start3A_85 : memref<640xf32, #tpu.memory_space<hbm>>) target_semaphore(%run_scoped3A_84 : memref<!tpu.dma_semaphore, #tpu.memory_space<semaphore_mem>>)
      %dma_wait3A = tpu.memref_slice %arg7[%run_scoped3A_82, %arg0, %mul3A_2] : memref<4x2x10240xf32, #tpu.memory_space<hbm>> -> memref<1x1x640xf32, #tpu.memory_space<hbm>>
      %dma_wait3A_87 = tpu.memref_squeeze %dma_wait3A : memref<1x1x640xf32, #tpu.memory_space<hbm>> -> memref<640xf32, #tpu.memory_space<hbm>>
      %dma_wait3A_88 = tpu.memref_slice %arg8[%mul3A_2] : memref<10240xf32, #tpu.memory_space<vmem_shared>> -> memref<640xf32, #tpu.memory_space<vmem_shared>>
      tpu.wait_dma2 semaphore(%run_scoped3A_84 : memref<!tpu.dma_semaphore, #tpu.memory_space<semaphore_mem>>) src(%dma_wait3A_88 : memref<640xf32, #tpu.memory_space<vmem_shared>>) dst(%dma_wait3A_87 : memref<640xf32, #tpu.memory_space<hbm>>)
      tpu.yield
    }) : () -> ()
    %barrier3A_83 = arith.constant 0 : index
    tpu.barrier barrier_id(%barrier3A_83)
    return
  }
}

#map = affine_map<(d0, d1) -> (0, 0)>
#map1 = affine_map<(d0, d1) -> (0, 0, 0)>
module attributes {stable_mosaic.version = 14 : i64} {
  func.func @_prop_body(%arg0: i32, %arg1: i32, %arg2: memref<10000x128xf32, #tpu.memory_space<hbm>>, %arg3: memref<10000x128xf32, #tpu.memory_space<hbm>>, %arg4: memref<32x10000xi32, #tpu.memory_space<hbm>>, %arg5: memref<32x10000xi32, #tpu.memory_space<hbm>>, %arg6: memref<32x10000xi32, #tpu.memory_space<hbm>>, %arg7: memref<32x10000xi32, #tpu.memory_space<hbm>>, %arg8: memref<32x125x80xi32, #tpu.memory_space<hbm>>, %arg9: memref<32x125x80xi32, #tpu.memory_space<hbm>>, %arg10: memref<32x125x80xi32, #tpu.memory_space<hbm>>, %arg11: memref<32x125x80xi32, #tpu.memory_space<hbm>>, %arg12: memref<10240x128xf32, #tpu.memory_space<hbm>>, %arg13: memref<2x10240x128xf32, #tpu.memory_space<hbm>>, %arg14: memref<2x10240x128xf32, #tpu.memory_space<hbm>>, %arg15: memref<10240x128xf32, #tpu.memory_space<vmem_shared>>, %arg16: memref<10000xi32, #tpu.memory_space<vmem>>, %arg17: memref<125x80xi32, #tpu.memory_space<vmem>>, %arg18: memref<80x128xf32, #tpu.memory_space<vmem>>, %arg19: memref<80x128xf32, #tpu.memory_space<vmem>>, %arg20: memref<!tpu.dma_semaphore, #tpu.memory_space<semaphore_mem>>, %arg21: memref<!tpu.dma_semaphore, #tpu.memory_space<semaphore_mem>>) attributes {dimension_semantics = [#tpu.dimension_semantics<core_parallel>, #tpu.dimension_semantics<subcore_parallel>], iteration_bounds = array<i64: 2, 16>, scalar_prefetch = 0 : i64, scratch_operands = 7 : i64, tpu.core_type = #tpu.core_type<sc_vector_subcore>, window_params = [{transform_indices = #map}, {transform_indices = #map}, {transform_indices = #map}, {transform_indices = #map}, {transform_indices = #map}, {transform_indices = #map}, {transform_indices = #map1}, {transform_indices = #map1}, {transform_indices = #map1}, {transform_indices = #map1}, {transform_indices = #map}, {transform_indices = #map1}, {transform_indices = #map1}]} {
    %mul3A = arith.constant 16 : i32
    %mul3A_0 = arith.muli %arg0, %mul3A : i32
    %add3A = arith.addi %mul3A_0, %arg1 : i32
    %mul3A_1 = arith.constant 640 : i32
    %mul3A_2 = arith.muli %arg1, %mul3A_1 : i32
    %add3A_3 = arith.constant 0 : i32
    %add3A_4 = arith.addi %mul3A_2, %add3A_3 : i32
    "tpu.region"() ({
      %run_scoped3A_68 = tpu.sem_alloc : memref<!tpu.dma_semaphore, #tpu.memory_space<semaphore_mem>>
      %dma_start3A_69 = arith.constant 0 : i32
      %dma_start3A_70 = tpu.memref_slice %arg15[%add3A_4, %dma_start3A_69] : memref<10240x128xf32, #tpu.memory_space<vmem_shared>> -> memref<160x128xf32, #tpu.memory_space<vmem_shared>>
      %dma_start3A_71 = arith.constant 0 : i32
      %dma_start3A_72 = tpu.memref_slice %arg12[%add3A_4, %dma_start3A_71] : memref<10240x128xf32, #tpu.memory_space<hbm>> -> memref<160x128xf32, #tpu.memory_space<hbm>>
      tpu.enqueue_dma source(%dma_start3A_72 : memref<160x128xf32, #tpu.memory_space<hbm>>) target(%dma_start3A_70 : memref<160x128xf32, #tpu.memory_space<vmem_shared>>) target_semaphore(%run_scoped3A_68 : memref<!tpu.dma_semaphore, #tpu.memory_space<semaphore_mem>>)
      %dma_wait3A_73 = arith.constant 0 : i32
      %dma_wait3A_74 = tpu.memref_slice %arg15[%add3A_4, %dma_wait3A_73] : memref<10240x128xf32, #tpu.memory_space<vmem_shared>> -> memref<160x128xf32, #tpu.memory_space<vmem_shared>>
      %dma_wait3A_75 = arith.constant 0 : i32
      %dma_wait3A_76 = tpu.memref_slice %arg12[%add3A_4, %dma_wait3A_75] : memref<10240x128xf32, #tpu.memory_space<hbm>> -> memref<160x128xf32, #tpu.memory_space<hbm>>
      tpu.wait_dma2 semaphore(%run_scoped3A_68 : memref<!tpu.dma_semaphore, #tpu.memory_space<semaphore_mem>>) src(%dma_wait3A_76 : memref<160x128xf32, #tpu.memory_space<hbm>>) dst(%dma_wait3A_74 : memref<160x128xf32, #tpu.memory_space<vmem_shared>>)
      tpu.yield
    }) : () -> ()
    %add3A_5 = arith.constant 160 : i32
    %add3A_6 = arith.addi %mul3A_2, %add3A_5 : i32
    "tpu.region"() ({
      %run_scoped3A_68 = tpu.sem_alloc : memref<!tpu.dma_semaphore, #tpu.memory_space<semaphore_mem>>
      %dma_start3A_69 = arith.constant 0 : i32
      %dma_start3A_70 = tpu.memref_slice %arg15[%add3A_6, %dma_start3A_69] : memref<10240x128xf32, #tpu.memory_space<vmem_shared>> -> memref<160x128xf32, #tpu.memory_space<vmem_shared>>
      %dma_start3A_71 = arith.constant 0 : i32
      %dma_start3A_72 = tpu.memref_slice %arg12[%add3A_6, %dma_start3A_71] : memref<10240x128xf32, #tpu.memory_space<hbm>> -> memref<160x128xf32, #tpu.memory_space<hbm>>
      tpu.enqueue_dma source(%dma_start3A_72 : memref<160x128xf32, #tpu.memory_space<hbm>>) target(%dma_start3A_70 : memref<160x128xf32, #tpu.memory_space<vmem_shared>>) target_semaphore(%run_scoped3A_68 : memref<!tpu.dma_semaphore, #tpu.memory_space<semaphore_mem>>)
      %dma_wait3A_73 = arith.constant 0 : i32
      %dma_wait3A_74 = tpu.memref_slice %arg15[%add3A_6, %dma_wait3A_73] : memref<10240x128xf32, #tpu.memory_space<vmem_shared>> -> memref<160x128xf32, #tpu.memory_space<vmem_shared>>
      %dma_wait3A_75 = arith.constant 0 : i32
      %dma_wait3A_76 = tpu.memref_slice %arg12[%add3A_6, %dma_wait3A_75] : memref<10240x128xf32, #tpu.memory_space<hbm>> -> memref<160x128xf32, #tpu.memory_space<hbm>>
      tpu.wait_dma2 semaphore(%run_scoped3A_68 : memref<!tpu.dma_semaphore, #tpu.memory_space<semaphore_mem>>) src(%dma_wait3A_76 : memref<160x128xf32, #tpu.memory_space<hbm>>) dst(%dma_wait3A_74 : memref<160x128xf32, #tpu.memory_space<vmem_shared>>)
      tpu.yield
    }) : () -> ()
    %add3A_7 = arith.constant 320 : i32
    %add3A_8 = arith.addi %mul3A_2, %add3A_7 : i32
    "tpu.region"() ({
      %run_scoped3A_68 = tpu.sem_alloc : memref<!tpu.dma_semaphore, #tpu.memory_space<semaphore_mem>>
      %dma_start3A_69 = arith.constant 0 : i32
      %dma_start3A_70 = tpu.memref_slice %arg15[%add3A_8, %dma_start3A_69] : memref<10240x128xf32, #tpu.memory_space<vmem_shared>> -> memref<160x128xf32, #tpu.memory_space<vmem_shared>>
      %dma_start3A_71 = arith.constant 0 : i32
      %dma_start3A_72 = tpu.memref_slice %arg12[%add3A_8, %dma_start3A_71] : memref<10240x128xf32, #tpu.memory_space<hbm>> -> memref<160x128xf32, #tpu.memory_space<hbm>>
      tpu.enqueue_dma source(%dma_start3A_72 : memref<160x128xf32, #tpu.memory_space<hbm>>) target(%dma_start3A_70 : memref<160x128xf32, #tpu.memory_space<vmem_shared>>) target_semaphore(%run_scoped3A_68 : memref<!tpu.dma_semaphore, #tpu.memory_space<semaphore_mem>>)
      %dma_wait3A_73 = arith.constant 0 : i32
      %dma_wait3A_74 = tpu.memref_slice %arg15[%add3A_8, %dma_wait3A_73] : memref<10240x128xf32, #tpu.memory_space<vmem_shared>> -> memref<160x128xf32, #tpu.memory_space<vmem_shared>>
      %dma_wait3A_75 = arith.constant 0 : i32
      %dma_wait3A_76 = tpu.memref_slice %arg12[%add3A_8, %dma_wait3A_75] : memref<10240x128xf32, #tpu.memory_space<hbm>> -> memref<160x128xf32, #tpu.memory_space<hbm>>
      tpu.wait_dma2 semaphore(%run_scoped3A_68 : memref<!tpu.dma_semaphore, #tpu.memory_space<semaphore_mem>>) src(%dma_wait3A_76 : memref<160x128xf32, #tpu.memory_space<hbm>>) dst(%dma_wait3A_74 : memref<160x128xf32, #tpu.memory_space<vmem_shared>>)
      tpu.yield
    }) : () -> ()
    %add3A_9 = arith.constant 480 : i32
    %add3A_10 = arith.addi %mul3A_2, %add3A_9 : i32
    "tpu.region"() ({
      %run_scoped3A_68 = tpu.sem_alloc : memref<!tpu.dma_semaphore, #tpu.memory_space<semaphore_mem>>
      %dma_start3A_69 = arith.constant 0 : i32
      %dma_start3A_70 = tpu.memref_slice %arg15[%add3A_10, %dma_start3A_69] : memref<10240x128xf32, #tpu.memory_space<vmem_shared>> -> memref<160x128xf32, #tpu.memory_space<vmem_shared>>
      %dma_start3A_71 = arith.constant 0 : i32
      %dma_start3A_72 = tpu.memref_slice %arg12[%add3A_10, %dma_start3A_71] : memref<10240x128xf32, #tpu.memory_space<hbm>> -> memref<160x128xf32, #tpu.memory_space<hbm>>
      tpu.enqueue_dma source(%dma_start3A_72 : memref<160x128xf32, #tpu.memory_space<hbm>>) target(%dma_start3A_70 : memref<160x128xf32, #tpu.memory_space<vmem_shared>>) target_semaphore(%run_scoped3A_68 : memref<!tpu.dma_semaphore, #tpu.memory_space<semaphore_mem>>)
      %dma_wait3A_73 = arith.constant 0 : i32
      %dma_wait3A_74 = tpu.memref_slice %arg15[%add3A_10, %dma_wait3A_73] : memref<10240x128xf32, #tpu.memory_space<vmem_shared>> -> memref<160x128xf32, #tpu.memory_space<vmem_shared>>
      %dma_wait3A_75 = arith.constant 0 : i32
      %dma_wait3A_76 = tpu.memref_slice %arg12[%add3A_10, %dma_wait3A_75] : memref<10240x128xf32, #tpu.memory_space<hbm>> -> memref<160x128xf32, #tpu.memory_space<hbm>>
      tpu.wait_dma2 semaphore(%run_scoped3A_68 : memref<!tpu.dma_semaphore, #tpu.memory_space<semaphore_mem>>) src(%dma_wait3A_76 : memref<160x128xf32, #tpu.memory_space<hbm>>) dst(%dma_wait3A_74 : memref<160x128xf32, #tpu.memory_space<vmem_shared>>)
      tpu.yield
    }) : () -> ()
    "tpu.region"() ({
      %run_scoped3A_68 = tpu.sem_alloc : memref<!tpu.dma_semaphore, #tpu.memory_space<semaphore_mem>>
      %dma_start3A_69 = arith.constant 0 : i32
      %dma_start3A_70 = tpu.memref_slice %arg5[%add3A, %dma_start3A_69] : memref<32x10000xi32, #tpu.memory_space<hbm>> -> memref<1x10000xi32, #tpu.memory_space<hbm>>
      %dma_start3A_71 = tpu.memref_squeeze %dma_start3A_70 : memref<1x10000xi32, #tpu.memory_space<hbm>> -> memref<10000xi32, #tpu.memory_space<hbm>>
      %dma_start3A_72 = arith.constant 0 : i32
      %dma_start3A_73 = tpu.memref_slice %arg5[%add3A, %dma_start3A_72] : memref<32x10000xi32, #tpu.memory_space<hbm>> -> memref<1x10000xi32, #tpu.memory_space<hbm>>
      %dma_start3A_74 = tpu.memref_squeeze %dma_start3A_73 : memref<1x10000xi32, #tpu.memory_space<hbm>> -> memref<10000xi32, #tpu.memory_space<hbm>>
      tpu.enqueue_dma source(%dma_start3A_74 : memref<10000xi32, #tpu.memory_space<hbm>>) target(%arg16 : memref<10000xi32, #tpu.memory_space<vmem>>) target_semaphore(%run_scoped3A_68 : memref<!tpu.dma_semaphore, #tpu.memory_space<semaphore_mem>>)
      %dma_wait3A_75 = arith.constant 0 : i32
      %dma_wait3A_76 = tpu.memref_slice %arg5[%add3A, %dma_wait3A_75] : memref<32x10000xi32, #tpu.memory_space<hbm>> -> memref<1x10000xi32, #tpu.memory_space<hbm>>
      %dma_wait3A_77 = tpu.memref_squeeze %dma_wait3A_76 : memref<1x10000xi32, #tpu.memory_space<hbm>> -> memref<10000xi32, #tpu.memory_space<hbm>>
      %dma_wait3A_78 = arith.constant 0 : i32
      %dma_wait3A_79 = tpu.memref_slice %arg5[%add3A, %dma_wait3A_78] : memref<32x10000xi32, #tpu.memory_space<hbm>> -> memref<1x10000xi32, #tpu.memory_space<hbm>>
      %dma_wait3A_80 = tpu.memref_squeeze %dma_wait3A_79 : memref<1x10000xi32, #tpu.memory_space<hbm>> -> memref<10000xi32, #tpu.memory_space<hbm>>
      tpu.wait_dma2 semaphore(%run_scoped3A_68 : memref<!tpu.dma_semaphore, #tpu.memory_space<semaphore_mem>>) src(%dma_wait3A_80 : memref<10000xi32, #tpu.memory_space<hbm>>) dst(%arg16 : memref<10000xi32, #tpu.memory_space<vmem>>)
      tpu.yield
    }) : () -> ()
    "tpu.region"() ({
      %run_scoped3A_68 = tpu.sem_alloc : memref<!tpu.dma_semaphore, #tpu.memory_space<semaphore_mem>>
      %dma_start3A_69 = arith.constant 0 : i32
      %dma_start3A_70 = arith.constant 0 : i32
      %dma_start3A_71 = tpu.memref_slice %arg8[%add3A, %dma_start3A_69, %dma_start3A_70] : memref<32x125x80xi32, #tpu.memory_space<hbm>> -> memref<1x125x80xi32, #tpu.memory_space<hbm>>
      %dma_start3A_72 = tpu.memref_squeeze %dma_start3A_71 : memref<1x125x80xi32, #tpu.memory_space<hbm>> -> memref<125x80xi32, #tpu.memory_space<hbm>>
      %dma_start3A_73 = arith.constant 0 : i32
      %dma_start3A_74 = arith.constant 0 : i32
      %dma_start3A_75 = tpu.memref_slice %arg8[%add3A, %dma_start3A_73, %dma_start3A_74] : memref<32x125x80xi32, #tpu.memory_space<hbm>> -> memref<1x125x80xi32, #tpu.memory_space<hbm>>
      %dma_start3A_76 = tpu.memref_squeeze %dma_start3A_75 : memref<1x125x80xi32, #tpu.memory_space<hbm>> -> memref<125x80xi32, #tpu.memory_space<hbm>>
      tpu.enqueue_dma source(%dma_start3A_76 : memref<125x80xi32, #tpu.memory_space<hbm>>) target(%arg17 : memref<125x80xi32, #tpu.memory_space<vmem>>) target_semaphore(%run_scoped3A_68 : memref<!tpu.dma_semaphore, #tpu.memory_space<semaphore_mem>>)
      %dma_wait3A_77 = arith.constant 0 : i32
      %dma_wait3A_78 = arith.constant 0 : i32
      %dma_wait3A_79 = tpu.memref_slice %arg8[%add3A, %dma_wait3A_77, %dma_wait3A_78] : memref<32x125x80xi32, #tpu.memory_space<hbm>> -> memref<1x125x80xi32, #tpu.memory_space<hbm>>
      %dma_wait3A_80 = tpu.memref_squeeze %dma_wait3A_79 : memref<1x125x80xi32, #tpu.memory_space<hbm>> -> memref<125x80xi32, #tpu.memory_space<hbm>>
      %dma_wait3A_81 = arith.constant 0 : i32
      %dma_wait3A_82 = arith.constant 0 : i32
      %dma_wait3A_83 = tpu.memref_slice %arg8[%add3A, %dma_wait3A_81, %dma_wait3A_82] : memref<32x125x80xi32, #tpu.memory_space<hbm>> -> memref<1x125x80xi32, #tpu.memory_space<hbm>>
      %dma_wait3A_84 = tpu.memref_squeeze %dma_wait3A_83 : memref<1x125x80xi32, #tpu.memory_space<hbm>> -> memref<125x80xi32, #tpu.memory_space<hbm>>
      tpu.wait_dma2 semaphore(%run_scoped3A_68 : memref<!tpu.dma_semaphore, #tpu.memory_space<semaphore_mem>>) src(%dma_wait3A_84 : memref<125x80xi32, #tpu.memory_space<hbm>>) dst(%arg17 : memref<125x80xi32, #tpu.memory_space<vmem>>)
      tpu.yield
    }) : () -> ()
    %barrier3A = arith.constant 0 : index
    tpu.barrier barrier_id(%barrier3A)
    %dma_start3A = arith.constant 0 : i32
    %dma_start3A_11 = tpu.memref_slice %arg16[%dma_start3A] : memref<10000xi32, #tpu.memory_space<vmem>> -> memref<80xi32, #tpu.memory_space<vmem>>
    %dma_start3A_12 = arith.constant 0 : i32
    %dma_start3A_13 = arith.constant 0 : i32
    %dma_start3A_14 = tpu.memref_slice %arg2[%dma_start3A_12, %dma_start3A_13] : memref<10000x128xf32, #tpu.memory_space<hbm>> -> memref<10000x128xf32, #tpu.memory_space<hbm>>
    tpu.enqueue_indirect_dma source(%dma_start3A_14 : memref<10000x128xf32, #tpu.memory_space<hbm>>) target(%arg18 : memref<80x128xf32, #tpu.memory_space<vmem>>) offsets(%dma_start3A_11 : memref<80xi32, #tpu.memory_space<vmem>>) semaphore(%arg20 : memref<!tpu.dma_semaphore, #tpu.memory_space<semaphore_mem>>)
    %scan3A = arith.constant 0 : i32
    %scan3A_15 = arith.constant 62 : i32
    %scan3A_16 = arith.addi %scan3A, %scan3A_15 : i32
    %scan3A_17 = arith.constant 1 : i32
    scf.for %scan3A_68 = %scan3A to %scan3A_16 step %scan3A_17  : i32 {
      %mul3A_69 = arith.constant 2 : i32
      %mul3A_70 = arith.muli %mul3A_69, %scan3A_68 : i32
      %add3A_71 = arith.constant 1 : i32
      %add3A_72 = arith.addi %mul3A_70, %add3A_71 : i32
      %mul3A_73 = arith.constant 2 : i32
      %mul3A_74 = arith.muli %mul3A_73, %scan3A_68 : i32
      %add3A_75 = arith.constant 2 : i32
      %add3A_76 = arith.addi %mul3A_74, %add3A_75 : i32
      %dma_wait3A_77 = arith.constant 0 : i32
      %dma_wait3A_78 = tpu.memref_slice %arg16[%dma_wait3A_77] : memref<10000xi32, #tpu.memory_space<vmem>> -> memref<80xi32, #tpu.memory_space<vmem>>
      %dma_wait3A_79 = arith.constant 0 : i32
      %dma_wait3A_80 = arith.constant 0 : i32
      %dma_wait3A_81 = tpu.memref_slice %arg2[%dma_wait3A_79, %dma_wait3A_80] : memref<10000x128xf32, #tpu.memory_space<hbm>> -> memref<10000x128xf32, #tpu.memory_space<hbm>>
      tpu.wait_indirect_dma semaphore(%arg20 : memref<!tpu.dma_semaphore, #tpu.memory_space<semaphore_mem>>) src(%dma_wait3A_81 : memref<10000x128xf32, #tpu.memory_space<hbm>>) dst(%arg18 : memref<80x128xf32, #tpu.memory_space<vmem>>)
      %mul3A_82 = arith.constant 80 : i32
      %mul3A_83 = arith.muli %add3A_72, %mul3A_82 : i32
      %dma_start3A_84 = tpu.memref_slice %arg16[%mul3A_83] : memref<10000xi32, #tpu.memory_space<vmem>> -> memref<80xi32, #tpu.memory_space<vmem>>
      %dma_start3A_85 = arith.constant 0 : i32
      %dma_start3A_86 = arith.constant 0 : i32
      %dma_start3A_87 = tpu.memref_slice %arg2[%dma_start3A_85, %dma_start3A_86] : memref<10000x128xf32, #tpu.memory_space<hbm>> -> memref<10000x128xf32, #tpu.memory_space<hbm>>
      tpu.enqueue_indirect_dma source(%dma_start3A_87 : memref<10000x128xf32, #tpu.memory_space<hbm>>) target(%arg19 : memref<80x128xf32, #tpu.memory_space<vmem>>) offsets(%dma_start3A_84 : memref<80xi32, #tpu.memory_space<vmem>>) semaphore(%arg21 : memref<!tpu.dma_semaphore, #tpu.memory_space<semaphore_mem>>)
      %mul3A_88 = arith.constant 2 : i32
      %mul3A_89 = arith.muli %mul3A_88, %scan3A_68 : i32
      "tpu.region"() ({
        %run_scoped3A_101 = tpu.sem_alloc : memref<!tpu.dma_semaphore, #tpu.memory_space<semaphore_mem>>
        %dma_start3A_102 = arith.constant 0 : i32
        %dma_start3A_103 = tpu.memref_slice %arg17[%mul3A_89, %dma_start3A_102] : memref<125x80xi32, #tpu.memory_space<vmem>> -> memref<1x80xi32, #tpu.memory_space<vmem>>
        %dma_start3A_104 = tpu.memref_squeeze %dma_start3A_103 : memref<1x80xi32, #tpu.memory_space<vmem>> -> memref<80xi32, #tpu.memory_space<vmem>>
        %dma_start3A_105 = arith.constant 0 : i32
        %dma_start3A_106 = arith.constant 0 : i32
        %dma_start3A_107 = tpu.memref_slice %arg15[%dma_start3A_105, %dma_start3A_106] : memref<10240x128xf32, #tpu.memory_space<vmem_shared>> -> memref<10240x128xf32, #tpu.memory_space<vmem_shared>>
        tpu.enqueue_indirect_dma source(%arg18 : memref<80x128xf32, #tpu.memory_space<vmem>>) target(%dma_start3A_107 : memref<10240x128xf32, #tpu.memory_space<vmem_shared>>) offsets(%dma_start3A_104 : memref<80xi32, #tpu.memory_space<vmem>>) semaphore(%run_scoped3A_101 : memref<!tpu.dma_semaphore, #tpu.memory_space<semaphore_mem>>) {add = true}
        %dma_wait3A_108 = arith.constant 0 : i32
        %dma_wait3A_109 = tpu.memref_slice %arg17[%mul3A_89, %dma_wait3A_108] : memref<125x80xi32, #tpu.memory_space<vmem>> -> memref<1x80xi32, #tpu.memory_space<vmem>>
        %dma_wait3A_110 = tpu.memref_squeeze %dma_wait3A_109 : memref<1x80xi32, #tpu.memory_space<vmem>> -> memref<80xi32, #tpu.memory_space<vmem>>
        %dma_wait3A_111 = arith.constant 0 : i32
        %dma_wait3A_112 = arith.constant 0 : i32
        %dma_wait3A_113 = tpu.memref_slice %arg15[%dma_wait3A_111, %dma_wait3A_112] : memref<10240x128xf32, #tpu.memory_space<vmem_shared>> -> memref<10240x128xf32, #tpu.memory_space<vmem_shared>>
        tpu.wait_indirect_dma semaphore(%run_scoped3A_101 : memref<!tpu.dma_semaphore, #tpu.memory_space<semaphore_mem>>) src(%arg18 : memref<80x128xf32, #tpu.memory_space<vmem>>) dst(%dma_wait3A_113 : memref<10240x128xf32, #tpu.memory_space<vmem_shared>>)
        tpu.yield
      }) : () -> ()
      %dma_wait3A_90 = arith.constant 0 : i32
      %dma_wait3A_91 = tpu.memref_slice %arg16[%dma_wait3A_90] : memref<10000xi32, #tpu.memory_space<vmem>> -> memref<80xi32, #tpu.memory_space<vmem>>
      %dma_wait3A_92 = arith.constant 0 : i32
      %dma_wait3A_93 = arith.constant 0 : i32
      %dma_wait3A_94 = tpu.memref_slice %arg2[%dma_wait3A_92, %dma_wait3A_93] : memref<10000x128xf32, #tpu.memory_space<hbm>> -> memref<10000x128xf32, #tpu.memory_space<hbm>>
      tpu.wait_indirect_dma semaphore(%arg21 : memref<!tpu.dma_semaphore, #tpu.memory_space<semaphore_mem>>) src(%dma_wait3A_94 : memref<10000x128xf32, #tpu.memory_space<hbm>>) dst(%arg19 : memref<80x128xf32, #tpu.memory_space<vmem>>)
      %mul3A_95 = arith.constant 80 : i32
      %mul3A_96 = arith.muli %add3A_76, %mul3A_95 : i32
      %dma_start3A_97 = tpu.memref_slice %arg16[%mul3A_96] : memref<10000xi32, #tpu.memory_space<vmem>> -> memref<80xi32, #tpu.memory_space<vmem>>
      %dma_start3A_98 = arith.constant 0 : i32
      %dma_start3A_99 = arith.constant 0 : i32
      %dma_start3A_100 = tpu.memref_slice %arg2[%dma_start3A_98, %dma_start3A_99] : memref<10000x128xf32, #tpu.memory_space<hbm>> -> memref<10000x128xf32, #tpu.memory_space<hbm>>
      tpu.enqueue_indirect_dma source(%dma_start3A_100 : memref<10000x128xf32, #tpu.memory_space<hbm>>) target(%arg18 : memref<80x128xf32, #tpu.memory_space<vmem>>) offsets(%dma_start3A_97 : memref<80xi32, #tpu.memory_space<vmem>>) semaphore(%arg20 : memref<!tpu.dma_semaphore, #tpu.memory_space<semaphore_mem>>)
      "tpu.region"() ({
        %run_scoped3A_101 = tpu.sem_alloc : memref<!tpu.dma_semaphore, #tpu.memory_space<semaphore_mem>>
        %dma_start3A_102 = arith.constant 0 : i32
        %dma_start3A_103 = tpu.memref_slice %arg17[%add3A_72, %dma_start3A_102] : memref<125x80xi32, #tpu.memory_space<vmem>> -> memref<1x80xi32, #tpu.memory_space<vmem>>
        %dma_start3A_104 = tpu.memref_squeeze %dma_start3A_103 : memref<1x80xi32, #tpu.memory_space<vmem>> -> memref<80xi32, #tpu.memory_space<vmem>>
        %dma_start3A_105 = arith.constant 0 : i32
        %dma_start3A_106 = arith.constant 0 : i32
        %dma_start3A_107 = tpu.memref_slice %arg15[%dma_start3A_105, %dma_start3A_106] : memref<10240x128xf32, #tpu.memory_space<vmem_shared>> -> memref<10240x128xf32, #tpu.memory_space<vmem_shared>>
        tpu.enqueue_indirect_dma source(%arg19 : memref<80x128xf32, #tpu.memory_space<vmem>>) target(%dma_start3A_107 : memref<10240x128xf32, #tpu.memory_space<vmem_shared>>) offsets(%dma_start3A_104 : memref<80xi32, #tpu.memory_space<vmem>>) semaphore(%run_scoped3A_101 : memref<!tpu.dma_semaphore, #tpu.memory_space<semaphore_mem>>) {add = true}
        %dma_wait3A_108 = arith.constant 0 : i32
        %dma_wait3A_109 = tpu.memref_slice %arg17[%add3A_72, %dma_wait3A_108] : memref<125x80xi32, #tpu.memory_space<vmem>> -> memref<1x80xi32, #tpu.memory_space<vmem>>
        %dma_wait3A_110 = tpu.memref_squeeze %dma_wait3A_109 : memref<1x80xi32, #tpu.memory_space<vmem>> -> memref<80xi32, #tpu.memory_space<vmem>>
        %dma_wait3A_111 = arith.constant 0 : i32
        %dma_wait3A_112 = arith.constant 0 : i32
        %dma_wait3A_113 = tpu.memref_slice %arg15[%dma_wait3A_111, %dma_wait3A_112] : memref<10240x128xf32, #tpu.memory_space<vmem_shared>> -> memref<10240x128xf32, #tpu.memory_space<vmem_shared>>
        tpu.wait_indirect_dma semaphore(%run_scoped3A_101 : memref<!tpu.dma_semaphore, #tpu.memory_space<semaphore_mem>>) src(%arg19 : memref<80x128xf32, #tpu.memory_space<vmem>>) dst(%dma_wait3A_113 : memref<10240x128xf32, #tpu.memory_space<vmem_shared>>)
        tpu.yield
      }) : () -> ()
    }
    %scan3A_18 = arith.constant 62 : i32
    %dma_wait3A = arith.constant 0 : i32
    %dma_wait3A_19 = tpu.memref_slice %arg16[%dma_wait3A] : memref<10000xi32, #tpu.memory_space<vmem>> -> memref<80xi32, #tpu.memory_space<vmem>>
    %dma_wait3A_20 = arith.constant 0 : i32
    %dma_wait3A_21 = arith.constant 0 : i32
    %dma_wait3A_22 = tpu.memref_slice %arg2[%dma_wait3A_20, %dma_wait3A_21] : memref<10000x128xf32, #tpu.memory_space<hbm>> -> memref<10000x128xf32, #tpu.memory_space<hbm>>
    tpu.wait_indirect_dma semaphore(%arg20 : memref<!tpu.dma_semaphore, #tpu.memory_space<semaphore_mem>>) src(%dma_wait3A_22 : memref<10000x128xf32, #tpu.memory_space<hbm>>) dst(%arg18 : memref<80x128xf32, #tpu.memory_space<vmem>>)
    %run_scoped3A = arith.constant 124 : i32
    "tpu.region"() ({
      %run_scoped3A_68 = tpu.sem_alloc : memref<!tpu.dma_semaphore, #tpu.memory_space<semaphore_mem>>
      %dma_start3A_69 = arith.constant 0 : i32
      %dma_start3A_70 = tpu.memref_slice %arg17[%run_scoped3A, %dma_start3A_69] : memref<125x80xi32, #tpu.memory_space<vmem>> -> memref<1x80xi32, #tpu.memory_space<vmem>>
      %dma_start3A_71 = tpu.memref_squeeze %dma_start3A_70 : memref<1x80xi32, #tpu.memory_space<vmem>> -> memref<80xi32, #tpu.memory_space<vmem>>
      %dma_start3A_72 = arith.constant 0 : i32
      %dma_start3A_73 = arith.constant 0 : i32
      %dma_start3A_74 = tpu.memref_slice %arg15[%dma_start3A_72, %dma_start3A_73] : memref<10240x128xf32, #tpu.memory_space<vmem_shared>> -> memref<10240x128xf32, #tpu.memory_space<vmem_shared>>
      tpu.enqueue_indirect_dma source(%arg18 : memref<80x128xf32, #tpu.memory_space<vmem>>) target(%dma_start3A_74 : memref<10240x128xf32, #tpu.memory_space<vmem_shared>>) offsets(%dma_start3A_71 : memref<80xi32, #tpu.memory_space<vmem>>) semaphore(%run_scoped3A_68 : memref<!tpu.dma_semaphore, #tpu.memory_space<semaphore_mem>>) {add = true}
      %dma_wait3A_75 = arith.constant 0 : i32
      %dma_wait3A_76 = tpu.memref_slice %arg17[%run_scoped3A, %dma_wait3A_75] : memref<125x80xi32, #tpu.memory_space<vmem>> -> memref<1x80xi32, #tpu.memory_space<vmem>>
      %dma_wait3A_77 = tpu.memref_squeeze %dma_wait3A_76 : memref<1x80xi32, #tpu.memory_space<vmem>> -> memref<80xi32, #tpu.memory_space<vmem>>
      %dma_wait3A_78 = arith.constant 0 : i32
      %dma_wait3A_79 = arith.constant 0 : i32
      %dma_wait3A_80 = tpu.memref_slice %arg15[%dma_wait3A_78, %dma_wait3A_79] : memref<10240x128xf32, #tpu.memory_space<vmem_shared>> -> memref<10240x128xf32, #tpu.memory_space<vmem_shared>>
      tpu.wait_indirect_dma semaphore(%run_scoped3A_68 : memref<!tpu.dma_semaphore, #tpu.memory_space<semaphore_mem>>) src(%arg18 : memref<80x128xf32, #tpu.memory_space<vmem>>) dst(%dma_wait3A_80 : memref<10240x128xf32, #tpu.memory_space<vmem_shared>>)
      tpu.yield
    }) : () -> ()
    %barrier3A_23 = arith.constant 0 : index
    tpu.barrier barrier_id(%barrier3A_23)
    %add3A_24 = arith.constant 0 : i32
    %add3A_25 = arith.addi %mul3A_2, %add3A_24 : i32
    "tpu.region"() ({
      %run_scoped3A_68 = tpu.sem_alloc : memref<!tpu.dma_semaphore, #tpu.memory_space<semaphore_mem>>
      %dma_start3A_69 = arith.constant 0 : i32
      %dma_start3A_70 = tpu.memref_slice %arg13[%arg0, %add3A_25, %dma_start3A_69] : memref<2x10240x128xf32, #tpu.memory_space<hbm>> -> memref<1x160x128xf32, #tpu.memory_space<hbm>>
      %dma_start3A_71 = tpu.memref_squeeze %dma_start3A_70 : memref<1x160x128xf32, #tpu.memory_space<hbm>> -> memref<160x128xf32, #tpu.memory_space<hbm>>
      %dma_start3A_72 = arith.constant 0 : i32
      %dma_start3A_73 = tpu.memref_slice %arg15[%add3A_25, %dma_start3A_72] : memref<10240x128xf32, #tpu.memory_space<vmem_shared>> -> memref<160x128xf32, #tpu.memory_space<vmem_shared>>
      tpu.enqueue_dma source(%dma_start3A_73 : memref<160x128xf32, #tpu.memory_space<vmem_shared>>) target(%dma_start3A_71 : memref<160x128xf32, #tpu.memory_space<hbm>>) target_semaphore(%run_scoped3A_68 : memref<!tpu.dma_semaphore, #tpu.memory_space<semaphore_mem>>)
      %dma_wait3A_74 = arith.constant 0 : i32
      %dma_wait3A_75 = tpu.memref_slice %arg13[%arg0, %add3A_25, %dma_wait3A_74] : memref<2x10240x128xf32, #tpu.memory_space<hbm>> -> memref<1x160x128xf32, #tpu.memory_space<hbm>>
      %dma_wait3A_76 = tpu.memref_squeeze %dma_wait3A_75 : memref<1x160x128xf32, #tpu.memory_space<hbm>> -> memref<160x128xf32, #tpu.memory_space<hbm>>
      %dma_wait3A_77 = arith.constant 0 : i32
      %dma_wait3A_78 = tpu.memref_slice %arg15[%add3A_25, %dma_wait3A_77] : memref<10240x128xf32, #tpu.memory_space<vmem_shared>> -> memref<160x128xf32, #tpu.memory_space<vmem_shared>>
      tpu.wait_dma2 semaphore(%run_scoped3A_68 : memref<!tpu.dma_semaphore, #tpu.memory_space<semaphore_mem>>) src(%dma_wait3A_78 : memref<160x128xf32, #tpu.memory_space<vmem_shared>>) dst(%dma_wait3A_76 : memref<160x128xf32, #tpu.memory_space<hbm>>)
      tpu.yield
    }) : () -> ()
    %add3A_26 = arith.constant 160 : i32
    %add3A_27 = arith.addi %mul3A_2, %add3A_26 : i32
    "tpu.region"() ({
      %run_scoped3A_68 = tpu.sem_alloc : memref<!tpu.dma_semaphore, #tpu.memory_space<semaphore_mem>>
      %dma_start3A_69 = arith.constant 0 : i32
      %dma_start3A_70 = tpu.memref_slice %arg13[%arg0, %add3A_27, %dma_start3A_69] : memref<2x10240x128xf32, #tpu.memory_space<hbm>> -> memref<1x160x128xf32, #tpu.memory_space<hbm>>
      %dma_start3A_71 = tpu.memref_squeeze %dma_start3A_70 : memref<1x160x128xf32, #tpu.memory_space<hbm>> -> memref<160x128xf32, #tpu.memory_space<hbm>>
      %dma_start3A_72 = arith.constant 0 : i32
      %dma_start3A_73 = tpu.memref_slice %arg15[%add3A_27, %dma_start3A_72] : memref<10240x128xf32, #tpu.memory_space<vmem_shared>> -> memref<160x128xf32, #tpu.memory_space<vmem_shared>>
      tpu.enqueue_dma source(%dma_start3A_73 : memref<160x128xf32, #tpu.memory_space<vmem_shared>>) target(%dma_start3A_71 : memref<160x128xf32, #tpu.memory_space<hbm>>) target_semaphore(%run_scoped3A_68 : memref<!tpu.dma_semaphore, #tpu.memory_space<semaphore_mem>>)
      %dma_wait3A_74 = arith.constant 0 : i32
      %dma_wait3A_75 = tpu.memref_slice %arg13[%arg0, %add3A_27, %dma_wait3A_74] : memref<2x10240x128xf32, #tpu.memory_space<hbm>> -> memref<1x160x128xf32, #tpu.memory_space<hbm>>
      %dma_wait3A_76 = tpu.memref_squeeze %dma_wait3A_75 : memref<1x160x128xf32, #tpu.memory_space<hbm>> -> memref<160x128xf32, #tpu.memory_space<hbm>>
      %dma_wait3A_77 = arith.constant 0 : i32
      %dma_wait3A_78 = tpu.memref_slice %arg15[%add3A_27, %dma_wait3A_77] : memref<10240x128xf32, #tpu.memory_space<vmem_shared>> -> memref<160x128xf32, #tpu.memory_space<vmem_shared>>
      tpu.wait_dma2 semaphore(%run_scoped3A_68 : memref<!tpu.dma_semaphore, #tpu.memory_space<semaphore_mem>>) src(%dma_wait3A_78 : memref<160x128xf32, #tpu.memory_space<vmem_shared>>) dst(%dma_wait3A_76 : memref<160x128xf32, #tpu.memory_space<hbm>>)
      tpu.yield
    }) : () -> ()
    %add3A_28 = arith.constant 320 : i32
    %add3A_29 = arith.addi %mul3A_2, %add3A_28 : i32
    "tpu.region"() ({
      %run_scoped3A_68 = tpu.sem_alloc : memref<!tpu.dma_semaphore, #tpu.memory_space<semaphore_mem>>
      %dma_start3A_69 = arith.constant 0 : i32
      %dma_start3A_70 = tpu.memref_slice %arg13[%arg0, %add3A_29, %dma_start3A_69] : memref<2x10240x128xf32, #tpu.memory_space<hbm>> -> memref<1x160x128xf32, #tpu.memory_space<hbm>>
      %dma_start3A_71 = tpu.memref_squeeze %dma_start3A_70 : memref<1x160x128xf32, #tpu.memory_space<hbm>> -> memref<160x128xf32, #tpu.memory_space<hbm>>
      %dma_start3A_72 = arith.constant 0 : i32
      %dma_start3A_73 = tpu.memref_slice %arg15[%add3A_29, %dma_start3A_72] : memref<10240x128xf32, #tpu.memory_space<vmem_shared>> -> memref<160x128xf32, #tpu.memory_space<vmem_shared>>
      tpu.enqueue_dma source(%dma_start3A_73 : memref<160x128xf32, #tpu.memory_space<vmem_shared>>) target(%dma_start3A_71 : memref<160x128xf32, #tpu.memory_space<hbm>>) target_semaphore(%run_scoped3A_68 : memref<!tpu.dma_semaphore, #tpu.memory_space<semaphore_mem>>)
      %dma_wait3A_74 = arith.constant 0 : i32
      %dma_wait3A_75 = tpu.memref_slice %arg13[%arg0, %add3A_29, %dma_wait3A_74] : memref<2x10240x128xf32, #tpu.memory_space<hbm>> -> memref<1x160x128xf32, #tpu.memory_space<hbm>>
      %dma_wait3A_76 = tpu.memref_squeeze %dma_wait3A_75 : memref<1x160x128xf32, #tpu.memory_space<hbm>> -> memref<160x128xf32, #tpu.memory_space<hbm>>
      %dma_wait3A_77 = arith.constant 0 : i32
      %dma_wait3A_78 = tpu.memref_slice %arg15[%add3A_29, %dma_wait3A_77] : memref<10240x128xf32, #tpu.memory_space<vmem_shared>> -> memref<160x128xf32, #tpu.memory_space<vmem_shared>>
      tpu.wait_dma2 semaphore(%run_scoped3A_68 : memref<!tpu.dma_semaphore, #tpu.memory_space<semaphore_mem>>) src(%dma_wait3A_78 : memref<160x128xf32, #tpu.memory_space<vmem_shared>>) dst(%dma_wait3A_76 : memref<160x128xf32, #tpu.memory_space<hbm>>)
      tpu.yield
    }) : () -> ()
    %add3A_30 = arith.constant 480 : i32
    %add3A_31 = arith.addi %mul3A_2, %add3A_30 : i32
    "tpu.region"() ({
      %run_scoped3A_68 = tpu.sem_alloc : memref<!tpu.dma_semaphore, #tpu.memory_space<semaphore_mem>>
      %dma_start3A_69 = arith.constant 0 : i32
      %dma_start3A_70 = tpu.memref_slice %arg13[%arg0, %add3A_31, %dma_start3A_69] : memref<2x10240x128xf32, #tpu.memory_space<hbm>> -> memref<1x160x128xf32, #tpu.memory_space<hbm>>
      %dma_start3A_71 = tpu.memref_squeeze %dma_start3A_70 : memref<1x160x128xf32, #tpu.memory_space<hbm>> -> memref<160x128xf32, #tpu.memory_space<hbm>>
      %dma_start3A_72 = arith.constant 0 : i32
      %dma_start3A_73 = tpu.memref_slice %arg15[%add3A_31, %dma_start3A_72] : memref<10240x128xf32, #tpu.memory_space<vmem_shared>> -> memref<160x128xf32, #tpu.memory_space<vmem_shared>>
      tpu.enqueue_dma source(%dma_start3A_73 : memref<160x128xf32, #tpu.memory_space<vmem_shared>>) target(%dma_start3A_71 : memref<160x128xf32, #tpu.memory_space<hbm>>) target_semaphore(%run_scoped3A_68 : memref<!tpu.dma_semaphore, #tpu.memory_space<semaphore_mem>>)
      %dma_wait3A_74 = arith.constant 0 : i32
      %dma_wait3A_75 = tpu.memref_slice %arg13[%arg0, %add3A_31, %dma_wait3A_74] : memref<2x10240x128xf32, #tpu.memory_space<hbm>> -> memref<1x160x128xf32, #tpu.memory_space<hbm>>
      %dma_wait3A_76 = tpu.memref_squeeze %dma_wait3A_75 : memref<1x160x128xf32, #tpu.memory_space<hbm>> -> memref<160x128xf32, #tpu.memory_space<hbm>>
      %dma_wait3A_77 = arith.constant 0 : i32
      %dma_wait3A_78 = tpu.memref_slice %arg15[%add3A_31, %dma_wait3A_77] : memref<10240x128xf32, #tpu.memory_space<vmem_shared>> -> memref<160x128xf32, #tpu.memory_space<vmem_shared>>
      tpu.wait_dma2 semaphore(%run_scoped3A_68 : memref<!tpu.dma_semaphore, #tpu.memory_space<semaphore_mem>>) src(%dma_wait3A_78 : memref<160x128xf32, #tpu.memory_space<vmem_shared>>) dst(%dma_wait3A_76 : memref<160x128xf32, #tpu.memory_space<hbm>>)
      tpu.yield
    }) : () -> ()
    %barrier3A_32 = arith.constant 0 : index
    tpu.barrier barrier_id(%barrier3A_32)
    %add3A_33 = arith.constant 0 : i32
    %add3A_34 = arith.addi %mul3A_2, %add3A_33 : i32
    "tpu.region"() ({
      %run_scoped3A_68 = tpu.sem_alloc : memref<!tpu.dma_semaphore, #tpu.memory_space<semaphore_mem>>
      %dma_start3A_69 = arith.constant 0 : i32
      %dma_start3A_70 = tpu.memref_slice %arg15[%add3A_34, %dma_start3A_69] : memref<10240x128xf32, #tpu.memory_space<vmem_shared>> -> memref<160x128xf32, #tpu.memory_space<vmem_shared>>
      %dma_start3A_71 = arith.constant 0 : i32
      %dma_start3A_72 = tpu.memref_slice %arg12[%add3A_34, %dma_start3A_71] : memref<10240x128xf32, #tpu.memory_space<hbm>> -> memref<160x128xf32, #tpu.memory_space<hbm>>
      tpu.enqueue_dma source(%dma_start3A_72 : memref<160x128xf32, #tpu.memory_space<hbm>>) target(%dma_start3A_70 : memref<160x128xf32, #tpu.memory_space<vmem_shared>>) target_semaphore(%run_scoped3A_68 : memref<!tpu.dma_semaphore, #tpu.memory_space<semaphore_mem>>)
      %dma_wait3A_73 = arith.constant 0 : i32
      %dma_wait3A_74 = tpu.memref_slice %arg15[%add3A_34, %dma_wait3A_73] : memref<10240x128xf32, #tpu.memory_space<vmem_shared>> -> memref<160x128xf32, #tpu.memory_space<vmem_shared>>
      %dma_wait3A_75 = arith.constant 0 : i32
      %dma_wait3A_76 = tpu.memref_slice %arg12[%add3A_34, %dma_wait3A_75] : memref<10240x128xf32, #tpu.memory_space<hbm>> -> memref<160x128xf32, #tpu.memory_space<hbm>>
      tpu.wait_dma2 semaphore(%run_scoped3A_68 : memref<!tpu.dma_semaphore, #tpu.memory_space<semaphore_mem>>) src(%dma_wait3A_76 : memref<160x128xf32, #tpu.memory_space<hbm>>) dst(%dma_wait3A_74 : memref<160x128xf32, #tpu.memory_space<vmem_shared>>)
      tpu.yield
    }) : () -> ()
    %add3A_35 = arith.constant 160 : i32
    %add3A_36 = arith.addi %mul3A_2, %add3A_35 : i32
    "tpu.region"() ({
      %run_scoped3A_68 = tpu.sem_alloc : memref<!tpu.dma_semaphore, #tpu.memory_space<semaphore_mem>>
      %dma_start3A_69 = arith.constant 0 : i32
      %dma_start3A_70 = tpu.memref_slice %arg15[%add3A_36, %dma_start3A_69] : memref<10240x128xf32, #tpu.memory_space<vmem_shared>> -> memref<160x128xf32, #tpu.memory_space<vmem_shared>>
      %dma_start3A_71 = arith.constant 0 : i32
      %dma_start3A_72 = tpu.memref_slice %arg12[%add3A_36, %dma_start3A_71] : memref<10240x128xf32, #tpu.memory_space<hbm>> -> memref<160x128xf32, #tpu.memory_space<hbm>>
      tpu.enqueue_dma source(%dma_start3A_72 : memref<160x128xf32, #tpu.memory_space<hbm>>) target(%dma_start3A_70 : memref<160x128xf32, #tpu.memory_space<vmem_shared>>) target_semaphore(%run_scoped3A_68 : memref<!tpu.dma_semaphore, #tpu.memory_space<semaphore_mem>>)
      %dma_wait3A_73 = arith.constant 0 : i32
      %dma_wait3A_74 = tpu.memref_slice %arg15[%add3A_36, %dma_wait3A_73] : memref<10240x128xf32, #tpu.memory_space<vmem_shared>> -> memref<160x128xf32, #tpu.memory_space<vmem_shared>>
      %dma_wait3A_75 = arith.constant 0 : i32
      %dma_wait3A_76 = tpu.memref_slice %arg12[%add3A_36, %dma_wait3A_75] : memref<10240x128xf32, #tpu.memory_space<hbm>> -> memref<160x128xf32, #tpu.memory_space<hbm>>
      tpu.wait_dma2 semaphore(%run_scoped3A_68 : memref<!tpu.dma_semaphore, #tpu.memory_space<semaphore_mem>>) src(%dma_wait3A_76 : memref<160x128xf32, #tpu.memory_space<hbm>>) dst(%dma_wait3A_74 : memref<160x128xf32, #tpu.memory_space<vmem_shared>>)
      tpu.yield
    }) : () -> ()
    %add3A_37 = arith.constant 320 : i32
    %add3A_38 = arith.addi %mul3A_2, %add3A_37 : i32
    "tpu.region"() ({
      %run_scoped3A_68 = tpu.sem_alloc : memref<!tpu.dma_semaphore, #tpu.memory_space<semaphore_mem>>
      %dma_start3A_69 = arith.constant 0 : i32
      %dma_start3A_70 = tpu.memref_slice %arg15[%add3A_38, %dma_start3A_69] : memref<10240x128xf32, #tpu.memory_space<vmem_shared>> -> memref<160x128xf32, #tpu.memory_space<vmem_shared>>
      %dma_start3A_71 = arith.constant 0 : i32
      %dma_start3A_72 = tpu.memref_slice %arg12[%add3A_38, %dma_start3A_71] : memref<10240x128xf32, #tpu.memory_space<hbm>> -> memref<160x128xf32, #tpu.memory_space<hbm>>
      tpu.enqueue_dma source(%dma_start3A_72 : memref<160x128xf32, #tpu.memory_space<hbm>>) target(%dma_start3A_70 : memref<160x128xf32, #tpu.memory_space<vmem_shared>>) target_semaphore(%run_scoped3A_68 : memref<!tpu.dma_semaphore, #tpu.memory_space<semaphore_mem>>)
      %dma_wait3A_73 = arith.constant 0 : i32
      %dma_wait3A_74 = tpu.memref_slice %arg15[%add3A_38, %dma_wait3A_73] : memref<10240x128xf32, #tpu.memory_space<vmem_shared>> -> memref<160x128xf32, #tpu.memory_space<vmem_shared>>
      %dma_wait3A_75 = arith.constant 0 : i32
      %dma_wait3A_76 = tpu.memref_slice %arg12[%add3A_38, %dma_wait3A_75] : memref<10240x128xf32, #tpu.memory_space<hbm>> -> memref<160x128xf32, #tpu.memory_space<hbm>>
      tpu.wait_dma2 semaphore(%run_scoped3A_68 : memref<!tpu.dma_semaphore, #tpu.memory_space<semaphore_mem>>) src(%dma_wait3A_76 : memref<160x128xf32, #tpu.memory_space<hbm>>) dst(%dma_wait3A_74 : memref<160x128xf32, #tpu.memory_space<vmem_shared>>)
      tpu.yield
    }) : () -> ()
    %add3A_39 = arith.constant 480 : i32
    %add3A_40 = arith.addi %mul3A_2, %add3A_39 : i32
    "tpu.region"() ({
      %run_scoped3A_68 = tpu.sem_alloc : memref<!tpu.dma_semaphore, #tpu.memory_space<semaphore_mem>>
      %dma_start3A_69 = arith.constant 0 : i32
      %dma_start3A_70 = tpu.memref_slice %arg15[%add3A_40, %dma_start3A_69] : memref<10240x128xf32, #tpu.memory_space<vmem_shared>> -> memref<160x128xf32, #tpu.memory_space<vmem_shared>>
      %dma_start3A_71 = arith.constant 0 : i32
      %dma_start3A_72 = tpu.memref_slice %arg12[%add3A_40, %dma_start3A_71] : memref<10240x128xf32, #tpu.memory_space<hbm>> -> memref<160x128xf32, #tpu.memory_space<hbm>>
      tpu.enqueue_dma source(%dma_start3A_72 : memref<160x128xf32, #tpu.memory_space<hbm>>) target(%dma_start3A_70 : memref<160x128xf32, #tpu.memory_space<vmem_shared>>) target_semaphore(%run_scoped3A_68 : memref<!tpu.dma_semaphore, #tpu.memory_space<semaphore_mem>>)
      %dma_wait3A_73 = arith.constant 0 : i32
      %dma_wait3A_74 = tpu.memref_slice %arg15[%add3A_40, %dma_wait3A_73] : memref<10240x128xf32, #tpu.memory_space<vmem_shared>> -> memref<160x128xf32, #tpu.memory_space<vmem_shared>>
      %dma_wait3A_75 = arith.constant 0 : i32
      %dma_wait3A_76 = tpu.memref_slice %arg12[%add3A_40, %dma_wait3A_75] : memref<10240x128xf32, #tpu.memory_space<hbm>> -> memref<160x128xf32, #tpu.memory_space<hbm>>
      tpu.wait_dma2 semaphore(%run_scoped3A_68 : memref<!tpu.dma_semaphore, #tpu.memory_space<semaphore_mem>>) src(%dma_wait3A_76 : memref<160x128xf32, #tpu.memory_space<hbm>>) dst(%dma_wait3A_74 : memref<160x128xf32, #tpu.memory_space<vmem_shared>>)
      tpu.yield
    }) : () -> ()
    "tpu.region"() ({
      %run_scoped3A_68 = tpu.sem_alloc : memref<!tpu.dma_semaphore, #tpu.memory_space<semaphore_mem>>
      %dma_start3A_69 = arith.constant 0 : i32
      %dma_start3A_70 = tpu.memref_slice %arg4[%add3A, %dma_start3A_69] : memref<32x10000xi32, #tpu.memory_space<hbm>> -> memref<1x10000xi32, #tpu.memory_space<hbm>>
      %dma_start3A_71 = tpu.memref_squeeze %dma_start3A_70 : memref<1x10000xi32, #tpu.memory_space<hbm>> -> memref<10000xi32, #tpu.memory_space<hbm>>
      %dma_start3A_72 = arith.constant 0 : i32
      %dma_start3A_73 = tpu.memref_slice %arg4[%add3A, %dma_start3A_72] : memref<32x10000xi32, #tpu.memory_space<hbm>> -> memref<1x10000xi32, #tpu.memory_space<hbm>>
      %dma_start3A_74 = tpu.memref_squeeze %dma_start3A_73 : memref<1x10000xi32, #tpu.memory_space<hbm>> -> memref<10000xi32, #tpu.memory_space<hbm>>
      tpu.enqueue_dma source(%dma_start3A_74 : memref<10000xi32, #tpu.memory_space<hbm>>) target(%arg16 : memref<10000xi32, #tpu.memory_space<vmem>>) target_semaphore(%run_scoped3A_68 : memref<!tpu.dma_semaphore, #tpu.memory_space<semaphore_mem>>)
      %dma_wait3A_75 = arith.constant 0 : i32
      %dma_wait3A_76 = tpu.memref_slice %arg4[%add3A, %dma_wait3A_75] : memref<32x10000xi32, #tpu.memory_space<hbm>> -> memref<1x10000xi32, #tpu.memory_space<hbm>>
      %dma_wait3A_77 = tpu.memref_squeeze %dma_wait3A_76 : memref<1x10000xi32, #tpu.memory_space<hbm>> -> memref<10000xi32, #tpu.memory_space<hbm>>
      %dma_wait3A_78 = arith.constant 0 : i32
      %dma_wait3A_79 = tpu.memref_slice %arg4[%add3A, %dma_wait3A_78] : memref<32x10000xi32, #tpu.memory_space<hbm>> -> memref<1x10000xi32, #tpu.memory_space<hbm>>
      %dma_wait3A_80 = tpu.memref_squeeze %dma_wait3A_79 : memref<1x10000xi32, #tpu.memory_space<hbm>> -> memref<10000xi32, #tpu.memory_space<hbm>>
      tpu.wait_dma2 semaphore(%run_scoped3A_68 : memref<!tpu.dma_semaphore, #tpu.memory_space<semaphore_mem>>) src(%dma_wait3A_80 : memref<10000xi32, #tpu.memory_space<hbm>>) dst(%arg16 : memref<10000xi32, #tpu.memory_space<vmem>>)
      tpu.yield
    }) : () -> ()
    "tpu.region"() ({
      %run_scoped3A_68 = tpu.sem_alloc : memref<!tpu.dma_semaphore, #tpu.memory_space<semaphore_mem>>
      %dma_start3A_69 = arith.constant 0 : i32
      %dma_start3A_70 = arith.constant 0 : i32
      %dma_start3A_71 = tpu.memref_slice %arg9[%add3A, %dma_start3A_69, %dma_start3A_70] : memref<32x125x80xi32, #tpu.memory_space<hbm>> -> memref<1x125x80xi32, #tpu.memory_space<hbm>>
      %dma_start3A_72 = tpu.memref_squeeze %dma_start3A_71 : memref<1x125x80xi32, #tpu.memory_space<hbm>> -> memref<125x80xi32, #tpu.memory_space<hbm>>
      %dma_start3A_73 = arith.constant 0 : i32
      %dma_start3A_74 = arith.constant 0 : i32
      %dma_start3A_75 = tpu.memref_slice %arg9[%add3A, %dma_start3A_73, %dma_start3A_74] : memref<32x125x80xi32, #tpu.memory_space<hbm>> -> memref<1x125x80xi32, #tpu.memory_space<hbm>>
      %dma_start3A_76 = tpu.memref_squeeze %dma_start3A_75 : memref<1x125x80xi32, #tpu.memory_space<hbm>> -> memref<125x80xi32, #tpu.memory_space<hbm>>
      tpu.enqueue_dma source(%dma_start3A_76 : memref<125x80xi32, #tpu.memory_space<hbm>>) target(%arg17 : memref<125x80xi32, #tpu.memory_space<vmem>>) target_semaphore(%run_scoped3A_68 : memref<!tpu.dma_semaphore, #tpu.memory_space<semaphore_mem>>)
      %dma_wait3A_77 = arith.constant 0 : i32
      %dma_wait3A_78 = arith.constant 0 : i32
      %dma_wait3A_79 = tpu.memref_slice %arg9[%add3A, %dma_wait3A_77, %dma_wait3A_78] : memref<32x125x80xi32, #tpu.memory_space<hbm>> -> memref<1x125x80xi32, #tpu.memory_space<hbm>>
      %dma_wait3A_80 = tpu.memref_squeeze %dma_wait3A_79 : memref<1x125x80xi32, #tpu.memory_space<hbm>> -> memref<125x80xi32, #tpu.memory_space<hbm>>
      %dma_wait3A_81 = arith.constant 0 : i32
      %dma_wait3A_82 = arith.constant 0 : i32
      %dma_wait3A_83 = tpu.memref_slice %arg9[%add3A, %dma_wait3A_81, %dma_wait3A_82] : memref<32x125x80xi32, #tpu.memory_space<hbm>> -> memref<1x125x80xi32, #tpu.memory_space<hbm>>
      %dma_wait3A_84 = tpu.memref_squeeze %dma_wait3A_83 : memref<1x125x80xi32, #tpu.memory_space<hbm>> -> memref<125x80xi32, #tpu.memory_space<hbm>>
      tpu.wait_dma2 semaphore(%run_scoped3A_68 : memref<!tpu.dma_semaphore, #tpu.memory_space<semaphore_mem>>) src(%dma_wait3A_84 : memref<125x80xi32, #tpu.memory_space<hbm>>) dst(%arg17 : memref<125x80xi32, #tpu.memory_space<vmem>>)
      tpu.yield
    }) : () -> ()
    %barrier3A_41 = arith.constant 0 : index
    tpu.barrier barrier_id(%barrier3A_41)
    %dma_start3A_42 = arith.constant 0 : i32
    %dma_start3A_43 = tpu.memref_slice %arg16[%dma_start3A_42] : memref<10000xi32, #tpu.memory_space<vmem>> -> memref<80xi32, #tpu.memory_space<vmem>>
    %dma_start3A_44 = arith.constant 0 : i32
    %dma_start3A_45 = arith.constant 0 : i32
    %dma_start3A_46 = tpu.memref_slice %arg3[%dma_start3A_44, %dma_start3A_45] : memref<10000x128xf32, #tpu.memory_space<hbm>> -> memref<10000x128xf32, #tpu.memory_space<hbm>>
    tpu.enqueue_indirect_dma source(%dma_start3A_46 : memref<10000x128xf32, #tpu.memory_space<hbm>>) target(%arg18 : memref<80x128xf32, #tpu.memory_space<vmem>>) offsets(%dma_start3A_43 : memref<80xi32, #tpu.memory_space<vmem>>) semaphore(%arg20 : memref<!tpu.dma_semaphore, #tpu.memory_space<semaphore_mem>>)
    %scan3A_47 = arith.constant 0 : i32
    %scan3A_48 = arith.constant 62 : i32
    %scan3A_49 = arith.addi %scan3A_47, %scan3A_48 : i32
    %scan3A_50 = arith.constant 1 : i32
    scf.for %scan3A_68 = %scan3A_47 to %scan3A_49 step %scan3A_50  : i32 {
      %mul3A_69 = arith.constant 2 : i32
      %mul3A_70 = arith.muli %mul3A_69, %scan3A_68 : i32
      %add3A_71 = arith.constant 1 : i32
      %add3A_72 = arith.addi %mul3A_70, %add3A_71 : i32
      %mul3A_73 = arith.constant 2 : i32
      %mul3A_74 = arith.muli %mul3A_73, %scan3A_68 : i32
      %add3A_75 = arith.constant 2 : i32
      %add3A_76 = arith.addi %mul3A_74, %add3A_75 : i32
      %dma_wait3A_77 = arith.constant 0 : i32
      %dma_wait3A_78 = tpu.memref_slice %arg16[%dma_wait3A_77] : memref<10000xi32, #tpu.memory_space<vmem>> -> memref<80xi32, #tpu.memory_space<vmem>>
      %dma_wait3A_79 = arith.constant 0 : i32
      %dma_wait3A_80 = arith.constant 0 : i32
      %dma_wait3A_81 = tpu.memref_slice %arg3[%dma_wait3A_79, %dma_wait3A_80] : memref<10000x128xf32, #tpu.memory_space<hbm>> -> memref<10000x128xf32, #tpu.memory_space<hbm>>
      tpu.wait_indirect_dma semaphore(%arg20 : memref<!tpu.dma_semaphore, #tpu.memory_space<semaphore_mem>>) src(%dma_wait3A_81 : memref<10000x128xf32, #tpu.memory_space<hbm>>) dst(%arg18 : memref<80x128xf32, #tpu.memory_space<vmem>>)
      %mul3A_82 = arith.constant 80 : i32
      %mul3A_83 = arith.muli %add3A_72, %mul3A_82 : i32
      %dma_start3A_84 = tpu.memref_slice %arg16[%mul3A_83] : memref<10000xi32, #tpu.memory_space<vmem>> -> memref<80xi32, #tpu.memory_space<vmem>>
      %dma_start3A_85 = arith.constant 0 : i32
      %dma_start3A_86 = arith.constant 0 : i32
      %dma_start3A_87 = tpu.memref_slice %arg3[%dma_start3A_85, %dma_start3A_86] : memref<10000x128xf32, #tpu.memory_space<hbm>> -> memref<10000x128xf32, #tpu.memory_space<hbm>>
      tpu.enqueue_indirect_dma source(%dma_start3A_87 : memref<10000x128xf32, #tpu.memory_space<hbm>>) target(%arg19 : memref<80x128xf32, #tpu.memory_space<vmem>>) offsets(%dma_start3A_84 : memref<80xi32, #tpu.memory_space<vmem>>) semaphore(%arg21 : memref<!tpu.dma_semaphore, #tpu.memory_space<semaphore_mem>>)
      %mul3A_88 = arith.constant 2 : i32
      %mul3A_89 = arith.muli %mul3A_88, %scan3A_68 : i32
      "tpu.region"() ({
        %run_scoped3A_101 = tpu.sem_alloc : memref<!tpu.dma_semaphore, #tpu.memory_space<semaphore_mem>>
        %dma_start3A_102 = arith.constant 0 : i32
        %dma_start3A_103 = tpu.memref_slice %arg17[%mul3A_89, %dma_start3A_102] : memref<125x80xi32, #tpu.memory_space<vmem>> -> memref<1x80xi32, #tpu.memory_space<vmem>>
        %dma_start3A_104 = tpu.memref_squeeze %dma_start3A_103 : memref<1x80xi32, #tpu.memory_space<vmem>> -> memref<80xi32, #tpu.memory_space<vmem>>
        %dma_start3A_105 = arith.constant 0 : i32
        %dma_start3A_106 = arith.constant 0 : i32
        %dma_start3A_107 = tpu.memref_slice %arg15[%dma_start3A_105, %dma_start3A_106] : memref<10240x128xf32, #tpu.memory_space<vmem_shared>> -> memref<10240x128xf32, #tpu.memory_space<vmem_shared>>
        tpu.enqueue_indirect_dma source(%arg18 : memref<80x128xf32, #tpu.memory_space<vmem>>) target(%dma_start3A_107 : memref<10240x128xf32, #tpu.memory_space<vmem_shared>>) offsets(%dma_start3A_104 : memref<80xi32, #tpu.memory_space<vmem>>) semaphore(%run_scoped3A_101 : memref<!tpu.dma_semaphore, #tpu.memory_space<semaphore_mem>>) {add = true}
        %dma_wait3A_108 = arith.constant 0 : i32
        %dma_wait3A_109 = tpu.memref_slice %arg17[%mul3A_89, %dma_wait3A_108] : memref<125x80xi32, #tpu.memory_space<vmem>> -> memref<1x80xi32, #tpu.memory_space<vmem>>
        %dma_wait3A_110 = tpu.memref_squeeze %dma_wait3A_109 : memref<1x80xi32, #tpu.memory_space<vmem>> -> memref<80xi32, #tpu.memory_space<vmem>>
        %dma_wait3A_111 = arith.constant 0 : i32
        %dma_wait3A_112 = arith.constant 0 : i32
        %dma_wait3A_113 = tpu.memref_slice %arg15[%dma_wait3A_111, %dma_wait3A_112] : memref<10240x128xf32, #tpu.memory_space<vmem_shared>> -> memref<10240x128xf32, #tpu.memory_space<vmem_shared>>
        tpu.wait_indirect_dma semaphore(%run_scoped3A_101 : memref<!tpu.dma_semaphore, #tpu.memory_space<semaphore_mem>>) src(%arg18 : memref<80x128xf32, #tpu.memory_space<vmem>>) dst(%dma_wait3A_113 : memref<10240x128xf32, #tpu.memory_space<vmem_shared>>)
        tpu.yield
      }) : () -> ()
      %dma_wait3A_90 = arith.constant 0 : i32
      %dma_wait3A_91 = tpu.memref_slice %arg16[%dma_wait3A_90] : memref<10000xi32, #tpu.memory_space<vmem>> -> memref<80xi32, #tpu.memory_space<vmem>>
      %dma_wait3A_92 = arith.constant 0 : i32
      %dma_wait3A_93 = arith.constant 0 : i32
      %dma_wait3A_94 = tpu.memref_slice %arg3[%dma_wait3A_92, %dma_wait3A_93] : memref<10000x128xf32, #tpu.memory_space<hbm>> -> memref<10000x128xf32, #tpu.memory_space<hbm>>
      tpu.wait_indirect_dma semaphore(%arg21 : memref<!tpu.dma_semaphore, #tpu.memory_space<semaphore_mem>>) src(%dma_wait3A_94 : memref<10000x128xf32, #tpu.memory_space<hbm>>) dst(%arg19 : memref<80x128xf32, #tpu.memory_space<vmem>>)
      %mul3A_95 = arith.constant 80 : i32
      %mul3A_96 = arith.muli %add3A_76, %mul3A_95 : i32
      %dma_start3A_97 = tpu.memref_slice %arg16[%mul3A_96] : memref<10000xi32, #tpu.memory_space<vmem>> -> memref<80xi32, #tpu.memory_space<vmem>>
      %dma_start3A_98 = arith.constant 0 : i32
      %dma_start3A_99 = arith.constant 0 : i32
      %dma_start3A_100 = tpu.memref_slice %arg3[%dma_start3A_98, %dma_start3A_99] : memref<10000x128xf32, #tpu.memory_space<hbm>> -> memref<10000x128xf32, #tpu.memory_space<hbm>>
      tpu.enqueue_indirect_dma source(%dma_start3A_100 : memref<10000x128xf32, #tpu.memory_space<hbm>>) target(%arg18 : memref<80x128xf32, #tpu.memory_space<vmem>>) offsets(%dma_start3A_97 : memref<80xi32, #tpu.memory_space<vmem>>) semaphore(%arg20 : memref<!tpu.dma_semaphore, #tpu.memory_space<semaphore_mem>>)
      "tpu.region"() ({
        %run_scoped3A_101 = tpu.sem_alloc : memref<!tpu.dma_semaphore, #tpu.memory_space<semaphore_mem>>
        %dma_start3A_102 = arith.constant 0 : i32
        %dma_start3A_103 = tpu.memref_slice %arg17[%add3A_72, %dma_start3A_102] : memref<125x80xi32, #tpu.memory_space<vmem>> -> memref<1x80xi32, #tpu.memory_space<vmem>>
        %dma_start3A_104 = tpu.memref_squeeze %dma_start3A_103 : memref<1x80xi32, #tpu.memory_space<vmem>> -> memref<80xi32, #tpu.memory_space<vmem>>
        %dma_start3A_105 = arith.constant 0 : i32
        %dma_start3A_106 = arith.constant 0 : i32
        %dma_start3A_107 = tpu.memref_slice %arg15[%dma_start3A_105, %dma_start3A_106] : memref<10240x128xf32, #tpu.memory_space<vmem_shared>> -> memref<10240x128xf32, #tpu.memory_space<vmem_shared>>
        tpu.enqueue_indirect_dma source(%arg19 : memref<80x128xf32, #tpu.memory_space<vmem>>) target(%dma_start3A_107 : memref<10240x128xf32, #tpu.memory_space<vmem_shared>>) offsets(%dma_start3A_104 : memref<80xi32, #tpu.memory_space<vmem>>) semaphore(%run_scoped3A_101 : memref<!tpu.dma_semaphore, #tpu.memory_space<semaphore_mem>>) {add = true}
        %dma_wait3A_108 = arith.constant 0 : i32
        %dma_wait3A_109 = tpu.memref_slice %arg17[%add3A_72, %dma_wait3A_108] : memref<125x80xi32, #tpu.memory_space<vmem>> -> memref<1x80xi32, #tpu.memory_space<vmem>>
        %dma_wait3A_110 = tpu.memref_squeeze %dma_wait3A_109 : memref<1x80xi32, #tpu.memory_space<vmem>> -> memref<80xi32, #tpu.memory_space<vmem>>
        %dma_wait3A_111 = arith.constant 0 : i32
        %dma_wait3A_112 = arith.constant 0 : i32
        %dma_wait3A_113 = tpu.memref_slice %arg15[%dma_wait3A_111, %dma_wait3A_112] : memref<10240x128xf32, #tpu.memory_space<vmem_shared>> -> memref<10240x128xf32, #tpu.memory_space<vmem_shared>>
        tpu.wait_indirect_dma semaphore(%run_scoped3A_101 : memref<!tpu.dma_semaphore, #tpu.memory_space<semaphore_mem>>) src(%arg19 : memref<80x128xf32, #tpu.memory_space<vmem>>) dst(%dma_wait3A_113 : memref<10240x128xf32, #tpu.memory_space<vmem_shared>>)
        tpu.yield
      }) : () -> ()
    }
    %scan3A_51 = arith.constant 62 : i32
    %dma_wait3A_52 = arith.constant 0 : i32
    %dma_wait3A_53 = tpu.memref_slice %arg16[%dma_wait3A_52] : memref<10000xi32, #tpu.memory_space<vmem>> -> memref<80xi32, #tpu.memory_space<vmem>>
    %dma_wait3A_54 = arith.constant 0 : i32
    %dma_wait3A_55 = arith.constant 0 : i32
    %dma_wait3A_56 = tpu.memref_slice %arg3[%dma_wait3A_54, %dma_wait3A_55] : memref<10000x128xf32, #tpu.memory_space<hbm>> -> memref<10000x128xf32, #tpu.memory_space<hbm>>
    tpu.wait_indirect_dma semaphore(%arg20 : memref<!tpu.dma_semaphore, #tpu.memory_space<semaphore_mem>>) src(%dma_wait3A_56 : memref<10000x128xf32, #tpu.memory_space<hbm>>) dst(%arg18 : memref<80x128xf32, #tpu.memory_space<vmem>>)
    %run_scoped3A_57 = arith.constant 124 : i32
    "tpu.region"() ({
      %run_scoped3A_68 = tpu.sem_alloc : memref<!tpu.dma_semaphore, #tpu.memory_space<semaphore_mem>>
      %dma_start3A_69 = arith.constant 0 : i32
      %dma_start3A_70 = tpu.memref_slice %arg17[%run_scoped3A_57, %dma_start3A_69] : memref<125x80xi32, #tpu.memory_space<vmem>> -> memref<1x80xi32, #tpu.memory_space<vmem>>
      %dma_start3A_71 = tpu.memref_squeeze %dma_start3A_70 : memref<1x80xi32, #tpu.memory_space<vmem>> -> memref<80xi32, #tpu.memory_space<vmem>>
      %dma_start3A_72 = arith.constant 0 : i32
      %dma_start3A_73 = arith.constant 0 : i32
      %dma_start3A_74 = tpu.memref_slice %arg15[%dma_start3A_72, %dma_start3A_73] : memref<10240x128xf32, #tpu.memory_space<vmem_shared>> -> memref<10240x128xf32, #tpu.memory_space<vmem_shared>>
      tpu.enqueue_indirect_dma source(%arg18 : memref<80x128xf32, #tpu.memory_space<vmem>>) target(%dma_start3A_74 : memref<10240x128xf32, #tpu.memory_space<vmem_shared>>) offsets(%dma_start3A_71 : memref<80xi32, #tpu.memory_space<vmem>>) semaphore(%run_scoped3A_68 : memref<!tpu.dma_semaphore, #tpu.memory_space<semaphore_mem>>) {add = true}
      %dma_wait3A_75 = arith.constant 0 : i32
      %dma_wait3A_76 = tpu.memref_slice %arg17[%run_scoped3A_57, %dma_wait3A_75] : memref<125x80xi32, #tpu.memory_space<vmem>> -> memref<1x80xi32, #tpu.memory_space<vmem>>
      %dma_wait3A_77 = tpu.memref_squeeze %dma_wait3A_76 : memref<1x80xi32, #tpu.memory_space<vmem>> -> memref<80xi32, #tpu.memory_space<vmem>>
      %dma_wait3A_78 = arith.constant 0 : i32
      %dma_wait3A_79 = arith.constant 0 : i32
      %dma_wait3A_80 = tpu.memref_slice %arg15[%dma_wait3A_78, %dma_wait3A_79] : memref<10240x128xf32, #tpu.memory_space<vmem_shared>> -> memref<10240x128xf32, #tpu.memory_space<vmem_shared>>
      tpu.wait_indirect_dma semaphore(%run_scoped3A_68 : memref<!tpu.dma_semaphore, #tpu.memory_space<semaphore_mem>>) src(%arg18 : memref<80x128xf32, #tpu.memory_space<vmem>>) dst(%dma_wait3A_80 : memref<10240x128xf32, #tpu.memory_space<vmem_shared>>)
      tpu.yield
    }) : () -> ()
    %barrier3A_58 = arith.constant 0 : index
    tpu.barrier barrier_id(%barrier3A_58)
    %add3A_59 = arith.constant 0 : i32
    %add3A_60 = arith.addi %mul3A_2, %add3A_59 : i32
    "tpu.region"() ({
      %run_scoped3A_68 = tpu.sem_alloc : memref<!tpu.dma_semaphore, #tpu.memory_space<semaphore_mem>>
      %dma_start3A_69 = arith.constant 0 : i32
      %dma_start3A_70 = tpu.memref_slice %arg14[%arg0, %add3A_60, %dma_start3A_69] : memref<2x10240x128xf32, #tpu.memory_space<hbm>> -> memref<1x160x128xf32, #tpu.memory_space<hbm>>
      %dma_start3A_71 = tpu.memref_squeeze %dma_start3A_70 : memref<1x160x128xf32, #tpu.memory_space<hbm>> -> memref<160x128xf32, #tpu.memory_space<hbm>>
      %dma_start3A_72 = arith.constant 0 : i32
      %dma_start3A_73 = tpu.memref_slice %arg15[%add3A_60, %dma_start3A_72] : memref<10240x128xf32, #tpu.memory_space<vmem_shared>> -> memref<160x128xf32, #tpu.memory_space<vmem_shared>>
      tpu.enqueue_dma source(%dma_start3A_73 : memref<160x128xf32, #tpu.memory_space<vmem_shared>>) target(%dma_start3A_71 : memref<160x128xf32, #tpu.memory_space<hbm>>) target_semaphore(%run_scoped3A_68 : memref<!tpu.dma_semaphore, #tpu.memory_space<semaphore_mem>>)
      %dma_wait3A_74 = arith.constant 0 : i32
      %dma_wait3A_75 = tpu.memref_slice %arg14[%arg0, %add3A_60, %dma_wait3A_74] : memref<2x10240x128xf32, #tpu.memory_space<hbm>> -> memref<1x160x128xf32, #tpu.memory_space<hbm>>
      %dma_wait3A_76 = tpu.memref_squeeze %dma_wait3A_75 : memref<1x160x128xf32, #tpu.memory_space<hbm>> -> memref<160x128xf32, #tpu.memory_space<hbm>>
      %dma_wait3A_77 = arith.constant 0 : i32
      %dma_wait3A_78 = tpu.memref_slice %arg15[%add3A_60, %dma_wait3A_77] : memref<10240x128xf32, #tpu.memory_space<vmem_shared>> -> memref<160x128xf32, #tpu.memory_space<vmem_shared>>
      tpu.wait_dma2 semaphore(%run_scoped3A_68 : memref<!tpu.dma_semaphore, #tpu.memory_space<semaphore_mem>>) src(%dma_wait3A_78 : memref<160x128xf32, #tpu.memory_space<vmem_shared>>) dst(%dma_wait3A_76 : memref<160x128xf32, #tpu.memory_space<hbm>>)
      tpu.yield
    }) : () -> ()
    %add3A_61 = arith.constant 160 : i32
    %add3A_62 = arith.addi %mul3A_2, %add3A_61 : i32
    "tpu.region"() ({
      %run_scoped3A_68 = tpu.sem_alloc : memref<!tpu.dma_semaphore, #tpu.memory_space<semaphore_mem>>
      %dma_start3A_69 = arith.constant 0 : i32
      %dma_start3A_70 = tpu.memref_slice %arg14[%arg0, %add3A_62, %dma_start3A_69] : memref<2x10240x128xf32, #tpu.memory_space<hbm>> -> memref<1x160x128xf32, #tpu.memory_space<hbm>>
      %dma_start3A_71 = tpu.memref_squeeze %dma_start3A_70 : memref<1x160x128xf32, #tpu.memory_space<hbm>> -> memref<160x128xf32, #tpu.memory_space<hbm>>
      %dma_start3A_72 = arith.constant 0 : i32
      %dma_start3A_73 = tpu.memref_slice %arg15[%add3A_62, %dma_start3A_72] : memref<10240x128xf32, #tpu.memory_space<vmem_shared>> -> memref<160x128xf32, #tpu.memory_space<vmem_shared>>
      tpu.enqueue_dma source(%dma_start3A_73 : memref<160x128xf32, #tpu.memory_space<vmem_shared>>) target(%dma_start3A_71 : memref<160x128xf32, #tpu.memory_space<hbm>>) target_semaphore(%run_scoped3A_68 : memref<!tpu.dma_semaphore, #tpu.memory_space<semaphore_mem>>)
      %dma_wait3A_74 = arith.constant 0 : i32
      %dma_wait3A_75 = tpu.memref_slice %arg14[%arg0, %add3A_62, %dma_wait3A_74] : memref<2x10240x128xf32, #tpu.memory_space<hbm>> -> memref<1x160x128xf32, #tpu.memory_space<hbm>>
      %dma_wait3A_76 = tpu.memref_squeeze %dma_wait3A_75 : memref<1x160x128xf32, #tpu.memory_space<hbm>> -> memref<160x128xf32, #tpu.memory_space<hbm>>
      %dma_wait3A_77 = arith.constant 0 : i32
      %dma_wait3A_78 = tpu.memref_slice %arg15[%add3A_62, %dma_wait3A_77] : memref<10240x128xf32, #tpu.memory_space<vmem_shared>> -> memref<160x128xf32, #tpu.memory_space<vmem_shared>>
      tpu.wait_dma2 semaphore(%run_scoped3A_68 : memref<!tpu.dma_semaphore, #tpu.memory_space<semaphore_mem>>) src(%dma_wait3A_78 : memref<160x128xf32, #tpu.memory_space<vmem_shared>>) dst(%dma_wait3A_76 : memref<160x128xf32, #tpu.memory_space<hbm>>)
      tpu.yield
    }) : () -> ()
    %add3A_63 = arith.constant 320 : i32
    %add3A_64 = arith.addi %mul3A_2, %add3A_63 : i32
    "tpu.region"() ({
      %run_scoped3A_68 = tpu.sem_alloc : memref<!tpu.dma_semaphore, #tpu.memory_space<semaphore_mem>>
      %dma_start3A_69 = arith.constant 0 : i32
      %dma_start3A_70 = tpu.memref_slice %arg14[%arg0, %add3A_64, %dma_start3A_69] : memref<2x10240x128xf32, #tpu.memory_space<hbm>> -> memref<1x160x128xf32, #tpu.memory_space<hbm>>
      %dma_start3A_71 = tpu.memref_squeeze %dma_start3A_70 : memref<1x160x128xf32, #tpu.memory_space<hbm>> -> memref<160x128xf32, #tpu.memory_space<hbm>>
      %dma_start3A_72 = arith.constant 0 : i32
      %dma_start3A_73 = tpu.memref_slice %arg15[%add3A_64, %dma_start3A_72] : memref<10240x128xf32, #tpu.memory_space<vmem_shared>> -> memref<160x128xf32, #tpu.memory_space<vmem_shared>>
      tpu.enqueue_dma source(%dma_start3A_73 : memref<160x128xf32, #tpu.memory_space<vmem_shared>>) target(%dma_start3A_71 : memref<160x128xf32, #tpu.memory_space<hbm>>) target_semaphore(%run_scoped3A_68 : memref<!tpu.dma_semaphore, #tpu.memory_space<semaphore_mem>>)
      %dma_wait3A_74 = arith.constant 0 : i32
      %dma_wait3A_75 = tpu.memref_slice %arg14[%arg0, %add3A_64, %dma_wait3A_74] : memref<2x10240x128xf32, #tpu.memory_space<hbm>> -> memref<1x160x128xf32, #tpu.memory_space<hbm>>
      %dma_wait3A_76 = tpu.memref_squeeze %dma_wait3A_75 : memref<1x160x128xf32, #tpu.memory_space<hbm>> -> memref<160x128xf32, #tpu.memory_space<hbm>>
      %dma_wait3A_77 = arith.constant 0 : i32
      %dma_wait3A_78 = tpu.memref_slice %arg15[%add3A_64, %dma_wait3A_77] : memref<10240x128xf32, #tpu.memory_space<vmem_shared>> -> memref<160x128xf32, #tpu.memory_space<vmem_shared>>
      tpu.wait_dma2 semaphore(%run_scoped3A_68 : memref<!tpu.dma_semaphore, #tpu.memory_space<semaphore_mem>>) src(%dma_wait3A_78 : memref<160x128xf32, #tpu.memory_space<vmem_shared>>) dst(%dma_wait3A_76 : memref<160x128xf32, #tpu.memory_space<hbm>>)
      tpu.yield
    }) : () -> ()
    %add3A_65 = arith.constant 480 : i32
    %add3A_66 = arith.addi %mul3A_2, %add3A_65 : i32
    "tpu.region"() ({
      %run_scoped3A_68 = tpu.sem_alloc : memref<!tpu.dma_semaphore, #tpu.memory_space<semaphore_mem>>
      %dma_start3A_69 = arith.constant 0 : i32
      %dma_start3A_70 = tpu.memref_slice %arg14[%arg0, %add3A_66, %dma_start3A_69] : memref<2x10240x128xf32, #tpu.memory_space<hbm>> -> memref<1x160x128xf32, #tpu.memory_space<hbm>>
      %dma_start3A_71 = tpu.memref_squeeze %dma_start3A_70 : memref<1x160x128xf32, #tpu.memory_space<hbm>> -> memref<160x128xf32, #tpu.memory_space<hbm>>
      %dma_start3A_72 = arith.constant 0 : i32
      %dma_start3A_73 = tpu.memref_slice %arg15[%add3A_66, %dma_start3A_72] : memref<10240x128xf32, #tpu.memory_space<vmem_shared>> -> memref<160x128xf32, #tpu.memory_space<vmem_shared>>
      tpu.enqueue_dma source(%dma_start3A_73 : memref<160x128xf32, #tpu.memory_space<vmem_shared>>) target(%dma_start3A_71 : memref<160x128xf32, #tpu.memory_space<hbm>>) target_semaphore(%run_scoped3A_68 : memref<!tpu.dma_semaphore, #tpu.memory_space<semaphore_mem>>)
      %dma_wait3A_74 = arith.constant 0 : i32
      %dma_wait3A_75 = tpu.memref_slice %arg14[%arg0, %add3A_66, %dma_wait3A_74] : memref<2x10240x128xf32, #tpu.memory_space<hbm>> -> memref<1x160x128xf32, #tpu.memory_space<hbm>>
      %dma_wait3A_76 = tpu.memref_squeeze %dma_wait3A_75 : memref<1x160x128xf32, #tpu.memory_space<hbm>> -> memref<160x128xf32, #tpu.memory_space<hbm>>
      %dma_wait3A_77 = arith.constant 0 : i32
      %dma_wait3A_78 = tpu.memref_slice %arg15[%add3A_66, %dma_wait3A_77] : memref<10240x128xf32, #tpu.memory_space<vmem_shared>> -> memref<160x128xf32, #tpu.memory_space<vmem_shared>>
      tpu.wait_dma2 semaphore(%run_scoped3A_68 : memref<!tpu.dma_semaphore, #tpu.memory_space<semaphore_mem>>) src(%dma_wait3A_78 : memref<160x128xf32, #tpu.memory_space<vmem_shared>>) dst(%dma_wait3A_76 : memref<160x128xf32, #tpu.memory_space<hbm>>)
      tpu.yield
    }) : () -> ()
    %barrier3A_67 = arith.constant 0 : index
    tpu.barrier barrier_id(%barrier3A_67)
    return
  }
}

module attributes {stable_mosaic.version = 14 : i64} {
  func.func @_prep_body(%arg0: i32, %arg1: memref<1000x8xf32, #tpu.memory_space<vmem>>, %arg2: memref<1000x128xf32, #tpu.memory_space<vmem>>, %arg3: memref<1000x128xf32, #tpu.memory_space<vmem>>, %arg4: memref<1000x4xf32, #tpu.memory_space<vmem>>, %arg5: memref<1000x128xf32, #tpu.memory_space<vmem>>, %arg6: memref<1000x128xf32, #tpu.memory_space<vmem>>, %arg7: memref<1000x128xf32, #tpu.memory_space<vmem>>, %arg8: memref<1000x128xf32, #tpu.memory_space<vmem>>) attributes {dimension_semantics = [#tpu.dimension_semantics<arbitrary>], iteration_bounds = array<i64: 10>, scalar_prefetch = 0 : i64, scratch_operands = 0 : i64, tpu.core_type = #tpu.core_type<tc>, window_params = [{transform_indices = @transform_0, window_bounds = array<i64: 1000, 8>}, {transform_indices = @transform_1, window_bounds = array<i64: 1000, 128>}, {transform_indices = @transform_2, window_bounds = array<i64: 1000, 128>}, {transform_indices = @transform_3, window_bounds = array<i64: 1000, 4>}, {transform_indices = @transform_4, window_bounds = array<i64: 1000, 128>}, {transform_indices = @transform_5, window_bounds = array<i64: 1000, 128>}, {transform_indices = @transform_6, window_bounds = array<i64: 1000, 128>}, {transform_indices = @transform_7, window_bounds = array<i64: 1000, 128>}]} {
    %get3A = arith.constant 0 : index
    %get3A_0 = arith.constant 0 : index
    %get3A_1 = vector.load %arg1[%get3A, %get3A_0] : memref<1000x8xf32, #tpu.memory_space<vmem>>, vector<1000x8xf32>
    %iota3A = tpu.iota {dimensions = array<i32: 0>} : vector<8x4xi32>
    %jit3A = arith.constant 2 : i32
    %div3A = vector.broadcast %jit3A : i32 to vector<8x4xi32>
    %div3A_2 = arith.divsi %iota3A, %div3A : vector<8x4xi32>
    %sign3A = arith.constant 0 : i32
    %sign3A_3 = vector.broadcast %sign3A : i32 to vector<8x4xi32>
    %sign3A_4 = arith.cmpi sgt, %iota3A, %sign3A_3 : vector<8x4xi32>
    %sign3A_5 = arith.extui %sign3A_4 : vector<8x4xi1> to vector<8x4xi32>
    %sign3A_6 = arith.constant 0 : i32
    %sign3A_7 = vector.broadcast %sign3A_6 : i32 to vector<8x4xi32>
    %sign3A_8 = arith.cmpi slt, %iota3A, %sign3A_7 : vector<8x4xi32>
    %sign3A_9 = arith.extui %sign3A_8 : vector<8x4xi1> to vector<8x4xi32>
    %sign3A_10 = arith.subi %sign3A_5, %sign3A_9 : vector<8x4xi32>
    %sign3A_11 = arith.constant 0 : i32
    %sign3A_12 = arith.cmpi sgt, %jit3A, %sign3A_11 : i32
    %sign3A_13 = arith.extui %sign3A_12 : i1 to i32
    %sign3A_14 = arith.constant 0 : i32
    %sign3A_15 = arith.cmpi slt, %jit3A, %sign3A_14 : i32
    %sign3A_16 = arith.extui %sign3A_15 : i1 to i32
    %sign3A_17 = arith.subi %sign3A_13, %sign3A_16 : i32
    %ne3A = vector.broadcast %sign3A_17 : i32 to vector<8x4xi32>
    %ne3A_18 = arith.cmpi ne, %sign3A_10, %ne3A : vector<8x4xi32>
    %rem3A = vector.broadcast %jit3A : i32 to vector<8x4xi32>
    %rem3A_19 = arith.remsi %iota3A, %rem3A : vector<8x4xi32>
    %ne3A_20 = arith.constant 0 : i32
    %ne3A_21 = vector.broadcast %ne3A_20 : i32 to vector<8x4xi32>
    %ne3A_22 = arith.cmpi ne, %rem3A_19, %ne3A_21 : vector<8x4xi32>
    %and3A = arith.andi %ne3A_18, %ne3A_22 : vector<8x4xi1>
    %sub3A = arith.constant 1 : i32
    %sub3A_23 = vector.broadcast %sub3A : i32 to vector<8x4xi32>
    %sub3A_24 = arith.subi %div3A_2, %sub3A_23 : vector<8x4xi32>
    %select_n3A = arith.select %and3A, %sub3A_24, %div3A_2 : vector<8x4xi1>, vector<8x4xi32>
    %iota3A_25 = tpu.iota {dimensions = array<i32: 1>} : vector<8x4xi32>
    %eq3A = arith.cmpi eq, %select_n3A, %iota3A_25 : vector<8x4xi32>
    %convert_element_type3A = arith.extui %eq3A : vector<8x4xi1> to vector<8x4xi32>
    %convert_element_type3A_26 = arith.sitofp %convert_element_type3A : vector<8x4xi32> to vector<8x4xf32>
    %dot_general3A = arith.constant dense<0.000000e+00> : vector<1000x4xf32>
    %dot_general3A_27 = tpu.matmul %get3A_1, %convert_element_type3A_26, %dot_general3A {dimension_numbers = #tpu.dot_dimension_numbers<[1], [0], [0], [1], [0, 0, 1, 1], [], []>, transpose_lhs_hint = false} : vector<1000x8xf32>, vector<8x4xf32>, vector<1000x4xf32> -> vector<1000x4xf32>
    %max3A = arith.constant 1.000000e+00 : f32
    %max3A_28 = vector.broadcast %max3A : f32 to vector<1000x4xf32>
    %max3A_29 = arith.maximumf %dot_general3A_27, %max3A_28 : vector<1000x4xf32>
    %rsqrt3A = math.rsqrt %max3A_29 : vector<1000x4xf32>
    %swap3A = arith.constant 0 : index
    %swap3A_30 = arith.constant 0 : index
    %swap3A_31 = vector.load %arg4[%swap3A, %swap3A_30] : memref<1000x4xf32, #tpu.memory_space<vmem>>, vector<1000x4xf32>
    tpu.vector_store %arg4[%swap3A, %swap3A_30], %rsqrt3A {strides = array<i32>} : memref<1000x4xf32, #tpu.memory_space<vmem>>, vector<1000x4xf32>,
    %get3A_32 = arith.constant 0 : index
    %get3A_33 = arith.constant 0 : index
    %get3A_34 = vector.load %arg2[%get3A_32, %get3A_33] : memref<1000x128xf32, #tpu.memory_space<vmem>>, vector<1000x128xf32>
    %get3A_35 = arith.constant 0 : index
    %get3A_36 = arith.constant 0 : index
    %get3A_37 = vector.load %arg3[%get3A_35, %get3A_36] : memref<1000x128xf32, #tpu.memory_space<vmem>>, vector<1000x128xf32>
    %slice3A = vector.extract_strided_slice %rsqrt3A {offsets = [0, 1], sizes = [1000, 1], strides = [1, 1]} : vector<1000x4xf32> to vector<1000x1xf32>
    %mul3A = vector.broadcast %slice3A : vector<1000x1xf32> to vector<1000x128xf32>
    %mul3A_38 = arith.mulf %mul3A, %get3A_34 : vector<1000x128xf32>
    %swap3A_39 = arith.constant 0 : index
    %swap3A_40 = arith.constant 0 : index
    %swap3A_41 = vector.load %arg5[%swap3A_39, %swap3A_40] : memref<1000x128xf32, #tpu.memory_space<vmem>>, vector<1000x128xf32>
    tpu.vector_store %arg5[%swap3A_39, %swap3A_40], %mul3A_38 {strides = array<i32>} : memref<1000x128xf32, #tpu.memory_space<vmem>>, vector<1000x128xf32>,
    %slice3A_42 = vector.extract_strided_slice %rsqrt3A {offsets = [0, 0], sizes = [1000, 1], strides = [1, 1]} : vector<1000x4xf32> to vector<1000x1xf32>
    %mul3A_43 = vector.broadcast %slice3A_42 : vector<1000x1xf32> to vector<1000x128xf32>
    %mul3A_44 = arith.mulf %mul3A_43, %get3A_34 : vector<1000x128xf32>
    %swap3A_45 = arith.constant 0 : index
    %swap3A_46 = arith.constant 0 : index
    %swap3A_47 = vector.load %arg6[%swap3A_45, %swap3A_46] : memref<1000x128xf32, #tpu.memory_space<vmem>>, vector<1000x128xf32>
    tpu.vector_store %arg6[%swap3A_45, %swap3A_46], %mul3A_44 {strides = array<i32>} : memref<1000x128xf32, #tpu.memory_space<vmem>>, vector<1000x128xf32>,
    %slice3A_48 = vector.extract_strided_slice %rsqrt3A {offsets = [0, 3], sizes = [1000, 1], strides = [1, 1]} : vector<1000x4xf32> to vector<1000x1xf32>
    %mul3A_49 = vector.broadcast %slice3A_48 : vector<1000x1xf32> to vector<1000x128xf32>
    %mul3A_50 = arith.mulf %mul3A_49, %get3A_37 : vector<1000x128xf32>
    %swap3A_51 = arith.constant 0 : index
    %swap3A_52 = arith.constant 0 : index
    %swap3A_53 = vector.load %arg7[%swap3A_51, %swap3A_52] : memref<1000x128xf32, #tpu.memory_space<vmem>>, vector<1000x128xf32>
    tpu.vector_store %arg7[%swap3A_51, %swap3A_52], %mul3A_50 {strides = array<i32>} : memref<1000x128xf32, #tpu.memory_space<vmem>>, vector<1000x128xf32>,
    %slice3A_54 = vector.extract_strided_slice %rsqrt3A {offsets = [0, 2], sizes = [1000, 1], strides = [1, 1]} : vector<1000x4xf32> to vector<1000x1xf32>
    %mul3A_55 = vector.broadcast %slice3A_54 : vector<1000x1xf32> to vector<1000x128xf32>
    %mul3A_56 = arith.mulf %mul3A_55, %get3A_37 : vector<1000x128xf32>
    %swap3A_57 = arith.constant 0 : index
    %swap3A_58 = arith.constant 0 : index
    %swap3A_59 = vector.load %arg8[%swap3A_57, %swap3A_58] : memref<1000x128xf32, #tpu.memory_space<vmem>>, vector<1000x128xf32>
    tpu.vector_store %arg8[%swap3A_57, %swap3A_58], %mul3A_56 {strides = array<i32>} : memref<1000x128xf32, #tpu.memory_space<vmem>>, vector<1000x128xf32>,
    return
  }
  func.func @transform_0(%arg0: i32) -> (i32, i32) {
    %c0_i32 = arith.constant 0 : i32
    %c0_i32_0 = arith.constant 0 : i32
    return %arg0, %c0_i32 : i32, i32
  }
  func.func @transform_1(%arg0: i32) -> (i32, i32) {
    %c0_i32 = arith.constant 0 : i32
    %c0_i32_0 = arith.constant 0 : i32
    return %arg0, %c0_i32 : i32, i32
  }
  func.func @transform_2(%arg0: i32) -> (i32, i32) {
    %c0_i32 = arith.constant 0 : i32
    %c0_i32_0 = arith.constant 0 : i32
    return %arg0, %c0_i32 : i32, i32
  }
  func.func @transform_3(%arg0: i32) -> (i32, i32) {
    %c0_i32 = arith.constant 0 : i32
    %c0_i32_0 = arith.constant 0 : i32
    return %arg0, %c0_i32 : i32, i32
  }
  func.func @transform_4(%arg0: i32) -> (i32, i32) {
    %c0_i32 = arith.constant 0 : i32
    %c0_i32_0 = arith.constant 0 : i32
    return %arg0, %c0_i32 : i32, i32
  }
  func.func @transform_5(%arg0: i32) -> (i32, i32) {
    %c0_i32 = arith.constant 0 : i32
    %c0_i32_0 = arith.constant 0 : i32
    return %arg0, %c0_i32 : i32, i32
  }
  func.func @transform_6(%arg0: i32) -> (i32, i32) {
    %c0_i32 = arith.constant 0 : i32
    %c0_i32_0 = arith.constant 0 : i32
    return %arg0, %c0_i32 : i32, i32
  }
  func.func @transform_7(%arg0: i32) -> (i32, i32) {
    %c0_i32 = arith.constant 0 : i32
    %c0_i32_0 = arith.constant 0 : i32
    return %arg0, %c0_i32 : i32, i32
  }
}

module attributes {stable_mosaic.version = 14 : i64} {
  func.func @_combine1_body(%arg0: i32, %arg1: memref<2x1000x128xf32, #tpu.memory_space<vmem>>, %arg2: memref<2x1000x128xf32, #tpu.memory_space<vmem>>, %arg3: memref<2x1000x128xf32, #tpu.memory_space<vmem>>, %arg4: memref<2x1000x128xf32, #tpu.memory_space<vmem>>, %arg5: memref<1000x4xf32, #tpu.memory_space<vmem>>, %arg6: memref<2x2x2x128x128xf32, #tpu.memory_space<vmem>>, %arg7: memref<1000x128xf32, #tpu.memory_space<vmem>>, %arg8: memref<1000x128xf32, #tpu.memory_space<vmem>>) attributes {dimension_semantics = [#tpu.dimension_semantics<arbitrary>], iteration_bounds = array<i64: 10>, scalar_prefetch = 0 : i64, scratch_operands = 0 : i64, tpu.core_type = #tpu.core_type<tc>, window_params = [{transform_indices = @transform_0, window_bounds = array<i64: 2, 1000, 128>}, {transform_indices = @transform_1, window_bounds = array<i64: 2, 1000, 128>}, {transform_indices = @transform_2, window_bounds = array<i64: 2, 1000, 128>}, {transform_indices = @transform_3, window_bounds = array<i64: 2, 1000, 128>}, {transform_indices = @transform_4, window_bounds = array<i64: 1000, 4>}, {pipeline_mode = #tpu.pipeline_mode<synchronous>, transform_indices = @transform_5, window_bounds = array<i64: 2, 2, 2, 128, 128>}, {transform_indices = @transform_6, window_bounds = array<i64: 1000, 128>}, {transform_indices = @transform_7, window_bounds = array<i64: 1000, 128>}]} {
    %get3A = arith.constant 0 : index
    %get3A_0 = arith.constant 0 : index
    %get3A_1 = vector.load %arg5[%get3A, %get3A_0] : memref<1000x4xf32, #tpu.memory_space<vmem>>, vector<1000x4xf32>
    %broadcast_in_dim3A = arith.constant 0.000000e+00 : f32
    %broadcast_in_dim3A_2 = vector.broadcast %broadcast_in_dim3A : f32 to vector<1000x128xf32>
    %get3A_3 = arith.constant 0 : index
    %get3A_4 = arith.constant 0 : index
    %get3A_5 = arith.constant 0 : index
    %get3A_6 = vector.load %arg1[%get3A_3, %get3A_4, %get3A_5] : memref<2x1000x128xf32, #tpu.memory_space<vmem>>, vector<1x1000x128xf32>
    %get3A_7 = vector.shape_cast %get3A_6 : vector<1x1000x128xf32> to vector<1000x128xf32>
    %get3A_8 = arith.constant 1 : index
    %get3A_9 = arith.constant 0 : index
    %get3A_10 = arith.constant 0 : index
    %get3A_11 = vector.load %arg1[%get3A_8, %get3A_9, %get3A_10] : memref<2x1000x128xf32, #tpu.memory_space<vmem>>, vector<1x1000x128xf32>
    %get3A_12 = vector.shape_cast %get3A_11 : vector<1x1000x128xf32> to vector<1000x128xf32>
    %add3A = arith.addf %get3A_7, %get3A_12 : vector<1000x128xf32>
    %slice3A = vector.extract_strided_slice %get3A_1 {offsets = [0, 0], sizes = [1000, 1], strides = [1, 1]} : vector<1000x4xf32> to vector<1000x1xf32>
    %mul3A = vector.broadcast %slice3A : vector<1000x1xf32> to vector<1000x128xf32>
    %mul3A_13 = arith.mulf %add3A, %mul3A : vector<1000x128xf32>
    %get3A_14 = arith.constant 0 : index
    %get3A_15 = arith.constant 0 : index
    %get3A_16 = arith.constant 0 : index
    %get3A_17 = arith.constant 0 : index
    %get3A_18 = arith.constant 0 : index
    %get3A_19 = vector.load %arg6[%get3A_14, %get3A_15, %get3A_16, %get3A_17, %get3A_18] : memref<2x2x2x128x128xf32, #tpu.memory_space<vmem>>, vector<1x1x1x128x128xf32>
    %get3A_20 = vector.shape_cast %get3A_19 : vector<1x1x1x128x128xf32> to vector<128x128xf32>
    %dot_general3A = arith.constant dense<0.000000e+00> : vector<1000x128xf32>
    %dot_general3A_21 = tpu.matmul %mul3A_13, %get3A_20, %dot_general3A {dimension_numbers = #tpu.dot_dimension_numbers<[1], [0], [0], [1], [0, 0, 1, 1], [], []>, transpose_lhs_hint = false} : vector<1000x128xf32>, vector<128x128xf32>, vector<1000x128xf32> -> vector<1000x128xf32>
    %add3A_22 = arith.addf %broadcast_in_dim3A_2, %dot_general3A_21 : vector<1000x128xf32>
    %get3A_23 = arith.constant 0 : index
    %get3A_24 = arith.constant 0 : index
    %get3A_25 = arith.constant 0 : index
    %get3A_26 = vector.load %arg2[%get3A_23, %get3A_24, %get3A_25] : memref<2x1000x128xf32, #tpu.memory_space<vmem>>, vector<1x1000x128xf32>
    %get3A_27 = vector.shape_cast %get3A_26 : vector<1x1000x128xf32> to vector<1000x128xf32>
    %get3A_28 = arith.constant 1 : index
    %get3A_29 = arith.constant 0 : index
    %get3A_30 = arith.constant 0 : index
    %get3A_31 = vector.load %arg2[%get3A_28, %get3A_29, %get3A_30] : memref<2x1000x128xf32, #tpu.memory_space<vmem>>, vector<1x1000x128xf32>
    %get3A_32 = vector.shape_cast %get3A_31 : vector<1x1000x128xf32> to vector<1000x128xf32>
    %add3A_33 = arith.addf %get3A_27, %get3A_32 : vector<1000x128xf32>
    %slice3A_34 = vector.extract_strided_slice %get3A_1 {offsets = [0, 1], sizes = [1000, 1], strides = [1, 1]} : vector<1000x4xf32> to vector<1000x1xf32>
    %mul3A_35 = vector.broadcast %slice3A_34 : vector<1000x1xf32> to vector<1000x128xf32>
    %mul3A_36 = arith.mulf %add3A_33, %mul3A_35 : vector<1000x128xf32>
    %get3A_37 = arith.constant 0 : index
    %get3A_38 = arith.constant 0 : index
    %get3A_39 = arith.constant 1 : index
    %get3A_40 = arith.constant 0 : index
    %get3A_41 = arith.constant 0 : index
    %get3A_42 = vector.load %arg6[%get3A_37, %get3A_38, %get3A_39, %get3A_40, %get3A_41] : memref<2x2x2x128x128xf32, #tpu.memory_space<vmem>>, vector<1x1x1x128x128xf32>
    %get3A_43 = vector.shape_cast %get3A_42 : vector<1x1x1x128x128xf32> to vector<128x128xf32>
    %dot_general3A_44 = arith.constant dense<0.000000e+00> : vector<1000x128xf32>
    %dot_general3A_45 = tpu.matmul %mul3A_36, %get3A_43, %dot_general3A_44 {dimension_numbers = #tpu.dot_dimension_numbers<[1], [0], [0], [1], [0, 0, 1, 1], [], []>, transpose_lhs_hint = false} : vector<1000x128xf32>, vector<128x128xf32>, vector<1000x128xf32> -> vector<1000x128xf32>
    %add3A_46 = arith.addf %add3A_22, %dot_general3A_45 : vector<1000x128xf32>
    %get3A_47 = arith.constant 0 : index
    %get3A_48 = arith.constant 0 : index
    %get3A_49 = arith.constant 0 : index
    %get3A_50 = vector.load %arg3[%get3A_47, %get3A_48, %get3A_49] : memref<2x1000x128xf32, #tpu.memory_space<vmem>>, vector<1x1000x128xf32>
    %get3A_51 = vector.shape_cast %get3A_50 : vector<1x1000x128xf32> to vector<1000x128xf32>
    %get3A_52 = arith.constant 1 : index
    %get3A_53 = arith.constant 0 : index
    %get3A_54 = arith.constant 0 : index
    %get3A_55 = vector.load %arg3[%get3A_52, %get3A_53, %get3A_54] : memref<2x1000x128xf32, #tpu.memory_space<vmem>>, vector<1x1000x128xf32>
    %get3A_56 = vector.shape_cast %get3A_55 : vector<1x1000x128xf32> to vector<1000x128xf32>
    %add3A_57 = arith.addf %get3A_51, %get3A_56 : vector<1000x128xf32>
    %slice3A_58 = vector.extract_strided_slice %get3A_1 {offsets = [0, 2], sizes = [1000, 1], strides = [1, 1]} : vector<1000x4xf32> to vector<1000x1xf32>
    %mul3A_59 = vector.broadcast %slice3A_58 : vector<1000x1xf32> to vector<1000x128xf32>
    %mul3A_60 = arith.mulf %add3A_57, %mul3A_59 : vector<1000x128xf32>
    %get3A_61 = arith.constant 0 : index
    %get3A_62 = arith.constant 1 : index
    %get3A_63 = arith.constant 0 : index
    %get3A_64 = arith.constant 0 : index
    %get3A_65 = arith.constant 0 : index
    %get3A_66 = vector.load %arg6[%get3A_61, %get3A_62, %get3A_63, %get3A_64, %get3A_65] : memref<2x2x2x128x128xf32, #tpu.memory_space<vmem>>, vector<1x1x1x128x128xf32>
    %get3A_67 = vector.shape_cast %get3A_66 : vector<1x1x1x128x128xf32> to vector<128x128xf32>
    %dot_general3A_68 = arith.constant dense<0.000000e+00> : vector<1000x128xf32>
    %dot_general3A_69 = tpu.matmul %mul3A_60, %get3A_67, %dot_general3A_68 {dimension_numbers = #tpu.dot_dimension_numbers<[1], [0], [0], [1], [0, 0, 1, 1], [], []>, transpose_lhs_hint = false} : vector<1000x128xf32>, vector<128x128xf32>, vector<1000x128xf32> -> vector<1000x128xf32>
    %add3A_70 = arith.addf %add3A_46, %dot_general3A_69 : vector<1000x128xf32>
    %get3A_71 = arith.constant 0 : index
    %get3A_72 = arith.constant 0 : index
    %get3A_73 = arith.constant 0 : index
    %get3A_74 = vector.load %arg4[%get3A_71, %get3A_72, %get3A_73] : memref<2x1000x128xf32, #tpu.memory_space<vmem>>, vector<1x1000x128xf32>
    %get3A_75 = vector.shape_cast %get3A_74 : vector<1x1000x128xf32> to vector<1000x128xf32>
    %get3A_76 = arith.constant 1 : index
    %get3A_77 = arith.constant 0 : index
    %get3A_78 = arith.constant 0 : index
    %get3A_79 = vector.load %arg4[%get3A_76, %get3A_77, %get3A_78] : memref<2x1000x128xf32, #tpu.memory_space<vmem>>, vector<1x1000x128xf32>
    %get3A_80 = vector.shape_cast %get3A_79 : vector<1x1000x128xf32> to vector<1000x128xf32>
    %add3A_81 = arith.addf %get3A_75, %get3A_80 : vector<1000x128xf32>
    %slice3A_82 = vector.extract_strided_slice %get3A_1 {offsets = [0, 3], sizes = [1000, 1], strides = [1, 1]} : vector<1000x4xf32> to vector<1000x1xf32>
    %mul3A_83 = vector.broadcast %slice3A_82 : vector<1000x1xf32> to vector<1000x128xf32>
    %mul3A_84 = arith.mulf %add3A_81, %mul3A_83 : vector<1000x128xf32>
    %get3A_85 = arith.constant 0 : index
    %get3A_86 = arith.constant 1 : index
    %get3A_87 = arith.constant 1 : index
    %get3A_88 = arith.constant 0 : index
    %get3A_89 = arith.constant 0 : index
    %get3A_90 = vector.load %arg6[%get3A_85, %get3A_86, %get3A_87, %get3A_88, %get3A_89] : memref<2x2x2x128x128xf32, #tpu.memory_space<vmem>>, vector<1x1x1x128x128xf32>
    %get3A_91 = vector.shape_cast %get3A_90 : vector<1x1x1x128x128xf32> to vector<128x128xf32>
    %dot_general3A_92 = arith.constant dense<0.000000e+00> : vector<1000x128xf32>
    %dot_general3A_93 = tpu.matmul %mul3A_84, %get3A_91, %dot_general3A_92 {dimension_numbers = #tpu.dot_dimension_numbers<[1], [0], [0], [1], [0, 0, 1, 1], [], []>, transpose_lhs_hint = false} : vector<1000x128xf32>, vector<128x128xf32>, vector<1000x128xf32> -> vector<1000x128xf32>
    %add3A_94 = arith.addf %add3A_70, %dot_general3A_93 : vector<1000x128xf32>
    %mul3A_95 = arith.constant 5.000000e-01 : f32
    %mul3A_96 = vector.broadcast %mul3A_95 : f32 to vector<1000x128xf32>
    %mul3A_97 = arith.mulf %add3A_94, %mul3A_96 : vector<1000x128xf32>
    %slice3A_98 = vector.extract_strided_slice %get3A_1 {offsets = [0, 1], sizes = [1000, 1], strides = [1, 1]} : vector<1000x4xf32> to vector<1000x1xf32>
    %mul3A_99 = vector.broadcast %slice3A_98 : vector<1000x1xf32> to vector<1000x128xf32>
    %mul3A_100 = arith.mulf %mul3A_99, %mul3A_97 : vector<1000x128xf32>
    %swap3A = arith.constant 0 : index
    %swap3A_101 = arith.constant 0 : index
    %swap3A_102 = vector.load %arg7[%swap3A, %swap3A_101] : memref<1000x128xf32, #tpu.memory_space<vmem>>, vector<1000x128xf32>
    tpu.vector_store %arg7[%swap3A, %swap3A_101], %mul3A_100 {strides = array<i32>} : memref<1000x128xf32, #tpu.memory_space<vmem>>, vector<1000x128xf32>,
    %slice3A_103 = vector.extract_strided_slice %get3A_1 {offsets = [0, 0], sizes = [1000, 1], strides = [1, 1]} : vector<1000x4xf32> to vector<1000x1xf32>
    %mul3A_104 = vector.broadcast %slice3A_103 : vector<1000x1xf32> to vector<1000x128xf32>
    %mul3A_105 = arith.mulf %mul3A_104, %mul3A_97 : vector<1000x128xf32>
    %swap3A_106 = arith.constant 0 : index
    %swap3A_107 = arith.constant 0 : index
    %swap3A_108 = vector.load %arg8[%swap3A_106, %swap3A_107] : memref<1000x128xf32, #tpu.memory_space<vmem>>, vector<1000x128xf32>
    tpu.vector_store %arg8[%swap3A_106, %swap3A_107], %mul3A_105 {strides = array<i32>} : memref<1000x128xf32, #tpu.memory_space<vmem>>, vector<1000x128xf32>,
    return
  }
  func.func @transform_0(%arg0: i32) -> (i32, i32, i32) {
    %c0_i32 = arith.constant 0 : i32
    %c0_i32_0 = arith.constant 0 : i32
    %c0_i32_1 = arith.constant 0 : i32
    return %c0_i32, %arg0, %c0_i32_0 : i32, i32, i32
  }
  func.func @transform_1(%arg0: i32) -> (i32, i32, i32) {
    %c0_i32 = arith.constant 0 : i32
    %c0_i32_0 = arith.constant 0 : i32
    %c0_i32_1 = arith.constant 0 : i32
    return %c0_i32, %arg0, %c0_i32_0 : i32, i32, i32
  }
  func.func @transform_2(%arg0: i32) -> (i32, i32, i32) {
    %c0_i32 = arith.constant 0 : i32
    %c0_i32_0 = arith.constant 0 : i32
    %c0_i32_1 = arith.constant 0 : i32
    return %c0_i32, %arg0, %c0_i32_0 : i32, i32, i32
  }
  func.func @transform_3(%arg0: i32) -> (i32, i32, i32) {
    %c0_i32 = arith.constant 0 : i32
    %c0_i32_0 = arith.constant 0 : i32
    %c0_i32_1 = arith.constant 0 : i32
    return %c0_i32, %arg0, %c0_i32_0 : i32, i32, i32
  }
  func.func @transform_4(%arg0: i32) -> (i32, i32) {
    %c0_i32 = arith.constant 0 : i32
    %c0_i32_0 = arith.constant 0 : i32
    return %arg0, %c0_i32 : i32, i32
  }
  func.func @transform_5(%arg0: i32) -> (i32, i32, i32, i32, i32) {
    %c0_i32 = arith.constant 0 : i32
    %c0_i32_0 = arith.constant 0 : i32
    %c0_i32_1 = arith.constant 0 : i32
    %c0_i32_2 = arith.constant 0 : i32
    %c0_i32_3 = arith.constant 0 : i32
    %c0_i32_4 = arith.constant 0 : i32
    return %c0_i32, %c0_i32_0, %c0_i32_1, %c0_i32_2, %c0_i32_3 : i32, i32, i32, i32, i32
  }
  func.func @transform_6(%arg0: i32) -> (i32, i32) {
    %c0_i32 = arith.constant 0 : i32
    %c0_i32_0 = arith.constant 0 : i32
    return %arg0, %c0_i32 : i32, i32
  }
  func.func @transform_7(%arg0: i32) -> (i32, i32) {
    %c0_i32 = arith.constant 0 : i32
    %c0_i32_0 = arith.constant 0 : i32
    return %arg0, %c0_i32 : i32, i32
  }
}

module attributes {stable_mosaic.version = 14 : i64} {
  func.func @_combine2_body(%arg0: i32, %arg1: memref<2x1000x128xf32, #tpu.memory_space<vmem>>, %arg2: memref<2x1000x128xf32, #tpu.memory_space<vmem>>, %arg3: memref<2x1000x128xf32, #tpu.memory_space<vmem>>, %arg4: memref<2x1000x128xf32, #tpu.memory_space<vmem>>, %arg5: memref<1000x4xf32, #tpu.memory_space<vmem>>, %arg6: memref<2x2x2x128x128xf32, #tpu.memory_space<vmem>>, %arg7: memref<1000x128xf32, #tpu.memory_space<vmem>>) attributes {dimension_semantics = [#tpu.dimension_semantics<arbitrary>], iteration_bounds = array<i64: 10>, scalar_prefetch = 0 : i64, scratch_operands = 0 : i64, tpu.core_type = #tpu.core_type<tc>, window_params = [{transform_indices = @transform_0, window_bounds = array<i64: 2, 1000, 128>}, {transform_indices = @transform_1, window_bounds = array<i64: 2, 1000, 128>}, {transform_indices = @transform_2, window_bounds = array<i64: 2, 1000, 128>}, {transform_indices = @transform_3, window_bounds = array<i64: 2, 1000, 128>}, {transform_indices = @transform_4, window_bounds = array<i64: 1000, 4>}, {pipeline_mode = #tpu.pipeline_mode<synchronous>, transform_indices = @transform_5, window_bounds = array<i64: 2, 2, 2, 128, 128>}, {transform_indices = @transform_6, window_bounds = array<i64: 1000, 128>}]} {
    %get3A = arith.constant 0 : index
    %get3A_0 = arith.constant 0 : index
    %get3A_1 = vector.load %arg5[%get3A, %get3A_0] : memref<1000x4xf32, #tpu.memory_space<vmem>>, vector<1000x4xf32>
    %broadcast_in_dim3A = arith.constant 0.000000e+00 : f32
    %broadcast_in_dim3A_2 = vector.broadcast %broadcast_in_dim3A : f32 to vector<1000x128xf32>
    %get3A_3 = arith.constant 0 : index
    %get3A_4 = arith.constant 0 : index
    %get3A_5 = arith.constant 0 : index
    %get3A_6 = vector.load %arg1[%get3A_3, %get3A_4, %get3A_5] : memref<2x1000x128xf32, #tpu.memory_space<vmem>>, vector<1x1000x128xf32>
    %get3A_7 = vector.shape_cast %get3A_6 : vector<1x1000x128xf32> to vector<1000x128xf32>
    %get3A_8 = arith.constant 1 : index
    %get3A_9 = arith.constant 0 : index
    %get3A_10 = arith.constant 0 : index
    %get3A_11 = vector.load %arg1[%get3A_8, %get3A_9, %get3A_10] : memref<2x1000x128xf32, #tpu.memory_space<vmem>>, vector<1x1000x128xf32>
    %get3A_12 = vector.shape_cast %get3A_11 : vector<1x1000x128xf32> to vector<1000x128xf32>
    %add3A = arith.addf %get3A_7, %get3A_12 : vector<1000x128xf32>
    %slice3A = vector.extract_strided_slice %get3A_1 {offsets = [0, 0], sizes = [1000, 1], strides = [1, 1]} : vector<1000x4xf32> to vector<1000x1xf32>
    %mul3A = vector.broadcast %slice3A : vector<1000x1xf32> to vector<1000x128xf32>
    %mul3A_13 = arith.mulf %add3A, %mul3A : vector<1000x128xf32>
    %get3A_14 = arith.constant 1 : index
    %get3A_15 = arith.constant 0 : index
    %get3A_16 = arith.constant 0 : index
    %get3A_17 = arith.constant 0 : index
    %get3A_18 = arith.constant 0 : index
    %get3A_19 = vector.load %arg6[%get3A_14, %get3A_15, %get3A_16, %get3A_17, %get3A_18] : memref<2x2x2x128x128xf32, #tpu.memory_space<vmem>>, vector<1x1x1x128x128xf32>
    %get3A_20 = vector.shape_cast %get3A_19 : vector<1x1x1x128x128xf32> to vector<128x128xf32>
    %dot_general3A = arith.constant dense<0.000000e+00> : vector<1000x128xf32>
    %dot_general3A_21 = tpu.matmul %mul3A_13, %get3A_20, %dot_general3A {dimension_numbers = #tpu.dot_dimension_numbers<[1], [0], [0], [1], [0, 0, 1, 1], [], []>, transpose_lhs_hint = false} : vector<1000x128xf32>, vector<128x128xf32>, vector<1000x128xf32> -> vector<1000x128xf32>
    %add3A_22 = arith.addf %broadcast_in_dim3A_2, %dot_general3A_21 : vector<1000x128xf32>
    %get3A_23 = arith.constant 0 : index
    %get3A_24 = arith.constant 0 : index
    %get3A_25 = arith.constant 0 : index
    %get3A_26 = vector.load %arg2[%get3A_23, %get3A_24, %get3A_25] : memref<2x1000x128xf32, #tpu.memory_space<vmem>>, vector<1x1000x128xf32>
    %get3A_27 = vector.shape_cast %get3A_26 : vector<1x1000x128xf32> to vector<1000x128xf32>
    %get3A_28 = arith.constant 1 : index
    %get3A_29 = arith.constant 0 : index
    %get3A_30 = arith.constant 0 : index
    %get3A_31 = vector.load %arg2[%get3A_28, %get3A_29, %get3A_30] : memref<2x1000x128xf32, #tpu.memory_space<vmem>>, vector<1x1000x128xf32>
    %get3A_32 = vector.shape_cast %get3A_31 : vector<1x1000x128xf32> to vector<1000x128xf32>
    %add3A_33 = arith.addf %get3A_27, %get3A_32 : vector<1000x128xf32>
    %slice3A_34 = vector.extract_strided_slice %get3A_1 {offsets = [0, 1], sizes = [1000, 1], strides = [1, 1]} : vector<1000x4xf32> to vector<1000x1xf32>
    %mul3A_35 = vector.broadcast %slice3A_34 : vector<1000x1xf32> to vector<1000x128xf32>
    %mul3A_36 = arith.mulf %add3A_33, %mul3A_35 : vector<1000x128xf32>
    %get3A_37 = arith.constant 1 : index
    %get3A_38 = arith.constant 0 : index
    %get3A_39 = arith.constant 1 : index
    %get3A_40 = arith.constant 0 : index
    %get3A_41 = arith.constant 0 : index
    %get3A_42 = vector.load %arg6[%get3A_37, %get3A_38, %get3A_39, %get3A_40, %get3A_41] : memref<2x2x2x128x128xf32, #tpu.memory_space<vmem>>, vector<1x1x1x128x128xf32>
    %get3A_43 = vector.shape_cast %get3A_42 : vector<1x1x1x128x128xf32> to vector<128x128xf32>
    %dot_general3A_44 = arith.constant dense<0.000000e+00> : vector<1000x128xf32>
    %dot_general3A_45 = tpu.matmul %mul3A_36, %get3A_43, %dot_general3A_44 {dimension_numbers = #tpu.dot_dimension_numbers<[1], [0], [0], [1], [0, 0, 1, 1], [], []>, transpose_lhs_hint = false} : vector<1000x128xf32>, vector<128x128xf32>, vector<1000x128xf32> -> vector<1000x128xf32>
    %add3A_46 = arith.addf %add3A_22, %dot_general3A_45 : vector<1000x128xf32>
    %get3A_47 = arith.constant 0 : index
    %get3A_48 = arith.constant 0 : index
    %get3A_49 = arith.constant 0 : index
    %get3A_50 = vector.load %arg3[%get3A_47, %get3A_48, %get3A_49] : memref<2x1000x128xf32, #tpu.memory_space<vmem>>, vector<1x1000x128xf32>
    %get3A_51 = vector.shape_cast %get3A_50 : vector<1x1000x128xf32> to vector<1000x128xf32>
    %get3A_52 = arith.constant 1 : index
    %get3A_53 = arith.constant 0 : index
    %get3A_54 = arith.constant 0 : index
    %get3A_55 = vector.load %arg3[%get3A_52, %get3A_53, %get3A_54] : memref<2x1000x128xf32, #tpu.memory_space<vmem>>, vector<1x1000x128xf32>
    %get3A_56 = vector.shape_cast %get3A_55 : vector<1x1000x128xf32> to vector<1000x128xf32>
    %add3A_57 = arith.addf %get3A_51, %get3A_56 : vector<1000x128xf32>
    %slice3A_58 = vector.extract_strided_slice %get3A_1 {offsets = [0, 2], sizes = [1000, 1], strides = [1, 1]} : vector<1000x4xf32> to vector<1000x1xf32>
    %mul3A_59 = vector.broadcast %slice3A_58 : vector<1000x1xf32> to vector<1000x128xf32>
    %mul3A_60 = arith.mulf %add3A_57, %mul3A_59 : vector<1000x128xf32>
    %get3A_61 = arith.constant 1 : index
    %get3A_62 = arith.constant 1 : index
    %get3A_63 = arith.constant 0 : index
    %get3A_64 = arith.constant 0 : index
    %get3A_65 = arith.constant 0 : index
    %get3A_66 = vector.load %arg6[%get3A_61, %get3A_62, %get3A_63, %get3A_64, %get3A_65] : memref<2x2x2x128x128xf32, #tpu.memory_space<vmem>>, vector<1x1x1x128x128xf32>
    %get3A_67 = vector.shape_cast %get3A_66 : vector<1x1x1x128x128xf32> to vector<128x128xf32>
    %dot_general3A_68 = arith.constant dense<0.000000e+00> : vector<1000x128xf32>
    %dot_general3A_69 = tpu.matmul %mul3A_60, %get3A_67, %dot_general3A_68 {dimension_numbers = #tpu.dot_dimension_numbers<[1], [0], [0], [1], [0, 0, 1, 1], [], []>, transpose_lhs_hint = false} : vector<1000x128xf32>, vector<128x128xf32>, vector<1000x128xf32> -> vector<1000x128xf32>
    %add3A_70 = arith.addf %add3A_46, %dot_general3A_69 : vector<1000x128xf32>
    %get3A_71 = arith.constant 0 : index
    %get3A_72 = arith.constant 0 : index
    %get3A_73 = arith.constant 0 : index
    %get3A_74 = vector.load %arg4[%get3A_71, %get3A_72, %get3A_73] : memref<2x1000x128xf32, #tpu.memory_space<vmem>>, vector<1x1000x128xf32>
    %get3A_75 = vector.shape_cast %get3A_74 : vector<1x1000x128xf32> to vector<1000x128xf32>
    %get3A_76 = arith.constant 1 : index
    %get3A_77 = arith.constant 0 : index
    %get3A_78 = arith.constant 0 : index
    %get3A_79 = vector.load %arg4[%get3A_76, %get3A_77, %get3A_78] : memref<2x1000x128xf32, #tpu.memory_space<vmem>>, vector<1x1000x128xf32>
    %get3A_80 = vector.shape_cast %get3A_79 : vector<1x1000x128xf32> to vector<1000x128xf32>
    %add3A_81 = arith.addf %get3A_75, %get3A_80 : vector<1000x128xf32>
    %slice3A_82 = vector.extract_strided_slice %get3A_1 {offsets = [0, 3], sizes = [1000, 1], strides = [1, 1]} : vector<1000x4xf32> to vector<1000x1xf32>
    %mul3A_83 = vector.broadcast %slice3A_82 : vector<1000x1xf32> to vector<1000x128xf32>
    %mul3A_84 = arith.mulf %add3A_81, %mul3A_83 : vector<1000x128xf32>
    %get3A_85 = arith.constant 1 : index
    %get3A_86 = arith.constant 1 : index
    %get3A_87 = arith.constant 1 : index
    %get3A_88 = arith.constant 0 : index
    %get3A_89 = arith.constant 0 : index
    %get3A_90 = vector.load %arg6[%get3A_85, %get3A_86, %get3A_87, %get3A_88, %get3A_89] : memref<2x2x2x128x128xf32, #tpu.memory_space<vmem>>, vector<1x1x1x128x128xf32>
    %get3A_91 = vector.shape_cast %get3A_90 : vector<1x1x1x128x128xf32> to vector<128x128xf32>
    %dot_general3A_92 = arith.constant dense<0.000000e+00> : vector<1000x128xf32>
    %dot_general3A_93 = tpu.matmul %mul3A_84, %get3A_91, %dot_general3A_92 {dimension_numbers = #tpu.dot_dimension_numbers<[1], [0], [0], [1], [0, 0, 1, 1], [], []>, transpose_lhs_hint = false} : vector<1000x128xf32>, vector<128x128xf32>, vector<1000x128xf32> -> vector<1000x128xf32>
    %add3A_94 = arith.addf %add3A_70, %dot_general3A_93 : vector<1000x128xf32>
    %mul3A_95 = arith.constant 5.000000e-01 : f32
    %mul3A_96 = vector.broadcast %mul3A_95 : f32 to vector<1000x128xf32>
    %mul3A_97 = arith.mulf %mul3A_96, %add3A_94 : vector<1000x128xf32>
    %swap3A = arith.constant 0 : index
    %swap3A_98 = arith.constant 0 : index
    %swap3A_99 = vector.load %arg7[%swap3A, %swap3A_98] : memref<1000x128xf32, #tpu.memory_space<vmem>>, vector<1000x128xf32>
    tpu.vector_store %arg7[%swap3A, %swap3A_98], %mul3A_97 {strides = array<i32>} : memref<1000x128xf32, #tpu.memory_space<vmem>>, vector<1000x128xf32>,
    return
  }
  func.func @transform_0(%arg0: i32) -> (i32, i32, i32) {
    %c0_i32 = arith.constant 0 : i32
    %c0_i32_0 = arith.constant 0 : i32
    %c0_i32_1 = arith.constant 0 : i32
    return %c0_i32, %arg0, %c0_i32_0 : i32, i32, i32
  }
  func.func @transform_1(%arg0: i32) -> (i32, i32, i32) {
    %c0_i32 = arith.constant 0 : i32
    %c0_i32_0 = arith.constant 0 : i32
    %c0_i32_1 = arith.constant 0 : i32
    return %c0_i32, %arg0, %c0_i32_0 : i32, i32, i32
  }
  func.func @transform_2(%arg0: i32) -> (i32, i32, i32) {
    %c0_i32 = arith.constant 0 : i32
    %c0_i32_0 = arith.constant 0 : i32
    %c0_i32_1 = arith.constant 0 : i32
    return %c0_i32, %arg0, %c0_i32_0 : i32, i32, i32
  }
  func.func @transform_3(%arg0: i32) -> (i32, i32, i32) {
    %c0_i32 = arith.constant 0 : i32
    %c0_i32_0 = arith.constant 0 : i32
    %c0_i32_1 = arith.constant 0 : i32
    return %c0_i32, %arg0, %c0_i32_0 : i32, i32, i32
  }
  func.func @transform_4(%arg0: i32) -> (i32, i32) {
    %c0_i32 = arith.constant 0 : i32
    %c0_i32_0 = arith.constant 0 : i32
    return %arg0, %c0_i32 : i32, i32
  }
  func.func @transform_5(%arg0: i32) -> (i32, i32, i32, i32, i32) {
    %c0_i32 = arith.constant 0 : i32
    %c0_i32_0 = arith.constant 0 : i32
    %c0_i32_1 = arith.constant 0 : i32
    %c0_i32_2 = arith.constant 0 : i32
    %c0_i32_3 = arith.constant 0 : i32
    %c0_i32_4 = arith.constant 0 : i32
    return %c0_i32, %c0_i32_0, %c0_i32_1, %c0_i32_2, %c0_i32_3 : i32, i32, i32, i32, i32
  }
  func.func @transform_6(%arg0: i32) -> (i32, i32) {
    %c0_i32 = arith.constant 0 : i32
    %c0_i32_0 = arith.constant 0 : i32
    return %arg0, %c0_i32 : i32, i32
  }
}

</mosaic_0001>

<sc_bundles>
// kernel: kernel.11.cloned.1.call-start
scs
__scs_entry_jumppad:
0x0: {  	(pc) =	sbr.rel $0x88, $3  }
0x1: {  	(tag) =	ssettag $0x0;
	lr =	simm.s32 $0x1  }
0x2: {  	[smem:$0x3F9C] =	sst lr;
	_ =	strace $0xD0000000  }
0x3: {  	_ = 	snop  }
0x4: {  	_ = 	snop  }
0x5: {  	_ = 	snop  }
0x6: {  	_ = 	snop  }
0x7: {  	_ = 	snop  }
__scs_overlays_trampoline_lowered:
0x8: {  	[smem:$0x3FAB] =	sst s0  }
0x9: {  	[smem:$0x3FAC] =	sst s1  }
0xa: {  	[smem:$0x3FAD] =	sst s2  }
0xb: {  	[smem:$0x3FAE] =	sst s3  }
0xc: {  	[smem:$0x3FAF] =	sst s4  }
0xd: {  	[smem:$0x3FB0] =	sst s5  }
0xe: {  	[smem:$0x3FB1] =	sst s6  }
0xf: {  	[smem:$0x3FB2] =	sst s7  }
0x10: {  	[smem:$0x3FB3] =	sst s8  }
0x11: {  	[smem:$0x3FB4] =	sst s9;
	s0 =	simm.s32 @!p0 $0x0  }
0x12: {  	s1 =	sld [smem:$0x3F9A];
	s0 =	simm.s32 @p0 $0x1  }
0x13: {  	[smem:$0x3FB5] =	sst s0;
	s0 =	simm.s32 @!p1 $0x0  }
0x14: {  	s2 =	sld [smem:$0x3F99];
	s0 =	simm.s32 @p1 $0x1  }
0x15: {  	[smem:$0x3FB6] =	sst s0;
	s0 =	simm.s32 @!p2 $0x0  }
0x16: {  	s3 =	sld [smem:$0x3FDB];
	s0 =	simm.s32 @p2 $0x1  }
0x17: {  	s4 =	simm.s32 $0x1BF5;
	[smem:$0x3FB8] =	sst s0  }
0x18: {  	s0 =	sld [smem:$0x3F9B];
	_ =	swait.ge [sflag:s4], $0x0  }
0x19: {  	s7 =	sld [smem:$0x3F9C]  }
0x1a: {  	s8 =	sadd.s32 $0xFFFFE003, lr  }
0x1b: {  	s9 =	sadd.s32 $0xFFFFFEF7, lr;
	s5 =	simm.s32 $0xFFFFFFFF;
	p2 =	slt.u32 s8, $0xFFFFF086  }
0x1c: {  	p1 =	slt.u32 s9, $0xF7A;
	s5 =	simm.s32 @!p2 $0x0  }
0x1d: {  	s5 =	simm.s32 @p1 $0x1;
	p0 =	seq.s32 s7, s2  }
0x1e: {  	s7 =	smul.u32 @!p0 $0xF7A, s2;
	p2 =	seq.s32 @!p0 s5, $0x0  }
0x1f: {  	s9 =	smul.u32 $0xF7A, s1;
	s8 =	simm.s32 @!p0 $0x1BF5;
	p2 =	por !p2, p0  }
0x20: {  	[sflag:s8] =	ssyncset.s32 @!p0 $0xFFFFF086;
	s6 =	sadd.s32 @!p0 s3, s7;
	s7 =	simm.s32 @!p0 $0x108  }
0x21: {  	s3 =	sadd.s32 s3, s9;
	s6 =	sadd.s32 @!p0 $0x88, s6;
	s7 =	simm.s32 @p2 $0x1082  }
0x22: {  	[simem:s7], [sflag:s8] =	dma.local @!p0 [hbm:s6], $0xF7A  }
0x23: {  	s9 =	sor.u32 $0xD0000000, s2;
	s6 =	simm.s32 $0x108;
	_ =	swait.ge @!p0 [sflag:s8], $0x0  }
0x24: {  	s3 =	sadd.s32 $0x88, s3;
	s6 =	simm.s32 @!p1 $0x1082;
	[sflag:s4] =	ssyncset.s32 $0xFFFFF086  }
0x25: {  	[simem:s6], [sflag:s4] =	dma.local [hbm:s3], $0xF7A  }
0x26: {  	[smem:$0x3F9C] =	sst s1;
	(tag) =	ssettag s2;
	_ =	strace s9  }
0x27: {  	s1 =	sld [smem:$0x3FAC]  }
0x28: {  	s2 =	sld [smem:$0x3FAD]  }
0x29: {  	s4 =	sld [smem:$0x3FAF]  }
0x2a: {  	p0 =	seq.s32 s5, $0x0;
	s5 =	sld [smem:$0x3FB0]  }
0x2b: {  	s6 =	sld [smem:$0x3FB1]  }
0x2c: {  	s7 =	sld [smem:$0x3FB2]  }
0x2d: {  	s3 =	simm.s32 $0x108;
	s8 =	sld [smem:$0x3FB3]  }
0x2e: {  	s3 =	simm.s32 @!p0 $0x1082;
	s9 =	sld [smem:$0x3FB4]  }
0x2f: {  	lr =	sadd.s32 s0, s3;
	s0 =	sld [smem:$0x3FAB]  }
0x30: {  	s3 =	sld [smem:$0x3FAE]  }
0x31: {  	[smem:$0x3FB7] =	sst s10  }
0x32: {  	s10 =	sld [smem:$0x3FB5];
	_ =	sdelay $0x3  }
0x33: {  	p0 =	seq.s32 s10, $0x1;
	s10 =	sld [smem:$0x3FB7];
	_ =	sdelay $0x3  }
0x34: {  	[smem:$0x3FB7] =	sst s10  }
0x35: {  	s10 =	sld [smem:$0x3FB6];
	_ =	sdelay $0x3  }
0x36: {  	p1 =	seq.s32 s10, $0x1;
	s10 =	sld [smem:$0x3FB7];
	_ =	sdelay $0x3  }
0x37: {  	[smem:$0x3FB7] =	sst s10  }
0x38: {  	s10 =	sld [smem:$0x3FB8]  }
0x39: {  	_ = 	snop;
	(pc) =	sbr.ind lr, $3  }
0x3a: {  	_ = 	snop  }
0x3b: {  	_ = 	snop  }
0x3c: {  	p2 =	seq.s32 s10, $0x1;
	s10 =	sld [smem:$0x3FB7]  }
0x3d: {  	_ =	shalt  }
0x3e: {  	_ =	shalt  }
0x3f: {  	_ =	shalt  }
0x40: {  	_ =	shalt  }
0x41: {  	_ =	shalt  }
0x42: {  	_ =	shalt  }
0x43: {  	_ =	shalt  }
0x44: {  	_ =	shalt  }
0x45: {  	_ =	shalt  }
0x46: {  	_ =	shalt  }
0x47: {  	_ =	shalt  }
0x48: {  	_ =	shalt  }
0x49: {  	_ =	shalt  }
0x4a: {  	_ =	shalt  }
0x4b: {  	_ =	shalt  }
0x4c: {  	_ =	shalt  }
0x4d: {  	_ =	shalt  }
0x4e: {  	_ =	shalt  }
0x4f: {  	_ =	shalt  }
0x50: {  	_ =	shalt  }
0x51: {  	_ =	shalt  }
0x52: {  	_ =	shalt  }
0x53: {  	_ =	shalt  }
0x54: {  	_ =	shalt  }
0x55: {  	_ =	shalt  }
0x56: {  	_ =	shalt  }
0x57: {  	_ =	shalt  }
0x58: {  	_ =	shalt  }
0x59: {  	_ =	shalt  }
0x5a: {  	_ =	shalt  }
0x5b: {  	_ =	shalt  }
0x5c: {  	_ =	shalt  }
0x5d: {  	_ =	shalt  }
0x5e: {  	_ =	shalt  }
0x5f: {  	_ =	shalt  }
0x60: {  	_ =	shalt  }
0x61: {  	_ =	shalt  }
0x62: {  	_ =	shalt  }
0x63: {  	_ =	shalt  }
0x64: {  	_ =	shalt  }
0x65: {  	_ =	shalt  }
0x66: {  	_ =	shalt  }
0x67: {  	_ =	shalt  }
0x68: {  	_ =	shalt  }
0x69: {  	_ =	shalt  }
0x6a: {  	_ =	shalt  }
0x6b: {  	_ =	shalt  }
0x6c: {  	_ =	shalt  }
0x6d: {  	_ =	shalt  }
0x6e: {  	_ =	shalt  }
0x6f: {  	_ =	shalt  }
0x70: {  	_ =	shalt  }
0x71: {  	_ =	shalt  }
0x72: {  	_ =	shalt  }
0x73: {  	_ =	shalt  }
0x74: {  	_ =	shalt  }
0x75: {  	_ =	shalt  }
0x76: {  	_ =	shalt  }
0x77: {  	_ =	shalt  }
0x78: {  	_ =	shalt  }
0x79: {  	_ =	shalt  }
0x7a: {  	_ =	shalt  }
0x7b: {  	_ =	shalt  }
0x7c: {  	_ =	shalt  }
0x7d: {  	_ =	shalt  }
0x7e: {  	_ =	shalt  }
0x7f: {  	_ =	shalt  }
0x80: {  	_ =	shalt  }
0x81: {  	_ =	shalt  }
0x82: {  	_ =	shalt  }
0x83: {  	_ =	shalt  }
0x84: {  	_ =	shalt  }
0x85: {  	_ =	shalt  }
0x86: {  	_ =	shalt  }
0x87: {  	_ =	shalt  }
.Lfunc_end0:
.L_simem_size_0:
called_computation.1_lowered:
.L_overlay_start_0:
0x88: {  	s2 =	sld [smem:$0x3FD9]  }
0x89: {  	s3 =	sld [smem:$0x3FFE];
	_ =	sdelay $0x1  }
0x8a: {  	s1 =	srdreg.scid  }
0x8b: {  	s0 =	sand.u32 $0x1, s1  }
0x8c: {  	s17 =	sshll.u32 s0, $0xA;
	s2 =	sadd.s32 s3, s2  }
0x8d: {  	s2 =	sadd.s32 s2, s17  }
0x8e: {  	[smem:$0x3FC3] =	sst s2  }
0x8f: {  	_ = 	snop  }
0x90: {  	s2 =	sld [smem:$0x3FD0];
	(tm) =	ssettm $0x1  }
0x91: {  	s18 =	sld [smem:$0x3FFB];
	_ =	sdelay $0x3  }
0x92: {  	_ =	strace s18  }
0x93: {  	s3 =	sld [smem:$0x3FFC];
	_ =	sdelay $0x3  }
0x94: {  	_ =	strace s3  }
0x95: {  	s3 =	sld [smem:$0x3FFD];
	_ =	sdelay $0x3  }
0x96: {  	_ =	strace s3  }
0x97: {  	_ =	strace $0x8FFFFFFF  }
0x98: {  	s19 =	sld [smem:$0x3FDB];
	_ =	sdelay $0x1  }
0x99: {  	s4 =	simm.s32 $_scs_section_size  }
0x9a: {  	s5 =	simm.s32 $_size__tile_overlayer_lowered;
	s6 =	simm.s32 $_tile_overlayer_lowered  }
0x9b: {  	s22 =	simm.s32 $0x1BFF;
	s21 =	sshll.u32 s6, $0x1;
	s3 =	sadd.s32 s4, s19  }
0x9c: {  	s7 =	simm.s32 $0x0;
	s20 =	sshll.u32 s5, $0x1;
	s5 =	sadd.s32 s21, s3  }
0x9d: {  	[timem:s7], [sflag:s22] =	dma.local [hbm:s5], s20  }
0x9e: {  	_ =	swait.ge [sflag:s22], s20  }
0x9f: {  	s4 =	ssub.s32 $0x0, s20;
	[sflag:s22] =	ssyncset.done $0x0  }
0xa0: {  	[sflag:s22] =	ssyncadd.s32 s4;
	_ =	sdelay $0x1  }
0xa1: {  	s23 =	simm.s32 $0x1B8B  }
0xa2: {  	_ =	swait.ge [sflag:s23], $0x1  }
0xa3: {  	[sflag:s23] =	ssyncset.done $0x0  }
0xa4: {  	s25 =	simm.s32 $0x1B8E;
	s24 =	sld [smem:$0x3FFE];
	[sflag:s23] =	ssyncadd.s32 $0xFFFFFFFF  }
0xa5: {  	s26 =	simm.s32 $execute0_lowered;
	[smem:$0x3FD2] =	sst s25  }
0xa6: {  	s5 =	sshll.u32 s26, $0x1;
	_ =	strace $0x80000049;
	[dreg:$0x1] =	wrdreg $0xFFFFFFFF  }
0xa7: {  	s28 =	simm.s32 $_size_execute0_lowered;
	s3 =	sadd.s32 s3, s5;
	[dreg:$0x0] =	wrdreg $0x0  }
0xa8: {  	s5 =	sshll.u32 s28, $0x1;
	[dreg:$0x2] =	wrdreg s3  }
0xa9: {  	[dreg:$0x3] =	wrdreg s5  }
0xaa: {  	[dreg:$0x4] =	wrdreg $0xC0  }
0xab: {  	_ =	task [dreg:s7], $0x5FFFF  }
0xac: {  	[dreg:$0x1] =	wrdreg $0xFFFFFFFF  }
0xad: {  	[dreg:$0x0] =	wrdreg $0x60  }
0xae: {  	[dreg:$0x2] =	wrdreg s24  }
0xaf: {  	[dreg:$0x3] =	wrdreg s2  }
0xb0: {  	[dreg:$0x4] =	wrdreg $0x0  }
0xb1: {  	[dreg:$0x5] =	wrdreg $0x9  }
0xb2: {  	_ =	task.clear_ibuf [dreg:s7], $0x6FFFF;
	_ =	strace $0x90000049  }
0xb3: {  	s29 =	simm.s32 $0x9;
	_ =	strace $0x8000004B  }
0xb4: {  	_ =	swait.ge [sflag:s29], $0x1  }
0xb5: {  	[sflag:s29] =	ssyncadd.s32 $0xFFFFFFFF  }
0xb6: {  	_ =	strace $0x9000004B  }
0xb7: {  	_ =	sfence  }
0xb8: {  	s30 =	sld [smem:$0x0];
	_ =	sdelay $0x2  }
0xb9: {  	s31 =	sshll.u32 s1, $0xD;
	s1 =	sshrl.u32 s1, $0x2  }
0xba: {  	s3 =	sand.u32 $0x4000, s31;
	s1 =	sadd.s32 s1, s30  }
0xbb: {  	s0 =	sor.u32 s3, s0;
	s1 =	sshll.u32 s1, $0x11  }
0xbc: {  	s0 =	sor.u32 s1, s0  }
0xbd: {  	s0 =	sadd.s32 $0x8F2B, s0  }
0xbe: {  	[sflag:s0] =	ssyncadd.remote.s32 $0x1  }
0xbf: {  	_ =	sfence.sel $0xFFFF  }
0xc0: {  	[dreg:$0x0] =	wrdreg $0xFFFFFFFF;
	(pc) =	sbr.abs _section_cstart, $3  }
0xc1: {  	[dreg:$0x1] =	wrdreg $0xFFFFFFFF  }
0xc2: {  	_ =	task.clear_ibuf [dreg:s7], $0x2FFFF;
	_ =	strace $0x9FFFFFFF  }
0xc3: {  	(tm) =	ssettm $0x7FFFFFFF  }
tec
execute0_lowered:
.L_overlay_start_1:
0x0: {  	(tag) =	ssettag $0x1  }
0x1: {  	s0 =	srdreg.scid;
	s18 =	stileid.u32;
	s3 =	simm.s32 $0x0  }
0x2: {  	s4 =	sand.u32 $0x1, s0;
	s2 =	sshll.u32 s18, $0x7;
	s8 =	smul.u32 $0x280, s18  }
0x3: {  	[smem:$0x7FF] =	sst s3;
	s10 =	smul.u32 $0x14000, s18;
	s0 =	sshll.u32 s4, $0x4  }
0x4: {  	s2 =	sand.u32 $0x380, s2;
	s16 =	ssub.s32 $0x2, s4;
	s15 =	smul.u32 $0x140000, s4  }
0x5: {  	s6 =	sor.u32 s18, s0;
	s0 =	rddreg [dreg:$0x0];
	s17 =	sshrl.u32 s16, $0x1  }
0x6: {  	s19 =	sshrl.u32 s10, $0x3;
	s20 =	sadd.s32 $0xA0, s8;
	s14 =	sadd.s32 $0x140, s8  }
0x7: {  	s8 =	sadd.s32 $0x1E0, s8;
	s5 =	sadd.s32 $0xDEA00, s0;
	s9 =	sadd.s32 $0x106A00, s0  }
0x8: {  	s1 =	sshrl.u32 s6, $0x3;
	s11 =	sadd.s32 $0x156A00, s0;
	s12 =	sadd.s32 $0x1A6A00, s0  }
0x9: {  	s13 =	sshll.u32 s20, $0x7;
	s3 =	sshll.u32 s20, $0x4;
	s21 =	sshll.u32 s14, $0x4  }
0xa: {  	s22 =	sshll.u32 s8, $0x4;
	s10 =	sadd.s32 s10, s15;
	s8 =	sshll.u32 s8, $0x7  }
0xb: {  	s1 =	smul.u32 $0x13C00, s1;
	s3 =	sadd.s32 s5, s3;
	s10 =	sshrl.u32 s10, $0x3  }
0xc: {  	s4 =	sadd.s32 s5, s21;
	s24 =	sadd.s32 s15, s13;
	s23 =	sadd.s32 s9, s10  }
0xd: {  	s26 =	sadd.s32 s11, s10;
	s7 =	sor.u32 s2, s1;
	s1 =	ssub.s32 s16, s17  }
0xe: {  	s2 =	sadd.s32 s5, s19;
	s16 =	sshll.u32 s14, $0x7;
	[dreg:$0x4] =	wrdreg s23  }
0xf: {  	s5 =	sadd.s32 s5, s22;
	s14 =	sshrl.u32 s24, $0x3;
	[dreg:$0x8] =	wrdreg s26  }
0x10: {  	s22 =	sadd.s32 $0x1F6A00, s0;
	s24 =	sadd.s32 s12, s10;
	s23 =	rddreg [dreg:$0x2]  }
0x11: {  	s17 =	sadd.s32 s15, s16;
	s19 =	sadd.s32 s9, s14;
	[dreg:$0xc] =	wrdreg s24  }
0x12: {  	s15 =	sadd.s32 s15, s8;
	s10 =	sadd.s32 s22, s10;
	[dreg:$0x5] =	wrdreg s19  }
0x13: {  	s17 =	sshrl.u32 s17, $0x3;
	s19 =	sadd.s32 s11, s14;
	[dreg:$0x10] =	wrdreg s10  }
0x14: {  	s15 =	sshrl.u32 s15, $0x3;
	s25 =	sadd.s32 s9, s17;
	[dreg:$0x9] =	wrdreg s19  }
0x15: {  	s9 =	sadd.s32 s9, s15;
	[dreg:$0x6] =	wrdreg s25  }
0x16: {  	s20 =	sadd.s32 s11, s17;
	[dreg:$0x7] =	wrdreg s9  }
0x17: {  	s21 =	sadd.s32 s11, s15;
	[dreg:$0xa] =	wrdreg s20  }
0x18: {  	s26 =	sadd.s32 s12, s17;
	[dreg:$0xb] =	wrdreg s21  }
0x19: {  	[dreg:$0xe] =	wrdreg s26  }
0x1a: {  	s29 =	simm.s32 $0x1CF80;
	s19 =	sadd.s32 s22, s14;
	s20 =	rddreg [dreg:$0x1]  }
0x1b: {  	s31 =	simm.s32 $0x2;
	s25 =	sadd.s32 s12, s14;
	[dreg:$0x11] =	wrdreg s19  }
0x1c: {  	s6 =	sshll.u32 s6, $0xB;
	s12 =	sadd.s32 s12, s15;
	[dreg:$0xd] =	wrdreg s25  }
0x1d: {  	s28 =	sadd.s32 $0x90600, s0;
	s21 =	sadd.s32 s22, s17;
	[dreg:$0xf] =	wrdreg s12  }
0x1e: {  	s6 =	sadd.s32 s6, s0;
	s9 =	sadd.s32 s22, s15;
	[dreg:$0x12] =	wrdreg s21  }
0x1f: {  	s7 =	sshrl.u32 s7, $0x3;
	[dreg:$0x13] =	wrdreg s9;
	s12 =	sadd.s32 s13, s23  }
0x20: {  	s13 =	sadd.s32 s16, s23;
	_ =	strace $0x8000004A;
	[dreg:$0x15] =	wrdreg s12  }
0x21: {  	s7 =	sadd.s32 s7, s0;
	s14 =	sadd.s32 s8, s23;
	[dreg:$0x16] =	wrdreg s13  }
0x22: {  	s24 =	sshll.u32 s18, $0x6;
	s15 =	sadd.s32 $0x41C00, s7;
	[dreg:$0x17] =	wrdreg s14  }
0x23: {  	s30 =	sor.u32 $0x1C03, s24;
	s16 =	sadd.s32 $0x4BA00, s7;
	[dreg:$0x18] =	wrdreg s15  }
0x24: {  	s24 =	sadd.s32 $0x21600, s6;
	s17 =	sadd.s32 $0x55800, s7;
	[dreg:$0x19] =	wrdreg s16  }
0x25: {  	s22 =	smul.u32 $0x50000, s18;
	s18 =	sadd.s32 $0x5F600, s7;
	[dreg:$0x1a] =	wrdreg s17  }
0x26: {  	s26 =	sadd.s32 $0x69400, s0;
	s19 =	sadd.s32 $0x11600, s6;
	[dreg:$0x1b] =	wrdreg s18  }
0x27: {  	s25 =	sadd.s32 $0xB7800, s0;
	s21 =	sadd.s32 $0x1600, s6;
	[dreg:$0x1c] =	wrdreg s19  }
0x28: {  	s0 =	simm.s32 $0x0;
	s9 =	sshrl.u32 s22, $0x2;
	[dreg:$0x1d] =	wrdreg s21  }
0x29: {  	s22 =	sadd.s32 $0x31600, s6;
	[dreg:$0x1f] =	wrdreg s24;
	s13 =	smax.u32 s1, $0x1  }
0x2a: {  	s14 =	simm.s32 $0x3;
	s15 =	simm.s32 $0x80;
	s16 =	simm.s32 $0x400  }
0x2b: {  	s17 =	simm.s32 $0x14000;
	s19 =	simm.s32 $0x16780;
	s21 =	simm.s32 $0x50  }
0x2c: {  	s24 =	simm.s32 $0x1;
	s11 =	sadd.s32 s9, s23;
	[dreg:$0x1e] =	wrdreg s22  }
0x2d: {  	s18 =	simm.s32 $0x1A580;
	s22 =	simm.s32 $0x1A780;
	[dreg:$0x14] =	wrdreg s11  }
.LBB2_1:
0x2e: {  	s1 =	rddreg [dreg:$0x14]  }
0x2f: {  	s1 =	sshrl.u32 s1, $0x3  }
0x30: {  	[spmem:s1], [sflag:s30] =	dma.local [hbm:s2], $0xA00  }
0x31: {  	_ =	swait.ge [sflag:s14], $0xA00  }
0x32: {  	[sflag:s14] =	ssyncset.done $0x0;
	s6 =	rddreg [dreg:$0x15]  }
0x33: {  	[sflag:s14] =	ssyncadd.s32 $0xFFFFF600;
	s6 =	sshrl.u32 s6, $0x3  }
0x34: {  	[spmem:s6], [sflag:s30] =	dma.local [hbm:s3], $0xA00  }
0x35: {  	_ =	swait.ge [sflag:s14], $0xA00  }
0x36: {  	[sflag:s14] =	ssyncset.done $0x0;
	s7 =	rddreg [dreg:$0x16]  }
0x37: {  	[sflag:s14] =	ssyncadd.s32 $0xFFFFF600;
	s7 =	sshrl.u32 s7, $0x3  }
0x38: {  	[spmem:s7], [sflag:s30] =	dma.local [hbm:s4], $0xA00  }
0x39: {  	_ =	swait.ge [sflag:s14], $0xA00  }
0x3a: {  	[sflag:s14] =	ssyncset.done $0x0;
	s8 =	rddreg [dreg:$0x17]  }
0x3b: {  	[sflag:s14] =	ssyncadd.s32 $0xFFFFF600;
	s8 =	sshrl.u32 s8, $0x3  }
0x3c: {  	[spmem:s8], [sflag:s30] =	dma.local [hbm:s5], $0xA00  }
0x3d: {  	_ =	swait.ge [sflag:s14], $0xA00  }
0x3e: {  	[sflag:s14] =	ssyncset.done $0x0  }
0x3f: {  	s9 =	rddreg [dreg:$0x18];
	[sflag:s14] =	ssyncadd.s32 $0xFFFFF600  }
0x40: {  	[tilespmem:s17], [sflag:$0x3] =	stream.strided.gather [hbm4b:s9+s15], $0x2780, s16, s15, $0x38;
	[tilespmem:$0x1F780] =	vst v63  }
0x41: {  	_ =	swait.ge [sflag:s14], $0x2780  }
0x42: {  	[sflag:s14] =	ssyncset.done $0x0  }
0x43: {  	s12 =	simm.s32 $0x0;
	s10 =	rddreg [dreg:$0x1c];
	[sflag:s14] =	ssyncadd.s32 $0xFFFFD880  }
0x44: {  	[tilespmem:s19], [sflag:$0x3] =	stream.linear.gather [hbm4b:s10+s12], $0x3E80, $0x38;
	[tilespmem:$0x1F780] =	vst v63  }
0x45: {  	_ =	swait.ge [sflag:s14], $0x3E80  }
0x46: {  	[sflag:s14] =	ssyncset.done $0x0  }
0x47: {  	[sflag:s14] =	ssyncadd.s32 $0xFFFFC180  }
0x48: {  	[bflag:$0x0] =	sbarrier.arrive $0xFFFF  }
0x49: {  	[tilespmem:s22], [sflag:$0x1] =	stream.indirect.gather [hbm4b:s25+s21], $0x80, s17, s21, $0xb8;
	[tilespmem:$0x1F780] =	vst v63  }
0x4a: {  	_ =	swait.ge [sflag:s24], $0x2800  }
0x4b: {  	[sflag:s24] =	ssyncset.done $0x0  }
0x4c: {  	s10 =	simm.s32 $0x14050;
	[sflag:s24] =	ssyncadd.s32 $0xFFFFD800  }
0x4d: {  	[tilespmem:s29], [sflag:$0x2] =	stream.indirect.gather [hbm4b:s25+s21], $0x80, s10, s21, $0xb8;
	[tilespmem:$0x1F780] =	vst v63  }
0x4e: {  	s11 =	simm.s32 $0x16780  }
0x4f: {  	[spmem:s23] =	stream.indirect.scatter.add.f32 [tilespmem:s22], [sflag:$0x3], $0x80, s11, s21, $0xb8;
	[tilespmem:$0x1F780] =	vst v63  }
0x50: {  	_ =	swait.ge [sflag:s14], $0x2800  }
0x51: {  	[sflag:s14] =	ssyncset.done $0x0  }
0x52: {  	[sflag:s14] =	ssyncadd.s32 $0xFFFFD800  }
0x53: {  	_ =	swait.ge [sflag:s31], $0x2800  }
0x54: {  	[sflag:s31] =	ssyncset.done $0x0  }
0x55: {  	s9 =	simm.s32 $0x140A0;
	[sflag:s31] =	ssyncadd.s32 $0xFFFFD800  }
0x56: {  	[tilespmem:s22], [sflag:$0x1] =	stream.indirect.gather [hbm4b:s25+s21], $0x80, s9, s21, $0xb8;
	[tilespmem:$0x1F780] =	vst v63  }
0x57: {  	s12 =	simm.s32 $0x16800  }
0x58: {  	[spmem:s23] =	stream.indirect.scatter.add.f32 [tilespmem:s29], [sflag:$0x3], $0x80, s12, s21, $0xb8;
	[tilespmem:$0x1F780] =	vst v63  }
0x59: {  	_ =	swait.ge [sflag:s14], $0x2800  }
0x5a: {  	s10 =	simm.s32 $0x400;
	[sflag:s14] =	ssyncset.done $0x0  }
.LBB2_2:
0x5b: {  	p0 =	sne.s32 s10, $0xF400;
	[sflag:s14] =	ssyncadd.s32 $0xFFFFD800;
	s9 =	sadd.s32 $0xA0, s9  }
0x5c: {  	s11 =	smov.u32 s10;
	s10 =	sadd.s32 $0x400, s10  }
0x5d: {  	_ =	swait.ge [sflag:s24], $0x2800  }
0x5e: {  	[sflag:s24] =	ssyncset.done $0x0  }
0x5f: {  	s12 =	sadd.s32 $0xFFFFFFB0, s9;
	s11 =	sshra.s32 s11, $0x2;
	[sflag:s24] =	ssyncadd.s32 $0xFFFFD800  }
0x60: {  	[tilespmem:s29], [sflag:$0x2] =	stream.indirect.gather [hbm4b:s25+s21], $0x80, s12, s21, $0xb8;
	[tilespmem:$0x1F780] =	vst v63  }
0x61: {  	s12 =	sadd.s32 $0x16780, s11  }
0x62: {  	[spmem:s23] =	stream.indirect.scatter.add.f32 [tilespmem:s22], [sflag:$0x3], $0x80, s12, s21, $0xb8;
	[tilespmem:$0x1F780] =	vst v63  }
0x63: {  	_ =	swait.ge [sflag:s14], $0x2800  }
0x64: {  	[sflag:s14] =	ssyncset.done $0x0  }
0x65: {  	[sflag:s14] =	ssyncadd.s32 $0xFFFFD800  }
0x66: {  	_ =	swait.ge [sflag:s31], $0x2800  }
0x67: {  	[sflag:s31] =	ssyncset.done $0x0  }
0x68: {  	[sflag:s31] =	ssyncadd.s32 $0xFFFFD800  }
0x69: {  	[tilespmem:s22], [sflag:$0x1] =	stream.indirect.gather [hbm4b:s25+s21], $0x80, s9, s21, $0xb8;
	[tilespmem:$0x1F780] =	vst v63  }
.Ltmp0:
0x6a: {  	_ = 	snop;
	(pc) =	sbr.rel @p0 .LBB2_2-.Ltmp0, $4  }
0x6b: {  	s11 =	sadd.s32 $0x16800, s11  }
0x6c: {  	[spmem:s23] =	stream.indirect.scatter.add.f32 [tilespmem:s29], [sflag:$0x3], $0x80, s11, s21, $0xb8;
	[tilespmem:$0x1F780] =	vst v63  }
0x6d: {  	_ =	swait.ge [sflag:s14], $0x2800  }
0x6e: {  	[sflag:s14] =	ssyncset.done $0x0  }
0x6f: {  	[sflag:s14] =	ssyncadd.s32 $0xFFFFD800  }
0x70: {  	_ =	swait.ge [sflag:s24], $0x2800  }
0x71: {  	[sflag:s24] =	ssyncset.done $0x0  }
0x72: {  	[sflag:s24] =	ssyncadd.s32 $0xFFFFD800  }
0x73: {  	[spmem:s23] =	stream.indirect.scatter.add.f32 [tilespmem:s22], [sflag:$0x3], $0x80, s18, s21, $0xb8;
	[tilespmem:$0x1F780] =	vst v63  }
0x74: {  	_ =	swait.ge [sflag:s14], $0x2800  }
0x75: {  	[sflag:s14] =	ssyncset.done $0x0  }
0x76: {  	[sflag:s14] =	ssyncadd.s32 $0xFFFFD800  }
0x77: {  	[bflag:$0x0] =	sbarrier.arrive $0xFFFF  }
0x78: {  	s9 =	rddreg [dreg:$0x4]  }
0x79: {  	[hbm:s9], [sflag:s30] =	dma.local [spmem:s1], $0xA00  }
0x7a: {  	_ =	swait.ge [sflag:s14], $0xA00  }
0x7b: {  	[sflag:s14] =	ssyncset.done $0x0  }
0x7c: {  	s11 =	rddreg [dreg:$0x5];
	[sflag:s14] =	ssyncadd.s32 $0xFFFFF600  }
0x7d: {  	[hbm:s11], [sflag:s30] =	dma.local [spmem:s6], $0xA00  }
0x7e: {  	_ =	swait.ge [sflag:s14], $0xA00  }
0x7f: {  	[sflag:s14] =	ssyncset.done $0x0  }
0x80: {  	s12 =	rddreg [dreg:$0x6];
	[sflag:s14] =	ssyncadd.s32 $0xFFFFF600  }
0x81: {  	[hbm:s12], [sflag:s30] =	dma.local [spmem:s7], $0xA00  }
0x82: {  	_ =	swait.ge [sflag:s14], $0xA00  }
0x83: {  	[sflag:s14] =	ssyncset.done $0x0  }
0x84: {  	s10 =	rddreg [dreg:$0x7];
	[sflag:s14] =	ssyncadd.s32 $0xFFFFF600  }
0x85: {  	[hbm:s10], [sflag:s30] =	dma.local [spmem:s8], $0xA00  }
0x86: {  	_ =	swait.ge [sflag:s14], $0xA00  }
0x87: {  	[sflag:s14] =	ssyncset.done $0x0  }
0x88: {  	[sflag:s14] =	ssyncadd.s32 $0xFFFFF600  }
0x89: {  	[bflag:$0x0] =	sbarrier.arrive $0xFFFF  }
0x8a: {  	[spmem:s1], [sflag:s30] =	dma.local [hbm:s2], $0xA00  }
0x8b: {  	_ =	swait.ge [sflag:s14], $0xA00  }
0x8c: {  	[sflag:s14] =	ssyncset.done $0x0  }
0x8d: {  	[sflag:s14] =	ssyncadd.s32 $0xFFFFF600  }
0x8e: {  	[spmem:s6], [sflag:s30] =	dma.local [hbm:s3], $0xA00  }
0x8f: {  	_ =	swait.ge [sflag:s14], $0xA00  }
0x90: {  	[sflag:s14] =	ssyncset.done $0x0  }
0x91: {  	[sflag:s14] =	ssyncadd.s32 $0xFFFFF600  }
0x92: {  	[spmem:s7], [sflag:s30] =	dma.local [hbm:s4], $0xA00  }
0x93: {  	_ =	swait.ge [sflag:s14], $0xA00  }
0x94: {  	[sflag:s14] =	ssyncset.done $0x0  }
0x95: {  	[sflag:s14] =	ssyncadd.s32 $0xFFFFF600  }
0x96: {  	[spmem:s8], [sflag:s30] =	dma.local [hbm:s5], $0xA00  }
0x97: {  	_ =	swait.ge [sflag:s14], $0xA00  }
0x98: {  	[sflag:s14] =	ssyncset.done $0x0  }
0x99: {  	s11 =	rddreg [dreg:$0x19];
	[sflag:s14] =	ssyncadd.s32 $0xFFFFF600  }
0x9a: {  	[tilespmem:s17], [sflag:$0x3] =	stream.strided.gather [hbm4b:s11+s15], $0x2780, s16, s15, $0x38;
	[tilespmem:$0x1F780] =	vst v63  }
0x9b: {  	_ =	swait.ge [sflag:s14], $0x2780  }
0x9c: {  	[sflag:s14] =	ssyncset.done $0x0  }
0x9d: {  	s12 =	simm.s32 $0x0;
	s10 =	rddreg [dreg:$0x1d];
	[sflag:s14] =	ssyncadd.s32 $0xFFFFD880  }
0x9e: {  	[tilespmem:s19], [sflag:$0x3] =	stream.linear.gather [hbm4b:s10+s12], $0x3E80, $0x38;
	[tilespmem:$0x1F780] =	vst v63  }
0x9f: {  	_ =	swait.ge [sflag:s14], $0x3E80  }
0xa0: {  	[sflag:s14] =	ssyncset.done $0x0  }
0xa1: {  	[sflag:s14] =	ssyncadd.s32 $0xFFFFC180  }
0xa2: {  	[bflag:$0x0] =	sbarrier.arrive $0xFFFF  }
0xa3: {  	[tilespmem:s22], [sflag:$0x1] =	stream.indirect.gather [hbm4b:s26+s21], $0x80, s17, s21, $0xb8;
	[tilespmem:$0x1F780] =	vst v63  }
0xa4: {  	_ =	swait.ge [sflag:s24], $0x2800  }
0xa5: {  	[sflag:s24] =	ssyncset.done $0x0  }
0xa6: {  	s10 =	simm.s32 $0x14050;
	[sflag:s24] =	ssyncadd.s32 $0xFFFFD800  }
0xa7: {  	[tilespmem:s29], [sflag:$0x2] =	stream.indirect.gather [hbm4b:s26+s21], $0x80, s10, s21, $0xb8;
	[tilespmem:$0x1F780] =	vst v63  }
0xa8: {  	s11 =	simm.s32 $0x16780  }
0xa9: {  	[spmem:s23] =	stream.indirect.scatter.add.f32 [tilespmem:s22], [sflag:$0x3], $0x80, s11, s21, $0xb8;
	[tilespmem:$0x1F780] =	vst v63  }
0xaa: {  	_ =	swait.ge [sflag:s14], $0x2800  }
0xab: {  	[sflag:s14] =	ssyncset.done $0x0  }
0xac: {  	[sflag:s14] =	ssyncadd.s32 $0xFFFFD800  }
0xad: {  	_ =	swait.ge [sflag:s31], $0x2800  }
0xae: {  	[sflag:s31] =	ssyncset.done $0x0  }
0xaf: {  	s9 =	simm.s32 $0x140A0;
	[sflag:s31] =	ssyncadd.s32 $0xFFFFD800  }
0xb0: {  	[tilespmem:s22], [sflag:$0x1] =	stream.indirect.gather [hbm4b:s26+s21], $0x80, s9, s21, $0xb8;
	[tilespmem:$0x1F780] =	vst v63  }
0xb1: {  	s12 =	simm.s32 $0x16800  }
0xb2: {  	[spmem:s23] =	stream.indirect.scatter.add.f32 [tilespmem:s29], [sflag:$0x3], $0x80, s12, s21, $0xb8;
	[tilespmem:$0x1F780] =	vst v63  }
0xb3: {  	_ =	swait.ge [sflag:s14], $0x2800  }
0xb4: {  	s10 =	simm.s32 $0x400;
	[sflag:s14] =	ssyncset.done $0x0  }
.LBB2_4:
0xb5: {  	p0 =	sne.s32 s10, $0xF400;
	[sflag:s14] =	ssyncadd.s32 $0xFFFFD800;
	s9 =	sadd.s32 $0xA0, s9  }
0xb6: {  	s11 =	smov.u32 s10;
	s10 =	sadd.s32 $0x400, s10  }
0xb7: {  	_ =	swait.ge [sflag:s24], $0x2800  }
0xb8: {  	[sflag:s24] =	ssyncset.done $0x0  }
0xb9: {  	s12 =	sadd.s32 $0xFFFFFFB0, s9;
	s11 =	sshra.s32 s11, $0x2;
	[sflag:s24] =	ssyncadd.s32 $0xFFFFD800  }
0xba: {  	[tilespmem:s29], [sflag:$0x2] =	stream.indirect.gather [hbm4b:s26+s21], $0x80, s12, s21, $0xb8;
	[tilespmem:$0x1F780] =	vst v63  }
0xbb: {  	s12 =	sadd.s32 $0x16780, s11  }
0xbc: {  	[spmem:s23] =	stream.indirect.scatter.add.f32 [tilespmem:s22], [sflag:$0x3], $0x80, s12, s21, $0xb8;
	[tilespmem:$0x1F780] =	vst v63  }
0xbd: {  	_ =	swait.ge [sflag:s14], $0x2800  }
0xbe: {  	[sflag:s14] =	ssyncset.done $0x0  }
0xbf: {  	[sflag:s14] =	ssyncadd.s32 $0xFFFFD800  }
0xc0: {  	_ =	swait.ge [sflag:s31], $0x2800  }
0xc1: {  	[sflag:s31] =	ssyncset.done $0x0  }
0xc2: {  	[sflag:s31] =	ssyncadd.s32 $0xFFFFD800  }
0xc3: {  	[tilespmem:s22], [sflag:$0x1] =	stream.indirect.gather [hbm4b:s26+s21], $0x80, s9, s21, $0xb8;
	[tilespmem:$0x1F780] =	vst v63  }
.Ltmp1:
0xc4: {  	_ = 	snop;
	(pc) =	sbr.rel @p0 .LBB2_4-.Ltmp1, $4  }
0xc5: {  	s11 =	sadd.s32 $0x16800, s11  }
0xc6: {  	[spmem:s23] =	stream.indirect.scatter.add.f32 [tilespmem:s29], [sflag:$0x3], $0x80, s11, s21, $0xb8;
	[tilespmem:$0x1F780] =	vst v63  }
0xc7: {  	_ =	swait.ge [sflag:s14], $0x2800  }
0xc8: {  	[sflag:s14] =	ssyncset.done $0x0  }
0xc9: {  	[sflag:s14] =	ssyncadd.s32 $0xFFFFD800  }
0xca: {  	_ =	swait.ge [sflag:s24], $0x2800  }
0xcb: {  	[sflag:s24] =	ssyncset.done $0x0  }
0xcc: {  	[sflag:s24] =	ssyncadd.s32 $0xFFFFD800  }
0xcd: {  	[spmem:s23] =	stream.indirect.scatter.add.f32 [tilespmem:s22], [sflag:$0x3], $0x80, s18, s21, $0xb8;
	[tilespmem:$0x1F780] =	vst v63  }
0xce: {  	_ =	swait.ge [sflag:s14], $0x2800  }
0xcf: {  	[sflag:s14] =	ssyncset.done $0x0  }
0xd0: {  	[sflag:s14] =	ssyncadd.s32 $0xFFFFD800  }
0xd1: {  	[bflag:$0x0] =	sbarrier.arrive $0xFFFF  }
0xd2: {  	s9 =	rddreg [dreg:$0x8]  }
0xd3: {  	[hbm:s9], [sflag:s30] =	dma.local [spmem:s1], $0xA00  }
0xd4: {  	_ =	swait.ge [sflag:s14], $0xA00  }
0xd5: {  	[sflag:s14] =	ssyncset.done $0x0  }
0xd6: {  	s11 =	rddreg [dreg:$0x9];
	[sflag:s14] =	ssyncadd.s32 $0xFFFFF600  }
0xd7: {  	[hbm:s11], [sflag:s30] =	dma.local [spmem:s6], $0xA00  }
0xd8: {  	_ =	swait.ge [sflag:s14], $0xA00  }
0xd9: {  	[sflag:s14] =	ssyncset.done $0x0  }
0xda: {  	s12 =	rddreg [dreg:$0xa];
	[sflag:s14] =	ssyncadd.s32 $0xFFFFF600  }
0xdb: {  	[hbm:s12], [sflag:s30] =	dma.local [spmem:s7], $0xA00  }
0xdc: {  	_ =	swait.ge [sflag:s14], $0xA00  }
0xdd: {  	[sflag:s14] =	ssyncset.done $0x0  }
0xde: {  	s10 =	rddreg [dreg:$0xb];
	[sflag:s14] =	ssyncadd.s32 $0xFFFFF600  }
0xdf: {  	[hbm:s10], [sflag:s30] =	dma.local [spmem:s8], $0xA00  }
0xe0: {  	_ =	swait.ge [sflag:s14], $0xA00  }
0xe1: {  	[sflag:s14] =	ssyncset.done $0x0  }
0xe2: {  	[sflag:s14] =	ssyncadd.s32 $0xFFFFF600  }
0xe3: {  	[bflag:$0x0] =	sbarrier.arrive $0xFFFF  }
0xe4: {  	[spmem:s1], [sflag:s30] =	dma.local [hbm:s2], $0xA00  }
0xe5: {  	_ =	swait.ge [sflag:s14], $0xA00  }
0xe6: {  	[sflag:s14] =	ssyncset.done $0x0  }
0xe7: {  	[sflag:s14] =	ssyncadd.s32 $0xFFFFF600  }
0xe8: {  	[spmem:s6], [sflag:s30] =	dma.local [hbm:s3], $0xA00  }
0xe9: {  	_ =	swait.ge [sflag:s14], $0xA00  }
0xea: {  	[sflag:s14] =	ssyncset.done $0x0  }
0xeb: {  	[sflag:s14] =	ssyncadd.s32 $0xFFFFF600  }
0xec: {  	[spmem:s7], [sflag:s30] =	dma.local [hbm:s4], $0xA00  }
0xed: {  	_ =	swait.ge [sflag:s14], $0xA00  }
0xee: {  	[sflag:s14] =	ssyncset.done $0x0  }
0xef: {  	[sflag:s14] =	ssyncadd.s32 $0xFFFFF600  }
0xf0: {  	[spmem:s8], [sflag:s30] =	dma.local [hbm:s5], $0xA00  }
0xf1: {  	_ =	swait.ge [sflag:s14], $0xA00  }
0xf2: {  	[sflag:s14] =	ssyncset.done $0x0  }
0xf3: {  	s11 =	rddreg [dreg:$0x1a];
	[sflag:s14] =	ssyncadd.s32 $0xFFFFF600  }
0xf4: {  	[tilespmem:s17], [sflag:$0x3] =	stream.strided.gather [hbm4b:s11+s15], $0x2780, s16, s15, $0x38;
	[tilespmem:$0x1F780] =	vst v63  }
0xf5: {  	_ =	swait.ge [sflag:s14], $0x2780  }
0xf6: {  	[sflag:s14] =	ssyncset.done $0x0  }
0xf7: {  	s12 =	simm.s32 $0x0;
	s10 =	rddreg [dreg:$0x1e];
	[sflag:s14] =	ssyncadd.s32 $0xFFFFD880  }
0xf8: {  	[tilespmem:s19], [sflag:$0x3] =	stream.linear.gather [hbm4b:s10+s12], $0x3E80, $0x38;
	[tilespmem:$0x1F780] =	vst v63  }
0xf9: {  	_ =	swait.ge [sflag:s14], $0x3E80  }
0xfa: {  	[sflag:s14] =	ssyncset.done $0x0  }
0xfb: {  	[sflag:s14] =	ssyncadd.s32 $0xFFFFC180  }
0xfc: {  	[bflag:$0x0] =	sbarrier.arrive $0xFFFF  }
0xfd: {  	[tilespmem:s22], [sflag:$0x1] =	stream.indirect.gather [hbm4b:s28+s21], $0x80, s17, s21, $0xb8;
	[tilespmem:$0x1F780] =	vst v63  }
0xfe: {  	_ =	swait.ge [sflag:s24], $0x2800  }
0xff: {  	[sflag:s24] =	ssyncset.done $0x0  }
0x100: {  	s10 =	simm.s32 $0x14050;
	[sflag:s24] =	ssyncadd.s32 $0xFFFFD800  }
0x101: {  	[tilespmem:s29], [sflag:$0x2] =	stream.indirect.gather [hbm4b:s28+s21], $0x80, s10, s21, $0xb8;
	[tilespmem:$0x1F780] =	vst v63  }
0x102: {  	s11 =	simm.s32 $0x16780  }
0x103: {  	[spmem:s23] =	stream.indirect.scatter.add.f32 [tilespmem:s22], [sflag:$0x3], $0x80, s11, s21, $0xb8;
	[tilespmem:$0x1F780] =	vst v63  }
0x104: {  	_ =	swait.ge [sflag:s14], $0x2800  }
0x105: {  	[sflag:s14] =	ssyncset.done $0x0  }
0x106: {  	[sflag:s14] =	ssyncadd.s32 $0xFFFFD800  }
0x107: {  	_ =	swait.ge [sflag:s31], $0x2800  }
0x108: {  	[sflag:s31] =	ssyncset.done $0x0  }
0x109: {  	s9 =	simm.s32 $0x140A0;
	[sflag:s31] =	ssyncadd.s32 $0xFFFFD800  }
0x10a: {  	[tilespmem:s22], [sflag:$0x1] =	stream.indirect.gather [hbm4b:s28+s21], $0x80, s9, s21, $0xb8;
	[tilespmem:$0x1F780] =	vst v63  }
0x10b: {  	s12 =	simm.s32 $0x16800  }
0x10c: {  	[spmem:s23] =	stream.indirect.scatter.add.f32 [tilespmem:s29], [sflag:$0x3], $0x80, s12, s21, $0xb8;
	[tilespmem:$0x1F780] =	vst v63  }
0x10d: {  	_ =	swait.ge [sflag:s14], $0x2800  }
0x10e: {  	s10 =	simm.s32 $0x400;
	[sflag:s14] =	ssyncset.done $0x0  }
.LBB2_6:
0x10f: {  	p0 =	sne.s32 s10, $0xF400;
	[sflag:s14] =	ssyncadd.s32 $0xFFFFD800;
	s9 =	sadd.s32 $0xA0, s9  }
0x110: {  	s11 =	smov.u32 s10;
	s10 =	sadd.s32 $0x400, s10  }
0x111: {  	_ =	swait.ge [sflag:s24], $0x2800  }
0x112: {  	[sflag:s24] =	ssyncset.done $0x0  }
0x113: {  	s12 =	sadd.s32 $0xFFFFFFB0, s9;
	s11 =	sshra.s32 s11, $0x2;
	[sflag:s24] =	ssyncadd.s32 $0xFFFFD800  }
0x114: {  	[tilespmem:s29], [sflag:$0x2] =	stream.indirect.gather [hbm4b:s28+s21], $0x80, s12, s21, $0xb8;
	[tilespmem:$0x1F780] =	vst v63  }
0x115: {  	s12 =	sadd.s32 $0x16780, s11  }
0x116: {  	[spmem:s23] =	stream.indirect.scatter.add.f32 [tilespmem:s22], [sflag:$0x3], $0x80, s12, s21, $0xb8;
	[tilespmem:$0x1F780] =	vst v63  }
0x117: {  	_ =	swait.ge [sflag:s14], $0x2800  }
0x118: {  	[sflag:s14] =	ssyncset.done $0x0  }
0x119: {  	[sflag:s14] =	ssyncadd.s32 $0xFFFFD800  }
0x11a: {  	_ =	swait.ge [sflag:s31], $0x2800  }
0x11b: {  	[sflag:s31] =	ssyncset.done $0x0  }
0x11c: {  	[sflag:s31] =	ssyncadd.s32 $0xFFFFD800  }
0x11d: {  	[tilespmem:s22], [sflag:$0x1] =	stream.indirect.gather [hbm4b:s28+s21], $0x80, s9, s21, $0xb8;
	[tilespmem:$0x1F780] =	vst v63  }
.Ltmp2:
0x11e: {  	_ = 	snop;
	(pc) =	sbr.rel @p0 .LBB2_6-.Ltmp2, $4  }
0x11f: {  	s11 =	sadd.s32 $0x16800, s11  }
0x120: {  	[spmem:s23] =	stream.indirect.scatter.add.f32 [tilespmem:s29], [sflag:$0x3], $0x80, s11, s21, $0xb8;
	[tilespmem:$0x1F780] =	vst v63  }
0x121: {  	_ =	swait.ge [sflag:s14], $0x2800  }
0x122: {  	[sflag:s14] =	ssyncset.done $0x0  }
0x123: {  	[sflag:s14] =	ssyncadd.s32 $0xFFFFD800  }
0x124: {  	_ =	swait.ge [sflag:s24], $0x2800  }
0x125: {  	[sflag:s24] =	ssyncset.done $0x0  }
0x126: {  	[sflag:s24] =	ssyncadd.s32 $0xFFFFD800  }
0x127: {  	[spmem:s23] =	stream.indirect.scatter.add.f32 [tilespmem:s22], [sflag:$0x3], $0x80, s18, s21, $0xb8;
	[tilespmem:$0x1F780] =	vst v63  }
0x128: {  	_ =	swait.ge [sflag:s14], $0x2800  }
0x129: {  	[sflag:s14] =	ssyncset.done $0x0  }
0x12a: {  	[sflag:s14] =	ssyncadd.s32 $0xFFFFD800  }
0x12b: {  	[bflag:$0x0] =	sbarrier.arrive $0xFFFF  }
0x12c: {  	s9 =	rddreg [dreg:$0xc]  }
0x12d: {  	[hbm:s9], [sflag:s30] =	dma.local [spmem:s1], $0xA00  }
0x12e: {  	_ =	swait.ge [sflag:s14], $0xA00  }
0x12f: {  	[sflag:s14] =	ssyncset.done $0x0  }
0x130: {  	s11 =	rddreg [dreg:$0xd];
	[sflag:s14] =	ssyncadd.s32 $0xFFFFF600  }
0x131: {  	[hbm:s11], [sflag:s30] =	dma.local [spmem:s6], $0xA00  }
0x132: {  	_ =	swait.ge [sflag:s14], $0xA00  }
0x133: {  	[sflag:s14] =	ssyncset.done $0x0  }
0x134: {  	s12 =	rddreg [dreg:$0xe];
	[sflag:s14] =	ssyncadd.s32 $0xFFFFF600  }
0x135: {  	[hbm:s12], [sflag:s30] =	dma.local [spmem:s7], $0xA00  }
0x136: {  	_ =	swait.ge [sflag:s14], $0xA00  }
0x137: {  	[sflag:s14] =	ssyncset.done $0x0  }
0x138: {  	s10 =	rddreg [dreg:$0xf];
	[sflag:s14] =	ssyncadd.s32 $0xFFFFF600  }
0x139: {  	[hbm:s10], [sflag:s30] =	dma.local [spmem:s8], $0xA00  }
0x13a: {  	_ =	swait.ge [sflag:s14], $0xA00  }
0x13b: {  	[sflag:s14] =	ssyncset.done $0x0  }
0x13c: {  	[sflag:s14] =	ssyncadd.s32 $0xFFFFF600  }
0x13d: {  	[bflag:$0x0] =	sbarrier.arrive $0xFFFF  }
0x13e: {  	[spmem:s1], [sflag:s30] =	dma.local [hbm:s2], $0xA00  }
0x13f: {  	_ =	swait.ge [sflag:s14], $0xA00  }
0x140: {  	[sflag:s14] =	ssyncset.done $0x0  }
0x141: {  	[sflag:s14] =	ssyncadd.s32 $0xFFFFF600  }
0x142: {  	[spmem:s6], [sflag:s30] =	dma.local [hbm:s3], $0xA00  }
0x143: {  	_ =	swait.ge [sflag:s14], $0xA00  }
0x144: {  	[sflag:s14] =	ssyncset.done $0x0  }
0x145: {  	[sflag:s14] =	ssyncadd.s32 $0xFFFFF600  }
0x146: {  	[spmem:s7], [sflag:s30] =	dma.local [hbm:s4], $0xA00  }
0x147: {  	_ =	swait.ge [sflag:s14], $0xA00  }
0x148: {  	[sflag:s14] =	ssyncset.done $0x0  }
0x149: {  	[sflag:s14] =	ssyncadd.s32 $0xFFFFF600  }
0x14a: {  	[spmem:s8], [sflag:s30] =	dma.local [hbm:s5], $0xA00  }
0x14b: {  	_ =	swait.ge [sflag:s14], $0xA00  }
0x14c: {  	[sflag:s14] =	ssyncset.done $0x0  }
0x14d: {  	s11 =	rddreg [dreg:$0x1b];
	[sflag:s14] =	ssyncadd.s32 $0xFFFFF600  }
0x14e: {  	[tilespmem:s17], [sflag:$0x3] =	stream.strided.gather [hbm4b:s11+s15], $0x2780, s16, s15, $0x38;
	[tilespmem:$0x1F780] =	vst v63  }
0x14f: {  	_ =	swait.ge [sflag:s14], $0x2780  }
0x150: {  	[sflag:s14] =	ssyncset.done $0x0  }
0x151: {  	s12 =	simm.s32 $0x0;
	s10 =	rddreg [dreg:$0x1f];
	[sflag:s14] =	ssyncadd.s32 $0xFFFFD880  }
0x152: {  	[tilespmem:s19], [sflag:$0x3] =	stream.linear.gather [hbm4b:s10+s12], $0x3E80, $0x38;
	[tilespmem:$0x1F780] =	vst v63  }
0x153: {  	_ =	swait.ge [sflag:s14], $0x3E80  }
0x154: {  	[sflag:s14] =	ssyncset.done $0x0  }
0x155: {  	[sflag:s14] =	ssyncadd.s32 $0xFFFFC180  }
0x156: {  	[bflag:$0x0] =	sbarrier.arrive $0xFFFF  }
0x157: {  	[tilespmem:s22], [sflag:$0x1] =	stream.indirect.gather [hbm4b:s20+s21], $0x80, s17, s21, $0xb8;
	[tilespmem:$0x1F780] =	vst v63  }
0x158: {  	_ =	swait.ge [sflag:s24], $0x2800  }
0x159: {  	[sflag:s24] =	ssyncset.done $0x0  }
0x15a: {  	s10 =	simm.s32 $0x14050;
	[sflag:s24] =	ssyncadd.s32 $0xFFFFD800  }
0x15b: {  	[tilespmem:s29], [sflag:$0x2] =	stream.indirect.gather [hbm4b:s20+s21], $0x80, s10, s21, $0xb8;
	[tilespmem:$0x1F780] =	vst v63  }
0x15c: {  	s11 =	simm.s32 $0x16780  }
0x15d: {  	[spmem:s23] =	stream.indirect.scatter.add.f32 [tilespmem:s22], [sflag:$0x3], $0x80, s11, s21, $0xb8;
	[tilespmem:$0x1F780] =	vst v63  }
0x15e: {  	_ =	swait.ge [sflag:s14], $0x2800  }
0x15f: {  	[sflag:s14] =	ssyncset.done $0x0  }
0x160: {  	[sflag:s14] =	ssyncadd.s32 $0xFFFFD800  }
0x161: {  	_ =	swait.ge [sflag:s31], $0x2800  }
0x162: {  	[sflag:s31] =	ssyncset.done $0x0  }
0x163: {  	s9 =	simm.s32 $0x140A0;
	[sflag:s31] =	ssyncadd.s32 $0xFFFFD800  }
0x164: {  	[tilespmem:s22], [sflag:$0x1] =	stream.indirect.gather [hbm4b:s20+s21], $0x80, s9, s21, $0xb8;
	[tilespmem:$0x1F780] =	vst v63  }
0x165: {  	s12 =	simm.s32 $0x16800  }
0x166: {  	[spmem:s23] =	stream.indirect.scatter.add.f32 [tilespmem:s29], [sflag:$0x3], $0x80, s12, s21, $0xb8;
	[tilespmem:$0x1F780] =	vst v63  }
0x167: {  	_ =	swait.ge [sflag:s14], $0x2800  }
0x168: {  	s10 =	simm.s32 $0x400;
	[sflag:s14] =	ssyncset.done $0x0  }
.LBB2_8:
0x169: {  	p0 =	sne.s32 s10, $0xF400;
	[sflag:s14] =	ssyncadd.s32 $0xFFFFD800;
	s9 =	sadd.s32 $0xA0, s9  }
0x16a: {  	s11 =	smov.u32 s10;
	s10 =	sadd.s32 $0x400, s10  }
0x16b: {  	_ =	swait.ge [sflag:s24], $0x2800  }
0x16c: {  	[sflag:s24] =	ssyncset.done $0x0  }
0x16d: {  	s12 =	sadd.s32 $0xFFFFFFB0, s9;
	s11 =	sshra.s32 s11, $0x2;
	[sflag:s24] =	ssyncadd.s32 $0xFFFFD800  }
0x16e: {  	[tilespmem:s29], [sflag:$0x2] =	stream.indirect.gather [hbm4b:s20+s21], $0x80, s12, s21, $0xb8;
	[tilespmem:$0x1F780] =	vst v63  }
0x16f: {  	s12 =	sadd.s32 $0x16780, s11  }
0x170: {  	[spmem:s23] =	stream.indirect.scatter.add.f32 [tilespmem:s22], [sflag:$0x3], $0x80, s12, s21, $0xb8;
	[tilespmem:$0x1F780] =	vst v63  }
0x171: {  	_ =	swait.ge [sflag:s14], $0x2800  }
0x172: {  	[sflag:s14] =	ssyncset.done $0x0  }
0x173: {  	[sflag:s14] =	ssyncadd.s32 $0xFFFFD800  }
0x174: {  	_ =	swait.ge [sflag:s31], $0x2800  }
0x175: {  	[sflag:s31] =	ssyncset.done $0x0  }
0x176: {  	[sflag:s31] =	ssyncadd.s32 $0xFFFFD800  }
0x177: {  	[tilespmem:s22], [sflag:$0x1] =	stream.indirect.gather [hbm4b:s20+s21], $0x80, s9, s21, $0xb8;
	[tilespmem:$0x1F780] =	vst v63  }
.Ltmp3:
0x178: {  	_ = 	snop;
	(pc) =	sbr.rel @p0 .LBB2_8-.Ltmp3, $4  }
0x179: {  	s11 =	sadd.s32 $0x16800, s11  }
0x17a: {  	[spmem:s23] =	stream.indirect.scatter.add.f32 [tilespmem:s29], [sflag:$0x3], $0x80, s11, s21, $0xb8;
	[tilespmem:$0x1F780] =	vst v63  }
0x17b: {  	_ =	swait.ge [sflag:s14], $0x2800  }
0x17c: {  	[sflag:s14] =	ssyncset.done $0x0  }
0x17d: {  	[sflag:s14] =	ssyncadd.s32 $0xFFFFD800  }
0x17e: {  	_ =	swait.ge [sflag:s24], $0x2800  }
0x17f: {  	[sflag:s24] =	ssyncset.done $0x0  }
0x180: {  	[sflag:s24] =	ssyncadd.s32 $0xFFFFD800  }
0x181: {  	[spmem:s23] =	stream.indirect.scatter.add.f32 [tilespmem:s22], [sflag:$0x3], $0x80, s18, s21, $0xb8;
	[tilespmem:$0x1F780] =	vst v63  }
0x182: {  	_ =	swait.ge [sflag:s14], $0x2800  }
0x183: {  	[sflag:s14] =	ssyncset.done $0x0  }
0x184: {  	[sflag:s14] =	ssyncadd.s32 $0xFFFFD800  }
0x185: {  	[bflag:$0x0] =	sbarrier.arrive $0xFFFF  }
0x186: {  	s9 =	rddreg [dreg:$0x10]  }
0x187: {  	[hbm:s9], [sflag:s30] =	dma.local [spmem:s1], $0xA00  }
0x188: {  	_ =	swait.ge [sflag:s14], $0xA00  }
0x189: {  	[sflag:s14] =	ssyncset.done $0x0  }
0x18a: {  	s10 =	rddreg [dreg:$0x11];
	[sflag:s14] =	ssyncadd.s32 $0xFFFFF600  }
0x18b: {  	[hbm:s10], [sflag:s30] =	dma.local [spmem:s6], $0xA00  }
0x18c: {  	_ =	swait.ge [sflag:s14], $0xA00  }
0x18d: {  	[sflag:s14] =	ssyncset.done $0x0  }
0x18e: {  	s11 =	rddreg [dreg:$0x12];
	[sflag:s14] =	ssyncadd.s32 $0xFFFFF600  }
0x18f: {  	[hbm:s11], [sflag:s30] =	dma.local [spmem:s7], $0xA00  }
0x190: {  	_ =	swait.ge [sflag:s14], $0xA00  }
0x191: {  	s0 =	sadd.s32 $0x1, s0;
	[sflag:s14] =	ssyncset.done $0x0  }
0x192: {  	p0 =	sne.s32 s0, s13;
	s12 =	rddreg [dreg:$0x13];
	[sflag:s14] =	ssyncadd.s32 $0xFFFFF600  }
0x193: {  	[hbm:s12], [sflag:s30] =	dma.local [spmem:s8], $0xA00  }
.Ltmp4:
0x194: {  	_ =	swait.ge [sflag:s14], $0xA00;
	(pc) =	sbr.rel @p0 .LBB2_1-.Ltmp4, $3  }
0x195: {  	[sflag:s14] =	ssyncset.done $0x0  }
0x196: {  	[sflag:s14] =	ssyncadd.s32 $0xFFFFF600  }
0x197: {  	[bflag:$0x0] =	sbarrier.arrive $0xFFFF;
	_ =	sdelay $0x1  }
0x198: {  	_ =	sfence.sel $0x180000  }
0x199: {  	[bflag:$0x0] =	sbarrier.arrive $0xFFFF  }
0x19a: {  	_ =	strace $0x9000004A  }
0x19b: {  	s0 =	stileid.u32;
	[bflag:$0x2] =	sbarrier.arrive $0xFFFF  }
0x19c: {  	p0 =	sne.s32 s0, $0x0;
	s0 =	rddreg [dreg:$0x3]  }
0x19d: {  	s0 =	sadd.s32 @!p0 $0x100000, s0  }
0x19e: {  	[sflag:s0] =	ssyncadd.tile.s32 @!p0 $0x1;
	_ =	shalt  }
.Lfunc_end2:
_tile_overlayer_lowered:
.L_overlay_start_2:
0x19f: {  	(tag) =	ssettag $0x2  }
0x1a0: {  	s0 =	rddreg [dreg:$0x0];
	s2 =	stileid.u32  }
0x1a1: {  	s1 =	rddreg [dreg:$0x1];
	p0 =	sne.s32 s2, $0x0  }
0x1a2: {  	s3 =	rddreg [dreg:$0x2];
	[bflag:$0x3] =	sbarrier.arrive $0xFFFF;
	s2 =	simm.s32 @!p0 $0x1C03  }
0x1a3: {  	[timem:s3], [sflag:s2] =	dma.local @!p0 [hbm:s0], s1  }
0x1a4: {  	s0 =	simm.s32 @!p0 $0x3  }
0x1a5: {  	_ =	swait.ge @!p0 [sflag:s0], s1  }
0x1a6: {  	s1 =	ssub.s32 @!p0 $0x0, s1;
	[sflag:s0] =	ssyncset.done @!p0 $0x0  }
0x1a7: {  	[sflag:s0] =	ssyncadd.s32 @!p0 s1  }
0x1a8: {  	[bflag:$0x3] =	sbarrier.arrive $0xFFFF  }
0x1a9: {  	_ =	shalt  }

// kernel: kernel.14.cloned.1.call-start
scs
__scs_entry_jumppad:
0x0: {  	(pc) =	sbr.rel $0x88, $3  }
0x1: {  	(tag) =	ssettag $0x0;
	lr =	simm.s32 $0x1  }
0x2: {  	[smem:$0x3F9C] =	sst lr;
	_ =	strace $0xD0000000  }
0x3: {  	_ = 	snop  }
0x4: {  	_ = 	snop  }
0x5: {  	_ = 	snop  }
0x6: {  	_ = 	snop  }
0x7: {  	_ = 	snop  }
__scs_overlays_trampoline_lowered:
0x8: {  	[smem:$0x3FAB] =	sst s0  }
0x9: {  	[smem:$0x3FAC] =	sst s1  }
0xa: {  	[smem:$0x3FAD] =	sst s2  }
0xb: {  	[smem:$0x3FAE] =	sst s3  }
0xc: {  	[smem:$0x3FAF] =	sst s4  }
0xd: {  	[smem:$0x3FB0] =	sst s5  }
0xe: {  	[smem:$0x3FB1] =	sst s6  }
0xf: {  	[smem:$0x3FB2] =	sst s7  }
0x10: {  	[smem:$0x3FB3] =	sst s8  }
0x11: {  	[smem:$0x3FB4] =	sst s9;
	s0 =	simm.s32 @!p0 $0x0  }
0x12: {  	s1 =	sld [smem:$0x3F9A];
	s0 =	simm.s32 @p0 $0x1  }
0x13: {  	[smem:$0x3FB5] =	sst s0;
	s0 =	simm.s32 @!p1 $0x0  }
0x14: {  	s2 =	sld [smem:$0x3F99];
	s0 =	simm.s32 @p1 $0x1  }
0x15: {  	[smem:$0x3FB6] =	sst s0;
	s0 =	simm.s32 @!p2 $0x0  }
0x16: {  	s3 =	sld [smem:$0x3FDB];
	s0 =	simm.s32 @p2 $0x1  }
0x17: {  	s4 =	simm.s32 $0x1BF5;
	[smem:$0x3FB8] =	sst s0  }
0x18: {  	s0 =	sld [smem:$0x3F9B];
	_ =	swait.ge [sflag:s4], $0x0  }
0x19: {  	s7 =	sld [smem:$0x3F9C]  }
0x1a: {  	s8 =	sadd.s32 $0xFFFFE003, lr  }
0x1b: {  	s9 =	sadd.s32 $0xFFFFFEF7, lr;
	s5 =	simm.s32 $0xFFFFFFFF;
	p2 =	slt.u32 s8, $0xFFFFF086  }
0x1c: {  	p1 =	slt.u32 s9, $0xF7A;
	s5 =	simm.s32 @!p2 $0x0  }
0x1d: {  	s5 =	simm.s32 @p1 $0x1;
	p0 =	seq.s32 s7, s2  }
0x1e: {  	s7 =	smul.u32 @!p0 $0xF7A, s2;
	p2 =	seq.s32 @!p0 s5, $0x0  }
0x1f: {  	s9 =	smul.u32 $0xF7A, s1;
	s8 =	simm.s32 @!p0 $0x1BF5;
	p2 =	por !p2, p0  }
0x20: {  	[sflag:s8] =	ssyncset.s32 @!p0 $0xFFFFF086;
	s6 =	sadd.s32 @!p0 s3, s7;
	s7 =	simm.s32 @!p0 $0x108  }
0x21: {  	s3 =	sadd.s32 s3, s9;
	s6 =	sadd.s32 @!p0 $0x88, s6;
	s7 =	simm.s32 @p2 $0x1082  }
0x22: {  	[simem:s7], [sflag:s8] =	dma.local @!p0 [hbm:s6], $0xF7A  }
0x23: {  	s9 =	sor.u32 $0xD0000000, s2;
	s6 =	simm.s32 $0x108;
	_ =	swait.ge @!p0 [sflag:s8], $0x0  }
0x24: {  	s3 =	sadd.s32 $0x88, s3;
	s6 =	simm.s32 @!p1 $0x1082;
	[sflag:s4] =	ssyncset.s32 $0xFFFFF086  }
0x25: {  	[simem:s6], [sflag:s4] =	dma.local [hbm:s3], $0xF7A  }
0x26: {  	[smem:$0x3F9C] =	sst s1;
	(tag) =	ssettag s2;
	_ =	strace s9  }
0x27: {  	s1 =	sld [smem:$0x3FAC]  }
0x28: {  	s2 =	sld [smem:$0x3FAD]  }
0x29: {  	s4 =	sld [smem:$0x3FAF]  }
0x2a: {  	p0 =	seq.s32 s5, $0x0;
	s5 =	sld [smem:$0x3FB0]  }
0x2b: {  	s6 =	sld [smem:$0x3FB1]  }
0x2c: {  	s7 =	sld [smem:$0x3FB2]  }
0x2d: {  	s3 =	simm.s32 $0x108;
	s8 =	sld [smem:$0x3FB3]  }
0x2e: {  	s3 =	simm.s32 @!p0 $0x1082;
	s9 =	sld [smem:$0x3FB4]  }
0x2f: {  	lr =	sadd.s32 s0, s3;
	s0 =	sld [smem:$0x3FAB]  }
0x30: {  	s3 =	sld [smem:$0x3FAE]  }
0x31: {  	[smem:$0x3FB7] =	sst s10  }
0x32: {  	s10 =	sld [smem:$0x3FB5];
	_ =	sdelay $0x3  }
0x33: {  	p0 =	seq.s32 s10, $0x1;
	s10 =	sld [smem:$0x3FB7];
	_ =	sdelay $0x3  }
0x34: {  	[smem:$0x3FB7] =	sst s10  }
0x35: {  	s10 =	sld [smem:$0x3FB6];
	_ =	sdelay $0x3  }
0x36: {  	p1 =	seq.s32 s10, $0x1;
	s10 =	sld [smem:$0x3FB7];
	_ =	sdelay $0x3  }
0x37: {  	[smem:$0x3FB7] =	sst s10  }
0x38: {  	s10 =	sld [smem:$0x3FB8]  }
0x39: {  	_ = 	snop;
	(pc) =	sbr.ind lr, $3  }
0x3a: {  	_ = 	snop  }
0x3b: {  	_ = 	snop  }
0x3c: {  	p2 =	seq.s32 s10, $0x1;
	s10 =	sld [smem:$0x3FB7]  }
0x3d: {  	_ =	shalt  }
0x3e: {  	_ =	shalt  }
0x3f: {  	_ =	shalt  }
0x40: {  	_ =	shalt  }
0x41: {  	_ =	shalt  }
0x42: {  	_ =	shalt  }
0x43: {  	_ =	shalt  }
0x44: {  	_ =	shalt  }
0x45: {  	_ =	shalt  }
0x46: {  	_ =	shalt  }
0x47: {  	_ =	shalt  }
0x48: {  	_ =	shalt  }
0x49: {  	_ =	shalt  }
0x4a: {  	_ =	shalt  }
0x4b: {  	_ =	shalt  }
0x4c: {  	_ =	shalt  }
0x4d: {  	_ =	shalt  }
0x4e: {  	_ =	shalt  }
0x4f: {  	_ =	shalt  }
0x50: {  	_ =	shalt  }
0x51: {  	_ =	shalt  }
0x52: {  	_ =	shalt  }
0x53: {  	_ =	shalt  }
0x54: {  	_ =	shalt  }
0x55: {  	_ =	shalt  }
0x56: {  	_ =	shalt  }
0x57: {  	_ =	shalt  }
0x58: {  	_ =	shalt  }
0x59: {  	_ =	shalt  }
0x5a: {  	_ =	shalt  }
0x5b: {  	_ =	shalt  }
0x5c: {  	_ =	shalt  }
0x5d: {  	_ =	shalt  }
0x5e: {  	_ =	shalt  }
0x5f: {  	_ =	shalt  }
0x60: {  	_ =	shalt  }
0x61: {  	_ =	shalt  }
0x62: {  	_ =	shalt  }
0x63: {  	_ =	shalt  }
0x64: {  	_ =	shalt  }
0x65: {  	_ =	shalt  }
0x66: {  	_ =	shalt  }
0x67: {  	_ =	shalt  }
0x68: {  	_ =	shalt  }
0x69: {  	_ =	shalt  }
0x6a: {  	_ =	shalt  }
0x6b: {  	_ =	shalt  }
0x6c: {  	_ =	shalt  }
0x6d: {  	_ =	shalt  }
0x6e: {  	_ =	shalt  }
0x6f: {  	_ =	shalt  }
0x70: {  	_ =	shalt  }
0x71: {  	_ =	shalt  }
0x72: {  	_ =	shalt  }
0x73: {  	_ =	shalt  }
0x74: {  	_ =	shalt  }
0x75: {  	_ =	shalt  }
0x76: {  	_ =	shalt  }
0x77: {  	_ =	shalt  }
0x78: {  	_ =	shalt  }
0x79: {  	_ =	shalt  }
0x7a: {  	_ =	shalt  }
0x7b: {  	_ =	shalt  }
0x7c: {  	_ =	shalt  }
0x7d: {  	_ =	shalt  }
0x7e: {  	_ =	shalt  }
0x7f: {  	_ =	shalt  }
0x80: {  	_ =	shalt  }
0x81: {  	_ =	shalt  }
0x82: {  	_ =	shalt  }
0x83: {  	_ =	shalt  }
0x84: {  	_ =	shalt  }
0x85: {  	_ =	shalt  }
0x86: {  	_ =	shalt  }
0x87: {  	_ =	shalt  }
.Lfunc_end0:
.L_simem_size_0:
called_computation.2_lowered:
.L_overlay_start_0:
0x88: {  	s2 =	sld [smem:$0x3FD9]  }
0x89: {  	s3 =	sld [smem:$0x3FFE];
	_ =	sdelay $0x1  }
0x8a: {  	s1 =	srdreg.scid  }
0x8b: {  	s0 =	sand.u32 $0x1, s1  }
0x8c: {  	s17 =	sshll.u32 s0, $0xA;
	s2 =	sadd.s32 s3, s2  }
0x8d: {  	s2 =	sadd.s32 s2, s17  }
0x8e: {  	[smem:$0x3FC3] =	sst s2  }
0x8f: {  	_ = 	snop  }
0x90: {  	s2 =	sld [smem:$0x3FD0];
	(tm) =	ssettm $0x1  }
0x91: {  	s18 =	sld [smem:$0x3FFB];
	_ =	sdelay $0x3  }
0x92: {  	_ =	strace s18  }
0x93: {  	s3 =	sld [smem:$0x3FFC];
	_ =	sdelay $0x3  }
0x94: {  	_ =	strace s3  }
0x95: {  	s3 =	sld [smem:$0x3FFD];
	_ =	sdelay $0x3  }
0x96: {  	_ =	strace s3  }
0x97: {  	_ =	strace $0x8FFFFFFF  }
0x98: {  	s19 =	sld [smem:$0x3FDB];
	_ =	sdelay $0x1  }
0x99: {  	s4 =	simm.s32 $_scs_section_size  }
0x9a: {  	s5 =	simm.s32 $_size__tile_overlayer_lowered;
	s6 =	simm.s32 $_tile_overlayer_lowered  }
0x9b: {  	s22 =	simm.s32 $0x1BFF;
	s21 =	sshll.u32 s6, $0x1;
	s3 =	sadd.s32 s4, s19  }
0x9c: {  	s7 =	simm.s32 $0x0;
	s20 =	sshll.u32 s5, $0x1;
	s5 =	sadd.s32 s21, s3  }
0x9d: {  	[timem:s7], [sflag:s22] =	dma.local [hbm:s5], s20  }
0x9e: {  	_ =	swait.ge [sflag:s22], s20  }
0x9f: {  	s4 =	ssub.s32 $0x0, s20;
	[sflag:s22] =	ssyncset.done $0x0  }
0xa0: {  	[sflag:s22] =	ssyncadd.s32 s4;
	_ =	sdelay $0x1  }
0xa1: {  	s23 =	simm.s32 $0x1B8B  }
0xa2: {  	_ =	swait.ge [sflag:s23], $0x1  }
0xa3: {  	[sflag:s23] =	ssyncset.done $0x0  }
0xa4: {  	s25 =	simm.s32 $0x1B8E;
	s24 =	sld [smem:$0x3FFE];
	[sflag:s23] =	ssyncadd.s32 $0xFFFFFFFF  }
0xa5: {  	s26 =	simm.s32 $execute0_lowered;
	[smem:$0x3FD2] =	sst s25  }
0xa6: {  	s5 =	sshll.u32 s26, $0x1;
	_ =	strace $0x8000004C;
	[dreg:$0x1] =	wrdreg $0xFFFFFFFF  }
0xa7: {  	s28 =	simm.s32 $_size_execute0_lowered;
	s3 =	sadd.s32 s3, s5;
	[dreg:$0x0] =	wrdreg $0x0  }
0xa8: {  	s5 =	sshll.u32 s28, $0x1;
	[dreg:$0x2] =	wrdreg s3  }
0xa9: {  	[dreg:$0x3] =	wrdreg s5  }
0xaa: {  	[dreg:$0x4] =	wrdreg $0xC0  }
0xab: {  	_ =	task [dreg:s7], $0x5FFFF  }
0xac: {  	[dreg:$0x1] =	wrdreg $0xFFFFFFFF  }
0xad: {  	[dreg:$0x0] =	wrdreg $0x60  }
0xae: {  	[dreg:$0x2] =	wrdreg s2  }
0xaf: {  	[dreg:$0x3] =	wrdreg s24  }
0xb0: {  	[dreg:$0x4] =	wrdreg $0x0  }
0xb1: {  	[dreg:$0x5] =	wrdreg $0x9  }
0xb2: {  	_ =	task.clear_ibuf [dreg:s7], $0x6FFFF;
	_ =	strace $0x9000004C  }
0xb3: {  	s29 =	simm.s32 $0x9;
	_ =	strace $0x8000004E  }
0xb4: {  	_ =	swait.ge [sflag:s29], $0x1  }
0xb5: {  	[sflag:s29] =	ssyncadd.s32 $0xFFFFFFFF  }
0xb6: {  	_ =	strace $0x9000004E  }
0xb7: {  	_ =	sfence  }
0xb8: {  	s30 =	sld [smem:$0x0];
	_ =	sdelay $0x2  }
0xb9: {  	s31 =	sshll.u32 s1, $0xD;
	s1 =	sshrl.u32 s1, $0x2  }
0xba: {  	s3 =	sand.u32 $0x4000, s31;
	s1 =	sadd.s32 s1, s30  }
0xbb: {  	s0 =	sor.u32 s3, s0;
	s1 =	sshll.u32 s1, $0x11  }
0xbc: {  	s0 =	sor.u32 s1, s0  }
0xbd: {  	s0 =	sadd.s32 $0x8F2B, s0  }
0xbe: {  	[sflag:s0] =	ssyncadd.remote.s32 $0x1  }
0xbf: {  	_ =	sfence.sel $0xFFFF  }
0xc0: {  	[dreg:$0x0] =	wrdreg $0xFFFFFFFF;
	(pc) =	sbr.abs _section_cstart, $3  }
0xc1: {  	[dreg:$0x1] =	wrdreg $0xFFFFFFFF  }
0xc2: {  	_ =	task.clear_ibuf [dreg:s7], $0x2FFFF;
	_ =	strace $0x9FFFFFFF  }
0xc3: {  	(tm) =	ssettm $0x7FFFFFFF  }
tec
execute0_lowered:
.L_overlay_start_1:
0x0: {  	(tag) =	ssettag $0x1  }
0x1: {  	s1 =	rddreg [dreg:$0x0]  }
0x2: {  	s0 =	srdreg.scid;
	s2 =	rddreg [dreg:$0x1]  }
0x3: {  	s19 =	stileid.u32;
	s3 =	rddreg [dreg:$0x2];
	s7 =	simm.s32 $0x0  }
0x4: {  	s29 =	simm.s32 $0x3;
	s30 =	simm.s32 $0x80;
	s31 =	simm.s32 $0x400  }
0x5: {  	s0 =	sand.u32 $0x1, s0;
	s6 =	sshll.u32 s19, $0x7;
	s9 =	smul.u32 $0x280, s19  }
0x6: {  	[smem:$0x7FF] =	sst s7;
	s10 =	sadd.s32 $0xDEA00, s2;
	s8 =	smul.u32 $0x50000, s19  }
0x7: {  	s11 =	sadd.s32 $0x106A00, s2;
	s13 =	smul.u32 $0x14000, s19;
	s4 =	sshll.u32 s0, $0x4  }
0x8: {  	s6 =	sand.u32 $0x380, s6;
	_ =	strace $0x8000004D;
	s18 =	ssub.s32 $0x2, s0  }
0x9: {  	s0 =	smul.u32 $0x140000, s0;
	s4 =	sor.u32 s19, s4;
	s12 =	sshrl.u32 s18, $0x1  }
0xa: {  	s20 =	sshrl.u32 s8, $0x2;
	s21 =	sshrl.u32 s13, $0x3;
	s22 =	sadd.s32 $0xA0, s9  }
0xb: {  	s15 =	sadd.s32 $0x140, s9;
	s17 =	sadd.s32 $0x1E0, s9;
	s5 =	sshrl.u32 s4, $0x3  }
0xc: {  	s4 =	sshll.u32 s4, $0xB;
	s12 =	ssub.s32 s18, s12;
	s7 =	sadd.s32 s20, s3  }
0xd: {  	s14 =	sshll.u32 s22, $0x7;
	s8 =	sshll.u32 s22, $0x4;
	s16 =	sshll.u32 s15, $0x7  }
0xe: {  	s15 =	sshll.u32 s15, $0x4;
	s23 =	sshll.u32 s17, $0x4;
	s13 =	sadd.s32 s13, s0  }
0xf: {  	s17 =	sshll.u32 s17, $0x7;
	s5 =	smul.u32 $0x13C00, s5;
	s4 =	sadd.s32 s4, s2  }
0x10: {  	[dreg:$0x4] =	wrdreg s7;
	s7 =	sadd.s32 s10, s21;
	s8 =	sadd.s32 s10, s8  }
0x11: {  	s9 =	sadd.s32 s10, s15;
	s10 =	sadd.s32 s10, s23;
	s13 =	sshrl.u32 s13, $0x3  }
0x12: {  	s25 =	sadd.s32 s0, s14;
	s18 =	sadd.s32 s0, s16;
	s0 =	sadd.s32 s0, s17  }
0x13: {  	s22 =	sadd.s32 s14, s3;
	s23 =	sadd.s32 s16, s3;
	s24 =	sadd.s32 s11, s13  }
0x14: {  	s15 =	sshrl.u32 s25, $0x3;
	s18 =	sshrl.u32 s18, $0x3;
	[dreg:$0xd] =	wrdreg s22  }
0x15: {  	s0 =	sshrl.u32 s0, $0x3;
	[dreg:$0xe] =	wrdreg s23;
	s6 =	sor.u32 s6, s5  }
0x16: {  	s5 =	sadd.s32 $0x69400, s2;
	[dreg:$0x5] =	wrdreg s24;
	s20 =	sadd.s32 s11, s15  }
0x17: {  	s26 =	sadd.s32 s11, s18;
	s11 =	sadd.s32 s11, s0;
	[dreg:$0x6] =	wrdreg s20  }
0x18: {  	s24 =	sadd.s32 s17, s3;
	s6 =	sshrl.u32 s6, $0x3;
	[dreg:$0x7] =	wrdreg s26  }
0x19: {  	[dreg:$0x8] =	wrdreg s11;
	s6 =	sadd.s32 s6, s2;
	s2 =	sadd.s32 $0x156A00, s2  }
0x1a: {  	s21 =	sshll.u32 s19, $0x6;
	[dreg:$0xf] =	wrdreg s24;
	s13 =	sadd.s32 s2, s13  }
0x1b: {  	s28 =	smax.u32 s12, $0x1;
	s15 =	sadd.s32 s2, s15;
	[dreg:$0x9] =	wrdreg s13  }
0x1c: {  	s12 =	simm.s32 $0x1CF80;
	s20 =	sadd.s32 s2, s18;
	[dreg:$0xa] =	wrdreg s15  }
0x1d: {  	s14 =	simm.s32 $0x1A580;
	s0 =	sadd.s32 s2, s0;
	[dreg:$0xb] =	wrdreg s20  }
0x1e: {  	s19 =	sor.u32 $0x1C03, s21;
	s25 =	sadd.s32 $0x41C00, s6;
	[dreg:$0xc] =	wrdreg s0  }
0x1f: {  	s11 =	simm.s32 $0x1;
	s26 =	sadd.s32 $0x4BA00, s6;
	[dreg:$0x10] =	wrdreg s25  }
0x20: {  	s2 =	simm.s32 $0x14000;
	s6 =	simm.s32 $0x1A780;
	[dreg:$0x11] =	wrdreg s26  }
0x21: {  	s25 =	sadd.s32 $0x11600, s4;
	s26 =	sadd.s32 $0x1600, s4;
	s0 =	simm.s32 $0x16780  }
0x22: {  	s4 =	simm.s32 $0x50;
	s13 =	simm.s32 $0x2;
	s15 =	simm.s32 $0x0  }
.LBB2_1:
0x23: {  	s16 =	rddreg [dreg:$0x4]  }
0x24: {  	s16 =	sshrl.u32 s16, $0x3  }
0x25: {  	[spmem:s16], [sflag:s19] =	dma.local [hbm:s7], $0xA00  }
0x26: {  	_ =	swait.ge [sflag:s29], $0xA00  }
0x27: {  	[sflag:s29] =	ssyncset.done $0x0;
	s17 =	rddreg [dreg:$0xd]  }
0x28: {  	[sflag:s29] =	ssyncadd.s32 $0xFFFFF600;
	s17 =	sshrl.u32 s17, $0x3  }
0x29: {  	[spmem:s17], [sflag:s19] =	dma.local [hbm:s8], $0xA00  }
0x2a: {  	_ =	swait.ge [sflag:s29], $0xA00  }
0x2b: {  	[sflag:s29] =	ssyncset.done $0x0;
	s18 =	rddreg [dreg:$0xe]  }
0x2c: {  	[sflag:s29] =	ssyncadd.s32 $0xFFFFF600;
	s18 =	sshrl.u32 s18, $0x3  }
0x2d: {  	[spmem:s18], [sflag:s19] =	dma.local [hbm:s9], $0xA00  }
0x2e: {  	_ =	swait.ge [sflag:s29], $0xA00  }
0x2f: {  	[sflag:s29] =	ssyncset.done $0x0;
	s20 =	rddreg [dreg:$0xf]  }
0x30: {  	[sflag:s29] =	ssyncadd.s32 $0xFFFFF600;
	s20 =	sshrl.u32 s20, $0x3  }
0x31: {  	[spmem:s20], [sflag:s19] =	dma.local [hbm:s10], $0xA00  }
0x32: {  	_ =	swait.ge [sflag:s29], $0xA00  }
0x33: {  	[sflag:s29] =	ssyncset.done $0x0  }
0x34: {  	s21 =	rddreg [dreg:$0x10];
	[sflag:s29] =	ssyncadd.s32 $0xFFFFF600  }
0x35: {  	[tilespmem:s2], [sflag:$0x3] =	stream.strided.gather [hbm4b:s21+s30], $0x2780, s31, s30, $0x38;
	[tilespmem:$0x1F780] =	vst v63  }
0x36: {  	_ =	swait.ge [sflag:s29], $0x2780  }
0x37: {  	[sflag:s29] =	ssyncset.done $0x0  }
0x38: {  	s22 =	simm.s32 $0x0;
	[sflag:s29] =	ssyncadd.s32 $0xFFFFD880  }
0x39: {  	[tilespmem:s0], [sflag:$0x3] =	stream.linear.gather [hbm4b:s25+s22], $0x3E80, $0x38;
	[tilespmem:$0x1F780] =	vst v63  }
0x3a: {  	_ =	swait.ge [sflag:s29], $0x3E80  }
0x3b: {  	[sflag:s29] =	ssyncset.done $0x0  }
0x3c: {  	[sflag:s29] =	ssyncadd.s32 $0xFFFFC180  }
0x3d: {  	[bflag:$0x0] =	sbarrier.arrive $0xFFFF  }
0x3e: {  	[tilespmem:s6], [sflag:$0x1] =	stream.indirect.gather [hbm4b:s1+s4], $0x80, s2, s4, $0xb8;
	[tilespmem:$0x1F780] =	vst v63  }
0x3f: {  	_ =	swait.ge [sflag:s11], $0x2800  }
0x40: {  	[sflag:s11] =	ssyncset.done $0x0  }
0x41: {  	s23 =	simm.s32 $0x14050;
	[sflag:s11] =	ssyncadd.s32 $0xFFFFD800  }
0x42: {  	[tilespmem:s12], [sflag:$0x2] =	stream.indirect.gather [hbm4b:s1+s4], $0x80, s23, s4, $0xb8;
	[tilespmem:$0x1F780] =	vst v63  }
0x43: {  	s24 =	simm.s32 $0x16780  }
0x44: {  	[spmem:s3] =	stream.indirect.scatter.add.f32 [tilespmem:s6], [sflag:$0x3], $0x80, s24, s4, $0xb8;
	[tilespmem:$0x1F780] =	vst v63  }
0x45: {  	_ =	swait.ge [sflag:s29], $0x2800  }
0x46: {  	[sflag:s29] =	ssyncset.done $0x0  }
0x47: {  	[sflag:s29] =	ssyncadd.s32 $0xFFFFD800  }
0x48: {  	_ =	swait.ge [sflag:s13], $0x2800  }
0x49: {  	[sflag:s13] =	ssyncset.done $0x0  }
0x4a: {  	s21 =	simm.s32 $0x140A0;
	[sflag:s13] =	ssyncadd.s32 $0xFFFFD800  }
0x4b: {  	[tilespmem:s6], [sflag:$0x1] =	stream.indirect.gather [hbm4b:s1+s4], $0x80, s21, s4, $0xb8;
	[tilespmem:$0x1F780] =	vst v63  }
0x4c: {  	s22 =	simm.s32 $0x16800  }
0x4d: {  	[spmem:s3] =	stream.indirect.scatter.add.f32 [tilespmem:s12], [sflag:$0x3], $0x80, s22, s4, $0xb8;
	[tilespmem:$0x1F780] =	vst v63  }
0x4e: {  	_ =	swait.ge [sflag:s29], $0x2800  }
0x4f: {  	s22 =	simm.s32 $0x400;
	[sflag:s29] =	ssyncset.done $0x0  }
.LBB2_2:
0x50: {  	p0 =	sne.s32 s22, $0xF400;
	[sflag:s29] =	ssyncadd.s32 $0xFFFFD800;
	s21 =	sadd.s32 $0xA0, s21  }
0x51: {  	s23 =	smov.u32 s22;
	s22 =	sadd.s32 $0x400, s22  }
0x52: {  	_ =	swait.ge [sflag:s11], $0x2800  }
0x53: {  	[sflag:s11] =	ssyncset.done $0x0  }
0x54: {  	s24 =	sadd.s32 $0xFFFFFFB0, s21;
	s23 =	sshra.s32 s23, $0x2;
	[sflag:s11] =	ssyncadd.s32 $0xFFFFD800  }
0x55: {  	[tilespmem:s12], [sflag:$0x2] =	stream.indirect.gather [hbm4b:s1+s4], $0x80, s24, s4, $0xb8;
	[tilespmem:$0x1F780] =	vst v63  }
0x56: {  	s24 =	sadd.s32 $0x16780, s23  }
0x57: {  	[spmem:s3] =	stream.indirect.scatter.add.f32 [tilespmem:s6], [sflag:$0x3], $0x80, s24, s4, $0xb8;
	[tilespmem:$0x1F780] =	vst v63  }
0x58: {  	_ =	swait.ge [sflag:s29], $0x2800  }
0x59: {  	[sflag:s29] =	ssyncset.done $0x0  }
0x5a: {  	[sflag:s29] =	ssyncadd.s32 $0xFFFFD800  }
0x5b: {  	_ =	swait.ge [sflag:s13], $0x2800  }
0x5c: {  	[sflag:s13] =	ssyncset.done $0x0  }
0x5d: {  	[sflag:s13] =	ssyncadd.s32 $0xFFFFD800  }
0x5e: {  	[tilespmem:s6], [sflag:$0x1] =	stream.indirect.gather [hbm4b:s1+s4], $0x80, s21, s4, $0xb8;
	[tilespmem:$0x1F780] =	vst v63  }
.Ltmp0:
0x5f: {  	_ = 	snop;
	(pc) =	sbr.rel @p0 .LBB2_2-.Ltmp0, $4  }
0x60: {  	s23 =	sadd.s32 $0x16800, s23  }
0x61: {  	[spmem:s3] =	stream.indirect.scatter.add.f32 [tilespmem:s12], [sflag:$0x3], $0x80, s23, s4, $0xb8;
	[tilespmem:$0x1F780] =	vst v63  }
0x62: {  	_ =	swait.ge [sflag:s29], $0x2800  }
0x63: {  	[sflag:s29] =	ssyncset.done $0x0  }
0x64: {  	[sflag:s29] =	ssyncadd.s32 $0xFFFFD800  }
0x65: {  	_ =	swait.ge [sflag:s11], $0x2800  }
0x66: {  	[sflag:s11] =	ssyncset.done $0x0  }
0x67: {  	[sflag:s11] =	ssyncadd.s32 $0xFFFFD800  }
0x68: {  	[spmem:s3] =	stream.indirect.scatter.add.f32 [tilespmem:s6], [sflag:$0x3], $0x80, s14, s4, $0xb8;
	[tilespmem:$0x1F780] =	vst v63  }
0x69: {  	_ =	swait.ge [sflag:s29], $0x2800  }
0x6a: {  	[sflag:s29] =	ssyncset.done $0x0  }
0x6b: {  	[sflag:s29] =	ssyncadd.s32 $0xFFFFD800  }
0x6c: {  	[bflag:$0x0] =	sbarrier.arrive $0xFFFF  }
0x6d: {  	s21 =	rddreg [dreg:$0x5]  }
0x6e: {  	[hbm:s21], [sflag:s19] =	dma.local [spmem:s16], $0xA00  }
0x6f: {  	_ =	swait.ge [sflag:s29], $0xA00  }
0x70: {  	[sflag:s29] =	ssyncset.done $0x0  }
0x71: {  	s24 =	rddreg [dreg:$0x6];
	[sflag:s29] =	ssyncadd.s32 $0xFFFFF600  }
0x72: {  	[hbm:s24], [sflag:s19] =	dma.local [spmem:s17], $0xA00  }
0x73: {  	_ =	swait.ge [sflag:s29], $0xA00  }
0x74: {  	[sflag:s29] =	ssyncset.done $0x0  }
0x75: {  	s22 =	rddreg [dreg:$0x7];
	[sflag:s29] =	ssyncadd.s32 $0xFFFFF600  }
0x76: {  	[hbm:s22], [sflag:s19] =	dma.local [spmem:s18], $0xA00  }
0x77: {  	_ =	swait.ge [sflag:s29], $0xA00  }
0x78: {  	[sflag:s29] =	ssyncset.done $0x0  }
0x79: {  	s23 =	rddreg [dreg:$0x8];
	[sflag:s29] =	ssyncadd.s32 $0xFFFFF600  }
0x7a: {  	[hbm:s23], [sflag:s19] =	dma.local [spmem:s20], $0xA00  }
0x7b: {  	_ =	swait.ge [sflag:s29], $0xA00  }
0x7c: {  	[sflag:s29] =	ssyncset.done $0x0  }
0x7d: {  	[sflag:s29] =	ssyncadd.s32 $0xFFFFF600  }
0x7e: {  	[bflag:$0x0] =	sbarrier.arrive $0xFFFF  }
0x7f: {  	[spmem:s16], [sflag:s19] =	dma.local [hbm:s7], $0xA00  }
0x80: {  	_ =	swait.ge [sflag:s29], $0xA00  }
0x81: {  	[sflag:s29] =	ssyncset.done $0x0  }
0x82: {  	[sflag:s29] =	ssyncadd.s32 $0xFFFFF600  }
0x83: {  	[spmem:s17], [sflag:s19] =	dma.local [hbm:s8], $0xA00  }
0x84: {  	_ =	swait.ge [sflag:s29], $0xA00  }
0x85: {  	[sflag:s29] =	ssyncset.done $0x0  }
0x86: {  	[sflag:s29] =	ssyncadd.s32 $0xFFFFF600  }
0x87: {  	[spmem:s18], [sflag:s19] =	dma.local [hbm:s9], $0xA00  }
0x88: {  	_ =	swait.ge [sflag:s29], $0xA00  }
0x89: {  	[sflag:s29] =	ssyncset.done $0x0  }
0x8a: {  	[sflag:s29] =	ssyncadd.s32 $0xFFFFF600  }
0x8b: {  	[spmem:s20], [sflag:s19] =	dma.local [hbm:s10], $0xA00  }
0x8c: {  	_ =	swait.ge [sflag:s29], $0xA00  }
0x8d: {  	[sflag:s29] =	ssyncset.done $0x0  }
0x8e: {  	s24 =	rddreg [dreg:$0x11];
	[sflag:s29] =	ssyncadd.s32 $0xFFFFF600  }
0x8f: {  	[tilespmem:s2], [sflag:$0x3] =	stream.strided.gather [hbm4b:s24+s30], $0x2780, s31, s30, $0x38;
	[tilespmem:$0x1F780] =	vst v63  }
0x90: {  	_ =	swait.ge [sflag:s29], $0x2780  }
0x91: {  	[sflag:s29] =	ssyncset.done $0x0  }
0x92: {  	s22 =	simm.s32 $0x0;
	[sflag:s29] =	ssyncadd.s32 $0xFFFFD880  }
0x93: {  	[tilespmem:s0], [sflag:$0x3] =	stream.linear.gather [hbm4b:s26+s22], $0x3E80, $0x38;
	[tilespmem:$0x1F780] =	vst v63  }
0x94: {  	_ =	swait.ge [sflag:s29], $0x3E80  }
0x95: {  	[sflag:s29] =	ssyncset.done $0x0  }
0x96: {  	[sflag:s29] =	ssyncadd.s32 $0xFFFFC180  }
0x97: {  	[bflag:$0x0] =	sbarrier.arrive $0xFFFF  }
0x98: {  	[tilespmem:s6], [sflag:$0x1] =	stream.indirect.gather [hbm4b:s5+s4], $0x80, s2, s4, $0xb8;
	[tilespmem:$0x1F780] =	vst v63  }
0x99: {  	_ =	swait.ge [sflag:s11], $0x2800  }
0x9a: {  	[sflag:s11] =	ssyncset.done $0x0  }
0x9b: {  	s23 =	simm.s32 $0x14050;
	[sflag:s11] =	ssyncadd.s32 $0xFFFFD800  }
0x9c: {  	[tilespmem:s12], [sflag:$0x2] =	stream.indirect.gather [hbm4b:s5+s4], $0x80, s23, s4, $0xb8;
	[tilespmem:$0x1F780] =	vst v63  }
0x9d: {  	s24 =	simm.s32 $0x16780  }
0x9e: {  	[spmem:s3] =	stream.indirect.scatter.add.f32 [tilespmem:s6], [sflag:$0x3], $0x80, s24, s4, $0xb8;
	[tilespmem:$0x1F780] =	vst v63  }
0x9f: {  	_ =	swait.ge [sflag:s29], $0x2800  }
0xa0: {  	[sflag:s29] =	ssyncset.done $0x0  }
0xa1: {  	[sflag:s29] =	ssyncadd.s32 $0xFFFFD800  }
0xa2: {  	_ =	swait.ge [sflag:s13], $0x2800  }
0xa3: {  	[sflag:s13] =	ssyncset.done $0x0  }
0xa4: {  	s21 =	simm.s32 $0x140A0;
	[sflag:s13] =	ssyncadd.s32 $0xFFFFD800  }
0xa5: {  	[tilespmem:s6], [sflag:$0x1] =	stream.indirect.gather [hbm4b:s5+s4], $0x80, s21, s4, $0xb8;
	[tilespmem:$0x1F780] =	vst v63  }
0xa6: {  	s22 =	simm.s32 $0x16800  }
0xa7: {  	[spmem:s3] =	stream.indirect.scatter.add.f32 [tilespmem:s12], [sflag:$0x3], $0x80, s22, s4, $0xb8;
	[tilespmem:$0x1F780] =	vst v63  }
0xa8: {  	_ =	swait.ge [sflag:s29], $0x2800  }
0xa9: {  	s22 =	simm.s32 $0x400;
	[sflag:s29] =	ssyncset.done $0x0  }
.LBB2_4:
0xaa: {  	p0 =	sne.s32 s22, $0xF400;
	[sflag:s29] =	ssyncadd.s32 $0xFFFFD800;
	s21 =	sadd.s32 $0xA0, s21  }
0xab: {  	s23 =	smov.u32 s22;
	s22 =	sadd.s32 $0x400, s22  }
0xac: {  	_ =	swait.ge [sflag:s11], $0x2800  }
0xad: {  	[sflag:s11] =	ssyncset.done $0x0  }
0xae: {  	s24 =	sadd.s32 $0xFFFFFFB0, s21;
	s23 =	sshra.s32 s23, $0x2;
	[sflag:s11] =	ssyncadd.s32 $0xFFFFD800  }
0xaf: {  	[tilespmem:s12], [sflag:$0x2] =	stream.indirect.gather [hbm4b:s5+s4], $0x80, s24, s4, $0xb8;
	[tilespmem:$0x1F780] =	vst v63  }
0xb0: {  	s24 =	sadd.s32 $0x16780, s23  }
0xb1: {  	[spmem:s3] =	stream.indirect.scatter.add.f32 [tilespmem:s6], [sflag:$0x3], $0x80, s24, s4, $0xb8;
	[tilespmem:$0x1F780] =	vst v63  }
0xb2: {  	_ =	swait.ge [sflag:s29], $0x2800  }
0xb3: {  	[sflag:s29] =	ssyncset.done $0x0  }
0xb4: {  	[sflag:s29] =	ssyncadd.s32 $0xFFFFD800  }
0xb5: {  	_ =	swait.ge [sflag:s13], $0x2800  }
0xb6: {  	[sflag:s13] =	ssyncset.done $0x0  }
0xb7: {  	[sflag:s13] =	ssyncadd.s32 $0xFFFFD800  }
0xb8: {  	[tilespmem:s6], [sflag:$0x1] =	stream.indirect.gather [hbm4b:s5+s4], $0x80, s21, s4, $0xb8;
	[tilespmem:$0x1F780] =	vst v63  }
.Ltmp1:
0xb9: {  	_ = 	snop;
	(pc) =	sbr.rel @p0 .LBB2_4-.Ltmp1, $4  }
0xba: {  	s23 =	sadd.s32 $0x16800, s23  }
0xbb: {  	[spmem:s3] =	stream.indirect.scatter.add.f32 [tilespmem:s12], [sflag:$0x3], $0x80, s23, s4, $0xb8;
	[tilespmem:$0x1F780] =	vst v63  }
0xbc: {  	_ =	swait.ge [sflag:s29], $0x2800  }
0xbd: {  	[sflag:s29] =	ssyncset.done $0x0  }
0xbe: {  	[sflag:s29] =	ssyncadd.s32 $0xFFFFD800  }
0xbf: {  	_ =	swait.ge [sflag:s11], $0x2800  }
0xc0: {  	[sflag:s11] =	ssyncset.done $0x0  }
0xc1: {  	[sflag:s11] =	ssyncadd.s32 $0xFFFFD800  }
0xc2: {  	[spmem:s3] =	stream.indirect.scatter.add.f32 [tilespmem:s6], [sflag:$0x3], $0x80, s14, s4, $0xb8;
	[tilespmem:$0x1F780] =	vst v63  }
0xc3: {  	_ =	swait.ge [sflag:s29], $0x2800  }
0xc4: {  	[sflag:s29] =	ssyncset.done $0x0  }
0xc5: {  	[sflag:s29] =	ssyncadd.s32 $0xFFFFD800  }
0xc6: {  	[bflag:$0x0] =	sbarrier.arrive $0xFFFF  }
0xc7: {  	s21 =	rddreg [dreg:$0x9]  }
0xc8: {  	[hbm:s21], [sflag:s19] =	dma.local [spmem:s16], $0xA00  }
0xc9: {  	_ =	swait.ge [sflag:s29], $0xA00  }
0xca: {  	[sflag:s29] =	ssyncset.done $0x0  }
0xcb: {  	s22 =	rddreg [dreg:$0xa];
	[sflag:s29] =	ssyncadd.s32 $0xFFFFF600  }
0xcc: {  	[hbm:s22], [sflag:s19] =	dma.local [spmem:s17], $0xA00  }
0xcd: {  	_ =	swait.ge [sflag:s29], $0xA00  }
0xce: {  	[sflag:s29] =	ssyncset.done $0x0  }
0xcf: {  	s23 =	rddreg [dreg:$0xb];
	[sflag:s29] =	ssyncadd.s32 $0xFFFFF600  }
0xd0: {  	[hbm:s23], [sflag:s19] =	dma.local [spmem:s18], $0xA00  }
0xd1: {  	_ =	swait.ge [sflag:s29], $0xA00  }
0xd2: {  	s15 =	sadd.s32 $0x1, s15;
	[sflag:s29] =	ssyncset.done $0x0  }
0xd3: {  	p0 =	sne.s32 s15, s28;
	s24 =	rddreg [dreg:$0xc];
	[sflag:s29] =	ssyncadd.s32 $0xFFFFF600  }
0xd4: {  	[hbm:s24], [sflag:s19] =	dma.local [spmem:s20], $0xA00  }
.Ltmp2:
0xd5: {  	_ =	swait.ge [sflag:s29], $0xA00;
	(pc) =	sbr.rel @p0 .LBB2_1-.Ltmp2, $3  }
0xd6: {  	[sflag:s29] =	ssyncset.done $0x0  }
0xd7: {  	[sflag:s29] =	ssyncadd.s32 $0xFFFFF600  }
0xd8: {  	[bflag:$0x0] =	sbarrier.arrive $0xFFFF;
	_ =	sdelay $0x1  }
0xd9: {  	_ =	sfence.sel $0x180000  }
0xda: {  	[bflag:$0x0] =	sbarrier.arrive $0xFFFF  }
0xdb: {  	_ =	strace $0x9000004D  }
0xdc: {  	s0 =	stileid.u32;
	[bflag:$0x2] =	sbarrier.arrive $0xFFFF  }
0xdd: {  	p0 =	sne.s32 s0, $0x0;
	s0 =	rddreg [dreg:$0x3]  }
0xde: {  	s0 =	sadd.s32 @!p0 $0x100000, s0  }
0xdf: {  	[sflag:s0] =	ssyncadd.tile.s32 @!p0 $0x1;
	_ =	shalt  }
.Lfunc_end2:
_tile_overlayer_lowered:
.L_overlay_start_2:
0xe0: {  	(tag) =	ssettag $0x2  }
0xe1: {  	s0 =	rddreg [dreg:$0x0];
	s2 =	stileid.u32  }
0xe2: {  	s1 =	rddreg [dreg:$0x1];
	p0 =	sne.s32 s2, $0x0  }
0xe3: {  	s3 =	rddreg [dreg:$0x2];
	[bflag:$0x3] =	sbarrier.arrive $0xFFFF;
	s2 =	simm.s32 @!p0 $0x1C03  }
0xe4: {  	[timem:s3], [sflag:s2] =	dma.local @!p0 [hbm:s0], s1  }
0xe5: {  	s0 =	simm.s32 @!p0 $0x3  }
0xe6: {  	_ =	swait.ge @!p0 [sflag:s0], s1  }
0xe7: {  	s1 =	ssub.s32 @!p0 $0x0, s1;
	[sflag:s0] =	ssyncset.done @!p0 $0x0  }
0xe8: {  	[sflag:s0] =	ssyncadd.s32 @!p0 s1  }
0xe9: {  	[bflag:$0x3] =	sbarrier.arrive $0xFFFF  }
0xea: {  	_ =	shalt  }

// kernel: kernel.8.cloned.1.call-start
scs
__scs_entry_jumppad:
0x0: {  	(pc) =	sbr.rel $0x88, $3  }
0x1: {  	(tag) =	ssettag $0x0;
	lr =	simm.s32 $0x1  }
0x2: {  	[smem:$0x3F9C] =	sst lr;
	_ =	strace $0xD0000000  }
0x3: {  	_ = 	snop  }
0x4: {  	_ = 	snop  }
0x5: {  	_ = 	snop  }
0x6: {  	_ = 	snop  }
0x7: {  	_ = 	snop  }
__scs_overlays_trampoline_lowered:
0x8: {  	[smem:$0x3FAB] =	sst s0  }
0x9: {  	[smem:$0x3FAC] =	sst s1  }
0xa: {  	[smem:$0x3FAD] =	sst s2  }
0xb: {  	[smem:$0x3FAE] =	sst s3  }
0xc: {  	[smem:$0x3FAF] =	sst s4  }
0xd: {  	[smem:$0x3FB0] =	sst s5  }
0xe: {  	[smem:$0x3FB1] =	sst s6  }
0xf: {  	[smem:$0x3FB2] =	sst s7  }
0x10: {  	[smem:$0x3FB3] =	sst s8  }
0x11: {  	[smem:$0x3FB4] =	sst s9;
	s0 =	simm.s32 @!p0 $0x0  }
0x12: {  	s1 =	sld [smem:$0x3F9A];
	s0 =	simm.s32 @p0 $0x1  }
0x13: {  	[smem:$0x3FB5] =	sst s0;
	s0 =	simm.s32 @!p1 $0x0  }
0x14: {  	s2 =	sld [smem:$0x3F99];
	s0 =	simm.s32 @p1 $0x1  }
0x15: {  	[smem:$0x3FB6] =	sst s0;
	s0 =	simm.s32 @!p2 $0x0  }
0x16: {  	s3 =	sld [smem:$0x3FDB];
	s0 =	simm.s32 @p2 $0x1  }
0x17: {  	s4 =	simm.s32 $0x1BF5;
	[smem:$0x3FB8] =	sst s0  }
0x18: {  	s0 =	sld [smem:$0x3F9B];
	_ =	swait.ge [sflag:s4], $0x0  }
0x19: {  	s7 =	sld [smem:$0x3F9C]  }
0x1a: {  	s8 =	sadd.s32 $0xFFFFE003, lr  }
0x1b: {  	s9 =	sadd.s32 $0xFFFFFEF7, lr;
	s5 =	simm.s32 $0xFFFFFFFF;
	p2 =	slt.u32 s8, $0xFFFFF086  }
0x1c: {  	p1 =	slt.u32 s9, $0xF7A;
	s5 =	simm.s32 @!p2 $0x0  }
0x1d: {  	s5 =	simm.s32 @p1 $0x1;
	p0 =	seq.s32 s7, s2  }
0x1e: {  	s7 =	smul.u32 @!p0 $0xF7A, s2;
	p2 =	seq.s32 @!p0 s5, $0x0  }
0x1f: {  	s9 =	smul.u32 $0xF7A, s1;
	s8 =	simm.s32 @!p0 $0x1BF5;
	p2 =	por !p2, p0  }
0x20: {  	[sflag:s8] =	ssyncset.s32 @!p0 $0xFFFFF086;
	s6 =	sadd.s32 @!p0 s3, s7;
	s7 =	simm.s32 @!p0 $0x108  }
0x21: {  	s3 =	sadd.s32 s3, s9;
	s6 =	sadd.s32 @!p0 $0x88, s6;
	s7 =	simm.s32 @p2 $0x1082  }
0x22: {  	[simem:s7], [sflag:s8] =	dma.local @!p0 [hbm:s6], $0xF7A  }
0x23: {  	s9 =	sor.u32 $0xD0000000, s2;
	s6 =	simm.s32 $0x108;
	_ =	swait.ge @!p0 [sflag:s8], $0x0  }
0x24: {  	s3 =	sadd.s32 $0x88, s3;
	s6 =	simm.s32 @!p1 $0x1082;
	[sflag:s4] =	ssyncset.s32 $0xFFFFF086  }
0x25: {  	[simem:s6], [sflag:s4] =	dma.local [hbm:s3], $0xF7A  }
0x26: {  	[smem:$0x3F9C] =	sst s1;
	(tag) =	ssettag s2;
	_ =	strace s9  }
0x27: {  	s1 =	sld [smem:$0x3FAC]  }
0x28: {  	s2 =	sld [smem:$0x3FAD]  }
0x29: {  	s4 =	sld [smem:$0x3FAF]  }
0x2a: {  	p0 =	seq.s32 s5, $0x0;
	s5 =	sld [smem:$0x3FB0]  }
0x2b: {  	s6 =	sld [smem:$0x3FB1]  }
0x2c: {  	s7 =	sld [smem:$0x3FB2]  }
0x2d: {  	s3 =	simm.s32 $0x108;
	s8 =	sld [smem:$0x3FB3]  }
0x2e: {  	s3 =	simm.s32 @!p0 $0x1082;
	s9 =	sld [smem:$0x3FB4]  }
0x2f: {  	lr =	sadd.s32 s0, s3;
	s0 =	sld [smem:$0x3FAB]  }
0x30: {  	s3 =	sld [smem:$0x3FAE]  }
0x31: {  	[smem:$0x3FB7] =	sst s10  }
0x32: {  	s10 =	sld [smem:$0x3FB5];
	_ =	sdelay $0x3  }
0x33: {  	p0 =	seq.s32 s10, $0x1;
	s10 =	sld [smem:$0x3FB7];
	_ =	sdelay $0x3  }
0x34: {  	[smem:$0x3FB7] =	sst s10  }
0x35: {  	s10 =	sld [smem:$0x3FB6];
	_ =	sdelay $0x3  }
0x36: {  	p1 =	seq.s32 s10, $0x1;
	s10 =	sld [smem:$0x3FB7];
	_ =	sdelay $0x3  }
0x37: {  	[smem:$0x3FB7] =	sst s10  }
0x38: {  	s10 =	sld [smem:$0x3FB8]  }
0x39: {  	_ = 	snop;
	(pc) =	sbr.ind lr, $3  }
0x3a: {  	_ = 	snop  }
0x3b: {  	_ = 	snop  }
0x3c: {  	p2 =	seq.s32 s10, $0x1;
	s10 =	sld [smem:$0x3FB7]  }
0x3d: {  	_ =	shalt  }
0x3e: {  	_ =	shalt  }
0x3f: {  	_ =	shalt  }
0x40: {  	_ =	shalt  }
0x41: {  	_ =	shalt  }
0x42: {  	_ =	shalt  }
0x43: {  	_ =	shalt  }
0x44: {  	_ =	shalt  }
0x45: {  	_ =	shalt  }
0x46: {  	_ =	shalt  }
0x47: {  	_ =	shalt  }
0x48: {  	_ =	shalt  }
0x49: {  	_ =	shalt  }
0x4a: {  	_ =	shalt  }
0x4b: {  	_ =	shalt  }
0x4c: {  	_ =	shalt  }
0x4d: {  	_ =	shalt  }
0x4e: {  	_ =	shalt  }
0x4f: {  	_ =	shalt  }
0x50: {  	_ =	shalt  }
0x51: {  	_ =	shalt  }
0x52: {  	_ =	shalt  }
0x53: {  	_ =	shalt  }
0x54: {  	_ =	shalt  }
0x55: {  	_ =	shalt  }
0x56: {  	_ =	shalt  }
0x57: {  	_ =	shalt  }
0x58: {  	_ =	shalt  }
0x59: {  	_ =	shalt  }
0x5a: {  	_ =	shalt  }
0x5b: {  	_ =	shalt  }
0x5c: {  	_ =	shalt  }
0x5d: {  	_ =	shalt  }
0x5e: {  	_ =	shalt  }
0x5f: {  	_ =	shalt  }
0x60: {  	_ =	shalt  }
0x61: {  	_ =	shalt  }
0x62: {  	_ =	shalt  }
0x63: {  	_ =	shalt  }
0x64: {  	_ =	shalt  }
0x65: {  	_ =	shalt  }
0x66: {  	_ =	shalt  }
0x67: {  	_ =	shalt  }
0x68: {  	_ =	shalt  }
0x69: {  	_ =	shalt  }
0x6a: {  	_ =	shalt  }
0x6b: {  	_ =	shalt  }
0x6c: {  	_ =	shalt  }
0x6d: {  	_ =	shalt  }
0x6e: {  	_ =	shalt  }
0x6f: {  	_ =	shalt  }
0x70: {  	_ =	shalt  }
0x71: {  	_ =	shalt  }
0x72: {  	_ =	shalt  }
0x73: {  	_ =	shalt  }
0x74: {  	_ =	shalt  }
0x75: {  	_ =	shalt  }
0x76: {  	_ =	shalt  }
0x77: {  	_ =	shalt  }
0x78: {  	_ =	shalt  }
0x79: {  	_ =	shalt  }
0x7a: {  	_ =	shalt  }
0x7b: {  	_ =	shalt  }
0x7c: {  	_ =	shalt  }
0x7d: {  	_ =	shalt  }
0x7e: {  	_ =	shalt  }
0x7f: {  	_ =	shalt  }
0x80: {  	_ =	shalt  }
0x81: {  	_ =	shalt  }
0x82: {  	_ =	shalt  }
0x83: {  	_ =	shalt  }
0x84: {  	_ =	shalt  }
0x85: {  	_ =	shalt  }
0x86: {  	_ =	shalt  }
0x87: {  	_ =	shalt  }
.Lfunc_end0:
.L_simem_size_0:
called_computation_lowered:
.L_overlay_start_0:
0x88: {  	s2 =	sld [smem:$0x3FD9]  }
0x89: {  	s3 =	sld [smem:$0x3FFE];
	_ =	sdelay $0x1  }
0x8a: {  	s1 =	srdreg.scid  }
0x8b: {  	s0 =	sand.u32 $0x1, s1  }
0x8c: {  	s17 =	sshll.u32 s0, $0xA;
	s2 =	sadd.s32 s3, s2  }
0x8d: {  	s2 =	sadd.s32 s2, s17  }
0x8e: {  	[smem:$0x3FC3] =	sst s2  }
0x8f: {  	_ = 	snop  }
0x90: {  	s2 =	sld [smem:$0x3FD0];
	(tm) =	ssettm $0x1  }
0x91: {  	s18 =	sld [smem:$0x3FFB];
	_ =	sdelay $0x3  }
0x92: {  	_ =	strace s18  }
0x93: {  	s3 =	sld [smem:$0x3FFC];
	_ =	sdelay $0x3  }
0x94: {  	_ =	strace s3  }
0x95: {  	s3 =	sld [smem:$0x3FFD];
	_ =	sdelay $0x3  }
0x96: {  	_ =	strace s3  }
0x97: {  	_ =	strace $0x8FFFFFFF  }
0x98: {  	s19 =	sld [smem:$0x3FDB];
	_ =	sdelay $0x1  }
0x99: {  	s4 =	simm.s32 $_scs_section_size  }
0x9a: {  	s5 =	simm.s32 $_size__tile_overlayer_lowered;
	s6 =	simm.s32 $_tile_overlayer_lowered  }
0x9b: {  	s22 =	simm.s32 $0x1BFF;
	s21 =	sshll.u32 s6, $0x1;
	s3 =	sadd.s32 s4, s19  }
0x9c: {  	s7 =	simm.s32 $0x0;
	s20 =	sshll.u32 s5, $0x1;
	s5 =	sadd.s32 s21, s3  }
0x9d: {  	[timem:s7], [sflag:s22] =	dma.local [hbm:s5], s20  }
0x9e: {  	_ =	swait.ge [sflag:s22], s20  }
0x9f: {  	s4 =	ssub.s32 $0x0, s20;
	[sflag:s22] =	ssyncset.done $0x0  }
0xa0: {  	[sflag:s22] =	ssyncadd.s32 s4;
	_ =	sdelay $0x1  }
0xa1: {  	s23 =	simm.s32 $0x1B8B  }
0xa2: {  	_ =	swait.ge [sflag:s23], $0x1  }
0xa3: {  	[sflag:s23] =	ssyncset.done $0x0  }
0xa4: {  	s25 =	simm.s32 $0x1B8E;
	s24 =	sld [smem:$0x3FFE];
	[sflag:s23] =	ssyncadd.s32 $0xFFFFFFFF  }
0xa5: {  	s26 =	simm.s32 $execute0_lowered;
	[smem:$0x3FD2] =	sst s25  }
0xa6: {  	s5 =	sshll.u32 s26, $0x1;
	_ =	strace $0x80000046;
	[dreg:$0x1] =	wrdreg $0xFFFFFFFF  }
0xa7: {  	s28 =	simm.s32 $_size_execute0_lowered;
	s3 =	sadd.s32 s3, s5;
	[dreg:$0x0] =	wrdreg $0x0  }
0xa8: {  	s5 =	sshll.u32 s28, $0x1;
	[dreg:$0x2] =	wrdreg s3  }
0xa9: {  	[dreg:$0x3] =	wrdreg s5  }
0xaa: {  	[dreg:$0x4] =	wrdreg $0xC0  }
0xab: {  	_ =	task [dreg:s7], $0x5FFFF  }
0xac: {  	[dreg:$0x1] =	wrdreg $0xFFFFFFFF  }
0xad: {  	[dreg:$0x0] =	wrdreg $0x60  }
0xae: {  	[dreg:$0x2] =	wrdreg s24  }
0xaf: {  	[dreg:$0x3] =	wrdreg s2  }
0xb0: {  	[dreg:$0x4] =	wrdreg $0x0  }
0xb1: {  	[dreg:$0x5] =	wrdreg $0x9  }
0xb2: {  	_ =	task.clear_ibuf [dreg:s7], $0x6FFFF;
	_ =	strace $0x90000046  }
0xb3: {  	s29 =	simm.s32 $0x9;
	_ =	strace $0x80000048  }
0xb4: {  	_ =	swait.ge [sflag:s29], $0x1  }
0xb5: {  	[sflag:s29] =	ssyncadd.s32 $0xFFFFFFFF  }
0xb6: {  	_ =	strace $0x90000048  }
0xb7: {  	_ =	sfence  }
0xb8: {  	s30 =	sld [smem:$0x0];
	_ =	sdelay $0x2  }
0xb9: {  	s31 =	sshll.u32 s1, $0xD;
	s1 =	sshrl.u32 s1, $0x2  }
0xba: {  	s3 =	sand.u32 $0x4000, s31;
	s1 =	sadd.s32 s1, s30  }
0xbb: {  	s0 =	sor.u32 s3, s0;
	s1 =	sshll.u32 s1, $0x11  }
0xbc: {  	s0 =	sor.u32 s1, s0  }
0xbd: {  	s0 =	sadd.s32 $0x8F2B, s0  }
0xbe: {  	[sflag:s0] =	ssyncadd.remote.s32 $0x1  }
0xbf: {  	_ =	sfence.sel $0xFFFF  }
0xc0: {  	[dreg:$0x0] =	wrdreg $0xFFFFFFFF;
	(pc) =	sbr.abs _section_cstart, $3  }
0xc1: {  	[dreg:$0x1] =	wrdreg $0xFFFFFFFF  }
0xc2: {  	_ =	task.clear_ibuf [dreg:s7], $0x2FFFF;
	_ =	strace $0x9FFFFFFF  }
0xc3: {  	(tm) =	ssettm $0x7FFFFFFF  }
tec
execute0_lowered:
.L_overlay_start_1:
0x0: {  	(tag) =	ssettag $0x1  }
0x1: {  	s4 =	rddreg [dreg:$0x0]  }
0x2: {  	s13 =	rddreg [dreg:$0x1]  }
0x3: {  	s2 =	rddreg [dreg:$0x2];
	s3 =	srdreg.scid  }
0x4: {  	s0 =	rddreg [dreg:$0x3];
	s1 =	stileid.u32;
	s17 =	simm.s32 $0x280  }
0x5: {  	s18 =	simm.s32 $0x50;
	s19 =	simm.s32 $0x4280;
	s20 =	simm.s32 $0x1  }
0x6: {  	s21 =	simm.s32 $0x20;
	s22 =	simm.s32 $0x10;
	s23 =	simm.s32 $0x0  }
0x7: {  	s5 =	sand.u32 $0x1, s3;
	s3 =	simm.s32 $0x0;
	s26 =	smul.u32 $0x280, s1  }
0x8: {  	s7 =	sshll.u32 s1, $0xB;
	s10 =	smul.u32 $0x500, s1;
	s29 =	sshll.u32 s1, $0x6  }
0x9: {  	s6 =	sshll.u32 s5, $0xF;
	[smem:$0x7FF] =	sst s3;
	s28 =	ssub.s32 $0x2, s5  }
0xa: {  	s5 =	sshll.u32 s5, $0x7;
	s6 =	sor.u32 s7, s6;
	_ =	strace $0x80000047  }
0xb: {  	s8 =	sshrl.u32 s26, $0x3;
	s9 =	sshrl.u32 s28, $0x1;
	s15 =	sadd.s32 s26, s2  }
0xc: {  	s10 =	sor.u32 s5, s10;
	s5 =	sor.u32 $0x1C02, s29;
	s12 =	sadd.s32 s6, s4  }
0xd: {  	s4 =	sadd.s32 s8, s4;
	s14 =	ssub.s32 s28, s9;
	s30 =	sshrl.u32 s10, $0x3  }
0xe: {  	s31 =	sadd.s32 $0x5000, s10;
	s11 =	sadd.s32 $0xA000, s10;
	s16 =	sadd.s32 $0xF000, s10  }
0xf: {  	s15 =	sshrl.u32 s15, $0x3;
	s4 =	sadd.s32 $0x41600, s4;
	s6 =	sadd.s32 $0x11600, s12  }
0x10: {  	s7 =	sadd.s32 s13, s30;
	s8 =	sadd.s32 $0x1600, s12;
	s9 =	sshrl.u32 s31, $0x3  }
0x11: {  	s11 =	sshrl.u32 s11, $0x3;
	s10 =	sadd.s32 $0x31600, s12;
	s16 =	sshrl.u32 s16, $0x3  }
0x12: {  	s12 =	sadd.s32 $0x21600, s12;
	s14 =	smax.u32 s14, $0x1;
	s9 =	sadd.s32 s13, s9  }
0x13: {  	v0 =	vimm.f32 $1.000000000e+00;
	s11 =	sadd.s32 s13, s11;
	s13 =	sadd.s32 s13, s16;
	s16 =	simm.s32 $0x2  }
.LBB2_1:
0x14: {  	[tilespmem:$0x4280] =	vst v0  }
0x15: {  	[tilespmem:$0x4290] =	vst v0  }
0x16: {  	[tilespmem:$0x42A0] =	vst v0  }
0x17: {  	[tilespmem:$0x42B0] =	vst v0  }
0x18: {  	[tilespmem:$0x42C0] =	vst v0  }
0x19: {  	[spmem:s15], [sflag:s5] =	dma.local [hbm:s4], $0x50  }
0x1a: {  	_ =	swait.ge [sflag:s16], $0x50  }
0x1b: {  	[sflag:s16] =	ssyncset.done $0x0  }
0x1c: {  	[sflag:s16] =	ssyncadd.s32 $0xFFFFFFB0  }
0x1d: {  	[tilespmem:s17], [sflag:$0x2] =	stream.linear.gather [hbm4b:s6+s3], $0x3E80, $0x38;
	[tilespmem:$0x4300] =	vst v63  }
0x1e: {  	_ =	swait.ge [sflag:s16], $0x3E80  }
0x1f: {  	[sflag:s16] =	ssyncset.done $0x0  }
0x20: {  	[sflag:s16] =	ssyncadd.s32 $0xFFFFC180  }
0x21: {  	s24 =	simm.s32 $0x0;
	[bflag:$0x0] =	sbarrier.arrive $0xFFFF  }
.LBB2_2:
0x22: {  	p0 =	sne.s32 s24, $0xF800  }
.Ltmp0:
0x23: {  	_ = 	snop;
	(pc) =	sbr.rel @p0 .LBB2_2-.Ltmp0, $4  }
0x24: {  	_ = 	snop  }
0x25: {  	s25 =	sshra.s32 s24, $0x2  }
0x26: {  	s24 =	sadd.s32 $0x200, s24;
	s25 =	sadd.s32 $0x280, s25  }
0x27: {  	[spmem:s2] =	stream.indirect.scatter.add.f32 [tilespmem:s19], [sflag:$0x1], $0x1, s25, s18, $0xb8;
	[tilespmem:$0x4300] =	vst v63  }
0x28: {  	_ =	swait.ge [sflag:s20], $0x50  }
0x29: {  	s24 =	simm.s32 $0x7C;
	[sflag:s20] =	ssyncset.done $0x0  }
.LBB2_4:
0x2a: {  	p0 =	sne.s32 s24, $0x1;
	s24 =	sadd.s32 $0xFFFFFFFF, s24;
	[sflag:s20] =	ssyncadd.s32 $0xFFFFFFB0  }
.Ltmp1:
0x2b: {  	(pc) =	sbr.rel @p0 .LBB2_4-.Ltmp1, $3  }
0x2c: {  	_ =	sdelay $0x1  }
0x2d: {  	_ =	swait.ge [sflag:s20], $0x50  }
0x2e: {  	[sflag:s20] =	ssyncset.done $0x0  }
0x2f: {  	[sflag:s20] =	ssyncadd.s32 $0xFFFFFFB0  }
0x30: {  	[bflag:$0x0] =	sbarrier.arrive $0xFFFF  }
0x31: {  	[hbm:s7@s21], [sflag:s5] =	dma.strided [spmem:s15@s22], $0x50, s20, $0x10   }
0x32: {  	_ =	swait.ge [sflag:s16], $0x50  }
0x33: {  	[sflag:s16] =	ssyncset.done $0x0  }
0x34: {  	[sflag:s16] =	ssyncadd.s32 $0xFFFFFFB0  }
0x35: {  	[bflag:$0x0] =	sbarrier.arrive $0xFFFF  }
0x36: {  	[spmem:s15], [sflag:s5] =	dma.local [hbm:s4], $0x50  }
0x37: {  	_ =	swait.ge [sflag:s16], $0x50  }
0x38: {  	[sflag:s16] =	ssyncset.done $0x0  }
0x39: {  	s24 =	simm.s32 $0x0;
	[sflag:s16] =	ssyncadd.s32 $0xFFFFFFB0  }
0x3a: {  	[tilespmem:s17], [sflag:$0x2] =	stream.linear.gather [hbm4b:s8+s24], $0x3E80, $0x38;
	[tilespmem:$0x4300] =	vst v63  }
0x3b: {  	_ =	swait.ge [sflag:s16], $0x3E80  }
0x3c: {  	[sflag:s16] =	ssyncset.done $0x0  }
0x3d: {  	[sflag:s16] =	ssyncadd.s32 $0xFFFFC180  }
0x3e: {  	[bflag:$0x0] =	sbarrier.arrive $0xFFFF  }
.LBB2_6:
0x3f: {  	p0 =	sne.s32 s24, $0xF800  }
.Ltmp2:
0x40: {  	_ = 	snop;
	(pc) =	sbr.rel @p0 .LBB2_6-.Ltmp2, $4  }
0x41: {  	_ = 	snop  }
0x42: {  	s25 =	sshra.s32 s24, $0x2  }
0x43: {  	s24 =	sadd.s32 $0x200, s24;
	s25 =	sadd.s32 $0x280, s25  }
0x44: {  	[spmem:s2] =	stream.indirect.scatter.add.f32 [tilespmem:s19], [sflag:$0x1], $0x1, s25, s18, $0xb8;
	[tilespmem:$0x4300] =	vst v63  }
0x45: {  	_ =	swait.ge [sflag:s20], $0x50  }
0x46: {  	s24 =	simm.s32 $0x7C;
	[sflag:s20] =	ssyncset.done $0x0  }
.LBB2_8:
0x47: {  	p0 =	sne.s32 s24, $0x1;
	s24 =	sadd.s32 $0xFFFFFFFF, s24;
	[sflag:s20] =	ssyncadd.s32 $0xFFFFFFB0  }
.Ltmp3:
0x48: {  	(pc) =	sbr.rel @p0 .LBB2_8-.Ltmp3, $3  }
0x49: {  	_ =	sdelay $0x1  }
0x4a: {  	_ =	swait.ge [sflag:s20], $0x50  }
0x4b: {  	[sflag:s20] =	ssyncset.done $0x0  }
0x4c: {  	[sflag:s20] =	ssyncadd.s32 $0xFFFFFFB0  }
0x4d: {  	[bflag:$0x0] =	sbarrier.arrive $0xFFFF  }
0x4e: {  	[hbm:s9@s21], [sflag:s5] =	dma.strided [spmem:s15@s22], $0x50, s20, $0x10   }
0x4f: {  	_ =	swait.ge [sflag:s16], $0x50  }
0x50: {  	[sflag:s16] =	ssyncset.done $0x0  }
0x51: {  	[sflag:s16] =	ssyncadd.s32 $0xFFFFFFB0  }
0x52: {  	[bflag:$0x0] =	sbarrier.arrive $0xFFFF  }
0x53: {  	[spmem:s15], [sflag:s5] =	dma.local [hbm:s4], $0x50  }
0x54: {  	_ =	swait.ge [sflag:s16], $0x50  }
0x55: {  	[sflag:s16] =	ssyncset.done $0x0  }
0x56: {  	s24 =	simm.s32 $0x0;
	[sflag:s16] =	ssyncadd.s32 $0xFFFFFFB0  }
0x57: {  	[tilespmem:s17], [sflag:$0x2] =	stream.linear.gather [hbm4b:s10+s24], $0x3E80, $0x38;
	[tilespmem:$0x4300] =	vst v63  }
0x58: {  	_ =	swait.ge [sflag:s16], $0x3E80  }
0x59: {  	[sflag:s16] =	ssyncset.done $0x0  }
0x5a: {  	[sflag:s16] =	ssyncadd.s32 $0xFFFFC180  }
0x5b: {  	[bflag:$0x0] =	sbarrier.arrive $0xFFFF  }
.LBB2_10:
0x5c: {  	p0 =	sne.s32 s24, $0xF800  }
.Ltmp4:
0x5d: {  	_ = 	snop;
	(pc) =	sbr.rel @p0 .LBB2_10-.Ltmp4, $4  }
0x5e: {  	_ = 	snop  }
0x5f: {  	s25 =	sshra.s32 s24, $0x2  }
0x60: {  	s24 =	sadd.s32 $0x200, s24;
	s25 =	sadd.s32 $0x280, s25  }
0x61: {  	[spmem:s2] =	stream.indirect.scatter.add.f32 [tilespmem:s19], [sflag:$0x1], $0x1, s25, s18, $0xb8;
	[tilespmem:$0x4300] =	vst v63  }
0x62: {  	_ =	swait.ge [sflag:s20], $0x50  }
0x63: {  	s24 =	simm.s32 $0x7C;
	[sflag:s20] =	ssyncset.done $0x0  }
.LBB2_12:
0x64: {  	p0 =	sne.s32 s24, $0x1;
	s24 =	sadd.s32 $0xFFFFFFFF, s24;
	[sflag:s20] =	ssyncadd.s32 $0xFFFFFFB0  }
.Ltmp5:
0x65: {  	(pc) =	sbr.rel @p0 .LBB2_12-.Ltmp5, $3  }
0x66: {  	_ =	sdelay $0x1  }
0x67: {  	_ =	swait.ge [sflag:s20], $0x50  }
0x68: {  	[sflag:s20] =	ssyncset.done $0x0  }
0x69: {  	[sflag:s20] =	ssyncadd.s32 $0xFFFFFFB0  }
0x6a: {  	[bflag:$0x0] =	sbarrier.arrive $0xFFFF  }
0x6b: {  	[hbm:s11@s21], [sflag:s5] =	dma.strided [spmem:s15@s22], $0x50, s20, $0x10   }
0x6c: {  	_ =	swait.ge [sflag:s16], $0x50  }
0x6d: {  	[sflag:s16] =	ssyncset.done $0x0  }
0x6e: {  	[sflag:s16] =	ssyncadd.s32 $0xFFFFFFB0  }
0x6f: {  	[bflag:$0x0] =	sbarrier.arrive $0xFFFF  }
0x70: {  	[spmem:s15], [sflag:s5] =	dma.local [hbm:s4], $0x50  }
0x71: {  	_ =	swait.ge [sflag:s16], $0x50  }
0x72: {  	[sflag:s16] =	ssyncset.done $0x0  }
0x73: {  	s24 =	simm.s32 $0x0;
	[sflag:s16] =	ssyncadd.s32 $0xFFFFFFB0  }
0x74: {  	[tilespmem:s17], [sflag:$0x2] =	stream.linear.gather [hbm4b:s12+s24], $0x3E80, $0x38;
	[tilespmem:$0x4300] =	vst v63  }
0x75: {  	_ =	swait.ge [sflag:s16], $0x3E80  }
0x76: {  	[sflag:s16] =	ssyncset.done $0x0  }
0x77: {  	[sflag:s16] =	ssyncadd.s32 $0xFFFFC180  }
0x78: {  	[bflag:$0x0] =	sbarrier.arrive $0xFFFF  }
.LBB2_14:
0x79: {  	p0 =	sne.s32 s24, $0xF800  }
.Ltmp6:
0x7a: {  	_ = 	snop;
	(pc) =	sbr.rel @p0 .LBB2_14-.Ltmp6, $4  }
0x7b: {  	_ = 	snop  }
0x7c: {  	s25 =	sshra.s32 s24, $0x2  }
0x7d: {  	s24 =	sadd.s32 $0x200, s24;
	s25 =	sadd.s32 $0x280, s25  }
0x7e: {  	[spmem:s2] =	stream.indirect.scatter.add.f32 [tilespmem:s19], [sflag:$0x1], $0x1, s25, s18, $0xb8;
	[tilespmem:$0x4300] =	vst v63  }
0x7f: {  	_ =	swait.ge [sflag:s20], $0x50  }
0x80: {  	s24 =	simm.s32 $0x7C;
	[sflag:s20] =	ssyncset.done $0x0  }
.LBB2_16:
0x81: {  	p0 =	sne.s32 s24, $0x1;
	s24 =	sadd.s32 $0xFFFFFFFF, s24;
	[sflag:s20] =	ssyncadd.s32 $0xFFFFFFB0  }
.Ltmp7:
0x82: {  	(pc) =	sbr.rel @p0 .LBB2_16-.Ltmp7, $3  }
0x83: {  	_ =	sdelay $0x1  }
0x84: {  	_ =	swait.ge [sflag:s20], $0x50  }
0x85: {  	[sflag:s20] =	ssyncset.done $0x0  }
0x86: {  	[sflag:s20] =	ssyncadd.s32 $0xFFFFFFB0;
	s23 =	sadd.s32 $0x1, s23  }
0x87: {  	[bflag:$0x0] =	sbarrier.arrive $0xFFFF;
	p0 =	sne.s32 s23, s14  }
0x88: {  	[hbm:s13@s21], [sflag:s5] =	dma.strided [spmem:s15@s22], $0x50, s20, $0x10   }
.Ltmp8:
0x89: {  	_ =	swait.ge [sflag:s16], $0x50;
	(pc) =	sbr.rel @p0 .LBB2_1-.Ltmp8, $3  }
0x8a: {  	[sflag:s16] =	ssyncset.done $0x0  }
0x8b: {  	[sflag:s16] =	ssyncadd.s32 $0xFFFFFFB0  }
0x8c: {  	[bflag:$0x0] =	sbarrier.arrive $0xFFFF;
	_ =	sdelay $0x1  }
0x8d: {  	_ =	sfence.sel $0x180000  }
0x8e: {  	[bflag:$0x0] =	sbarrier.arrive $0xFFFF  }
0x8f: {  	p0 =	sne.s32 s1, $0x0;
	_ =	strace $0x90000047  }
0x90: {  	s0 =	sadd.s32 @!p0 $0x100000, s0;
	[bflag:$0x2] =	sbarrier.arrive $0xFFFF  }
0x91: {  	[sflag:s0] =	ssyncadd.tile.s32 @!p0 $0x1;
	_ =	shalt  }
.Lfunc_end2:
_tile_overlayer_lowered:
.L_overlay_start_2:
0x92: {  	(tag) =	ssettag $0x2  }
0x93: {  	s0 =	rddreg [dreg:$0x0];
	s2 =	stileid.u32  }
0x94: {  	s1 =	rddreg [dreg:$0x1];
	p0 =	sne.s32 s2, $0x0  }
0x95: {  	s3 =	rddreg [dreg:$0x2];
	[bflag:$0x3] =	sbarrier.arrive $0xFFFF;
	s2 =	simm.s32 @!p0 $0x1C02  }
0x96: {  	[timem:s3], [sflag:s2] =	dma.local @!p0 [hbm:s0], s1  }
0x97: {  	s0 =	simm.s32 @!p0 $0x2  }
0x98: {  	_ =	swait.ge @!p0 [sflag:s0], s1  }
0x99: {  	s1 =	ssub.s32 @!p0 $0x0, s1;
	[sflag:s0] =	ssyncset.done @!p0 $0x0  }
0x9a: {  	[sflag:s0] =	ssyncadd.s32 @!p0 s1  }
0x9b: {  	[bflag:$0x3] =	sbarrier.arrive $0xFFFF  }
0x9c: {  	_ =	shalt  }

</sc_bundles>
